<compile_context>
chip_gen: v7x
topology: tpu7x:2x2x1
jax: 0.10.2.dev20260603
libtpu: 0.0.44.dev20260713+nightly
codegen_flags: <defaults>
</compile_context>

<pallas_src>
import functools

import jax
import jax.numpy as jnp
from jax import lax
from jax.experimental import pallas as pl
from jax.experimental.pallas import tpu as pltpu
from jax.experimental.pallas import tpu_sc as plsc

_N = 10000
_E = 320000
_F = 128
_H = 30
_HP = 32
_NG = 64

_NC, _NS = 2, 16
_NW = _NC * _NS
_BLK = 128
_EBT = 80
_NBLKS = _NW * _EBT
_EPAD = _NBLKS * _BLK
_NPAD = 10112
_RPT = _NPAD // _NS

_sc_mesh = plsc.VectorSubcoreMesh(
    core_axis_name="c", subcore_axis_name="s",
    num_cores=_NC, num_subcores=_NS)


def _chunks(total, step):
    out = []
    off = 0
    while off < total:
        out.append((off, min(step, total - off)))
        off += step
    return out


@functools.partial(
    pl.kernel,
    out_type=jax.ShapeDtypeStruct((_EBT, _NW * _BLK, _HP), jnp.float32),
    mesh=_sc_mesh,
    scratch_types=[
        pltpu.VMEM((_EBT, _BLK), jnp.int32),
        pltpu.VMEM((_BLK, _HP), jnp.float32),
        pltpu.VMEM_SHARED((_NPAD, _HP), jnp.float32),
        pltpu.SemaphoreType.DMA,
    ],
)
def _sc_gather(y_hbm, srcb_hbm, msgs_hbm, src_v, rows_v, y_sh, sem):
    c = lax.axis_index("c")
    s = lax.axis_index("s")
    wid = s * _NC + c
    for off, nrows in _chunks(_RPT, _BLK):
        pltpu.sync_copy(y_hbm.at[pl.ds(s * _RPT + off, nrows)],
                        rows_v.at[pl.ds(0, nrows)])
        pltpu.sync_copy(rows_v.at[pl.ds(0, nrows)],
                        y_sh.at[pl.ds(s * _RPT + off, nrows)])
    base = wid * _EBT
    pltpu.sync_copy(srcb_hbm.at[pl.ds(base, _EBT)], src_v)
    plsc.subcore_barrier()

    @pl.loop(0, _EBT)
    def _(j):
        pltpu.async_copy(y_sh.at[src_v.at[j]], rows_v, sem).wait()
        pltpu.sync_copy(rows_v, msgs_hbm.at[j, pl.ds(wid * _BLK, _BLK)])


@functools.partial(
    pl.kernel,
    out_type=jax.ShapeDtypeStruct((_NC, _NPAD, _HP), jnp.float32),
    mesh=_sc_mesh,
    scratch_types=[
        pltpu.VMEM((_EBT, _BLK), jnp.int32),
        pltpu.VMEM((_BLK, _HP), jnp.float32),
        pltpu.VMEM_SHARED((_NPAD, _HP), jnp.float32),
        pltpu.SemaphoreType.DMA,
    ],
)
def _sc_scatter(msgs_hbm, dstb_hbm, zeros_hbm, out_hbm,
                dst_v, rows_v, acc_sh, sem):
    c = lax.axis_index("c")
    s = lax.axis_index("s")
    wid = s * _NC + c
    for off, nrows in _chunks(_RPT, _BLK):
        pltpu.sync_copy(zeros_hbm.at[pl.ds(s * _RPT + off, nrows)],
                        rows_v.at[pl.ds(0, nrows)])
        pltpu.sync_copy(rows_v.at[pl.ds(0, nrows)],
                        acc_sh.at[pl.ds(s * _RPT + off, nrows)])
    base = wid * _EBT
    pltpu.sync_copy(dstb_hbm.at[pl.ds(base, _EBT)], dst_v)
    plsc.subcore_barrier()

    @pl.loop(0, _EBT)
    def _(j):
        pltpu.sync_copy(msgs_hbm.at[j, pl.ds(wid * _BLK, _BLK)], rows_v)
        pltpu.sync_copy(rows_v, acc_sh.at[dst_v.at[j]], add=True)
    plsc.subcore_barrier()
    for off, nrows in _chunks(_RPT, _BLK):
        pltpu.sync_copy(acc_sh.at[pl.ds(s * _RPT + off, nrows)],
                        rows_v.at[pl.ds(0, nrows)])
        pltpu.sync_copy(rows_v.at[pl.ds(0, nrows)],
                        out_hbm.at[c, pl.ds(s * _RPT + off, nrows)])


def _sc_segsum(y, srcb, dstb, zeros):
    msgs = _sc_gather(y, srcb)
    return _sc_scatter(msgs, dstb, zeros)


def _tc_dense_in(x, Wlp, Wrp):
    def body(x_ref, wl_ref, wr_ref, y_ref, r_ref):
        xv = x_ref[...]
        y = jnp.dot(xv, wl_ref[...], preferred_element_type=jnp.float32)
        lane = lax.broadcasted_iota(jnp.int32, (_N, _HP), 1)
        y_ref[pl.ds(0, _N), :] = jnp.where(lane == _HP - 1, 1.0, y)
        y_ref[pl.ds(_N, _NPAD - _N), :] = jnp.zeros(
            (_NPAD - _N, _HP), jnp.float32)
        r_ref[...] = jnp.dot(xv, wr_ref[...], preferred_element_type=jnp.float32)

    return pl.pallas_call(
        body,
        out_shape=(jax.ShapeDtypeStruct((_NPAD, _HP), jnp.float32),
                   jax.ShapeDtypeStruct((_N, _HP), jnp.float32)),
    )(x, Wlp, Wrp)


def _combine_bn(p_ref, r_ref, bl_ref, g_ref, be_ref):
    agg = p_ref[0, :_N, :] + p_ref[1, :_N, :]
    deg = jnp.maximum(agg[:, _HP - 1:_HP], 1.0)
    h = jnp.maximum(agg / deg + bl_ref[...] + r_ref[...], 0.0)
    mu = jnp.mean(h, axis=0, keepdims=True)
    var = jnp.mean((h - mu) * (h - mu), axis=0, keepdims=True)
    return (h - mu) * lax.rsqrt(var + 1e-5) * g_ref[...] + be_ref[...]


def _tc_mid(parts, r1, bl1p, g1p, b1p, Wl2p, Wr2p):
    def body(p_ref, r_ref, bl_ref, g_ref, be_ref, wl_ref, wr_ref,
             y2_ref, r2_ref):
        hn = _combine_bn(p_ref, r_ref, bl_ref, g_ref, be_ref)
        y2 = jnp.dot(hn, wl_ref[...], preferred_element_type=jnp.float32)
        lane = lax.broadcasted_iota(jnp.int32, (_N, _HP), 1)
        y2_ref[pl.ds(0, _N), :] = jnp.where(lane == _HP - 1, 1.0, y2)
        y2_ref[pl.ds(_N, _NPAD - _N), :] = jnp.zeros(
            (_NPAD - _N, _HP), jnp.float32)
        r2_ref[...] = jnp.dot(hn, wr_ref[...], preferred_element_type=jnp.float32)

    return pl.pallas_call(
        body,
        out_shape=(jax.ShapeDtypeStruct((_NPAD, _HP), jnp.float32),
                   jax.ShapeDtypeStruct((_N, _HP), jnp.float32)),
    )(parts, r1, bl1p, g1p, b1p, Wl2p, Wr2p)


def _tc_final(parts, r2, bl2p, g2p, b2p, bt2d, W1a, W1b, bln1, W2p, bln2):
    def body(p_ref, r_ref, bl_ref, g_ref, be_ref, bt_ref,
             w1a_ref, w1b_ref, bn1_ref, w2_ref, bn2_ref, out_ref):
        hn = _combine_bn(p_ref, r_ref, bl_ref, g_ref, be_ref)
        bt = bt_ref[...]
        lane = lax.broadcasted_iota(jnp.int32, (_N, _HP), 1)
        hs = jnp.where(lane == _HP - 1, 1.0, hn)
        oh = (bt == lax.broadcasted_iota(jnp.int32, (_N, _NG), 1)
              ).astype(jnp.float32)
        ssum = lax.dot_general(oh, hs, (((0,), (0,)), ((), ())),
                               preferred_element_type=jnp.float32)
        cnt = jnp.maximum(ssum[:, _HP - 1:_HP], 1.0)
        x2 = ssum / cnt
        neg = jnp.float32(-jnp.inf)

        gidx = lax.broadcasted_iota(jnp.int32, (_NG, _HP), 0)

        def mbody(g, acc):
            row = jnp.max(jnp.where(bt == g, hn, neg), axis=0, keepdims=True)
            return jnp.where(gidx == g, row, acc)

        x1 = lax.fori_loop(0, _NG, mbody,
                           jnp.full((_NG, _HP), neg))
        lane2 = lax.broadcasted_iota(jnp.int32, (_NG, _HP), 1)
        x1 = jnp.where(lane2 < _H, x1, 0.0)
        x2 = jnp.where(lane2 < _H, x2, 0.0)
        z = (jnp.dot(x1, w1a_ref[...], preferred_element_type=jnp.float32)
             + jnp.dot(x2, w1b_ref[...], preferred_element_type=jnp.float32)
             + bn1_ref[...])
        z = jnp.maximum(z, 0.0)
        o = jnp.dot(z, w2_ref[...], preferred_element_type=jnp.float32) \
            + bn2_ref[...]
        out_ref[...] = 1.0 / (1.0 + jnp.exp(-o))

    return pl.pallas_call(
        body,
        out_shape=jax.ShapeDtypeStruct((_NG, 8), jnp.float32),
    )(parts, r2, bl2p, g2p, b2p, bt2d, W1a, W1b, bln1, W2p, bln2)


def kernel(x, edge_index, batch, Wl1, bl1, Wr1, gamma1, beta1,
           Wl2, bl2, Wr2, gamma2, beta2, Wlin1, blin1, Wlin2, blin2):
    f32 = jnp.float32
    Wl1p = jnp.zeros((_F, _HP), f32).at[:, :_H].set(Wl1)
    Wr1p = jnp.zeros((_F, _HP), f32).at[:, :_H].set(Wr1)
    Wl2p = jnp.zeros((_HP, _HP), f32).at[:_H, :_H].set(Wl2)
    Wr2p = jnp.zeros((_HP, _HP), f32).at[:_H, :_H].set(Wr2)
    bl1p = jnp.zeros((1, _HP), f32).at[0, :_H].set(bl1)
    bl2p = jnp.zeros((1, _HP), f32).at[0, :_H].set(bl2)
    g1p = jnp.zeros((1, _HP), f32).at[0, :_H].set(gamma1)
    g2p = jnp.zeros((1, _HP), f32).at[0, :_H].set(gamma2)
    b1p = jnp.zeros((1, _HP), f32).at[0, :_H].set(beta1)
    b2p = jnp.zeros((1, _HP), f32).at[0, :_H].set(beta2)
    W1a = jnp.zeros((_HP, 16), f32).at[:_H, :10].set(Wlin1[:_H])
    W1b = jnp.zeros((_HP, 16), f32).at[:_H, :10].set(Wlin1[_H:])
    bln1 = jnp.zeros((1, 16), f32).at[0, :10].set(blin1)
    W2p = jnp.zeros((16, 8), f32).at[:10, 0].set(Wlin2[:, 0])
    bln2 = jnp.zeros((1, 8), f32).at[0, 0].set(blin2[0])

    src = edge_index[0]
    dst = edge_index[1]
    pad = _EPAD - _E
    srcb = jnp.concatenate(
        [src, jnp.zeros((pad,), jnp.int32)]).reshape(_NBLKS, _BLK)
    dstb = jnp.concatenate(
        [dst, jnp.full((pad,), _N, jnp.int32)]).reshape(_NBLKS, _BLK)
    zeros = jnp.zeros((_NPAD, _HP), f32)
    bt2d = batch.reshape(_N, 1)

    y1, r1 = _tc_dense_in(x, Wl1p, Wr1p)
    parts1 = _sc_segsum(y1, srcb, dstb, zeros)
    y2, r2 = _tc_mid(parts1, r1, bl1p, g1p, b1p, Wl2p, Wr2p)
    parts2 = _sc_segsum(y2, srcb, dstb, zeros)
    out = _tc_final(parts2, r2, bl2p, g2p, b2p, bt2d, W1a, W1b, bln1, W2p, bln2)
    return out[:, :1]

# --- scband reference (transcript-rebuilt; emitter-appended) ---
"""Pipeline reference for scband-sageconv-model-17635135718039 (READ-ONLY COPY).

The authoritative reference and input builder live on the scoring server;
editing this copy changes nothing except your own understanding.
"""

import jax, jax.numpy as jnp
import numpy as np

N, E, F_IN, H, NG = 10000, 320000, 128, 30, 64

def setup_inputs(seed: int = 0) -> dict:
    key = jax.random.key(seed)
    ks = jax.random.split(key, 20)
    x = jax.random.normal(ks[0], (N, F_IN), dtype=jnp.float32)
    edge_index = jax.random.randint(ks[1], (2, E), 0, N, dtype=jnp.int32)
    batch = jnp.sort(jax.random.randint(ks[2], (N,), 0, NG, dtype=jnp.int32))
    s = 0.05
    return {
        'x': x, 'edge_index': edge_index, 'batch': batch,
        'Wl1': jax.random.normal(ks[3], (F_IN, H), dtype=jnp.float32) * s,
        'bl1': jax.random.normal(ks[4], (H,), dtype=jnp.float32) * s,
        'Wr1': jax.random.normal(ks[5], (F_IN, H), dtype=jnp.float32) * s,
        'gamma1': jnp.ones((H,), dtype=jnp.float32),
        'beta1': jnp.zeros((H,), dtype=jnp.float32),
        'Wl2': jax.random.normal(ks[6], (H, H), dtype=jnp.float32) * s,
        'bl2': jax.random.normal(ks[7], (H,), dtype=jnp.float32) * s,
        'Wr2': jax.random.normal(ks[8], (H, H), dtype=jnp.float32) * s,
        'gamma2': jnp.ones((H,), dtype=jnp.float32),
        'beta2': jnp.zeros((H,), dtype=jnp.float32),
        'Wlin1': jax.random.normal(ks[9], (2 * H, 10), dtype=jnp.float32) * s,
        'blin1': jax.random.normal(ks[10], (10,), dtype=jnp.float32) * s,
        'Wlin2': jax.random.normal(ks[11], (10, 1), dtype=jnp.float32) * s,
        'blin2': jax.random.normal(ks[12], (1,), dtype=jnp.float32) * s,
    }


def reference(x, edge_index, batch, Wl1, bl1, Wr1, gamma1, beta1, Wl2, bl2, Wr2, gamma2, beta2, Wlin1, blin1, Wlin2, blin2):
    n = x.shape[0]
    src = edge_index[0]
    dst = edge_index[1]

    def sage(h, Wl, bl, Wr):
        msgs = jnp.take(h, src, axis=0)
        agg = jax.ops.segment_sum(msgs, dst, num_segments=n)
        deg = jax.ops.segment_sum(jnp.ones((dst.shape[0],), h.dtype), dst, num_segments=n)
        mean = agg / jnp.clip(deg, 1.0)[:, None]
        return mean @ Wl + bl + h @ Wr

    def bn(h, gamma, beta):
        mu = jnp.mean(h, axis=0)
        var = jnp.var(h, axis=0)
        return (h - mu) / jnp.sqrt(var + 1e-5) * gamma + beta

    # dropout layers are identity (inference/deterministic reference)
    h = jax.nn.relu(sage(x, Wl1, bl1, Wr1))
    h = bn(h, gamma1, beta1)
    h = jax.nn.relu(sage(h, Wl2, bl2, Wr2))
    h = bn(h, gamma2, beta2)

    x1 = jax.ops.segment_max(h, batch, num_segments=NG)
    ssum = jax.ops.segment_sum(h, batch, num_segments=NG)
    cnt = jax.ops.segment_sum(jnp.ones((h.shape[0],), h.dtype), batch, num_segments=NG)
    x2 = ssum / jnp.clip(cnt, 1.0)[:, None]
    z = jnp.concatenate([x1, x2], axis=1)
    z = jax.nn.relu(z @ Wlin1 + blin1)
    z = z @ Wlin2 + blin2
    return jax.nn.sigmoid(z)

if __name__ == "__main__":
    import jax
    _d = setup_inputs()
    print(jax.jit(kernel)(*tuple(_d.values())))

</pallas_src>

<mosaic_0001>
#map = affine_map<(d0, d1) -> (0, 0)>
#map1 = affine_map<(d0, d1) -> (0, 0, 0)>
module attributes {stable_mosaic.version = 14 : i64} {
  func.func @_sc_gather(%arg0: i32, %arg1: i32, %arg2: memref<10112x32xf32, #tpu.memory_space<hbm>>, %arg3: memref<2560x128xi32, #tpu.memory_space<hbm>>, %arg4: memref<80x4096x32xf32, #tpu.memory_space<hbm>>, %arg5: memref<80x128xi32, #tpu.memory_space<vmem>>, %arg6: memref<128x32xf32, #tpu.memory_space<vmem>>, %arg7: memref<10112x32xf32, #tpu.memory_space<vmem_shared>>, %arg8: memref<!tpu.dma_semaphore, #tpu.memory_space<semaphore_mem>>) attributes {dimension_semantics = [#tpu.dimension_semantics<core_parallel>, #tpu.dimension_semantics<subcore_parallel>], iteration_bounds = array<i64: 2, 16>, scalar_prefetch = 0 : i64, scratch_operands = 4 : i64, tpu.core_type = #tpu.core_type<sc_vector_subcore>, window_params = [{transform_indices = #map}, {transform_indices = #map}, {transform_indices = #map1}]} {
    %mul3A = arith.constant 2 : i32
    %mul3A_0 = arith.muli %arg1, %mul3A : i32
    %add3A = arith.addi %mul3A_0, %arg0 : i32
    %mul3A_1 = arith.constant 632 : i32
    %mul3A_2 = arith.muli %arg1, %mul3A_1 : i32
    %add3A_3 = arith.constant 0 : i32
    %add3A_4 = arith.addi %mul3A_2, %add3A_3 : i32
    "tpu.region"() ({
      %run_scoped3A = tpu.sem_alloc : memref<!tpu.dma_semaphore, #tpu.memory_space<semaphore_mem>>
      %dma_start3A = arith.constant 0 : i32
      %dma_start3A_47 = arith.constant 0 : i32
      %dma_start3A_48 = tpu.memref_slice %arg6[%dma_start3A, %dma_start3A_47] : memref<128x32xf32, #tpu.memory_space<vmem>> -> memref<128x32xf32, #tpu.memory_space<vmem>>
      %dma_start3A_49 = arith.constant 0 : i32
      %dma_start3A_50 = tpu.memref_slice %arg2[%add3A_4, %dma_start3A_49] : memref<10112x32xf32, #tpu.memory_space<hbm>> -> memref<128x32xf32, #tpu.memory_space<hbm>>
      %dma_start3A_51 = arith.constant 0 : i32
      %dma_start3A_52 = arith.constant 0 : i32
      %dma_start3A_53 = tpu.memref_slice %arg6[%dma_start3A_51, %dma_start3A_52] : memref<128x32xf32, #tpu.memory_space<vmem>> -> memref<128x32xf32, #tpu.memory_space<vmem>>
      %dma_start3A_54 = arith.constant 0 : i32
      %dma_start3A_55 = tpu.memref_slice %arg2[%add3A_4, %dma_start3A_54] : memref<10112x32xf32, #tpu.memory_space<hbm>> -> memref<128x32xf32, #tpu.memory_space<hbm>>
      tpu.enqueue_dma source(%dma_start3A_55 : memref<128x32xf32, #tpu.memory_space<hbm>>) target(%dma_start3A_53 : memref<128x32xf32, #tpu.memory_space<vmem>>) target_semaphore(%run_scoped3A : memref<!tpu.dma_semaphore, #tpu.memory_space<semaphore_mem>>)
      %dma_wait3A = arith.constant 0 : i32
      %dma_wait3A_56 = arith.constant 0 : i32
      %dma_wait3A_57 = tpu.memref_slice %arg6[%dma_wait3A, %dma_wait3A_56] : memref<128x32xf32, #tpu.memory_space<vmem>> -> memref<128x32xf32, #tpu.memory_space<vmem>>
      %dma_wait3A_58 = arith.constant 0 : i32
      %dma_wait3A_59 = tpu.memref_slice %arg2[%add3A_4, %dma_wait3A_58] : memref<10112x32xf32, #tpu.memory_space<hbm>> -> memref<128x32xf32, #tpu.memory_space<hbm>>
      %dma_wait3A_60 = arith.constant 0 : i32
      %dma_wait3A_61 = arith.constant 0 : i32
      %dma_wait3A_62 = tpu.memref_slice %arg6[%dma_wait3A_60, %dma_wait3A_61] : memref<128x32xf32, #tpu.memory_space<vmem>> -> memref<128x32xf32, #tpu.memory_space<vmem>>
      %dma_wait3A_63 = arith.constant 0 : i32
      %dma_wait3A_64 = tpu.memref_slice %arg2[%add3A_4, %dma_wait3A_63] : memref<10112x32xf32, #tpu.memory_space<hbm>> -> memref<128x32xf32, #tpu.memory_space<hbm>>
      tpu.wait_dma2 semaphore(%run_scoped3A : memref<!tpu.dma_semaphore, #tpu.memory_space<semaphore_mem>>) src(%dma_wait3A_64 : memref<128x32xf32, #tpu.memory_space<hbm>>) dst(%dma_wait3A_62 : memref<128x32xf32, #tpu.memory_space<vmem>>)
      tpu.yield
    }) : () -> ()
    %mul3A_5 = arith.constant 632 : i32
    %mul3A_6 = arith.muli %arg1, %mul3A_5 : i32
    %add3A_7 = arith.constant 0 : i32
    %add3A_8 = arith.addi %mul3A_6, %add3A_7 : i32
    "tpu.region"() ({
      %run_scoped3A = tpu.sem_alloc : memref<!tpu.dma_semaphore, #tpu.memory_space<semaphore_mem>>
      %dma_start3A = arith.constant 0 : i32
      %dma_start3A_47 = arith.constant 0 : i32
      %dma_start3A_48 = tpu.memref_slice %arg6[%dma_start3A, %dma_start3A_47] : memref<128x32xf32, #tpu.memory_space<vmem>> -> memref<128x32xf32, #tpu.memory_space<vmem>>
      %dma_start3A_49 = arith.constant 0 : i32
      %dma_start3A_50 = tpu.memref_slice %arg7[%add3A_8, %dma_start3A_49] : memref<10112x32xf32, #tpu.memory_space<vmem_shared>> -> memref<128x32xf32, #tpu.memory_space<vmem_shared>>
      %dma_start3A_51 = arith.constant 0 : i32
      %dma_start3A_52 = tpu.memref_slice %arg7[%add3A_8, %dma_start3A_51] : memref<10112x32xf32, #tpu.memory_space<vmem_shared>> -> memref<128x32xf32, #tpu.memory_space<vmem_shared>>
      %dma_start3A_53 = arith.constant 0 : i32
      %dma_start3A_54 = arith.constant 0 : i32
      %dma_start3A_55 = tpu.memref_slice %arg6[%dma_start3A_53, %dma_start3A_54] : memref<128x32xf32, #tpu.memory_space<vmem>> -> memref<128x32xf32, #tpu.memory_space<vmem>>
      tpu.enqueue_dma source(%dma_start3A_55 : memref<128x32xf32, #tpu.memory_space<vmem>>) target(%dma_start3A_52 : memref<128x32xf32, #tpu.memory_space<vmem_shared>>) target_semaphore(%run_scoped3A : memref<!tpu.dma_semaphore, #tpu.memory_space<semaphore_mem>>)
      %dma_wait3A = arith.constant 0 : i32
      %dma_wait3A_56 = arith.constant 0 : i32
      %dma_wait3A_57 = tpu.memref_slice %arg6[%dma_wait3A, %dma_wait3A_56] : memref<128x32xf32, #tpu.memory_space<vmem>> -> memref<128x32xf32, #tpu.memory_space<vmem>>
      %dma_wait3A_58 = arith.constant 0 : i32
      %dma_wait3A_59 = tpu.memref_slice %arg7[%add3A_8, %dma_wait3A_58] : memref<10112x32xf32, #tpu.memory_space<vmem_shared>> -> memref<128x32xf32, #tpu.memory_space<vmem_shared>>
      %dma_wait3A_60 = arith.constant 0 : i32
      %dma_wait3A_61 = tpu.memref_slice %arg7[%add3A_8, %dma_wait3A_60] : memref<10112x32xf32, #tpu.memory_space<vmem_shared>> -> memref<128x32xf32, #tpu.memory_space<vmem_shared>>
      %dma_wait3A_62 = arith.constant 0 : i32
      %dma_wait3A_63 = arith.constant 0 : i32
      %dma_wait3A_64 = tpu.memref_slice %arg6[%dma_wait3A_62, %dma_wait3A_63] : memref<128x32xf32, #tpu.memory_space<vmem>> -> memref<128x32xf32, #tpu.memory_space<vmem>>
      tpu.wait_dma2 semaphore(%run_scoped3A : memref<!tpu.dma_semaphore, #tpu.memory_space<semaphore_mem>>) src(%dma_wait3A_64 : memref<128x32xf32, #tpu.memory_space<vmem>>) dst(%dma_wait3A_61 : memref<128x32xf32, #tpu.memory_space<vmem_shared>>)
      tpu.yield
    }) : () -> ()
    %mul3A_9 = arith.constant 632 : i32
    %mul3A_10 = arith.muli %arg1, %mul3A_9 : i32
    %add3A_11 = arith.constant 128 : i32
    %add3A_12 = arith.addi %mul3A_10, %add3A_11 : i32
    "tpu.region"() ({
      %run_scoped3A = tpu.sem_alloc : memref<!tpu.dma_semaphore, #tpu.memory_space<semaphore_mem>>
      %dma_start3A = arith.constant 0 : i32
      %dma_start3A_47 = arith.constant 0 : i32
      %dma_start3A_48 = tpu.memref_slice %arg6[%dma_start3A, %dma_start3A_47] : memref<128x32xf32, #tpu.memory_space<vmem>> -> memref<128x32xf32, #tpu.memory_space<vmem>>
      %dma_start3A_49 = arith.constant 0 : i32
      %dma_start3A_50 = tpu.memref_slice %arg2[%add3A_12, %dma_start3A_49] : memref<10112x32xf32, #tpu.memory_space<hbm>> -> memref<128x32xf32, #tpu.memory_space<hbm>>
      %dma_start3A_51 = arith.constant 0 : i32
      %dma_start3A_52 = arith.constant 0 : i32
      %dma_start3A_53 = tpu.memref_slice %arg6[%dma_start3A_51, %dma_start3A_52] : memref<128x32xf32, #tpu.memory_space<vmem>> -> memref<128x32xf32, #tpu.memory_space<vmem>>
      %dma_start3A_54 = arith.constant 0 : i32
      %dma_start3A_55 = tpu.memref_slice %arg2[%add3A_12, %dma_start3A_54] : memref<10112x32xf32, #tpu.memory_space<hbm>> -> memref<128x32xf32, #tpu.memory_space<hbm>>
      tpu.enqueue_dma source(%dma_start3A_55 : memref<128x32xf32, #tpu.memory_space<hbm>>) target(%dma_start3A_53 : memref<128x32xf32, #tpu.memory_space<vmem>>) target_semaphore(%run_scoped3A : memref<!tpu.dma_semaphore, #tpu.memory_space<semaphore_mem>>)
      %dma_wait3A = arith.constant 0 : i32
      %dma_wait3A_56 = arith.constant 0 : i32
      %dma_wait3A_57 = tpu.memref_slice %arg6[%dma_wait3A, %dma_wait3A_56] : memref<128x32xf32, #tpu.memory_space<vmem>> -> memref<128x32xf32, #tpu.memory_space<vmem>>
      %dma_wait3A_58 = arith.constant 0 : i32
      %dma_wait3A_59 = tpu.memref_slice %arg2[%add3A_12, %dma_wait3A_58] : memref<10112x32xf32, #tpu.memory_space<hbm>> -> memref<128x32xf32, #tpu.memory_space<hbm>>
      %dma_wait3A_60 = arith.constant 0 : i32
      %dma_wait3A_61 = arith.constant 0 : i32
      %dma_wait3A_62 = tpu.memref_slice %arg6[%dma_wait3A_60, %dma_wait3A_61] : memref<128x32xf32, #tpu.memory_space<vmem>> -> memref<128x32xf32, #tpu.memory_space<vmem>>
      %dma_wait3A_63 = arith.constant 0 : i32
      %dma_wait3A_64 = tpu.memref_slice %arg2[%add3A_12, %dma_wait3A_63] : memref<10112x32xf32, #tpu.memory_space<hbm>> -> memref<128x32xf32, #tpu.memory_space<hbm>>
      tpu.wait_dma2 semaphore(%run_scoped3A : memref<!tpu.dma_semaphore, #tpu.memory_space<semaphore_mem>>) src(%dma_wait3A_64 : memref<128x32xf32, #tpu.memory_space<hbm>>) dst(%dma_wait3A_62 : memref<128x32xf32, #tpu.memory_space<vmem>>)
      tpu.yield
    }) : () -> ()
    %mul3A_13 = arith.constant 632 : i32
    %mul3A_14 = arith.muli %arg1, %mul3A_13 : i32
    %add3A_15 = arith.constant 128 : i32
    %add3A_16 = arith.addi %mul3A_14, %add3A_15 : i32
    "tpu.region"() ({
      %run_scoped3A = tpu.sem_alloc : memref<!tpu.dma_semaphore, #tpu.memory_space<semaphore_mem>>
      %dma_start3A = arith.constant 0 : i32
      %dma_start3A_47 = arith.constant 0 : i32
      %dma_start3A_48 = tpu.memref_slice %arg6[%dma_start3A, %dma_start3A_47] : memref<128x32xf32, #tpu.memory_space<vmem>> -> memref<128x32xf32, #tpu.memory_space<vmem>>
      %dma_start3A_49 = arith.constant 0 : i32
      %dma_start3A_50 = tpu.memref_slice %arg7[%add3A_16, %dma_start3A_49] : memref<10112x32xf32, #tpu.memory_space<vmem_shared>> -> memref<128x32xf32, #tpu.memory_space<vmem_shared>>
      %dma_start3A_51 = arith.constant 0 : i32
      %dma_start3A_52 = tpu.memref_slice %arg7[%add3A_16, %dma_start3A_51] : memref<10112x32xf32, #tpu.memory_space<vmem_shared>> -> memref<128x32xf32, #tpu.memory_space<vmem_shared>>
      %dma_start3A_53 = arith.constant 0 : i32
      %dma_start3A_54 = arith.constant 0 : i32
      %dma_start3A_55 = tpu.memref_slice %arg6[%dma_start3A_53, %dma_start3A_54] : memref<128x32xf32, #tpu.memory_space<vmem>> -> memref<128x32xf32, #tpu.memory_space<vmem>>
      tpu.enqueue_dma source(%dma_start3A_55 : memref<128x32xf32, #tpu.memory_space<vmem>>) target(%dma_start3A_52 : memref<128x32xf32, #tpu.memory_space<vmem_shared>>) target_semaphore(%run_scoped3A : memref<!tpu.dma_semaphore, #tpu.memory_space<semaphore_mem>>)
      %dma_wait3A = arith.constant 0 : i32
      %dma_wait3A_56 = arith.constant 0 : i32
      %dma_wait3A_57 = tpu.memref_slice %arg6[%dma_wait3A, %dma_wait3A_56] : memref<128x32xf32, #tpu.memory_space<vmem>> -> memref<128x32xf32, #tpu.memory_space<vmem>>
      %dma_wait3A_58 = arith.constant 0 : i32
      %dma_wait3A_59 = tpu.memref_slice %arg7[%add3A_16, %dma_wait3A_58] : memref<10112x32xf32, #tpu.memory_space<vmem_shared>> -> memref<128x32xf32, #tpu.memory_space<vmem_shared>>
      %dma_wait3A_60 = arith.constant 0 : i32
      %dma_wait3A_61 = tpu.memref_slice %arg7[%add3A_16, %dma_wait3A_60] : memref<10112x32xf32, #tpu.memory_space<vmem_shared>> -> memref<128x32xf32, #tpu.memory_space<vmem_shared>>
      %dma_wait3A_62 = arith.constant 0 : i32
      %dma_wait3A_63 = arith.constant 0 : i32
      %dma_wait3A_64 = tpu.memref_slice %arg6[%dma_wait3A_62, %dma_wait3A_63] : memref<128x32xf32, #tpu.memory_space<vmem>> -> memref<128x32xf32, #tpu.memory_space<vmem>>
      tpu.wait_dma2 semaphore(%run_scoped3A : memref<!tpu.dma_semaphore, #tpu.memory_space<semaphore_mem>>) src(%dma_wait3A_64 : memref<128x32xf32, #tpu.memory_space<vmem>>) dst(%dma_wait3A_61 : memref<128x32xf32, #tpu.memory_space<vmem_shared>>)
      tpu.yield
    }) : () -> ()
    %mul3A_17 = arith.constant 632 : i32
    %mul3A_18 = arith.muli %arg1, %mul3A_17 : i32
    %add3A_19 = arith.constant 256 : i32
    %add3A_20 = arith.addi %mul3A_18, %add3A_19 : i32
    "tpu.region"() ({
      %run_scoped3A = tpu.sem_alloc : memref<!tpu.dma_semaphore, #tpu.memory_space<semaphore_mem>>
      %dma_start3A = arith.constant 0 : i32
      %dma_start3A_47 = arith.constant 0 : i32
      %dma_start3A_48 = tpu.memref_slice %arg6[%dma_start3A, %dma_start3A_47] : memref<128x32xf32, #tpu.memory_space<vmem>> -> memref<128x32xf32, #tpu.memory_space<vmem>>
      %dma_start3A_49 = arith.constant 0 : i32
      %dma_start3A_50 = tpu.memref_slice %arg2[%add3A_20, %dma_start3A_49] : memref<10112x32xf32, #tpu.memory_space<hbm>> -> memref<128x32xf32, #tpu.memory_space<hbm>>
      %dma_start3A_51 = arith.constant 0 : i32
      %dma_start3A_52 = arith.constant 0 : i32
      %dma_start3A_53 = tpu.memref_slice %arg6[%dma_start3A_51, %dma_start3A_52] : memref<128x32xf32, #tpu.memory_space<vmem>> -> memref<128x32xf32, #tpu.memory_space<vmem>>
      %dma_start3A_54 = arith.constant 0 : i32
      %dma_start3A_55 = tpu.memref_slice %arg2[%add3A_20, %dma_start3A_54] : memref<10112x32xf32, #tpu.memory_space<hbm>> -> memref<128x32xf32, #tpu.memory_space<hbm>>
      tpu.enqueue_dma source(%dma_start3A_55 : memref<128x32xf32, #tpu.memory_space<hbm>>) target(%dma_start3A_53 : memref<128x32xf32, #tpu.memory_space<vmem>>) target_semaphore(%run_scoped3A : memref<!tpu.dma_semaphore, #tpu.memory_space<semaphore_mem>>)
      %dma_wait3A = arith.constant 0 : i32
      %dma_wait3A_56 = arith.constant 0 : i32
      %dma_wait3A_57 = tpu.memref_slice %arg6[%dma_wait3A, %dma_wait3A_56] : memref<128x32xf32, #tpu.memory_space<vmem>> -> memref<128x32xf32, #tpu.memory_space<vmem>>
      %dma_wait3A_58 = arith.constant 0 : i32
      %dma_wait3A_59 = tpu.memref_slice %arg2[%add3A_20, %dma_wait3A_58] : memref<10112x32xf32, #tpu.memory_space<hbm>> -> memref<128x32xf32, #tpu.memory_space<hbm>>
      %dma_wait3A_60 = arith.constant 0 : i32
      %dma_wait3A_61 = arith.constant 0 : i32
      %dma_wait3A_62 = tpu.memref_slice %arg6[%dma_wait3A_60, %dma_wait3A_61] : memref<128x32xf32, #tpu.memory_space<vmem>> -> memref<128x32xf32, #tpu.memory_space<vmem>>
      %dma_wait3A_63 = arith.constant 0 : i32
      %dma_wait3A_64 = tpu.memref_slice %arg2[%add3A_20, %dma_wait3A_63] : memref<10112x32xf32, #tpu.memory_space<hbm>> -> memref<128x32xf32, #tpu.memory_space<hbm>>
      tpu.wait_dma2 semaphore(%run_scoped3A : memref<!tpu.dma_semaphore, #tpu.memory_space<semaphore_mem>>) src(%dma_wait3A_64 : memref<128x32xf32, #tpu.memory_space<hbm>>) dst(%dma_wait3A_62 : memref<128x32xf32, #tpu.memory_space<vmem>>)
      tpu.yield
    }) : () -> ()
    %mul3A_21 = arith.constant 632 : i32
    %mul3A_22 = arith.muli %arg1, %mul3A_21 : i32
    %add3A_23 = arith.constant 256 : i32
    %add3A_24 = arith.addi %mul3A_22, %add3A_23 : i32
    "tpu.region"() ({
      %run_scoped3A = tpu.sem_alloc : memref<!tpu.dma_semaphore, #tpu.memory_space<semaphore_mem>>
      %dma_start3A = arith.constant 0 : i32
      %dma_start3A_47 = arith.constant 0 : i32
      %dma_start3A_48 = tpu.memref_slice %arg6[%dma_start3A, %dma_start3A_47] : memref<128x32xf32, #tpu.memory_space<vmem>> -> memref<128x32xf32, #tpu.memory_space<vmem>>
      %dma_start3A_49 = arith.constant 0 : i32
      %dma_start3A_50 = tpu.memref_slice %arg7[%add3A_24, %dma_start3A_49] : memref<10112x32xf32, #tpu.memory_space<vmem_shared>> -> memref<128x32xf32, #tpu.memory_space<vmem_shared>>
      %dma_start3A_51 = arith.constant 0 : i32
      %dma_start3A_52 = tpu.memref_slice %arg7[%add3A_24, %dma_start3A_51] : memref<10112x32xf32, #tpu.memory_space<vmem_shared>> -> memref<128x32xf32, #tpu.memory_space<vmem_shared>>
      %dma_start3A_53 = arith.constant 0 : i32
      %dma_start3A_54 = arith.constant 0 : i32
      %dma_start3A_55 = tpu.memref_slice %arg6[%dma_start3A_53, %dma_start3A_54] : memref<128x32xf32, #tpu.memory_space<vmem>> -> memref<128x32xf32, #tpu.memory_space<vmem>>
      tpu.enqueue_dma source(%dma_start3A_55 : memref<128x32xf32, #tpu.memory_space<vmem>>) target(%dma_start3A_52 : memref<128x32xf32, #tpu.memory_space<vmem_shared>>) target_semaphore(%run_scoped3A : memref<!tpu.dma_semaphore, #tpu.memory_space<semaphore_mem>>)
      %dma_wait3A = arith.constant 0 : i32
      %dma_wait3A_56 = arith.constant 0 : i32
      %dma_wait3A_57 = tpu.memref_slice %arg6[%dma_wait3A, %dma_wait3A_56] : memref<128x32xf32, #tpu.memory_space<vmem>> -> memref<128x32xf32, #tpu.memory_space<vmem>>
      %dma_wait3A_58 = arith.constant 0 : i32
      %dma_wait3A_59 = tpu.memref_slice %arg7[%add3A_24, %dma_wait3A_58] : memref<10112x32xf32, #tpu.memory_space<vmem_shared>> -> memref<128x32xf32, #tpu.memory_space<vmem_shared>>
      %dma_wait3A_60 = arith.constant 0 : i32
      %dma_wait3A_61 = tpu.memref_slice %arg7[%add3A_24, %dma_wait3A_60] : memref<10112x32xf32, #tpu.memory_space<vmem_shared>> -> memref<128x32xf32, #tpu.memory_space<vmem_shared>>
      %dma_wait3A_62 = arith.constant 0 : i32
      %dma_wait3A_63 = arith.constant 0 : i32
      %dma_wait3A_64 = tpu.memref_slice %arg6[%dma_wait3A_62, %dma_wait3A_63] : memref<128x32xf32, #tpu.memory_space<vmem>> -> memref<128x32xf32, #tpu.memory_space<vmem>>
      tpu.wait_dma2 semaphore(%run_scoped3A : memref<!tpu.dma_semaphore, #tpu.memory_space<semaphore_mem>>) src(%dma_wait3A_64 : memref<128x32xf32, #tpu.memory_space<vmem>>) dst(%dma_wait3A_61 : memref<128x32xf32, #tpu.memory_space<vmem_shared>>)
      tpu.yield
    }) : () -> ()
    %mul3A_25 = arith.constant 632 : i32
    %mul3A_26 = arith.muli %arg1, %mul3A_25 : i32
    %add3A_27 = arith.constant 384 : i32
    %add3A_28 = arith.addi %mul3A_26, %add3A_27 : i32
    "tpu.region"() ({
      %run_scoped3A = tpu.sem_alloc : memref<!tpu.dma_semaphore, #tpu.memory_space<semaphore_mem>>
      %dma_start3A = arith.constant 0 : i32
      %dma_start3A_47 = arith.constant 0 : i32
      %dma_start3A_48 = tpu.memref_slice %arg6[%dma_start3A, %dma_start3A_47] : memref<128x32xf32, #tpu.memory_space<vmem>> -> memref<128x32xf32, #tpu.memory_space<vmem>>
      %dma_start3A_49 = arith.constant 0 : i32
      %dma_start3A_50 = tpu.memref_slice %arg2[%add3A_28, %dma_start3A_49] : memref<10112x32xf32, #tpu.memory_space<hbm>> -> memref<128x32xf32, #tpu.memory_space<hbm>>
      %dma_start3A_51 = arith.constant 0 : i32
      %dma_start3A_52 = arith.constant 0 : i32
      %dma_start3A_53 = tpu.memref_slice %arg6[%dma_start3A_51, %dma_start3A_52] : memref<128x32xf32, #tpu.memory_space<vmem>> -> memref<128x32xf32, #tpu.memory_space<vmem>>
      %dma_start3A_54 = arith.constant 0 : i32
      %dma_start3A_55 = tpu.memref_slice %arg2[%add3A_28, %dma_start3A_54] : memref<10112x32xf32, #tpu.memory_space<hbm>> -> memref<128x32xf32, #tpu.memory_space<hbm>>
      tpu.enqueue_dma source(%dma_start3A_55 : memref<128x32xf32, #tpu.memory_space<hbm>>) target(%dma_start3A_53 : memref<128x32xf32, #tpu.memory_space<vmem>>) target_semaphore(%run_scoped3A : memref<!tpu.dma_semaphore, #tpu.memory_space<semaphore_mem>>)
      %dma_wait3A = arith.constant 0 : i32
      %dma_wait3A_56 = arith.constant 0 : i32
      %dma_wait3A_57 = tpu.memref_slice %arg6[%dma_wait3A, %dma_wait3A_56] : memref<128x32xf32, #tpu.memory_space<vmem>> -> memref<128x32xf32, #tpu.memory_space<vmem>>
      %dma_wait3A_58 = arith.constant 0 : i32
      %dma_wait3A_59 = tpu.memref_slice %arg2[%add3A_28, %dma_wait3A_58] : memref<10112x32xf32, #tpu.memory_space<hbm>> -> memref<128x32xf32, #tpu.memory_space<hbm>>
      %dma_wait3A_60 = arith.constant 0 : i32
      %dma_wait3A_61 = arith.constant 0 : i32
      %dma_wait3A_62 = tpu.memref_slice %arg6[%dma_wait3A_60, %dma_wait3A_61] : memref<128x32xf32, #tpu.memory_space<vmem>> -> memref<128x32xf32, #tpu.memory_space<vmem>>
      %dma_wait3A_63 = arith.constant 0 : i32
      %dma_wait3A_64 = tpu.memref_slice %arg2[%add3A_28, %dma_wait3A_63] : memref<10112x32xf32, #tpu.memory_space<hbm>> -> memref<128x32xf32, #tpu.memory_space<hbm>>
      tpu.wait_dma2 semaphore(%run_scoped3A : memref<!tpu.dma_semaphore, #tpu.memory_space<semaphore_mem>>) src(%dma_wait3A_64 : memref<128x32xf32, #tpu.memory_space<hbm>>) dst(%dma_wait3A_62 : memref<128x32xf32, #tpu.memory_space<vmem>>)
      tpu.yield
    }) : () -> ()
    %mul3A_29 = arith.constant 632 : i32
    %mul3A_30 = arith.muli %arg1, %mul3A_29 : i32
    %add3A_31 = arith.constant 384 : i32
    %add3A_32 = arith.addi %mul3A_30, %add3A_31 : i32
    "tpu.region"() ({
      %run_scoped3A = tpu.sem_alloc : memref<!tpu.dma_semaphore, #tpu.memory_space<semaphore_mem>>
      %dma_start3A = arith.constant 0 : i32
      %dma_start3A_47 = arith.constant 0 : i32
      %dma_start3A_48 = tpu.memref_slice %arg6[%dma_start3A, %dma_start3A_47] : memref<128x32xf32, #tpu.memory_space<vmem>> -> memref<128x32xf32, #tpu.memory_space<vmem>>
      %dma_start3A_49 = arith.constant 0 : i32
      %dma_start3A_50 = tpu.memref_slice %arg7[%add3A_32, %dma_start3A_49] : memref<10112x32xf32, #tpu.memory_space<vmem_shared>> -> memref<128x32xf32, #tpu.memory_space<vmem_shared>>
      %dma_start3A_51 = arith.constant 0 : i32
      %dma_start3A_52 = tpu.memref_slice %arg7[%add3A_32, %dma_start3A_51] : memref<10112x32xf32, #tpu.memory_space<vmem_shared>> -> memref<128x32xf32, #tpu.memory_space<vmem_shared>>
      %dma_start3A_53 = arith.constant 0 : i32
      %dma_start3A_54 = arith.constant 0 : i32
      %dma_start3A_55 = tpu.memref_slice %arg6[%dma_start3A_53, %dma_start3A_54] : memref<128x32xf32, #tpu.memory_space<vmem>> -> memref<128x32xf32, #tpu.memory_space<vmem>>
      tpu.enqueue_dma source(%dma_start3A_55 : memref<128x32xf32, #tpu.memory_space<vmem>>) target(%dma_start3A_52 : memref<128x32xf32, #tpu.memory_space<vmem_shared>>) target_semaphore(%run_scoped3A : memref<!tpu.dma_semaphore, #tpu.memory_space<semaphore_mem>>)
      %dma_wait3A = arith.constant 0 : i32
      %dma_wait3A_56 = arith.constant 0 : i32
      %dma_wait3A_57 = tpu.memref_slice %arg6[%dma_wait3A, %dma_wait3A_56] : memref<128x32xf32, #tpu.memory_space<vmem>> -> memref<128x32xf32, #tpu.memory_space<vmem>>
      %dma_wait3A_58 = arith.constant 0 : i32
      %dma_wait3A_59 = tpu.memref_slice %arg7[%add3A_32, %dma_wait3A_58] : memref<10112x32xf32, #tpu.memory_space<vmem_shared>> -> memref<128x32xf32, #tpu.memory_space<vmem_shared>>
      %dma_wait3A_60 = arith.constant 0 : i32
      %dma_wait3A_61 = tpu.memref_slice %arg7[%add3A_32, %dma_wait3A_60] : memref<10112x32xf32, #tpu.memory_space<vmem_shared>> -> memref<128x32xf32, #tpu.memory_space<vmem_shared>>
      %dma_wait3A_62 = arith.constant 0 : i32
      %dma_wait3A_63 = arith.constant 0 : i32
      %dma_wait3A_64 = tpu.memref_slice %arg6[%dma_wait3A_62, %dma_wait3A_63] : memref<128x32xf32, #tpu.memory_space<vmem>> -> memref<128x32xf32, #tpu.memory_space<vmem>>
      tpu.wait_dma2 semaphore(%run_scoped3A : memref<!tpu.dma_semaphore, #tpu.memory_space<semaphore_mem>>) src(%dma_wait3A_64 : memref<128x32xf32, #tpu.memory_space<vmem>>) dst(%dma_wait3A_61 : memref<128x32xf32, #tpu.memory_space<vmem_shared>>)
      tpu.yield
    }) : () -> ()
    %mul3A_33 = arith.constant 632 : i32
    %mul3A_34 = arith.muli %arg1, %mul3A_33 : i32
    %add3A_35 = arith.constant 512 : i32
    %add3A_36 = arith.addi %mul3A_34, %add3A_35 : i32
    "tpu.region"() ({
      %run_scoped3A = tpu.sem_alloc : memref<!tpu.dma_semaphore, #tpu.memory_space<semaphore_mem>>
      %dma_start3A = arith.constant 0 : i32
      %dma_start3A_47 = arith.constant 0 : i32
      %dma_start3A_48 = tpu.memref_slice %arg6[%dma_start3A, %dma_start3A_47] : memref<128x32xf32, #tpu.memory_space<vmem>> -> memref<120x32xf32, #tpu.memory_space<vmem>>
      %dma_start3A_49 = arith.constant 0 : i32
      %dma_start3A_50 = tpu.memref_slice %arg2[%add3A_36, %dma_start3A_49] : memref<10112x32xf32, #tpu.memory_space<hbm>> -> memref<120x32xf32, #tpu.memory_space<hbm>>
      %dma_start3A_51 = arith.constant 0 : i32
      %dma_start3A_52 = arith.constant 0 : i32
      %dma_start3A_53 = tpu.memref_slice %arg6[%dma_start3A_51, %dma_start3A_52] : memref<128x32xf32, #tpu.memory_space<vmem>> -> memref<120x32xf32, #tpu.memory_space<vmem>>
      %dma_start3A_54 = arith.constant 0 : i32
      %dma_start3A_55 = tpu.memref_slice %arg2[%add3A_36, %dma_start3A_54] : memref<10112x32xf32, #tpu.memory_space<hbm>> -> memref<120x32xf32, #tpu.memory_space<hbm>>
      tpu.enqueue_dma source(%dma_start3A_55 : memref<120x32xf32, #tpu.memory_space<hbm>>) target(%dma_start3A_53 : memref<120x32xf32, #tpu.memory_space<vmem>>) target_semaphore(%run_scoped3A : memref<!tpu.dma_semaphore, #tpu.memory_space<semaphore_mem>>)
      %dma_wait3A = arith.constant 0 : i32
      %dma_wait3A_56 = arith.constant 0 : i32
      %dma_wait3A_57 = tpu.memref_slice %arg6[%dma_wait3A, %dma_wait3A_56] : memref<128x32xf32, #tpu.memory_space<vmem>> -> memref<120x32xf32, #tpu.memory_space<vmem>>
      %dma_wait3A_58 = arith.constant 0 : i32
      %dma_wait3A_59 = tpu.memref_slice %arg2[%add3A_36, %dma_wait3A_58] : memref<10112x32xf32, #tpu.memory_space<hbm>> -> memref<120x32xf32, #tpu.memory_space<hbm>>
      %dma_wait3A_60 = arith.constant 0 : i32
      %dma_wait3A_61 = arith.constant 0 : i32
      %dma_wait3A_62 = tpu.memref_slice %arg6[%dma_wait3A_60, %dma_wait3A_61] : memref<128x32xf32, #tpu.memory_space<vmem>> -> memref<120x32xf32, #tpu.memory_space<vmem>>
      %dma_wait3A_63 = arith.constant 0 : i32
      %dma_wait3A_64 = tpu.memref_slice %arg2[%add3A_36, %dma_wait3A_63] : memref<10112x32xf32, #tpu.memory_space<hbm>> -> memref<120x32xf32, #tpu.memory_space<hbm>>
      tpu.wait_dma2 semaphore(%run_scoped3A : memref<!tpu.dma_semaphore, #tpu.memory_space<semaphore_mem>>) src(%dma_wait3A_64 : memref<120x32xf32, #tpu.memory_space<hbm>>) dst(%dma_wait3A_62 : memref<120x32xf32, #tpu.memory_space<vmem>>)
      tpu.yield
    }) : () -> ()
    %mul3A_37 = arith.constant 632 : i32
    %mul3A_38 = arith.muli %arg1, %mul3A_37 : i32
    %add3A_39 = arith.constant 512 : i32
    %add3A_40 = arith.addi %mul3A_38, %add3A_39 : i32
    "tpu.region"() ({
      %run_scoped3A = tpu.sem_alloc : memref<!tpu.dma_semaphore, #tpu.memory_space<semaphore_mem>>
      %dma_start3A = arith.constant 0 : i32
      %dma_start3A_47 = arith.constant 0 : i32
      %dma_start3A_48 = tpu.memref_slice %arg6[%dma_start3A, %dma_start3A_47] : memref<128x32xf32, #tpu.memory_space<vmem>> -> memref<120x32xf32, #tpu.memory_space<vmem>>
      %dma_start3A_49 = arith.constant 0 : i32
      %dma_start3A_50 = tpu.memref_slice %arg7[%add3A_40, %dma_start3A_49] : memref<10112x32xf32, #tpu.memory_space<vmem_shared>> -> memref<120x32xf32, #tpu.memory_space<vmem_shared>>
      %dma_start3A_51 = arith.constant 0 : i32
      %dma_start3A_52 = tpu.memref_slice %arg7[%add3A_40, %dma_start3A_51] : memref<10112x32xf32, #tpu.memory_space<vmem_shared>> -> memref<120x32xf32, #tpu.memory_space<vmem_shared>>
      %dma_start3A_53 = arith.constant 0 : i32
      %dma_start3A_54 = arith.constant 0 : i32
      %dma_start3A_55 = tpu.memref_slice %arg6[%dma_start3A_53, %dma_start3A_54] : memref<128x32xf32, #tpu.memory_space<vmem>> -> memref<120x32xf32, #tpu.memory_space<vmem>>
      tpu.enqueue_dma source(%dma_start3A_55 : memref<120x32xf32, #tpu.memory_space<vmem>>) target(%dma_start3A_52 : memref<120x32xf32, #tpu.memory_space<vmem_shared>>) target_semaphore(%run_scoped3A : memref<!tpu.dma_semaphore, #tpu.memory_space<semaphore_mem>>)
      %dma_wait3A = arith.constant 0 : i32
      %dma_wait3A_56 = arith.constant 0 : i32
      %dma_wait3A_57 = tpu.memref_slice %arg6[%dma_wait3A, %dma_wait3A_56] : memref<128x32xf32, #tpu.memory_space<vmem>> -> memref<120x32xf32, #tpu.memory_space<vmem>>
      %dma_wait3A_58 = arith.constant 0 : i32
      %dma_wait3A_59 = tpu.memref_slice %arg7[%add3A_40, %dma_wait3A_58] : memref<10112x32xf32, #tpu.memory_space<vmem_shared>> -> memref<120x32xf32, #tpu.memory_space<vmem_shared>>
      %dma_wait3A_60 = arith.constant 0 : i32
      %dma_wait3A_61 = tpu.memref_slice %arg7[%add3A_40, %dma_wait3A_60] : memref<10112x32xf32, #tpu.memory_space<vmem_shared>> -> memref<120x32xf32, #tpu.memory_space<vmem_shared>>
      %dma_wait3A_62 = arith.constant 0 : i32
      %dma_wait3A_63 = arith.constant 0 : i32
      %dma_wait3A_64 = tpu.memref_slice %arg6[%dma_wait3A_62, %dma_wait3A_63] : memref<128x32xf32, #tpu.memory_space<vmem>> -> memref<120x32xf32, #tpu.memory_space<vmem>>
      tpu.wait_dma2 semaphore(%run_scoped3A : memref<!tpu.dma_semaphore, #tpu.memory_space<semaphore_mem>>) src(%dma_wait3A_64 : memref<120x32xf32, #tpu.memory_space<vmem>>) dst(%dma_wait3A_61 : memref<120x32xf32, #tpu.memory_space<vmem_shared>>)
      tpu.yield
    }) : () -> ()
    %mul3A_41 = arith.constant 80 : i32
    %mul3A_42 = arith.muli %add3A, %mul3A_41 : i32
    "tpu.region"() ({
      %run_scoped3A = tpu.sem_alloc : memref<!tpu.dma_semaphore, #tpu.memory_space<semaphore_mem>>
      %dma_start3A = arith.constant 0 : i32
      %dma_start3A_47 = tpu.memref_slice %arg3[%mul3A_42, %dma_start3A] : memref<2560x128xi32, #tpu.memory_space<hbm>> -> memref<80x128xi32, #tpu.memory_space<hbm>>
      %dma_start3A_48 = arith.constant 0 : i32
      %dma_start3A_49 = tpu.memref_slice %arg3[%mul3A_42, %dma_start3A_48] : memref<2560x128xi32, #tpu.memory_space<hbm>> -> memref<80x128xi32, #tpu.memory_space<hbm>>
      tpu.enqueue_dma source(%dma_start3A_49 : memref<80x128xi32, #tpu.memory_space<hbm>>) target(%arg5 : memref<80x128xi32, #tpu.memory_space<vmem>>) target_semaphore(%run_scoped3A : memref<!tpu.dma_semaphore, #tpu.memory_space<semaphore_mem>>)
      %dma_wait3A = arith.constant 0 : i32
      %dma_wait3A_50 = tpu.memref_slice %arg3[%mul3A_42, %dma_wait3A] : memref<2560x128xi32, #tpu.memory_space<hbm>> -> memref<80x128xi32, #tpu.memory_space<hbm>>
      %dma_wait3A_51 = arith.constant 0 : i32
      %dma_wait3A_52 = tpu.memref_slice %arg3[%mul3A_42, %dma_wait3A_51] : memref<2560x128xi32, #tpu.memory_space<hbm>> -> memref<80x128xi32, #tpu.memory_space<hbm>>
      tpu.wait_dma2 semaphore(%run_scoped3A : memref<!tpu.dma_semaphore, #tpu.memory_space<semaphore_mem>>) src(%dma_wait3A_52 : memref<80x128xi32, #tpu.memory_space<hbm>>) dst(%arg5 : memref<80x128xi32, #tpu.memory_space<vmem>>)
      tpu.yield
    }) : () -> ()
    %barrier3A = arith.constant 0 : index
    tpu.barrier barrier_id(%barrier3A)
    %scan3A = arith.constant 0 : i32
    %scan3A_43 = arith.constant 80 : i32
    %scan3A_44 = arith.addi %scan3A, %scan3A_43 : i32
    %scan3A_45 = arith.constant 1 : i32
    scf.for %scan3A_47 = %scan3A to %scan3A_44 step %scan3A_45  : i32 {
      %mul3A_48 = arith.constant 1 : i32
      %mul3A_49 = arith.muli %scan3A_47, %mul3A_48 : i32
      %add3A_50 = arith.constant 0 : i32
      %add3A_51 = arith.addi %add3A_50, %mul3A_49 : i32
      %dma_start3A = arith.constant 0 : i32
      %dma_start3A_52 = tpu.memref_slice %arg5[%add3A_51, %dma_start3A] : memref<80x128xi32, #tpu.memory_space<vmem>> -> memref<1x128xi32, #tpu.memory_space<vmem>>
      %dma_start3A_53 = tpu.memref_squeeze %dma_start3A_52 : memref<1x128xi32, #tpu.memory_space<vmem>> -> memref<128xi32, #tpu.memory_space<vmem>>
      %dma_start3A_54 = arith.constant 0 : i32
      %dma_start3A_55 = arith.constant 0 : i32
      %dma_start3A_56 = tpu.memref_slice %arg7[%dma_start3A_54, %dma_start3A_55] : memref<10112x32xf32, #tpu.memory_space<vmem_shared>> -> memref<10112x32xf32, #tpu.memory_space<vmem_shared>>
      tpu.enqueue_indirect_dma source(%dma_start3A_56 : memref<10112x32xf32, #tpu.memory_space<vmem_shared>>) target(%arg6 : memref<128x32xf32, #tpu.memory_space<vmem>>) offsets(%dma_start3A_53 : memref<128xi32, #tpu.memory_space<vmem>>) semaphore(%arg8 : memref<!tpu.dma_semaphore, #tpu.memory_space<semaphore_mem>>)
      %dma_wait3A = arith.constant 0 : i32
      %dma_wait3A_57 = tpu.memref_slice %arg5[%add3A_51, %dma_wait3A] : memref<80x128xi32, #tpu.memory_space<vmem>> -> memref<1x128xi32, #tpu.memory_space<vmem>>
      %dma_wait3A_58 = tpu.memref_squeeze %dma_wait3A_57 : memref<1x128xi32, #tpu.memory_space<vmem>> -> memref<128xi32, #tpu.memory_space<vmem>>
      %dma_wait3A_59 = arith.constant 0 : i32
      %dma_wait3A_60 = arith.constant 0 : i32
      %dma_wait3A_61 = tpu.memref_slice %arg7[%dma_wait3A_59, %dma_wait3A_60] : memref<10112x32xf32, #tpu.memory_space<vmem_shared>> -> memref<10112x32xf32, #tpu.memory_space<vmem_shared>>
      tpu.wait_indirect_dma semaphore(%arg8 : memref<!tpu.dma_semaphore, #tpu.memory_space<semaphore_mem>>) src(%dma_wait3A_61 : memref<10112x32xf32, #tpu.memory_space<vmem_shared>>) dst(%arg6 : memref<128x32xf32, #tpu.memory_space<vmem>>)
      %mul3A_62 = arith.constant 128 : i32
      %mul3A_63 = arith.muli %add3A, %mul3A_62 : i32
      "tpu.region"() ({
        %run_scoped3A = tpu.sem_alloc : memref<!tpu.dma_semaphore, #tpu.memory_space<semaphore_mem>>
        %dma_start3A_64 = arith.constant 0 : i32
        %dma_start3A_65 = tpu.memref_slice %arg4[%add3A_51, %mul3A_63, %dma_start3A_64] : memref<80x4096x32xf32, #tpu.memory_space<hbm>> -> memref<1x128x32xf32, #tpu.memory_space<hbm>>
        %dma_start3A_66 = tpu.memref_squeeze %dma_start3A_65 : memref<1x128x32xf32, #tpu.memory_space<hbm>> -> memref<128x32xf32, #tpu.memory_space<hbm>>
        %dma_start3A_67 = arith.constant 0 : i32
        %dma_start3A_68 = tpu.memref_slice %arg4[%add3A_51, %mul3A_63, %dma_start3A_67] : memref<80x4096x32xf32, #tpu.memory_space<hbm>> -> memref<1x128x32xf32, #tpu.memory_space<hbm>>
        %dma_start3A_69 = tpu.memref_squeeze %dma_start3A_68 : memref<1x128x32xf32, #tpu.memory_space<hbm>> -> memref<128x32xf32, #tpu.memory_space<hbm>>
        tpu.enqueue_dma source(%arg6 : memref<128x32xf32, #tpu.memory_space<vmem>>) target(%dma_start3A_69 : memref<128x32xf32, #tpu.memory_space<hbm>>) target_semaphore(%run_scoped3A : memref<!tpu.dma_semaphore, #tpu.memory_space<semaphore_mem>>)
        %dma_wait3A_70 = arith.constant 0 : i32
        %dma_wait3A_71 = tpu.memref_slice %arg4[%add3A_51, %mul3A_63, %dma_wait3A_70] : memref<80x4096x32xf32, #tpu.memory_space<hbm>> -> memref<1x128x32xf32, #tpu.memory_space<hbm>>
        %dma_wait3A_72 = tpu.memref_squeeze %dma_wait3A_71 : memref<1x128x32xf32, #tpu.memory_space<hbm>> -> memref<128x32xf32, #tpu.memory_space<hbm>>
        %dma_wait3A_73 = arith.constant 0 : i32
        %dma_wait3A_74 = tpu.memref_slice %arg4[%add3A_51, %mul3A_63, %dma_wait3A_73] : memref<80x4096x32xf32, #tpu.memory_space<hbm>> -> memref<1x128x32xf32, #tpu.memory_space<hbm>>
        %dma_wait3A_75 = tpu.memref_squeeze %dma_wait3A_74 : memref<1x128x32xf32, #tpu.memory_space<hbm>> -> memref<128x32xf32, #tpu.memory_space<hbm>>
        tpu.wait_dma2 semaphore(%run_scoped3A : memref<!tpu.dma_semaphore, #tpu.memory_space<semaphore_mem>>) src(%arg6 : memref<128x32xf32, #tpu.memory_space<vmem>>) dst(%dma_wait3A_75 : memref<128x32xf32, #tpu.memory_space<hbm>>)
        tpu.yield
      }) : () -> ()
    }
    %scan3A_46 = arith.constant 80 : i32
    return
  }
}

#map = affine_map<(d0, d1) -> (0, 0, 0)>
#map1 = affine_map<(d0, d1) -> (0, 0)>
module attributes {stable_mosaic.version = 14 : i64} {
  func.func @_sc_scatter(%arg0: i32, %arg1: i32, %arg2: memref<80x4096x32xf32, #tpu.memory_space<hbm>>, %arg3: memref<2560x128xi32, #tpu.memory_space<hbm>>, %arg4: memref<10112x32xf32, #tpu.memory_space<hbm>>, %arg5: memref<2x10112x32xf32, #tpu.memory_space<hbm>>, %arg6: memref<80x128xi32, #tpu.memory_space<vmem>>, %arg7: memref<128x32xf32, #tpu.memory_space<vmem>>, %arg8: memref<10112x32xf32, #tpu.memory_space<vmem_shared>>, %arg9: memref<!tpu.dma_semaphore, #tpu.memory_space<semaphore_mem>>) attributes {dimension_semantics = [#tpu.dimension_semantics<core_parallel>, #tpu.dimension_semantics<subcore_parallel>], iteration_bounds = array<i64: 2, 16>, scalar_prefetch = 0 : i64, scratch_operands = 4 : i64, tpu.core_type = #tpu.core_type<sc_vector_subcore>, window_params = [{transform_indices = #map}, {transform_indices = #map1}, {transform_indices = #map1}, {transform_indices = #map}]} {
    %mul3A = arith.constant 2 : i32
    %mul3A_0 = arith.muli %arg1, %mul3A : i32
    %add3A = arith.addi %mul3A_0, %arg0 : i32
    %mul3A_1 = arith.constant 632 : i32
    %mul3A_2 = arith.muli %arg1, %mul3A_1 : i32
    %add3A_3 = arith.constant 0 : i32
    %add3A_4 = arith.addi %mul3A_2, %add3A_3 : i32
    "tpu.region"() ({
      %run_scoped3A = tpu.sem_alloc : memref<!tpu.dma_semaphore, #tpu.memory_space<semaphore_mem>>
      %dma_start3A = arith.constant 0 : i32
      %dma_start3A_88 = arith.constant 0 : i32
      %dma_start3A_89 = tpu.memref_slice %arg7[%dma_start3A, %dma_start3A_88] : memref<128x32xf32, #tpu.memory_space<vmem>> -> memref<128x32xf32, #tpu.memory_space<vmem>>
      %dma_start3A_90 = arith.constant 0 : i32
      %dma_start3A_91 = tpu.memref_slice %arg4[%add3A_4, %dma_start3A_90] : memref<10112x32xf32, #tpu.memory_space<hbm>> -> memref<128x32xf32, #tpu.memory_space<hbm>>
      %dma_start3A_92 = arith.constant 0 : i32
      %dma_start3A_93 = arith.constant 0 : i32
      %dma_start3A_94 = tpu.memref_slice %arg7[%dma_start3A_92, %dma_start3A_93] : memref<128x32xf32, #tpu.memory_space<vmem>> -> memref<128x32xf32, #tpu.memory_space<vmem>>
      %dma_start3A_95 = arith.constant 0 : i32
      %dma_start3A_96 = tpu.memref_slice %arg4[%add3A_4, %dma_start3A_95] : memref<10112x32xf32, #tpu.memory_space<hbm>> -> memref<128x32xf32, #tpu.memory_space<hbm>>
      tpu.enqueue_dma source(%dma_start3A_96 : memref<128x32xf32, #tpu.memory_space<hbm>>) target(%dma_start3A_94 : memref<128x32xf32, #tpu.memory_space<vmem>>) target_semaphore(%run_scoped3A : memref<!tpu.dma_semaphore, #tpu.memory_space<semaphore_mem>>)
      %dma_wait3A = arith.constant 0 : i32
      %dma_wait3A_97 = arith.constant 0 : i32
      %dma_wait3A_98 = tpu.memref_slice %arg7[%dma_wait3A, %dma_wait3A_97] : memref<128x32xf32, #tpu.memory_space<vmem>> -> memref<128x32xf32, #tpu.memory_space<vmem>>
      %dma_wait3A_99 = arith.constant 0 : i32
      %dma_wait3A_100 = tpu.memref_slice %arg4[%add3A_4, %dma_wait3A_99] : memref<10112x32xf32, #tpu.memory_space<hbm>> -> memref<128x32xf32, #tpu.memory_space<hbm>>
      %dma_wait3A_101 = arith.constant 0 : i32
      %dma_wait3A_102 = arith.constant 0 : i32
      %dma_wait3A_103 = tpu.memref_slice %arg7[%dma_wait3A_101, %dma_wait3A_102] : memref<128x32xf32, #tpu.memory_space<vmem>> -> memref<128x32xf32, #tpu.memory_space<vmem>>
      %dma_wait3A_104 = arith.constant 0 : i32
      %dma_wait3A_105 = tpu.memref_slice %arg4[%add3A_4, %dma_wait3A_104] : memref<10112x32xf32, #tpu.memory_space<hbm>> -> memref<128x32xf32, #tpu.memory_space<hbm>>
      tpu.wait_dma2 semaphore(%run_scoped3A : memref<!tpu.dma_semaphore, #tpu.memory_space<semaphore_mem>>) src(%dma_wait3A_105 : memref<128x32xf32, #tpu.memory_space<hbm>>) dst(%dma_wait3A_103 : memref<128x32xf32, #tpu.memory_space<vmem>>)
      tpu.yield
    }) : () -> ()
    %mul3A_5 = arith.constant 632 : i32
    %mul3A_6 = arith.muli %arg1, %mul3A_5 : i32
    %add3A_7 = arith.constant 0 : i32
    %add3A_8 = arith.addi %mul3A_6, %add3A_7 : i32
    "tpu.region"() ({
      %run_scoped3A = tpu.sem_alloc : memref<!tpu.dma_semaphore, #tpu.memory_space<semaphore_mem>>
      %dma_start3A = arith.constant 0 : i32
      %dma_start3A_88 = arith.constant 0 : i32
      %dma_start3A_89 = tpu.memref_slice %arg7[%dma_start3A, %dma_start3A_88] : memref<128x32xf32, #tpu.memory_space<vmem>> -> memref<128x32xf32, #tpu.memory_space<vmem>>
      %dma_start3A_90 = arith.constant 0 : i32
      %dma_start3A_91 = tpu.memref_slice %arg8[%add3A_8, %dma_start3A_90] : memref<10112x32xf32, #tpu.memory_space<vmem_shared>> -> memref<128x32xf32, #tpu.memory_space<vmem_shared>>
      %dma_start3A_92 = arith.constant 0 : i32
      %dma_start3A_93 = tpu.memref_slice %arg8[%add3A_8, %dma_start3A_92] : memref<10112x32xf32, #tpu.memory_space<vmem_shared>> -> memref<128x32xf32, #tpu.memory_space<vmem_shared>>
      %dma_start3A_94 = arith.constant 0 : i32
      %dma_start3A_95 = arith.constant 0 : i32
      %dma_start3A_96 = tpu.memref_slice %arg7[%dma_start3A_94, %dma_start3A_95] : memref<128x32xf32, #tpu.memory_space<vmem>> -> memref<128x32xf32, #tpu.memory_space<vmem>>
      tpu.enqueue_dma source(%dma_start3A_96 : memref<128x32xf32, #tpu.memory_space<vmem>>) target(%dma_start3A_93 : memref<128x32xf32, #tpu.memory_space<vmem_shared>>) target_semaphore(%run_scoped3A : memref<!tpu.dma_semaphore, #tpu.memory_space<semaphore_mem>>)
      %dma_wait3A = arith.constant 0 : i32
      %dma_wait3A_97 = arith.constant 0 : i32
      %dma_wait3A_98 = tpu.memref_slice %arg7[%dma_wait3A, %dma_wait3A_97] : memref<128x32xf32, #tpu.memory_space<vmem>> -> memref<128x32xf32, #tpu.memory_space<vmem>>
      %dma_wait3A_99 = arith.constant 0 : i32
      %dma_wait3A_100 = tpu.memref_slice %arg8[%add3A_8, %dma_wait3A_99] : memref<10112x32xf32, #tpu.memory_space<vmem_shared>> -> memref<128x32xf32, #tpu.memory_space<vmem_shared>>
      %dma_wait3A_101 = arith.constant 0 : i32
      %dma_wait3A_102 = tpu.memref_slice %arg8[%add3A_8, %dma_wait3A_101] : memref<10112x32xf32, #tpu.memory_space<vmem_shared>> -> memref<128x32xf32, #tpu.memory_space<vmem_shared>>
      %dma_wait3A_103 = arith.constant 0 : i32
      %dma_wait3A_104 = arith.constant 0 : i32
      %dma_wait3A_105 = tpu.memref_slice %arg7[%dma_wait3A_103, %dma_wait3A_104] : memref<128x32xf32, #tpu.memory_space<vmem>> -> memref<128x32xf32, #tpu.memory_space<vmem>>
      tpu.wait_dma2 semaphore(%run_scoped3A : memref<!tpu.dma_semaphore, #tpu.memory_space<semaphore_mem>>) src(%dma_wait3A_105 : memref<128x32xf32, #tpu.memory_space<vmem>>) dst(%dma_wait3A_102 : memref<128x32xf32, #tpu.memory_space<vmem_shared>>)
      tpu.yield
    }) : () -> ()
    %mul3A_9 = arith.constant 632 : i32
    %mul3A_10 = arith.muli %arg1, %mul3A_9 : i32
    %add3A_11 = arith.constant 128 : i32
    %add3A_12 = arith.addi %mul3A_10, %add3A_11 : i32
    "tpu.region"() ({
      %run_scoped3A = tpu.sem_alloc : memref<!tpu.dma_semaphore, #tpu.memory_space<semaphore_mem>>
      %dma_start3A = arith.constant 0 : i32
      %dma_start3A_88 = arith.constant 0 : i32
      %dma_start3A_89 = tpu.memref_slice %arg7[%dma_start3A, %dma_start3A_88] : memref<128x32xf32, #tpu.memory_space<vmem>> -> memref<128x32xf32, #tpu.memory_space<vmem>>
      %dma_start3A_90 = arith.constant 0 : i32
      %dma_start3A_91 = tpu.memref_slice %arg4[%add3A_12, %dma_start3A_90] : memref<10112x32xf32, #tpu.memory_space<hbm>> -> memref<128x32xf32, #tpu.memory_space<hbm>>
      %dma_start3A_92 = arith.constant 0 : i32
      %dma_start3A_93 = arith.constant 0 : i32
      %dma_start3A_94 = tpu.memref_slice %arg7[%dma_start3A_92, %dma_start3A_93] : memref<128x32xf32, #tpu.memory_space<vmem>> -> memref<128x32xf32, #tpu.memory_space<vmem>>
      %dma_start3A_95 = arith.constant 0 : i32
      %dma_start3A_96 = tpu.memref_slice %arg4[%add3A_12, %dma_start3A_95] : memref<10112x32xf32, #tpu.memory_space<hbm>> -> memref<128x32xf32, #tpu.memory_space<hbm>>
      tpu.enqueue_dma source(%dma_start3A_96 : memref<128x32xf32, #tpu.memory_space<hbm>>) target(%dma_start3A_94 : memref<128x32xf32, #tpu.memory_space<vmem>>) target_semaphore(%run_scoped3A : memref<!tpu.dma_semaphore, #tpu.memory_space<semaphore_mem>>)
      %dma_wait3A = arith.constant 0 : i32
      %dma_wait3A_97 = arith.constant 0 : i32
      %dma_wait3A_98 = tpu.memref_slice %arg7[%dma_wait3A, %dma_wait3A_97] : memref<128x32xf32, #tpu.memory_space<vmem>> -> memref<128x32xf32, #tpu.memory_space<vmem>>
      %dma_wait3A_99 = arith.constant 0 : i32
      %dma_wait3A_100 = tpu.memref_slice %arg4[%add3A_12, %dma_wait3A_99] : memref<10112x32xf32, #tpu.memory_space<hbm>> -> memref<128x32xf32, #tpu.memory_space<hbm>>
      %dma_wait3A_101 = arith.constant 0 : i32
      %dma_wait3A_102 = arith.constant 0 : i32
      %dma_wait3A_103 = tpu.memref_slice %arg7[%dma_wait3A_101, %dma_wait3A_102] : memref<128x32xf32, #tpu.memory_space<vmem>> -> memref<128x32xf32, #tpu.memory_space<vmem>>
      %dma_wait3A_104 = arith.constant 0 : i32
      %dma_wait3A_105 = tpu.memref_slice %arg4[%add3A_12, %dma_wait3A_104] : memref<10112x32xf32, #tpu.memory_space<hbm>> -> memref<128x32xf32, #tpu.memory_space<hbm>>
      tpu.wait_dma2 semaphore(%run_scoped3A : memref<!tpu.dma_semaphore, #tpu.memory_space<semaphore_mem>>) src(%dma_wait3A_105 : memref<128x32xf32, #tpu.memory_space<hbm>>) dst(%dma_wait3A_103 : memref<128x32xf32, #tpu.memory_space<vmem>>)
      tpu.yield
    }) : () -> ()
    %mul3A_13 = arith.constant 632 : i32
    %mul3A_14 = arith.muli %arg1, %mul3A_13 : i32
    %add3A_15 = arith.constant 128 : i32
    %add3A_16 = arith.addi %mul3A_14, %add3A_15 : i32
    "tpu.region"() ({
      %run_scoped3A = tpu.sem_alloc : memref<!tpu.dma_semaphore, #tpu.memory_space<semaphore_mem>>
      %dma_start3A = arith.constant 0 : i32
      %dma_start3A_88 = arith.constant 0 : i32
      %dma_start3A_89 = tpu.memref_slice %arg7[%dma_start3A, %dma_start3A_88] : memref<128x32xf32, #tpu.memory_space<vmem>> -> memref<128x32xf32, #tpu.memory_space<vmem>>
      %dma_start3A_90 = arith.constant 0 : i32
      %dma_start3A_91 = tpu.memref_slice %arg8[%add3A_16, %dma_start3A_90] : memref<10112x32xf32, #tpu.memory_space<vmem_shared>> -> memref<128x32xf32, #tpu.memory_space<vmem_shared>>
      %dma_start3A_92 = arith.constant 0 : i32
      %dma_start3A_93 = tpu.memref_slice %arg8[%add3A_16, %dma_start3A_92] : memref<10112x32xf32, #tpu.memory_space<vmem_shared>> -> memref<128x32xf32, #tpu.memory_space<vmem_shared>>
      %dma_start3A_94 = arith.constant 0 : i32
      %dma_start3A_95 = arith.constant 0 : i32
      %dma_start3A_96 = tpu.memref_slice %arg7[%dma_start3A_94, %dma_start3A_95] : memref<128x32xf32, #tpu.memory_space<vmem>> -> memref<128x32xf32, #tpu.memory_space<vmem>>
      tpu.enqueue_dma source(%dma_start3A_96 : memref<128x32xf32, #tpu.memory_space<vmem>>) target(%dma_start3A_93 : memref<128x32xf32, #tpu.memory_space<vmem_shared>>) target_semaphore(%run_scoped3A : memref<!tpu.dma_semaphore, #tpu.memory_space<semaphore_mem>>)
      %dma_wait3A = arith.constant 0 : i32
      %dma_wait3A_97 = arith.constant 0 : i32
      %dma_wait3A_98 = tpu.memref_slice %arg7[%dma_wait3A, %dma_wait3A_97] : memref<128x32xf32, #tpu.memory_space<vmem>> -> memref<128x32xf32, #tpu.memory_space<vmem>>
      %dma_wait3A_99 = arith.constant 0 : i32
      %dma_wait3A_100 = tpu.memref_slice %arg8[%add3A_16, %dma_wait3A_99] : memref<10112x32xf32, #tpu.memory_space<vmem_shared>> -> memref<128x32xf32, #tpu.memory_space<vmem_shared>>
      %dma_wait3A_101 = arith.constant 0 : i32
      %dma_wait3A_102 = tpu.memref_slice %arg8[%add3A_16, %dma_wait3A_101] : memref<10112x32xf32, #tpu.memory_space<vmem_shared>> -> memref<128x32xf32, #tpu.memory_space<vmem_shared>>
      %dma_wait3A_103 = arith.constant 0 : i32
      %dma_wait3A_104 = arith.constant 0 : i32
      %dma_wait3A_105 = tpu.memref_slice %arg7[%dma_wait3A_103, %dma_wait3A_104] : memref<128x32xf32, #tpu.memory_space<vmem>> -> memref<128x32xf32, #tpu.memory_space<vmem>>
      tpu.wait_dma2 semaphore(%run_scoped3A : memref<!tpu.dma_semaphore, #tpu.memory_space<semaphore_mem>>) src(%dma_wait3A_105 : memref<128x32xf32, #tpu.memory_space<vmem>>) dst(%dma_wait3A_102 : memref<128x32xf32, #tpu.memory_space<vmem_shared>>)
      tpu.yield
    }) : () -> ()
    %mul3A_17 = arith.constant 632 : i32
    %mul3A_18 = arith.muli %arg1, %mul3A_17 : i32
    %add3A_19 = arith.constant 256 : i32
    %add3A_20 = arith.addi %mul3A_18, %add3A_19 : i32
    "tpu.region"() ({
      %run_scoped3A = tpu.sem_alloc : memref<!tpu.dma_semaphore, #tpu.memory_space<semaphore_mem>>
      %dma_start3A = arith.constant 0 : i32
      %dma_start3A_88 = arith.constant 0 : i32
      %dma_start3A_89 = tpu.memref_slice %arg7[%dma_start3A, %dma_start3A_88] : memref<128x32xf32, #tpu.memory_space<vmem>> -> memref<128x32xf32, #tpu.memory_space<vmem>>
      %dma_start3A_90 = arith.constant 0 : i32
      %dma_start3A_91 = tpu.memref_slice %arg4[%add3A_20, %dma_start3A_90] : memref<10112x32xf32, #tpu.memory_space<hbm>> -> memref<128x32xf32, #tpu.memory_space<hbm>>
      %dma_start3A_92 = arith.constant 0 : i32
      %dma_start3A_93 = arith.constant 0 : i32
      %dma_start3A_94 = tpu.memref_slice %arg7[%dma_start3A_92, %dma_start3A_93] : memref<128x32xf32, #tpu.memory_space<vmem>> -> memref<128x32xf32, #tpu.memory_space<vmem>>
      %dma_start3A_95 = arith.constant 0 : i32
      %dma_start3A_96 = tpu.memref_slice %arg4[%add3A_20, %dma_start3A_95] : memref<10112x32xf32, #tpu.memory_space<hbm>> -> memref<128x32xf32, #tpu.memory_space<hbm>>
      tpu.enqueue_dma source(%dma_start3A_96 : memref<128x32xf32, #tpu.memory_space<hbm>>) target(%dma_start3A_94 : memref<128x32xf32, #tpu.memory_space<vmem>>) target_semaphore(%run_scoped3A : memref<!tpu.dma_semaphore, #tpu.memory_space<semaphore_mem>>)
      %dma_wait3A = arith.constant 0 : i32
      %dma_wait3A_97 = arith.constant 0 : i32
      %dma_wait3A_98 = tpu.memref_slice %arg7[%dma_wait3A, %dma_wait3A_97] : memref<128x32xf32, #tpu.memory_space<vmem>> -> memref<128x32xf32, #tpu.memory_space<vmem>>
      %dma_wait3A_99 = arith.constant 0 : i32
      %dma_wait3A_100 = tpu.memref_slice %arg4[%add3A_20, %dma_wait3A_99] : memref<10112x32xf32, #tpu.memory_space<hbm>> -> memref<128x32xf32, #tpu.memory_space<hbm>>
      %dma_wait3A_101 = arith.constant 0 : i32
      %dma_wait3A_102 = arith.constant 0 : i32
      %dma_wait3A_103 = tpu.memref_slice %arg7[%dma_wait3A_101, %dma_wait3A_102] : memref<128x32xf32, #tpu.memory_space<vmem>> -> memref<128x32xf32, #tpu.memory_space<vmem>>
      %dma_wait3A_104 = arith.constant 0 : i32
      %dma_wait3A_105 = tpu.memref_slice %arg4[%add3A_20, %dma_wait3A_104] : memref<10112x32xf32, #tpu.memory_space<hbm>> -> memref<128x32xf32, #tpu.memory_space<hbm>>
      tpu.wait_dma2 semaphore(%run_scoped3A : memref<!tpu.dma_semaphore, #tpu.memory_space<semaphore_mem>>) src(%dma_wait3A_105 : memref<128x32xf32, #tpu.memory_space<hbm>>) dst(%dma_wait3A_103 : memref<128x32xf32, #tpu.memory_space<vmem>>)
      tpu.yield
    }) : () -> ()
    %mul3A_21 = arith.constant 632 : i32
    %mul3A_22 = arith.muli %arg1, %mul3A_21 : i32
    %add3A_23 = arith.constant 256 : i32
    %add3A_24 = arith.addi %mul3A_22, %add3A_23 : i32
    "tpu.region"() ({
      %run_scoped3A = tpu.sem_alloc : memref<!tpu.dma_semaphore, #tpu.memory_space<semaphore_mem>>
      %dma_start3A = arith.constant 0 : i32
      %dma_start3A_88 = arith.constant 0 : i32
      %dma_start3A_89 = tpu.memref_slice %arg7[%dma_start3A, %dma_start3A_88] : memref<128x32xf32, #tpu.memory_space<vmem>> -> memref<128x32xf32, #tpu.memory_space<vmem>>
      %dma_start3A_90 = arith.constant 0 : i32
      %dma_start3A_91 = tpu.memref_slice %arg8[%add3A_24, %dma_start3A_90] : memref<10112x32xf32, #tpu.memory_space<vmem_shared>> -> memref<128x32xf32, #tpu.memory_space<vmem_shared>>
      %dma_start3A_92 = arith.constant 0 : i32
      %dma_start3A_93 = tpu.memref_slice %arg8[%add3A_24, %dma_start3A_92] : memref<10112x32xf32, #tpu.memory_space<vmem_shared>> -> memref<128x32xf32, #tpu.memory_space<vmem_shared>>
      %dma_start3A_94 = arith.constant 0 : i32
      %dma_start3A_95 = arith.constant 0 : i32
      %dma_start3A_96 = tpu.memref_slice %arg7[%dma_start3A_94, %dma_start3A_95] : memref<128x32xf32, #tpu.memory_space<vmem>> -> memref<128x32xf32, #tpu.memory_space<vmem>>
      tpu.enqueue_dma source(%dma_start3A_96 : memref<128x32xf32, #tpu.memory_space<vmem>>) target(%dma_start3A_93 : memref<128x32xf32, #tpu.memory_space<vmem_shared>>) target_semaphore(%run_scoped3A : memref<!tpu.dma_semaphore, #tpu.memory_space<semaphore_mem>>)
      %dma_wait3A = arith.constant 0 : i32
      %dma_wait3A_97 = arith.constant 0 : i32
      %dma_wait3A_98 = tpu.memref_slice %arg7[%dma_wait3A, %dma_wait3A_97] : memref<128x32xf32, #tpu.memory_space<vmem>> -> memref<128x32xf32, #tpu.memory_space<vmem>>
      %dma_wait3A_99 = arith.constant 0 : i32
      %dma_wait3A_100 = tpu.memref_slice %arg8[%add3A_24, %dma_wait3A_99] : memref<10112x32xf32, #tpu.memory_space<vmem_shared>> -> memref<128x32xf32, #tpu.memory_space<vmem_shared>>
      %dma_wait3A_101 = arith.constant 0 : i32
      %dma_wait3A_102 = tpu.memref_slice %arg8[%add3A_24, %dma_wait3A_101] : memref<10112x32xf32, #tpu.memory_space<vmem_shared>> -> memref<128x32xf32, #tpu.memory_space<vmem_shared>>
      %dma_wait3A_103 = arith.constant 0 : i32
      %dma_wait3A_104 = arith.constant 0 : i32
      %dma_wait3A_105 = tpu.memref_slice %arg7[%dma_wait3A_103, %dma_wait3A_104] : memref<128x32xf32, #tpu.memory_space<vmem>> -> memref<128x32xf32, #tpu.memory_space<vmem>>
      tpu.wait_dma2 semaphore(%run_scoped3A : memref<!tpu.dma_semaphore, #tpu.memory_space<semaphore_mem>>) src(%dma_wait3A_105 : memref<128x32xf32, #tpu.memory_space<vmem>>) dst(%dma_wait3A_102 : memref<128x32xf32, #tpu.memory_space<vmem_shared>>)
      tpu.yield
    }) : () -> ()
    %mul3A_25 = arith.constant 632 : i32
    %mul3A_26 = arith.muli %arg1, %mul3A_25 : i32
    %add3A_27 = arith.constant 384 : i32
    %add3A_28 = arith.addi %mul3A_26, %add3A_27 : i32
    "tpu.region"() ({
      %run_scoped3A = tpu.sem_alloc : memref<!tpu.dma_semaphore, #tpu.memory_space<semaphore_mem>>
      %dma_start3A = arith.constant 0 : i32
      %dma_start3A_88 = arith.constant 0 : i32
      %dma_start3A_89 = tpu.memref_slice %arg7[%dma_start3A, %dma_start3A_88] : memref<128x32xf32, #tpu.memory_space<vmem>> -> memref<128x32xf32, #tpu.memory_space<vmem>>
      %dma_start3A_90 = arith.constant 0 : i32
      %dma_start3A_91 = tpu.memref_slice %arg4[%add3A_28, %dma_start3A_90] : memref<10112x32xf32, #tpu.memory_space<hbm>> -> memref<128x32xf32, #tpu.memory_space<hbm>>
      %dma_start3A_92 = arith.constant 0 : i32
      %dma_start3A_93 = arith.constant 0 : i32
      %dma_start3A_94 = tpu.memref_slice %arg7[%dma_start3A_92, %dma_start3A_93] : memref<128x32xf32, #tpu.memory_space<vmem>> -> memref<128x32xf32, #tpu.memory_space<vmem>>
      %dma_start3A_95 = arith.constant 0 : i32
      %dma_start3A_96 = tpu.memref_slice %arg4[%add3A_28, %dma_start3A_95] : memref<10112x32xf32, #tpu.memory_space<hbm>> -> memref<128x32xf32, #tpu.memory_space<hbm>>
      tpu.enqueue_dma source(%dma_start3A_96 : memref<128x32xf32, #tpu.memory_space<hbm>>) target(%dma_start3A_94 : memref<128x32xf32, #tpu.memory_space<vmem>>) target_semaphore(%run_scoped3A : memref<!tpu.dma_semaphore, #tpu.memory_space<semaphore_mem>>)
      %dma_wait3A = arith.constant 0 : i32
      %dma_wait3A_97 = arith.constant 0 : i32
      %dma_wait3A_98 = tpu.memref_slice %arg7[%dma_wait3A, %dma_wait3A_97] : memref<128x32xf32, #tpu.memory_space<vmem>> -> memref<128x32xf32, #tpu.memory_space<vmem>>
      %dma_wait3A_99 = arith.constant 0 : i32
      %dma_wait3A_100 = tpu.memref_slice %arg4[%add3A_28, %dma_wait3A_99] : memref<10112x32xf32, #tpu.memory_space<hbm>> -> memref<128x32xf32, #tpu.memory_space<hbm>>
      %dma_wait3A_101 = arith.constant 0 : i32
      %dma_wait3A_102 = arith.constant 0 : i32
      %dma_wait3A_103 = tpu.memref_slice %arg7[%dma_wait3A_101, %dma_wait3A_102] : memref<128x32xf32, #tpu.memory_space<vmem>> -> memref<128x32xf32, #tpu.memory_space<vmem>>
      %dma_wait3A_104 = arith.constant 0 : i32
      %dma_wait3A_105 = tpu.memref_slice %arg4[%add3A_28, %dma_wait3A_104] : memref<10112x32xf32, #tpu.memory_space<hbm>> -> memref<128x32xf32, #tpu.memory_space<hbm>>
      tpu.wait_dma2 semaphore(%run_scoped3A : memref<!tpu.dma_semaphore, #tpu.memory_space<semaphore_mem>>) src(%dma_wait3A_105 : memref<128x32xf32, #tpu.memory_space<hbm>>) dst(%dma_wait3A_103 : memref<128x32xf32, #tpu.memory_space<vmem>>)
      tpu.yield
    }) : () -> ()
    %mul3A_29 = arith.constant 632 : i32
    %mul3A_30 = arith.muli %arg1, %mul3A_29 : i32
    %add3A_31 = arith.constant 384 : i32
    %add3A_32 = arith.addi %mul3A_30, %add3A_31 : i32
    "tpu.region"() ({
      %run_scoped3A = tpu.sem_alloc : memref<!tpu.dma_semaphore, #tpu.memory_space<semaphore_mem>>
      %dma_start3A = arith.constant 0 : i32
      %dma_start3A_88 = arith.constant 0 : i32
      %dma_start3A_89 = tpu.memref_slice %arg7[%dma_start3A, %dma_start3A_88] : memref<128x32xf32, #tpu.memory_space<vmem>> -> memref<128x32xf32, #tpu.memory_space<vmem>>
      %dma_start3A_90 = arith.constant 0 : i32
      %dma_start3A_91 = tpu.memref_slice %arg8[%add3A_32, %dma_start3A_90] : memref<10112x32xf32, #tpu.memory_space<vmem_shared>> -> memref<128x32xf32, #tpu.memory_space<vmem_shared>>
      %dma_start3A_92 = arith.constant 0 : i32
      %dma_start3A_93 = tpu.memref_slice %arg8[%add3A_32, %dma_start3A_92] : memref<10112x32xf32, #tpu.memory_space<vmem_shared>> -> memref<128x32xf32, #tpu.memory_space<vmem_shared>>
      %dma_start3A_94 = arith.constant 0 : i32
      %dma_start3A_95 = arith.constant 0 : i32
      %dma_start3A_96 = tpu.memref_slice %arg7[%dma_start3A_94, %dma_start3A_95] : memref<128x32xf32, #tpu.memory_space<vmem>> -> memref<128x32xf32, #tpu.memory_space<vmem>>
      tpu.enqueue_dma source(%dma_start3A_96 : memref<128x32xf32, #tpu.memory_space<vmem>>) target(%dma_start3A_93 : memref<128x32xf32, #tpu.memory_space<vmem_shared>>) target_semaphore(%run_scoped3A : memref<!tpu.dma_semaphore, #tpu.memory_space<semaphore_mem>>)
      %dma_wait3A = arith.constant 0 : i32
      %dma_wait3A_97 = arith.constant 0 : i32
      %dma_wait3A_98 = tpu.memref_slice %arg7[%dma_wait3A, %dma_wait3A_97] : memref<128x32xf32, #tpu.memory_space<vmem>> -> memref<128x32xf32, #tpu.memory_space<vmem>>
      %dma_wait3A_99 = arith.constant 0 : i32
      %dma_wait3A_100 = tpu.memref_slice %arg8[%add3A_32, %dma_wait3A_99] : memref<10112x32xf32, #tpu.memory_space<vmem_shared>> -> memref<128x32xf32, #tpu.memory_space<vmem_shared>>
      %dma_wait3A_101 = arith.constant 0 : i32
      %dma_wait3A_102 = tpu.memref_slice %arg8[%add3A_32, %dma_wait3A_101] : memref<10112x32xf32, #tpu.memory_space<vmem_shared>> -> memref<128x32xf32, #tpu.memory_space<vmem_shared>>
      %dma_wait3A_103 = arith.constant 0 : i32
      %dma_wait3A_104 = arith.constant 0 : i32
      %dma_wait3A_105 = tpu.memref_slice %arg7[%dma_wait3A_103, %dma_wait3A_104] : memref<128x32xf32, #tpu.memory_space<vmem>> -> memref<128x32xf32, #tpu.memory_space<vmem>>
      tpu.wait_dma2 semaphore(%run_scoped3A : memref<!tpu.dma_semaphore, #tpu.memory_space<semaphore_mem>>) src(%dma_wait3A_105 : memref<128x32xf32, #tpu.memory_space<vmem>>) dst(%dma_wait3A_102 : memref<128x32xf32, #tpu.memory_space<vmem_shared>>)
      tpu.yield
    }) : () -> ()
    %mul3A_33 = arith.constant 632 : i32
    %mul3A_34 = arith.muli %arg1, %mul3A_33 : i32
    %add3A_35 = arith.constant 512 : i32
    %add3A_36 = arith.addi %mul3A_34, %add3A_35 : i32
    "tpu.region"() ({
      %run_scoped3A = tpu.sem_alloc : memref<!tpu.dma_semaphore, #tpu.memory_space<semaphore_mem>>
      %dma_start3A = arith.constant 0 : i32
      %dma_start3A_88 = arith.constant 0 : i32
      %dma_start3A_89 = tpu.memref_slice %arg7[%dma_start3A, %dma_start3A_88] : memref<128x32xf32, #tpu.memory_space<vmem>> -> memref<120x32xf32, #tpu.memory_space<vmem>>
      %dma_start3A_90 = arith.constant 0 : i32
      %dma_start3A_91 = tpu.memref_slice %arg4[%add3A_36, %dma_start3A_90] : memref<10112x32xf32, #tpu.memory_space<hbm>> -> memref<120x32xf32, #tpu.memory_space<hbm>>
      %dma_start3A_92 = arith.constant 0 : i32
      %dma_start3A_93 = arith.constant 0 : i32
      %dma_start3A_94 = tpu.memref_slice %arg7[%dma_start3A_92, %dma_start3A_93] : memref<128x32xf32, #tpu.memory_space<vmem>> -> memref<120x32xf32, #tpu.memory_space<vmem>>
      %dma_start3A_95 = arith.constant 0 : i32
      %dma_start3A_96 = tpu.memref_slice %arg4[%add3A_36, %dma_start3A_95] : memref<10112x32xf32, #tpu.memory_space<hbm>> -> memref<120x32xf32, #tpu.memory_space<hbm>>
      tpu.enqueue_dma source(%dma_start3A_96 : memref<120x32xf32, #tpu.memory_space<hbm>>) target(%dma_start3A_94 : memref<120x32xf32, #tpu.memory_space<vmem>>) target_semaphore(%run_scoped3A : memref<!tpu.dma_semaphore, #tpu.memory_space<semaphore_mem>>)
      %dma_wait3A = arith.constant 0 : i32
      %dma_wait3A_97 = arith.constant 0 : i32
      %dma_wait3A_98 = tpu.memref_slice %arg7[%dma_wait3A, %dma_wait3A_97] : memref<128x32xf32, #tpu.memory_space<vmem>> -> memref<120x32xf32, #tpu.memory_space<vmem>>
      %dma_wait3A_99 = arith.constant 0 : i32
      %dma_wait3A_100 = tpu.memref_slice %arg4[%add3A_36, %dma_wait3A_99] : memref<10112x32xf32, #tpu.memory_space<hbm>> -> memref<120x32xf32, #tpu.memory_space<hbm>>
      %dma_wait3A_101 = arith.constant 0 : i32
      %dma_wait3A_102 = arith.constant 0 : i32
      %dma_wait3A_103 = tpu.memref_slice %arg7[%dma_wait3A_101, %dma_wait3A_102] : memref<128x32xf32, #tpu.memory_space<vmem>> -> memref<120x32xf32, #tpu.memory_space<vmem>>
      %dma_wait3A_104 = arith.constant 0 : i32
      %dma_wait3A_105 = tpu.memref_slice %arg4[%add3A_36, %dma_wait3A_104] : memref<10112x32xf32, #tpu.memory_space<hbm>> -> memref<120x32xf32, #tpu.memory_space<hbm>>
      tpu.wait_dma2 semaphore(%run_scoped3A : memref<!tpu.dma_semaphore, #tpu.memory_space<semaphore_mem>>) src(%dma_wait3A_105 : memref<120x32xf32, #tpu.memory_space<hbm>>) dst(%dma_wait3A_103 : memref<120x32xf32, #tpu.memory_space<vmem>>)
      tpu.yield
    }) : () -> ()
    %mul3A_37 = arith.constant 632 : i32
    %mul3A_38 = arith.muli %arg1, %mul3A_37 : i32
    %add3A_39 = arith.constant 512 : i32
    %add3A_40 = arith.addi %mul3A_38, %add3A_39 : i32
    "tpu.region"() ({
      %run_scoped3A = tpu.sem_alloc : memref<!tpu.dma_semaphore, #tpu.memory_space<semaphore_mem>>
      %dma_start3A = arith.constant 0 : i32
      %dma_start3A_88 = arith.constant 0 : i32
      %dma_start3A_89 = tpu.memref_slice %arg7[%dma_start3A, %dma_start3A_88] : memref<128x32xf32, #tpu.memory_space<vmem>> -> memref<120x32xf32, #tpu.memory_space<vmem>>
      %dma_start3A_90 = arith.constant 0 : i32
      %dma_start3A_91 = tpu.memref_slice %arg8[%add3A_40, %dma_start3A_90] : memref<10112x32xf32, #tpu.memory_space<vmem_shared>> -> memref<120x32xf32, #tpu.memory_space<vmem_shared>>
      %dma_start3A_92 = arith.constant 0 : i32
      %dma_start3A_93 = tpu.memref_slice %arg8[%add3A_40, %dma_start3A_92] : memref<10112x32xf32, #tpu.memory_space<vmem_shared>> -> memref<120x32xf32, #tpu.memory_space<vmem_shared>>
      %dma_start3A_94 = arith.constant 0 : i32
      %dma_start3A_95 = arith.constant 0 : i32
      %dma_start3A_96 = tpu.memref_slice %arg7[%dma_start3A_94, %dma_start3A_95] : memref<128x32xf32, #tpu.memory_space<vmem>> -> memref<120x32xf32, #tpu.memory_space<vmem>>
      tpu.enqueue_dma source(%dma_start3A_96 : memref<120x32xf32, #tpu.memory_space<vmem>>) target(%dma_start3A_93 : memref<120x32xf32, #tpu.memory_space<vmem_shared>>) target_semaphore(%run_scoped3A : memref<!tpu.dma_semaphore, #tpu.memory_space<semaphore_mem>>)
      %dma_wait3A = arith.constant 0 : i32
      %dma_wait3A_97 = arith.constant 0 : i32
      %dma_wait3A_98 = tpu.memref_slice %arg7[%dma_wait3A, %dma_wait3A_97] : memref<128x32xf32, #tpu.memory_space<vmem>> -> memref<120x32xf32, #tpu.memory_space<vmem>>
      %dma_wait3A_99 = arith.constant 0 : i32
      %dma_wait3A_100 = tpu.memref_slice %arg8[%add3A_40, %dma_wait3A_99] : memref<10112x32xf32, #tpu.memory_space<vmem_shared>> -> memref<120x32xf32, #tpu.memory_space<vmem_shared>>
      %dma_wait3A_101 = arith.constant 0 : i32
      %dma_wait3A_102 = tpu.memref_slice %arg8[%add3A_40, %dma_wait3A_101] : memref<10112x32xf32, #tpu.memory_space<vmem_shared>> -> memref<120x32xf32, #tpu.memory_space<vmem_shared>>
      %dma_wait3A_103 = arith.constant 0 : i32
      %dma_wait3A_104 = arith.constant 0 : i32
      %dma_wait3A_105 = tpu.memref_slice %arg7[%dma_wait3A_103, %dma_wait3A_104] : memref<128x32xf32, #tpu.memory_space<vmem>> -> memref<120x32xf32, #tpu.memory_space<vmem>>
      tpu.wait_dma2 semaphore(%run_scoped3A : memref<!tpu.dma_semaphore, #tpu.memory_space<semaphore_mem>>) src(%dma_wait3A_105 : memref<120x32xf32, #tpu.memory_space<vmem>>) dst(%dma_wait3A_102 : memref<120x32xf32, #tpu.memory_space<vmem_shared>>)
      tpu.yield
    }) : () -> ()
    %mul3A_41 = arith.constant 80 : i32
    %mul3A_42 = arith.muli %add3A, %mul3A_41 : i32
    "tpu.region"() ({
      %run_scoped3A = tpu.sem_alloc : memref<!tpu.dma_semaphore, #tpu.memory_space<semaphore_mem>>
      %dma_start3A = arith.constant 0 : i32
      %dma_start3A_88 = tpu.memref_slice %arg3[%mul3A_42, %dma_start3A] : memref<2560x128xi32, #tpu.memory_space<hbm>> -> memref<80x128xi32, #tpu.memory_space<hbm>>
      %dma_start3A_89 = arith.constant 0 : i32
      %dma_start3A_90 = tpu.memref_slice %arg3[%mul3A_42, %dma_start3A_89] : memref<2560x128xi32, #tpu.memory_space<hbm>> -> memref<80x128xi32, #tpu.memory_space<hbm>>
      tpu.enqueue_dma source(%dma_start3A_90 : memref<80x128xi32, #tpu.memory_space<hbm>>) target(%arg6 : memref<80x128xi32, #tpu.memory_space<vmem>>) target_semaphore(%run_scoped3A : memref<!tpu.dma_semaphore, #tpu.memory_space<semaphore_mem>>)
      %dma_wait3A = arith.constant 0 : i32
      %dma_wait3A_91 = tpu.memref_slice %arg3[%mul3A_42, %dma_wait3A] : memref<2560x128xi32, #tpu.memory_space<hbm>> -> memref<80x128xi32, #tpu.memory_space<hbm>>
      %dma_wait3A_92 = arith.constant 0 : i32
      %dma_wait3A_93 = tpu.memref_slice %arg3[%mul3A_42, %dma_wait3A_92] : memref<2560x128xi32, #tpu.memory_space<hbm>> -> memref<80x128xi32, #tpu.memory_space<hbm>>
      tpu.wait_dma2 semaphore(%run_scoped3A : memref<!tpu.dma_semaphore, #tpu.memory_space<semaphore_mem>>) src(%dma_wait3A_93 : memref<80x128xi32, #tpu.memory_space<hbm>>) dst(%arg6 : memref<80x128xi32, #tpu.memory_space<vmem>>)
      tpu.yield
    }) : () -> ()
    %barrier3A = arith.constant 0 : index
    tpu.barrier barrier_id(%barrier3A)
    %scan3A = arith.constant 0 : i32
    %scan3A_43 = arith.constant 80 : i32
    %scan3A_44 = arith.addi %scan3A, %scan3A_43 : i32
    %scan3A_45 = arith.constant 1 : i32
    scf.for %scan3A_88 = %scan3A to %scan3A_44 step %scan3A_45  : i32 {
      %mul3A_89 = arith.constant 1 : i32
      %mul3A_90 = arith.muli %scan3A_88, %mul3A_89 : i32
      %add3A_91 = arith.constant 0 : i32
      %add3A_92 = arith.addi %add3A_91, %mul3A_90 : i32
      %mul3A_93 = arith.constant 128 : i32
      %mul3A_94 = arith.muli %add3A, %mul3A_93 : i32
      "tpu.region"() ({
        %run_scoped3A = tpu.sem_alloc : memref<!tpu.dma_semaphore, #tpu.memory_space<semaphore_mem>>
        %dma_start3A = arith.constant 0 : i32
        %dma_start3A_95 = tpu.memref_slice %arg2[%add3A_92, %mul3A_94, %dma_start3A] : memref<80x4096x32xf32, #tpu.memory_space<hbm>> -> memref<1x128x32xf32, #tpu.memory_space<hbm>>
        %dma_start3A_96 = tpu.memref_squeeze %dma_start3A_95 : memref<1x128x32xf32, #tpu.memory_space<hbm>> -> memref<128x32xf32, #tpu.memory_space<hbm>>
        %dma_start3A_97 = arith.constant 0 : i32
        %dma_start3A_98 = tpu.memref_slice %arg2[%add3A_92, %mul3A_94, %dma_start3A_97] : memref<80x4096x32xf32, #tpu.memory_space<hbm>> -> memref<1x128x32xf32, #tpu.memory_space<hbm>>
        %dma_start3A_99 = tpu.memref_squeeze %dma_start3A_98 : memref<1x128x32xf32, #tpu.memory_space<hbm>> -> memref<128x32xf32, #tpu.memory_space<hbm>>
        tpu.enqueue_dma source(%dma_start3A_99 : memref<128x32xf32, #tpu.memory_space<hbm>>) target(%arg7 : memref<128x32xf32, #tpu.memory_space<vmem>>) target_semaphore(%run_scoped3A : memref<!tpu.dma_semaphore, #tpu.memory_space<semaphore_mem>>)
        %dma_wait3A = arith.constant 0 : i32
        %dma_wait3A_100 = tpu.memref_slice %arg2[%add3A_92, %mul3A_94, %dma_wait3A] : memref<80x4096x32xf32, #tpu.memory_space<hbm>> -> memref<1x128x32xf32, #tpu.memory_space<hbm>>
        %dma_wait3A_101 = tpu.memref_squeeze %dma_wait3A_100 : memref<1x128x32xf32, #tpu.memory_space<hbm>> -> memref<128x32xf32, #tpu.memory_space<hbm>>
        %dma_wait3A_102 = arith.constant 0 : i32
        %dma_wait3A_103 = tpu.memref_slice %arg2[%add3A_92, %mul3A_94, %dma_wait3A_102] : memref<80x4096x32xf32, #tpu.memory_space<hbm>> -> memref<1x128x32xf32, #tpu.memory_space<hbm>>
        %dma_wait3A_104 = tpu.memref_squeeze %dma_wait3A_103 : memref<1x128x32xf32, #tpu.memory_space<hbm>> -> memref<128x32xf32, #tpu.memory_space<hbm>>
        tpu.wait_dma2 semaphore(%run_scoped3A : memref<!tpu.dma_semaphore, #tpu.memory_space<semaphore_mem>>) src(%dma_wait3A_104 : memref<128x32xf32, #tpu.memory_space<hbm>>) dst(%arg7 : memref<128x32xf32, #tpu.memory_space<vmem>>)
        tpu.yield
      }) : () -> ()
      "tpu.region"() ({
        %run_scoped3A = tpu.sem_alloc : memref<!tpu.dma_semaphore, #tpu.memory_space<semaphore_mem>>
        %dma_start3A = arith.constant 0 : i32
        %dma_start3A_95 = tpu.memref_slice %arg6[%add3A_92, %dma_start3A] : memref<80x128xi32, #tpu.memory_space<vmem>> -> memref<1x128xi32, #tpu.memory_space<vmem>>
        %dma_start3A_96 = tpu.memref_squeeze %dma_start3A_95 : memref<1x128xi32, #tpu.memory_space<vmem>> -> memref<128xi32, #tpu.memory_space<vmem>>
        %dma_start3A_97 = arith.constant 0 : i32
        %dma_start3A_98 = arith.constant 0 : i32
        %dma_start3A_99 = tpu.memref_slice %arg8[%dma_start3A_97, %dma_start3A_98] : memref<10112x32xf32, #tpu.memory_space<vmem_shared>> -> memref<10112x32xf32, #tpu.memory_space<vmem_shared>>
        tpu.enqueue_indirect_dma source(%arg7 : memref<128x32xf32, #tpu.memory_space<vmem>>) target(%dma_start3A_99 : memref<10112x32xf32, #tpu.memory_space<vmem_shared>>) offsets(%dma_start3A_96 : memref<128xi32, #tpu.memory_space<vmem>>) semaphore(%run_scoped3A : memref<!tpu.dma_semaphore, #tpu.memory_space<semaphore_mem>>) {add = true}
        %dma_wait3A = arith.constant 0 : i32
        %dma_wait3A_100 = tpu.memref_slice %arg6[%add3A_92, %dma_wait3A] : memref<80x128xi32, #tpu.memory_space<vmem>> -> memref<1x128xi32, #tpu.memory_space<vmem>>
        %dma_wait3A_101 = tpu.memref_squeeze %dma_wait3A_100 : memref<1x128xi32, #tpu.memory_space<vmem>> -> memref<128xi32, #tpu.memory_space<vmem>>
        %dma_wait3A_102 = arith.constant 0 : i32
        %dma_wait3A_103 = arith.constant 0 : i32
        %dma_wait3A_104 = tpu.memref_slice %arg8[%dma_wait3A_102, %dma_wait3A_103] : memref<10112x32xf32, #tpu.memory_space<vmem_shared>> -> memref<10112x32xf32, #tpu.memory_space<vmem_shared>>
        tpu.wait_indirect_dma semaphore(%run_scoped3A : memref<!tpu.dma_semaphore, #tpu.memory_space<semaphore_mem>>) src(%arg7 : memref<128x32xf32, #tpu.memory_space<vmem>>) dst(%dma_wait3A_104 : memref<10112x32xf32, #tpu.memory_space<vmem_shared>>)
        tpu.yield
      }) : () -> ()
    }
    %scan3A_46 = arith.constant 80 : i32
    %barrier3A_47 = arith.constant 0 : index
    tpu.barrier barrier_id(%barrier3A_47)
    %mul3A_48 = arith.constant 632 : i32
    %mul3A_49 = arith.muli %arg1, %mul3A_48 : i32
    %add3A_50 = arith.constant 0 : i32
    %add3A_51 = arith.addi %mul3A_49, %add3A_50 : i32
    "tpu.region"() ({
      %run_scoped3A = tpu.sem_alloc : memref<!tpu.dma_semaphore, #tpu.memory_space<semaphore_mem>>
      %dma_start3A = arith.constant 0 : i32
      %dma_start3A_88 = arith.constant 0 : i32
      %dma_start3A_89 = tpu.memref_slice %arg7[%dma_start3A, %dma_start3A_88] : memref<128x32xf32, #tpu.memory_space<vmem>> -> memref<128x32xf32, #tpu.memory_space<vmem>>
      %dma_start3A_90 = arith.constant 0 : i32
      %dma_start3A_91 = tpu.memref_slice %arg8[%add3A_51, %dma_start3A_90] : memref<10112x32xf32, #tpu.memory_space<vmem_shared>> -> memref<128x32xf32, #tpu.memory_space<vmem_shared>>
      %dma_start3A_92 = arith.constant 0 : i32
      %dma_start3A_93 = arith.constant 0 : i32
      %dma_start3A_94 = tpu.memref_slice %arg7[%dma_start3A_92, %dma_start3A_93] : memref<128x32xf32, #tpu.memory_space<vmem>> -> memref<128x32xf32, #tpu.memory_space<vmem>>
      %dma_start3A_95 = arith.constant 0 : i32
      %dma_start3A_96 = tpu.memref_slice %arg8[%add3A_51, %dma_start3A_95] : memref<10112x32xf32, #tpu.memory_space<vmem_shared>> -> memref<128x32xf32, #tpu.memory_space<vmem_shared>>
      tpu.enqueue_dma source(%dma_start3A_96 : memref<128x32xf32, #tpu.memory_space<vmem_shared>>) target(%dma_start3A_94 : memref<128x32xf32, #tpu.memory_space<vmem>>) target_semaphore(%run_scoped3A : memref<!tpu.dma_semaphore, #tpu.memory_space<semaphore_mem>>)
      %dma_wait3A = arith.constant 0 : i32
      %dma_wait3A_97 = arith.constant 0 : i32
      %dma_wait3A_98 = tpu.memref_slice %arg7[%dma_wait3A, %dma_wait3A_97] : memref<128x32xf32, #tpu.memory_space<vmem>> -> memref<128x32xf32, #tpu.memory_space<vmem>>
      %dma_wait3A_99 = arith.constant 0 : i32
      %dma_wait3A_100 = tpu.memref_slice %arg8[%add3A_51, %dma_wait3A_99] : memref<10112x32xf32, #tpu.memory_space<vmem_shared>> -> memref<128x32xf32, #tpu.memory_space<vmem_shared>>
      %dma_wait3A_101 = arith.constant 0 : i32
      %dma_wait3A_102 = arith.constant 0 : i32
      %dma_wait3A_103 = tpu.memref_slice %arg7[%dma_wait3A_101, %dma_wait3A_102] : memref<128x32xf32, #tpu.memory_space<vmem>> -> memref<128x32xf32, #tpu.memory_space<vmem>>
      %dma_wait3A_104 = arith.constant 0 : i32
      %dma_wait3A_105 = tpu.memref_slice %arg8[%add3A_51, %dma_wait3A_104] : memref<10112x32xf32, #tpu.memory_space<vmem_shared>> -> memref<128x32xf32, #tpu.memory_space<vmem_shared>>
      tpu.wait_dma2 semaphore(%run_scoped3A : memref<!tpu.dma_semaphore, #tpu.memory_space<semaphore_mem>>) src(%dma_wait3A_105 : memref<128x32xf32, #tpu.memory_space<vmem_shared>>) dst(%dma_wait3A_103 : memref<128x32xf32, #tpu.memory_space<vmem>>)
      tpu.yield
    }) : () -> ()
    %mul3A_52 = arith.constant 632 : i32
    %mul3A_53 = arith.muli %arg1, %mul3A_52 : i32
    %add3A_54 = arith.constant 0 : i32
    %add3A_55 = arith.addi %mul3A_53, %add3A_54 : i32
    "tpu.region"() ({
      %run_scoped3A = tpu.sem_alloc : memref<!tpu.dma_semaphore, #tpu.memory_space<semaphore_mem>>
      %dma_start3A = arith.constant 0 : i32
      %dma_start3A_88 = arith.constant 0 : i32
      %dma_start3A_89 = tpu.memref_slice %arg7[%dma_start3A, %dma_start3A_88] : memref<128x32xf32, #tpu.memory_space<vmem>> -> memref<128x32xf32, #tpu.memory_space<vmem>>
      %dma_start3A_90 = arith.constant 0 : i32
      %dma_start3A_91 = tpu.memref_slice %arg5[%arg0, %add3A_55, %dma_start3A_90] : memref<2x10112x32xf32, #tpu.memory_space<hbm>> -> memref<1x128x32xf32, #tpu.memory_space<hbm>>
      %dma_start3A_92 = tpu.memref_squeeze %dma_start3A_91 : memref<1x128x32xf32, #tpu.memory_space<hbm>> -> memref<128x32xf32, #tpu.memory_space<hbm>>
      %dma_start3A_93 = arith.constant 0 : i32
      %dma_start3A_94 = tpu.memref_slice %arg5[%arg0, %add3A_55, %dma_start3A_93] : memref<2x10112x32xf32, #tpu.memory_space<hbm>> -> memref<1x128x32xf32, #tpu.memory_space<hbm>>
      %dma_start3A_95 = tpu.memref_squeeze %dma_start3A_94 : memref<1x128x32xf32, #tpu.memory_space<hbm>> -> memref<128x32xf32, #tpu.memory_space<hbm>>
      %dma_start3A_96 = arith.constant 0 : i32
      %dma_start3A_97 = arith.constant 0 : i32
      %dma_start3A_98 = tpu.memref_slice %arg7[%dma_start3A_96, %dma_start3A_97] : memref<128x32xf32, #tpu.memory_space<vmem>> -> memref<128x32xf32, #tpu.memory_space<vmem>>
      tpu.enqueue_dma source(%dma_start3A_98 : memref<128x32xf32, #tpu.memory_space<vmem>>) target(%dma_start3A_95 : memref<128x32xf32, #tpu.memory_space<hbm>>) target_semaphore(%run_scoped3A : memref<!tpu.dma_semaphore, #tpu.memory_space<semaphore_mem>>)
      %dma_wait3A = arith.constant 0 : i32
      %dma_wait3A_99 = arith.constant 0 : i32
      %dma_wait3A_100 = tpu.memref_slice %arg7[%dma_wait3A, %dma_wait3A_99] : memref<128x32xf32, #tpu.memory_space<vmem>> -> memref<128x32xf32, #tpu.memory_space<vmem>>
      %dma_wait3A_101 = arith.constant 0 : i32
      %dma_wait3A_102 = tpu.memref_slice %arg5[%arg0, %add3A_55, %dma_wait3A_101] : memref<2x10112x32xf32, #tpu.memory_space<hbm>> -> memref<1x128x32xf32, #tpu.memory_space<hbm>>
      %dma_wait3A_103 = tpu.memref_squeeze %dma_wait3A_102 : memref<1x128x32xf32, #tpu.memory_space<hbm>> -> memref<128x32xf32, #tpu.memory_space<hbm>>
      %dma_wait3A_104 = arith.constant 0 : i32
      %dma_wait3A_105 = tpu.memref_slice %arg5[%arg0, %add3A_55, %dma_wait3A_104] : memref<2x10112x32xf32, #tpu.memory_space<hbm>> -> memref<1x128x32xf32, #tpu.memory_space<hbm>>
      %dma_wait3A_106 = tpu.memref_squeeze %dma_wait3A_105 : memref<1x128x32xf32, #tpu.memory_space<hbm>> -> memref<128x32xf32, #tpu.memory_space<hbm>>
      %dma_wait3A_107 = arith.constant 0 : i32
      %dma_wait3A_108 = arith.constant 0 : i32
      %dma_wait3A_109 = tpu.memref_slice %arg7[%dma_wait3A_107, %dma_wait3A_108] : memref<128x32xf32, #tpu.memory_space<vmem>> -> memref<128x32xf32, #tpu.memory_space<vmem>>
      tpu.wait_dma2 semaphore(%run_scoped3A : memref<!tpu.dma_semaphore, #tpu.memory_space<semaphore_mem>>) src(%dma_wait3A_109 : memref<128x32xf32, #tpu.memory_space<vmem>>) dst(%dma_wait3A_106 : memref<128x32xf32, #tpu.memory_space<hbm>>)
      tpu.yield
    }) : () -> ()
    %mul3A_56 = arith.constant 632 : i32
    %mul3A_57 = arith.muli %arg1, %mul3A_56 : i32
    %add3A_58 = arith.constant 128 : i32
    %add3A_59 = arith.addi %mul3A_57, %add3A_58 : i32
    "tpu.region"() ({
      %run_scoped3A = tpu.sem_alloc : memref<!tpu.dma_semaphore, #tpu.memory_space<semaphore_mem>>
      %dma_start3A = arith.constant 0 : i32
      %dma_start3A_88 = arith.constant 0 : i32
      %dma_start3A_89 = tpu.memref_slice %arg7[%dma_start3A, %dma_start3A_88] : memref<128x32xf32, #tpu.memory_space<vmem>> -> memref<128x32xf32, #tpu.memory_space<vmem>>
      %dma_start3A_90 = arith.constant 0 : i32
      %dma_start3A_91 = tpu.memref_slice %arg8[%add3A_59, %dma_start3A_90] : memref<10112x32xf32, #tpu.memory_space<vmem_shared>> -> memref<128x32xf32, #tpu.memory_space<vmem_shared>>
      %dma_start3A_92 = arith.constant 0 : i32
      %dma_start3A_93 = arith.constant 0 : i32
      %dma_start3A_94 = tpu.memref_slice %arg7[%dma_start3A_92, %dma_start3A_93] : memref<128x32xf32, #tpu.memory_space<vmem>> -> memref<128x32xf32, #tpu.memory_space<vmem>>
      %dma_start3A_95 = arith.constant 0 : i32
      %dma_start3A_96 = tpu.memref_slice %arg8[%add3A_59, %dma_start3A_95] : memref<10112x32xf32, #tpu.memory_space<vmem_shared>> -> memref<128x32xf32, #tpu.memory_space<vmem_shared>>
      tpu.enqueue_dma source(%dma_start3A_96 : memref<128x32xf32, #tpu.memory_space<vmem_shared>>) target(%dma_start3A_94 : memref<128x32xf32, #tpu.memory_space<vmem>>) target_semaphore(%run_scoped3A : memref<!tpu.dma_semaphore, #tpu.memory_space<semaphore_mem>>)
      %dma_wait3A = arith.constant 0 : i32
      %dma_wait3A_97 = arith.constant 0 : i32
      %dma_wait3A_98 = tpu.memref_slice %arg7[%dma_wait3A, %dma_wait3A_97] : memref<128x32xf32, #tpu.memory_space<vmem>> -> memref<128x32xf32, #tpu.memory_space<vmem>>
      %dma_wait3A_99 = arith.constant 0 : i32
      %dma_wait3A_100 = tpu.memref_slice %arg8[%add3A_59, %dma_wait3A_99] : memref<10112x32xf32, #tpu.memory_space<vmem_shared>> -> memref<128x32xf32, #tpu.memory_space<vmem_shared>>
      %dma_wait3A_101 = arith.constant 0 : i32
      %dma_wait3A_102 = arith.constant 0 : i32
      %dma_wait3A_103 = tpu.memref_slice %arg7[%dma_wait3A_101, %dma_wait3A_102] : memref<128x32xf32, #tpu.memory_space<vmem>> -> memref<128x32xf32, #tpu.memory_space<vmem>>
      %dma_wait3A_104 = arith.constant 0 : i32
      %dma_wait3A_105 = tpu.memref_slice %arg8[%add3A_59, %dma_wait3A_104] : memref<10112x32xf32, #tpu.memory_space<vmem_shared>> -> memref<128x32xf32, #tpu.memory_space<vmem_shared>>
      tpu.wait_dma2 semaphore(%run_scoped3A : memref<!tpu.dma_semaphore, #tpu.memory_space<semaphore_mem>>) src(%dma_wait3A_105 : memref<128x32xf32, #tpu.memory_space<vmem_shared>>) dst(%dma_wait3A_103 : memref<128x32xf32, #tpu.memory_space<vmem>>)
      tpu.yield
    }) : () -> ()
    %mul3A_60 = arith.constant 632 : i32
    %mul3A_61 = arith.muli %arg1, %mul3A_60 : i32
    %add3A_62 = arith.constant 128 : i32
    %add3A_63 = arith.addi %mul3A_61, %add3A_62 : i32
    "tpu.region"() ({
      %run_scoped3A = tpu.sem_alloc : memref<!tpu.dma_semaphore, #tpu.memory_space<semaphore_mem>>
      %dma_start3A = arith.constant 0 : i32
      %dma_start3A_88 = arith.constant 0 : i32
      %dma_start3A_89 = tpu.memref_slice %arg7[%dma_start3A, %dma_start3A_88] : memref<128x32xf32, #tpu.memory_space<vmem>> -> memref<128x32xf32, #tpu.memory_space<vmem>>
      %dma_start3A_90 = arith.constant 0 : i32
      %dma_start3A_91 = tpu.memref_slice %arg5[%arg0, %add3A_63, %dma_start3A_90] : memref<2x10112x32xf32, #tpu.memory_space<hbm>> -> memref<1x128x32xf32, #tpu.memory_space<hbm>>
      %dma_start3A_92 = tpu.memref_squeeze %dma_start3A_91 : memref<1x128x32xf32, #tpu.memory_space<hbm>> -> memref<128x32xf32, #tpu.memory_space<hbm>>
      %dma_start3A_93 = arith.constant 0 : i32
      %dma_start3A_94 = tpu.memref_slice %arg5[%arg0, %add3A_63, %dma_start3A_93] : memref<2x10112x32xf32, #tpu.memory_space<hbm>> -> memref<1x128x32xf32, #tpu.memory_space<hbm>>
      %dma_start3A_95 = tpu.memref_squeeze %dma_start3A_94 : memref<1x128x32xf32, #tpu.memory_space<hbm>> -> memref<128x32xf32, #tpu.memory_space<hbm>>
      %dma_start3A_96 = arith.constant 0 : i32
      %dma_start3A_97 = arith.constant 0 : i32
      %dma_start3A_98 = tpu.memref_slice %arg7[%dma_start3A_96, %dma_start3A_97] : memref<128x32xf32, #tpu.memory_space<vmem>> -> memref<128x32xf32, #tpu.memory_space<vmem>>
      tpu.enqueue_dma source(%dma_start3A_98 : memref<128x32xf32, #tpu.memory_space<vmem>>) target(%dma_start3A_95 : memref<128x32xf32, #tpu.memory_space<hbm>>) target_semaphore(%run_scoped3A : memref<!tpu.dma_semaphore, #tpu.memory_space<semaphore_mem>>)
      %dma_wait3A = arith.constant 0 : i32
      %dma_wait3A_99 = arith.constant 0 : i32
      %dma_wait3A_100 = tpu.memref_slice %arg7[%dma_wait3A, %dma_wait3A_99] : memref<128x32xf32, #tpu.memory_space<vmem>> -> memref<128x32xf32, #tpu.memory_space<vmem>>
      %dma_wait3A_101 = arith.constant 0 : i32
      %dma_wait3A_102 = tpu.memref_slice %arg5[%arg0, %add3A_63, %dma_wait3A_101] : memref<2x10112x32xf32, #tpu.memory_space<hbm>> -> memref<1x128x32xf32, #tpu.memory_space<hbm>>
      %dma_wait3A_103 = tpu.memref_squeeze %dma_wait3A_102 : memref<1x128x32xf32, #tpu.memory_space<hbm>> -> memref<128x32xf32, #tpu.memory_space<hbm>>
      %dma_wait3A_104 = arith.constant 0 : i32
      %dma_wait3A_105 = tpu.memref_slice %arg5[%arg0, %add3A_63, %dma_wait3A_104] : memref<2x10112x32xf32, #tpu.memory_space<hbm>> -> memref<1x128x32xf32, #tpu.memory_space<hbm>>
      %dma_wait3A_106 = tpu.memref_squeeze %dma_wait3A_105 : memref<1x128x32xf32, #tpu.memory_space<hbm>> -> memref<128x32xf32, #tpu.memory_space<hbm>>
      %dma_wait3A_107 = arith.constant 0 : i32
      %dma_wait3A_108 = arith.constant 0 : i32
      %dma_wait3A_109 = tpu.memref_slice %arg7[%dma_wait3A_107, %dma_wait3A_108] : memref<128x32xf32, #tpu.memory_space<vmem>> -> memref<128x32xf32, #tpu.memory_space<vmem>>
      tpu.wait_dma2 semaphore(%run_scoped3A : memref<!tpu.dma_semaphore, #tpu.memory_space<semaphore_mem>>) src(%dma_wait3A_109 : memref<128x32xf32, #tpu.memory_space<vmem>>) dst(%dma_wait3A_106 : memref<128x32xf32, #tpu.memory_space<hbm>>)
      tpu.yield
    }) : () -> ()
    %mul3A_64 = arith.constant 632 : i32
    %mul3A_65 = arith.muli %arg1, %mul3A_64 : i32
    %add3A_66 = arith.constant 256 : i32
    %add3A_67 = arith.addi %mul3A_65, %add3A_66 : i32
    "tpu.region"() ({
      %run_scoped3A = tpu.sem_alloc : memref<!tpu.dma_semaphore, #tpu.memory_space<semaphore_mem>>
      %dma_start3A = arith.constant 0 : i32
      %dma_start3A_88 = arith.constant 0 : i32
      %dma_start3A_89 = tpu.memref_slice %arg7[%dma_start3A, %dma_start3A_88] : memref<128x32xf32, #tpu.memory_space<vmem>> -> memref<128x32xf32, #tpu.memory_space<vmem>>
      %dma_start3A_90 = arith.constant 0 : i32
      %dma_start3A_91 = tpu.memref_slice %arg8[%add3A_67, %dma_start3A_90] : memref<10112x32xf32, #tpu.memory_space<vmem_shared>> -> memref<128x32xf32, #tpu.memory_space<vmem_shared>>
      %dma_start3A_92 = arith.constant 0 : i32
      %dma_start3A_93 = arith.constant 0 : i32
      %dma_start3A_94 = tpu.memref_slice %arg7[%dma_start3A_92, %dma_start3A_93] : memref<128x32xf32, #tpu.memory_space<vmem>> -> memref<128x32xf32, #tpu.memory_space<vmem>>
      %dma_start3A_95 = arith.constant 0 : i32
      %dma_start3A_96 = tpu.memref_slice %arg8[%add3A_67, %dma_start3A_95] : memref<10112x32xf32, #tpu.memory_space<vmem_shared>> -> memref<128x32xf32, #tpu.memory_space<vmem_shared>>
      tpu.enqueue_dma source(%dma_start3A_96 : memref<128x32xf32, #tpu.memory_space<vmem_shared>>) target(%dma_start3A_94 : memref<128x32xf32, #tpu.memory_space<vmem>>) target_semaphore(%run_scoped3A : memref<!tpu.dma_semaphore, #tpu.memory_space<semaphore_mem>>)
      %dma_wait3A = arith.constant 0 : i32
      %dma_wait3A_97 = arith.constant 0 : i32
      %dma_wait3A_98 = tpu.memref_slice %arg7[%dma_wait3A, %dma_wait3A_97] : memref<128x32xf32, #tpu.memory_space<vmem>> -> memref<128x32xf32, #tpu.memory_space<vmem>>
      %dma_wait3A_99 = arith.constant 0 : i32
      %dma_wait3A_100 = tpu.memref_slice %arg8[%add3A_67, %dma_wait3A_99] : memref<10112x32xf32, #tpu.memory_space<vmem_shared>> -> memref<128x32xf32, #tpu.memory_space<vmem_shared>>
      %dma_wait3A_101 = arith.constant 0 : i32
      %dma_wait3A_102 = arith.constant 0 : i32
      %dma_wait3A_103 = tpu.memref_slice %arg7[%dma_wait3A_101, %dma_wait3A_102] : memref<128x32xf32, #tpu.memory_space<vmem>> -> memref<128x32xf32, #tpu.memory_space<vmem>>
      %dma_wait3A_104 = arith.constant 0 : i32
      %dma_wait3A_105 = tpu.memref_slice %arg8[%add3A_67, %dma_wait3A_104] : memref<10112x32xf32, #tpu.memory_space<vmem_shared>> -> memref<128x32xf32, #tpu.memory_space<vmem_shared>>
      tpu.wait_dma2 semaphore(%run_scoped3A : memref<!tpu.dma_semaphore, #tpu.memory_space<semaphore_mem>>) src(%dma_wait3A_105 : memref<128x32xf32, #tpu.memory_space<vmem_shared>>) dst(%dma_wait3A_103 : memref<128x32xf32, #tpu.memory_space<vmem>>)
      tpu.yield
    }) : () -> ()
    %mul3A_68 = arith.constant 632 : i32
    %mul3A_69 = arith.muli %arg1, %mul3A_68 : i32
    %add3A_70 = arith.constant 256 : i32
    %add3A_71 = arith.addi %mul3A_69, %add3A_70 : i32
    "tpu.region"() ({
      %run_scoped3A = tpu.sem_alloc : memref<!tpu.dma_semaphore, #tpu.memory_space<semaphore_mem>>
      %dma_start3A = arith.constant 0 : i32
      %dma_start3A_88 = arith.constant 0 : i32
      %dma_start3A_89 = tpu.memref_slice %arg7[%dma_start3A, %dma_start3A_88] : memref<128x32xf32, #tpu.memory_space<vmem>> -> memref<128x32xf32, #tpu.memory_space<vmem>>
      %dma_start3A_90 = arith.constant 0 : i32
      %dma_start3A_91 = tpu.memref_slice %arg5[%arg0, %add3A_71, %dma_start3A_90] : memref<2x10112x32xf32, #tpu.memory_space<hbm>> -> memref<1x128x32xf32, #tpu.memory_space<hbm>>
      %dma_start3A_92 = tpu.memref_squeeze %dma_start3A_91 : memref<1x128x32xf32, #tpu.memory_space<hbm>> -> memref<128x32xf32, #tpu.memory_space<hbm>>
      %dma_start3A_93 = arith.constant 0 : i32
      %dma_start3A_94 = tpu.memref_slice %arg5[%arg0, %add3A_71, %dma_start3A_93] : memref<2x10112x32xf32, #tpu.memory_space<hbm>> -> memref<1x128x32xf32, #tpu.memory_space<hbm>>
      %dma_start3A_95 = tpu.memref_squeeze %dma_start3A_94 : memref<1x128x32xf32, #tpu.memory_space<hbm>> -> memref<128x32xf32, #tpu.memory_space<hbm>>
      %dma_start3A_96 = arith.constant 0 : i32
      %dma_start3A_97 = arith.constant 0 : i32
      %dma_start3A_98 = tpu.memref_slice %arg7[%dma_start3A_96, %dma_start3A_97] : memref<128x32xf32, #tpu.memory_space<vmem>> -> memref<128x32xf32, #tpu.memory_space<vmem>>
      tpu.enqueue_dma source(%dma_start3A_98 : memref<128x32xf32, #tpu.memory_space<vmem>>) target(%dma_start3A_95 : memref<128x32xf32, #tpu.memory_space<hbm>>) target_semaphore(%run_scoped3A : memref<!tpu.dma_semaphore, #tpu.memory_space<semaphore_mem>>)
      %dma_wait3A = arith.constant 0 : i32
      %dma_wait3A_99 = arith.constant 0 : i32
      %dma_wait3A_100 = tpu.memref_slice %arg7[%dma_wait3A, %dma_wait3A_99] : memref<128x32xf32, #tpu.memory_space<vmem>> -> memref<128x32xf32, #tpu.memory_space<vmem>>
      %dma_wait3A_101 = arith.constant 0 : i32
      %dma_wait3A_102 = tpu.memref_slice %arg5[%arg0, %add3A_71, %dma_wait3A_101] : memref<2x10112x32xf32, #tpu.memory_space<hbm>> -> memref<1x128x32xf32, #tpu.memory_space<hbm>>
      %dma_wait3A_103 = tpu.memref_squeeze %dma_wait3A_102 : memref<1x128x32xf32, #tpu.memory_space<hbm>> -> memref<128x32xf32, #tpu.memory_space<hbm>>
      %dma_wait3A_104 = arith.constant 0 : i32
      %dma_wait3A_105 = tpu.memref_slice %arg5[%arg0, %add3A_71, %dma_wait3A_104] : memref<2x10112x32xf32, #tpu.memory_space<hbm>> -> memref<1x128x32xf32, #tpu.memory_space<hbm>>
      %dma_wait3A_106 = tpu.memref_squeeze %dma_wait3A_105 : memref<1x128x32xf32, #tpu.memory_space<hbm>> -> memref<128x32xf32, #tpu.memory_space<hbm>>
      %dma_wait3A_107 = arith.constant 0 : i32
      %dma_wait3A_108 = arith.constant 0 : i32
      %dma_wait3A_109 = tpu.memref_slice %arg7[%dma_wait3A_107, %dma_wait3A_108] : memref<128x32xf32, #tpu.memory_space<vmem>> -> memref<128x32xf32, #tpu.memory_space<vmem>>
      tpu.wait_dma2 semaphore(%run_scoped3A : memref<!tpu.dma_semaphore, #tpu.memory_space<semaphore_mem>>) src(%dma_wait3A_109 : memref<128x32xf32, #tpu.memory_space<vmem>>) dst(%dma_wait3A_106 : memref<128x32xf32, #tpu.memory_space<hbm>>)
      tpu.yield
    }) : () -> ()
    %mul3A_72 = arith.constant 632 : i32
    %mul3A_73 = arith.muli %arg1, %mul3A_72 : i32
    %add3A_74 = arith.constant 384 : i32
    %add3A_75 = arith.addi %mul3A_73, %add3A_74 : i32
    "tpu.region"() ({
      %run_scoped3A = tpu.sem_alloc : memref<!tpu.dma_semaphore, #tpu.memory_space<semaphore_mem>>
      %dma_start3A = arith.constant 0 : i32
      %dma_start3A_88 = arith.constant 0 : i32
      %dma_start3A_89 = tpu.memref_slice %arg7[%dma_start3A, %dma_start3A_88] : memref<128x32xf32, #tpu.memory_space<vmem>> -> memref<128x32xf32, #tpu.memory_space<vmem>>
      %dma_start3A_90 = arith.constant 0 : i32
      %dma_start3A_91 = tpu.memref_slice %arg8[%add3A_75, %dma_start3A_90] : memref<10112x32xf32, #tpu.memory_space<vmem_shared>> -> memref<128x32xf32, #tpu.memory_space<vmem_shared>>
      %dma_start3A_92 = arith.constant 0 : i32
      %dma_start3A_93 = arith.constant 0 : i32
      %dma_start3A_94 = tpu.memref_slice %arg7[%dma_start3A_92, %dma_start3A_93] : memref<128x32xf32, #tpu.memory_space<vmem>> -> memref<128x32xf32, #tpu.memory_space<vmem>>
      %dma_start3A_95 = arith.constant 0 : i32
      %dma_start3A_96 = tpu.memref_slice %arg8[%add3A_75, %dma_start3A_95] : memref<10112x32xf32, #tpu.memory_space<vmem_shared>> -> memref<128x32xf32, #tpu.memory_space<vmem_shared>>
      tpu.enqueue_dma source(%dma_start3A_96 : memref<128x32xf32, #tpu.memory_space<vmem_shared>>) target(%dma_start3A_94 : memref<128x32xf32, #tpu.memory_space<vmem>>) target_semaphore(%run_scoped3A : memref<!tpu.dma_semaphore, #tpu.memory_space<semaphore_mem>>)
      %dma_wait3A = arith.constant 0 : i32
      %dma_wait3A_97 = arith.constant 0 : i32
      %dma_wait3A_98 = tpu.memref_slice %arg7[%dma_wait3A, %dma_wait3A_97] : memref<128x32xf32, #tpu.memory_space<vmem>> -> memref<128x32xf32, #tpu.memory_space<vmem>>
      %dma_wait3A_99 = arith.constant 0 : i32
      %dma_wait3A_100 = tpu.memref_slice %arg8[%add3A_75, %dma_wait3A_99] : memref<10112x32xf32, #tpu.memory_space<vmem_shared>> -> memref<128x32xf32, #tpu.memory_space<vmem_shared>>
      %dma_wait3A_101 = arith.constant 0 : i32
      %dma_wait3A_102 = arith.constant 0 : i32
      %dma_wait3A_103 = tpu.memref_slice %arg7[%dma_wait3A_101, %dma_wait3A_102] : memref<128x32xf32, #tpu.memory_space<vmem>> -> memref<128x32xf32, #tpu.memory_space<vmem>>
      %dma_wait3A_104 = arith.constant 0 : i32
      %dma_wait3A_105 = tpu.memref_slice %arg8[%add3A_75, %dma_wait3A_104] : memref<10112x32xf32, #tpu.memory_space<vmem_shared>> -> memref<128x32xf32, #tpu.memory_space<vmem_shared>>
      tpu.wait_dma2 semaphore(%run_scoped3A : memref<!tpu.dma_semaphore, #tpu.memory_space<semaphore_mem>>) src(%dma_wait3A_105 : memref<128x32xf32, #tpu.memory_space<vmem_shared>>) dst(%dma_wait3A_103 : memref<128x32xf32, #tpu.memory_space<vmem>>)
      tpu.yield
    }) : () -> ()
    %mul3A_76 = arith.constant 632 : i32
    %mul3A_77 = arith.muli %arg1, %mul3A_76 : i32
    %add3A_78 = arith.constant 384 : i32
    %add3A_79 = arith.addi %mul3A_77, %add3A_78 : i32
    "tpu.region"() ({
      %run_scoped3A = tpu.sem_alloc : memref<!tpu.dma_semaphore, #tpu.memory_space<semaphore_mem>>
      %dma_start3A = arith.constant 0 : i32
      %dma_start3A_88 = arith.constant 0 : i32
      %dma_start3A_89 = tpu.memref_slice %arg7[%dma_start3A, %dma_start3A_88] : memref<128x32xf32, #tpu.memory_space<vmem>> -> memref<128x32xf32, #tpu.memory_space<vmem>>
      %dma_start3A_90 = arith.constant 0 : i32
      %dma_start3A_91 = tpu.memref_slice %arg5[%arg0, %add3A_79, %dma_start3A_90] : memref<2x10112x32xf32, #tpu.memory_space<hbm>> -> memref<1x128x32xf32, #tpu.memory_space<hbm>>
      %dma_start3A_92 = tpu.memref_squeeze %dma_start3A_91 : memref<1x128x32xf32, #tpu.memory_space<hbm>> -> memref<128x32xf32, #tpu.memory_space<hbm>>
      %dma_start3A_93 = arith.constant 0 : i32
      %dma_start3A_94 = tpu.memref_slice %arg5[%arg0, %add3A_79, %dma_start3A_93] : memref<2x10112x32xf32, #tpu.memory_space<hbm>> -> memref<1x128x32xf32, #tpu.memory_space<hbm>>
      %dma_start3A_95 = tpu.memref_squeeze %dma_start3A_94 : memref<1x128x32xf32, #tpu.memory_space<hbm>> -> memref<128x32xf32, #tpu.memory_space<hbm>>
      %dma_start3A_96 = arith.constant 0 : i32
      %dma_start3A_97 = arith.constant 0 : i32
      %dma_start3A_98 = tpu.memref_slice %arg7[%dma_start3A_96, %dma_start3A_97] : memref<128x32xf32, #tpu.memory_space<vmem>> -> memref<128x32xf32, #tpu.memory_space<vmem>>
      tpu.enqueue_dma source(%dma_start3A_98 : memref<128x32xf32, #tpu.memory_space<vmem>>) target(%dma_start3A_95 : memref<128x32xf32, #tpu.memory_space<hbm>>) target_semaphore(%run_scoped3A : memref<!tpu.dma_semaphore, #tpu.memory_space<semaphore_mem>>)
      %dma_wait3A = arith.constant 0 : i32
      %dma_wait3A_99 = arith.constant 0 : i32
      %dma_wait3A_100 = tpu.memref_slice %arg7[%dma_wait3A, %dma_wait3A_99] : memref<128x32xf32, #tpu.memory_space<vmem>> -> memref<128x32xf32, #tpu.memory_space<vmem>>
      %dma_wait3A_101 = arith.constant 0 : i32
      %dma_wait3A_102 = tpu.memref_slice %arg5[%arg0, %add3A_79, %dma_wait3A_101] : memref<2x10112x32xf32, #tpu.memory_space<hbm>> -> memref<1x128x32xf32, #tpu.memory_space<hbm>>
      %dma_wait3A_103 = tpu.memref_squeeze %dma_wait3A_102 : memref<1x128x32xf32, #tpu.memory_space<hbm>> -> memref<128x32xf32, #tpu.memory_space<hbm>>
      %dma_wait3A_104 = arith.constant 0 : i32
      %dma_wait3A_105 = tpu.memref_slice %arg5[%arg0, %add3A_79, %dma_wait3A_104] : memref<2x10112x32xf32, #tpu.memory_space<hbm>> -> memref<1x128x32xf32, #tpu.memory_space<hbm>>
      %dma_wait3A_106 = tpu.memref_squeeze %dma_wait3A_105 : memref<1x128x32xf32, #tpu.memory_space<hbm>> -> memref<128x32xf32, #tpu.memory_space<hbm>>
      %dma_wait3A_107 = arith.constant 0 : i32
      %dma_wait3A_108 = arith.constant 0 : i32
      %dma_wait3A_109 = tpu.memref_slice %arg7[%dma_wait3A_107, %dma_wait3A_108] : memref<128x32xf32, #tpu.memory_space<vmem>> -> memref<128x32xf32, #tpu.memory_space<vmem>>
      tpu.wait_dma2 semaphore(%run_scoped3A : memref<!tpu.dma_semaphore, #tpu.memory_space<semaphore_mem>>) src(%dma_wait3A_109 : memref<128x32xf32, #tpu.memory_space<vmem>>) dst(%dma_wait3A_106 : memref<128x32xf32, #tpu.memory_space<hbm>>)
      tpu.yield
    }) : () -> ()
    %mul3A_80 = arith.constant 632 : i32
    %mul3A_81 = arith.muli %arg1, %mul3A_80 : i32
    %add3A_82 = arith.constant 512 : i32
    %add3A_83 = arith.addi %mul3A_81, %add3A_82 : i32
    "tpu.region"() ({
      %run_scoped3A = tpu.sem_alloc : memref<!tpu.dma_semaphore, #tpu.memory_space<semaphore_mem>>
      %dma_start3A = arith.constant 0 : i32
      %dma_start3A_88 = arith.constant 0 : i32
      %dma_start3A_89 = tpu.memref_slice %arg7[%dma_start3A, %dma_start3A_88] : memref<128x32xf32, #tpu.memory_space<vmem>> -> memref<120x32xf32, #tpu.memory_space<vmem>>
      %dma_start3A_90 = arith.constant 0 : i32
      %dma_start3A_91 = tpu.memref_slice %arg8[%add3A_83, %dma_start3A_90] : memref<10112x32xf32, #tpu.memory_space<vmem_shared>> -> memref<120x32xf32, #tpu.memory_space<vmem_shared>>
      %dma_start3A_92 = arith.constant 0 : i32
      %dma_start3A_93 = arith.constant 0 : i32
      %dma_start3A_94 = tpu.memref_slice %arg7[%dma_start3A_92, %dma_start3A_93] : memref<128x32xf32, #tpu.memory_space<vmem>> -> memref<120x32xf32, #tpu.memory_space<vmem>>
      %dma_start3A_95 = arith.constant 0 : i32
      %dma_start3A_96 = tpu.memref_slice %arg8[%add3A_83, %dma_start3A_95] : memref<10112x32xf32, #tpu.memory_space<vmem_shared>> -> memref<120x32xf32, #tpu.memory_space<vmem_shared>>
      tpu.enqueue_dma source(%dma_start3A_96 : memref<120x32xf32, #tpu.memory_space<vmem_shared>>) target(%dma_start3A_94 : memref<120x32xf32, #tpu.memory_space<vmem>>) target_semaphore(%run_scoped3A : memref<!tpu.dma_semaphore, #tpu.memory_space<semaphore_mem>>)
      %dma_wait3A = arith.constant 0 : i32
      %dma_wait3A_97 = arith.constant 0 : i32
      %dma_wait3A_98 = tpu.memref_slice %arg7[%dma_wait3A, %dma_wait3A_97] : memref<128x32xf32, #tpu.memory_space<vmem>> -> memref<120x32xf32, #tpu.memory_space<vmem>>
      %dma_wait3A_99 = arith.constant 0 : i32
      %dma_wait3A_100 = tpu.memref_slice %arg8[%add3A_83, %dma_wait3A_99] : memref<10112x32xf32, #tpu.memory_space<vmem_shared>> -> memref<120x32xf32, #tpu.memory_space<vmem_shared>>
      %dma_wait3A_101 = arith.constant 0 : i32
      %dma_wait3A_102 = arith.constant 0 : i32
      %dma_wait3A_103 = tpu.memref_slice %arg7[%dma_wait3A_101, %dma_wait3A_102] : memref<128x32xf32, #tpu.memory_space<vmem>> -> memref<120x32xf32, #tpu.memory_space<vmem>>
      %dma_wait3A_104 = arith.constant 0 : i32
      %dma_wait3A_105 = tpu.memref_slice %arg8[%add3A_83, %dma_wait3A_104] : memref<10112x32xf32, #tpu.memory_space<vmem_shared>> -> memref<120x32xf32, #tpu.memory_space<vmem_shared>>
      tpu.wait_dma2 semaphore(%run_scoped3A : memref<!tpu.dma_semaphore, #tpu.memory_space<semaphore_mem>>) src(%dma_wait3A_105 : memref<120x32xf32, #tpu.memory_space<vmem_shared>>) dst(%dma_wait3A_103 : memref<120x32xf32, #tpu.memory_space<vmem>>)
      tpu.yield
    }) : () -> ()
    %mul3A_84 = arith.constant 632 : i32
    %mul3A_85 = arith.muli %arg1, %mul3A_84 : i32
    %add3A_86 = arith.constant 512 : i32
    %add3A_87 = arith.addi %mul3A_85, %add3A_86 : i32
    "tpu.region"() ({
      %run_scoped3A = tpu.sem_alloc : memref<!tpu.dma_semaphore, #tpu.memory_space<semaphore_mem>>
      %dma_start3A = arith.constant 0 : i32
      %dma_start3A_88 = arith.constant 0 : i32
      %dma_start3A_89 = tpu.memref_slice %arg7[%dma_start3A, %dma_start3A_88] : memref<128x32xf32, #tpu.memory_space<vmem>> -> memref<120x32xf32, #tpu.memory_space<vmem>>
      %dma_start3A_90 = arith.constant 0 : i32
      %dma_start3A_91 = tpu.memref_slice %arg5[%arg0, %add3A_87, %dma_start3A_90] : memref<2x10112x32xf32, #tpu.memory_space<hbm>> -> memref<1x120x32xf32, #tpu.memory_space<hbm>>
      %dma_start3A_92 = tpu.memref_squeeze %dma_start3A_91 : memref<1x120x32xf32, #tpu.memory_space<hbm>> -> memref<120x32xf32, #tpu.memory_space<hbm>>
      %dma_start3A_93 = arith.constant 0 : i32
      %dma_start3A_94 = tpu.memref_slice %arg5[%arg0, %add3A_87, %dma_start3A_93] : memref<2x10112x32xf32, #tpu.memory_space<hbm>> -> memref<1x120x32xf32, #tpu.memory_space<hbm>>
      %dma_start3A_95 = tpu.memref_squeeze %dma_start3A_94 : memref<1x120x32xf32, #tpu.memory_space<hbm>> -> memref<120x32xf32, #tpu.memory_space<hbm>>
      %dma_start3A_96 = arith.constant 0 : i32
      %dma_start3A_97 = arith.constant 0 : i32
      %dma_start3A_98 = tpu.memref_slice %arg7[%dma_start3A_96, %dma_start3A_97] : memref<128x32xf32, #tpu.memory_space<vmem>> -> memref<120x32xf32, #tpu.memory_space<vmem>>
      tpu.enqueue_dma source(%dma_start3A_98 : memref<120x32xf32, #tpu.memory_space<vmem>>) target(%dma_start3A_95 : memref<120x32xf32, #tpu.memory_space<hbm>>) target_semaphore(%run_scoped3A : memref<!tpu.dma_semaphore, #tpu.memory_space<semaphore_mem>>)
      %dma_wait3A = arith.constant 0 : i32
      %dma_wait3A_99 = arith.constant 0 : i32
      %dma_wait3A_100 = tpu.memref_slice %arg7[%dma_wait3A, %dma_wait3A_99] : memref<128x32xf32, #tpu.memory_space<vmem>> -> memref<120x32xf32, #tpu.memory_space<vmem>>
      %dma_wait3A_101 = arith.constant 0 : i32
      %dma_wait3A_102 = tpu.memref_slice %arg5[%arg0, %add3A_87, %dma_wait3A_101] : memref<2x10112x32xf32, #tpu.memory_space<hbm>> -> memref<1x120x32xf32, #tpu.memory_space<hbm>>
      %dma_wait3A_103 = tpu.memref_squeeze %dma_wait3A_102 : memref<1x120x32xf32, #tpu.memory_space<hbm>> -> memref<120x32xf32, #tpu.memory_space<hbm>>
      %dma_wait3A_104 = arith.constant 0 : i32
      %dma_wait3A_105 = tpu.memref_slice %arg5[%arg0, %add3A_87, %dma_wait3A_104] : memref<2x10112x32xf32, #tpu.memory_space<hbm>> -> memref<1x120x32xf32, #tpu.memory_space<hbm>>
      %dma_wait3A_106 = tpu.memref_squeeze %dma_wait3A_105 : memref<1x120x32xf32, #tpu.memory_space<hbm>> -> memref<120x32xf32, #tpu.memory_space<hbm>>
      %dma_wait3A_107 = arith.constant 0 : i32
      %dma_wait3A_108 = arith.constant 0 : i32
      %dma_wait3A_109 = tpu.memref_slice %arg7[%dma_wait3A_107, %dma_wait3A_108] : memref<128x32xf32, #tpu.memory_space<vmem>> -> memref<120x32xf32, #tpu.memory_space<vmem>>
      tpu.wait_dma2 semaphore(%run_scoped3A : memref<!tpu.dma_semaphore, #tpu.memory_space<semaphore_mem>>) src(%dma_wait3A_109 : memref<120x32xf32, #tpu.memory_space<vmem>>) dst(%dma_wait3A_106 : memref<120x32xf32, #tpu.memory_space<hbm>>)
      tpu.yield
    }) : () -> ()
    return
  }
}

#map = affine_map<(d0, d1) -> (0, 0)>
#map1 = affine_map<(d0, d1) -> (0, 0, 0)>
module attributes {stable_mosaic.version = 14 : i64} {
  func.func @_sc_gather(%arg0: i32, %arg1: i32, %arg2: memref<10112x32xf32, #tpu.memory_space<hbm>>, %arg3: memref<2560x128xi32, #tpu.memory_space<hbm>>, %arg4: memref<80x4096x32xf32, #tpu.memory_space<hbm>>, %arg5: memref<80x128xi32, #tpu.memory_space<vmem>>, %arg6: memref<128x32xf32, #tpu.memory_space<vmem>>, %arg7: memref<10112x32xf32, #tpu.memory_space<vmem_shared>>, %arg8: memref<!tpu.dma_semaphore, #tpu.memory_space<semaphore_mem>>) attributes {dimension_semantics = [#tpu.dimension_semantics<core_parallel>, #tpu.dimension_semantics<subcore_parallel>], iteration_bounds = array<i64: 2, 16>, scalar_prefetch = 0 : i64, scratch_operands = 4 : i64, tpu.core_type = #tpu.core_type<sc_vector_subcore>, window_params = [{transform_indices = #map}, {transform_indices = #map}, {transform_indices = #map1}]} {
    %mul3A = arith.constant 2 : i32
    %mul3A_0 = arith.muli %arg1, %mul3A : i32
    %add3A = arith.addi %mul3A_0, %arg0 : i32
    %mul3A_1 = arith.constant 632 : i32
    %mul3A_2 = arith.muli %arg1, %mul3A_1 : i32
    %add3A_3 = arith.constant 0 : i32
    %add3A_4 = arith.addi %mul3A_2, %add3A_3 : i32
    "tpu.region"() ({
      %run_scoped3A = tpu.sem_alloc : memref<!tpu.dma_semaphore, #tpu.memory_space<semaphore_mem>>
      %dma_start3A = arith.constant 0 : i32
      %dma_start3A_47 = arith.constant 0 : i32
      %dma_start3A_48 = tpu.memref_slice %arg6[%dma_start3A, %dma_start3A_47] : memref<128x32xf32, #tpu.memory_space<vmem>> -> memref<128x32xf32, #tpu.memory_space<vmem>>
      %dma_start3A_49 = arith.constant 0 : i32
      %dma_start3A_50 = tpu.memref_slice %arg2[%add3A_4, %dma_start3A_49] : memref<10112x32xf32, #tpu.memory_space<hbm>> -> memref<128x32xf32, #tpu.memory_space<hbm>>
      %dma_start3A_51 = arith.constant 0 : i32
      %dma_start3A_52 = arith.constant 0 : i32
      %dma_start3A_53 = tpu.memref_slice %arg6[%dma_start3A_51, %dma_start3A_52] : memref<128x32xf32, #tpu.memory_space<vmem>> -> memref<128x32xf32, #tpu.memory_space<vmem>>
      %dma_start3A_54 = arith.constant 0 : i32
      %dma_start3A_55 = tpu.memref_slice %arg2[%add3A_4, %dma_start3A_54] : memref<10112x32xf32, #tpu.memory_space<hbm>> -> memref<128x32xf32, #tpu.memory_space<hbm>>
      tpu.enqueue_dma source(%dma_start3A_55 : memref<128x32xf32, #tpu.memory_space<hbm>>) target(%dma_start3A_53 : memref<128x32xf32, #tpu.memory_space<vmem>>) target_semaphore(%run_scoped3A : memref<!tpu.dma_semaphore, #tpu.memory_space<semaphore_mem>>)
      %dma_wait3A = arith.constant 0 : i32
      %dma_wait3A_56 = arith.constant 0 : i32
      %dma_wait3A_57 = tpu.memref_slice %arg6[%dma_wait3A, %dma_wait3A_56] : memref<128x32xf32, #tpu.memory_space<vmem>> -> memref<128x32xf32, #tpu.memory_space<vmem>>
      %dma_wait3A_58 = arith.constant 0 : i32
      %dma_wait3A_59 = tpu.memref_slice %arg2[%add3A_4, %dma_wait3A_58] : memref<10112x32xf32, #tpu.memory_space<hbm>> -> memref<128x32xf32, #tpu.memory_space<hbm>>
      %dma_wait3A_60 = arith.constant 0 : i32
      %dma_wait3A_61 = arith.constant 0 : i32
      %dma_wait3A_62 = tpu.memref_slice %arg6[%dma_wait3A_60, %dma_wait3A_61] : memref<128x32xf32, #tpu.memory_space<vmem>> -> memref<128x32xf32, #tpu.memory_space<vmem>>
      %dma_wait3A_63 = arith.constant 0 : i32
      %dma_wait3A_64 = tpu.memref_slice %arg2[%add3A_4, %dma_wait3A_63] : memref<10112x32xf32, #tpu.memory_space<hbm>> -> memref<128x32xf32, #tpu.memory_space<hbm>>
      tpu.wait_dma2 semaphore(%run_scoped3A : memref<!tpu.dma_semaphore, #tpu.memory_space<semaphore_mem>>) src(%dma_wait3A_64 : memref<128x32xf32, #tpu.memory_space<hbm>>) dst(%dma_wait3A_62 : memref<128x32xf32, #tpu.memory_space<vmem>>)
      tpu.yield
    }) : () -> ()
    %mul3A_5 = arith.constant 632 : i32
    %mul3A_6 = arith.muli %arg1, %mul3A_5 : i32
    %add3A_7 = arith.constant 0 : i32
    %add3A_8 = arith.addi %mul3A_6, %add3A_7 : i32
    "tpu.region"() ({
      %run_scoped3A = tpu.sem_alloc : memref<!tpu.dma_semaphore, #tpu.memory_space<semaphore_mem>>
      %dma_start3A = arith.constant 0 : i32
      %dma_start3A_47 = arith.constant 0 : i32
      %dma_start3A_48 = tpu.memref_slice %arg6[%dma_start3A, %dma_start3A_47] : memref<128x32xf32, #tpu.memory_space<vmem>> -> memref<128x32xf32, #tpu.memory_space<vmem>>
      %dma_start3A_49 = arith.constant 0 : i32
      %dma_start3A_50 = tpu.memref_slice %arg7[%add3A_8, %dma_start3A_49] : memref<10112x32xf32, #tpu.memory_space<vmem_shared>> -> memref<128x32xf32, #tpu.memory_space<vmem_shared>>
      %dma_start3A_51 = arith.constant 0 : i32
      %dma_start3A_52 = tpu.memref_slice %arg7[%add3A_8, %dma_start3A_51] : memref<10112x32xf32, #tpu.memory_space<vmem_shared>> -> memref<128x32xf32, #tpu.memory_space<vmem_shared>>
      %dma_start3A_53 = arith.constant 0 : i32
      %dma_start3A_54 = arith.constant 0 : i32
      %dma_start3A_55 = tpu.memref_slice %arg6[%dma_start3A_53, %dma_start3A_54] : memref<128x32xf32, #tpu.memory_space<vmem>> -> memref<128x32xf32, #tpu.memory_space<vmem>>
      tpu.enqueue_dma source(%dma_start3A_55 : memref<128x32xf32, #tpu.memory_space<vmem>>) target(%dma_start3A_52 : memref<128x32xf32, #tpu.memory_space<vmem_shared>>) target_semaphore(%run_scoped3A : memref<!tpu.dma_semaphore, #tpu.memory_space<semaphore_mem>>)
      %dma_wait3A = arith.constant 0 : i32
      %dma_wait3A_56 = arith.constant 0 : i32
      %dma_wait3A_57 = tpu.memref_slice %arg6[%dma_wait3A, %dma_wait3A_56] : memref<128x32xf32, #tpu.memory_space<vmem>> -> memref<128x32xf32, #tpu.memory_space<vmem>>
      %dma_wait3A_58 = arith.constant 0 : i32
      %dma_wait3A_59 = tpu.memref_slice %arg7[%add3A_8, %dma_wait3A_58] : memref<10112x32xf32, #tpu.memory_space<vmem_shared>> -> memref<128x32xf32, #tpu.memory_space<vmem_shared>>
      %dma_wait3A_60 = arith.constant 0 : i32
      %dma_wait3A_61 = tpu.memref_slice %arg7[%add3A_8, %dma_wait3A_60] : memref<10112x32xf32, #tpu.memory_space<vmem_shared>> -> memref<128x32xf32, #tpu.memory_space<vmem_shared>>
      %dma_wait3A_62 = arith.constant 0 : i32
      %dma_wait3A_63 = arith.constant 0 : i32
      %dma_wait3A_64 = tpu.memref_slice %arg6[%dma_wait3A_62, %dma_wait3A_63] : memref<128x32xf32, #tpu.memory_space<vmem>> -> memref<128x32xf32, #tpu.memory_space<vmem>>
      tpu.wait_dma2 semaphore(%run_scoped3A : memref<!tpu.dma_semaphore, #tpu.memory_space<semaphore_mem>>) src(%dma_wait3A_64 : memref<128x32xf32, #tpu.memory_space<vmem>>) dst(%dma_wait3A_61 : memref<128x32xf32, #tpu.memory_space<vmem_shared>>)
      tpu.yield
    }) : () -> ()
    %mul3A_9 = arith.constant 632 : i32
    %mul3A_10 = arith.muli %arg1, %mul3A_9 : i32
    %add3A_11 = arith.constant 128 : i32
    %add3A_12 = arith.addi %mul3A_10, %add3A_11 : i32
    "tpu.region"() ({
      %run_scoped3A = tpu.sem_alloc : memref<!tpu.dma_semaphore, #tpu.memory_space<semaphore_mem>>
      %dma_start3A = arith.constant 0 : i32
      %dma_start3A_47 = arith.constant 0 : i32
      %dma_start3A_48 = tpu.memref_slice %arg6[%dma_start3A, %dma_start3A_47] : memref<128x32xf32, #tpu.memory_space<vmem>> -> memref<128x32xf32, #tpu.memory_space<vmem>>
      %dma_start3A_49 = arith.constant 0 : i32
      %dma_start3A_50 = tpu.memref_slice %arg2[%add3A_12, %dma_start3A_49] : memref<10112x32xf32, #tpu.memory_space<hbm>> -> memref<128x32xf32, #tpu.memory_space<hbm>>
      %dma_start3A_51 = arith.constant 0 : i32
      %dma_start3A_52 = arith.constant 0 : i32
      %dma_start3A_53 = tpu.memref_slice %arg6[%dma_start3A_51, %dma_start3A_52] : memref<128x32xf32, #tpu.memory_space<vmem>> -> memref<128x32xf32, #tpu.memory_space<vmem>>
      %dma_start3A_54 = arith.constant 0 : i32
      %dma_start3A_55 = tpu.memref_slice %arg2[%add3A_12, %dma_start3A_54] : memref<10112x32xf32, #tpu.memory_space<hbm>> -> memref<128x32xf32, #tpu.memory_space<hbm>>
      tpu.enqueue_dma source(%dma_start3A_55 : memref<128x32xf32, #tpu.memory_space<hbm>>) target(%dma_start3A_53 : memref<128x32xf32, #tpu.memory_space<vmem>>) target_semaphore(%run_scoped3A : memref<!tpu.dma_semaphore, #tpu.memory_space<semaphore_mem>>)
      %dma_wait3A = arith.constant 0 : i32
      %dma_wait3A_56 = arith.constant 0 : i32
      %dma_wait3A_57 = tpu.memref_slice %arg6[%dma_wait3A, %dma_wait3A_56] : memref<128x32xf32, #tpu.memory_space<vmem>> -> memref<128x32xf32, #tpu.memory_space<vmem>>
      %dma_wait3A_58 = arith.constant 0 : i32
      %dma_wait3A_59 = tpu.memref_slice %arg2[%add3A_12, %dma_wait3A_58] : memref<10112x32xf32, #tpu.memory_space<hbm>> -> memref<128x32xf32, #tpu.memory_space<hbm>>
      %dma_wait3A_60 = arith.constant 0 : i32
      %dma_wait3A_61 = arith.constant 0 : i32
      %dma_wait3A_62 = tpu.memref_slice %arg6[%dma_wait3A_60, %dma_wait3A_61] : memref<128x32xf32, #tpu.memory_space<vmem>> -> memref<128x32xf32, #tpu.memory_space<vmem>>
      %dma_wait3A_63 = arith.constant 0 : i32
      %dma_wait3A_64 = tpu.memref_slice %arg2[%add3A_12, %dma_wait3A_63] : memref<10112x32xf32, #tpu.memory_space<hbm>> -> memref<128x32xf32, #tpu.memory_space<hbm>>
      tpu.wait_dma2 semaphore(%run_scoped3A : memref<!tpu.dma_semaphore, #tpu.memory_space<semaphore_mem>>) src(%dma_wait3A_64 : memref<128x32xf32, #tpu.memory_space<hbm>>) dst(%dma_wait3A_62 : memref<128x32xf32, #tpu.memory_space<vmem>>)
      tpu.yield
    }) : () -> ()
    %mul3A_13 = arith.constant 632 : i32
    %mul3A_14 = arith.muli %arg1, %mul3A_13 : i32
    %add3A_15 = arith.constant 128 : i32
    %add3A_16 = arith.addi %mul3A_14, %add3A_15 : i32
    "tpu.region"() ({
      %run_scoped3A = tpu.sem_alloc : memref<!tpu.dma_semaphore, #tpu.memory_space<semaphore_mem>>
      %dma_start3A = arith.constant 0 : i32
      %dma_start3A_47 = arith.constant 0 : i32
      %dma_start3A_48 = tpu.memref_slice %arg6[%dma_start3A, %dma_start3A_47] : memref<128x32xf32, #tpu.memory_space<vmem>> -> memref<128x32xf32, #tpu.memory_space<vmem>>
      %dma_start3A_49 = arith.constant 0 : i32
      %dma_start3A_50 = tpu.memref_slice %arg7[%add3A_16, %dma_start3A_49] : memref<10112x32xf32, #tpu.memory_space<vmem_shared>> -> memref<128x32xf32, #tpu.memory_space<vmem_shared>>
      %dma_start3A_51 = arith.constant 0 : i32
      %dma_start3A_52 = tpu.memref_slice %arg7[%add3A_16, %dma_start3A_51] : memref<10112x32xf32, #tpu.memory_space<vmem_shared>> -> memref<128x32xf32, #tpu.memory_space<vmem_shared>>
      %dma_start3A_53 = arith.constant 0 : i32
      %dma_start3A_54 = arith.constant 0 : i32
      %dma_start3A_55 = tpu.memref_slice %arg6[%dma_start3A_53, %dma_start3A_54] : memref<128x32xf32, #tpu.memory_space<vmem>> -> memref<128x32xf32, #tpu.memory_space<vmem>>
      tpu.enqueue_dma source(%dma_start3A_55 : memref<128x32xf32, #tpu.memory_space<vmem>>) target(%dma_start3A_52 : memref<128x32xf32, #tpu.memory_space<vmem_shared>>) target_semaphore(%run_scoped3A : memref<!tpu.dma_semaphore, #tpu.memory_space<semaphore_mem>>)
      %dma_wait3A = arith.constant 0 : i32
      %dma_wait3A_56 = arith.constant 0 : i32
      %dma_wait3A_57 = tpu.memref_slice %arg6[%dma_wait3A, %dma_wait3A_56] : memref<128x32xf32, #tpu.memory_space<vmem>> -> memref<128x32xf32, #tpu.memory_space<vmem>>
      %dma_wait3A_58 = arith.constant 0 : i32
      %dma_wait3A_59 = tpu.memref_slice %arg7[%add3A_16, %dma_wait3A_58] : memref<10112x32xf32, #tpu.memory_space<vmem_shared>> -> memref<128x32xf32, #tpu.memory_space<vmem_shared>>
      %dma_wait3A_60 = arith.constant 0 : i32
      %dma_wait3A_61 = tpu.memref_slice %arg7[%add3A_16, %dma_wait3A_60] : memref<10112x32xf32, #tpu.memory_space<vmem_shared>> -> memref<128x32xf32, #tpu.memory_space<vmem_shared>>
      %dma_wait3A_62 = arith.constant 0 : i32
      %dma_wait3A_63 = arith.constant 0 : i32
      %dma_wait3A_64 = tpu.memref_slice %arg6[%dma_wait3A_62, %dma_wait3A_63] : memref<128x32xf32, #tpu.memory_space<vmem>> -> memref<128x32xf32, #tpu.memory_space<vmem>>
      tpu.wait_dma2 semaphore(%run_scoped3A : memref<!tpu.dma_semaphore, #tpu.memory_space<semaphore_mem>>) src(%dma_wait3A_64 : memref<128x32xf32, #tpu.memory_space<vmem>>) dst(%dma_wait3A_61 : memref<128x32xf32, #tpu.memory_space<vmem_shared>>)
      tpu.yield
    }) : () -> ()
    %mul3A_17 = arith.constant 632 : i32
    %mul3A_18 = arith.muli %arg1, %mul3A_17 : i32
    %add3A_19 = arith.constant 256 : i32
    %add3A_20 = arith.addi %mul3A_18, %add3A_19 : i32
    "tpu.region"() ({
      %run_scoped3A = tpu.sem_alloc : memref<!tpu.dma_semaphore, #tpu.memory_space<semaphore_mem>>
      %dma_start3A = arith.constant 0 : i32
      %dma_start3A_47 = arith.constant 0 : i32
      %dma_start3A_48 = tpu.memref_slice %arg6[%dma_start3A, %dma_start3A_47] : memref<128x32xf32, #tpu.memory_space<vmem>> -> memref<128x32xf32, #tpu.memory_space<vmem>>
      %dma_start3A_49 = arith.constant 0 : i32
      %dma_start3A_50 = tpu.memref_slice %arg2[%add3A_20, %dma_start3A_49] : memref<10112x32xf32, #tpu.memory_space<hbm>> -> memref<128x32xf32, #tpu.memory_space<hbm>>
      %dma_start3A_51 = arith.constant 0 : i32
      %dma_start3A_52 = arith.constant 0 : i32
      %dma_start3A_53 = tpu.memref_slice %arg6[%dma_start3A_51, %dma_start3A_52] : memref<128x32xf32, #tpu.memory_space<vmem>> -> memref<128x32xf32, #tpu.memory_space<vmem>>
      %dma_start3A_54 = arith.constant 0 : i32
      %dma_start3A_55 = tpu.memref_slice %arg2[%add3A_20, %dma_start3A_54] : memref<10112x32xf32, #tpu.memory_space<hbm>> -> memref<128x32xf32, #tpu.memory_space<hbm>>
      tpu.enqueue_dma source(%dma_start3A_55 : memref<128x32xf32, #tpu.memory_space<hbm>>) target(%dma_start3A_53 : memref<128x32xf32, #tpu.memory_space<vmem>>) target_semaphore(%run_scoped3A : memref<!tpu.dma_semaphore, #tpu.memory_space<semaphore_mem>>)
      %dma_wait3A = arith.constant 0 : i32
      %dma_wait3A_56 = arith.constant 0 : i32
      %dma_wait3A_57 = tpu.memref_slice %arg6[%dma_wait3A, %dma_wait3A_56] : memref<128x32xf32, #tpu.memory_space<vmem>> -> memref<128x32xf32, #tpu.memory_space<vmem>>
      %dma_wait3A_58 = arith.constant 0 : i32
      %dma_wait3A_59 = tpu.memref_slice %arg2[%add3A_20, %dma_wait3A_58] : memref<10112x32xf32, #tpu.memory_space<hbm>> -> memref<128x32xf32, #tpu.memory_space<hbm>>
      %dma_wait3A_60 = arith.constant 0 : i32
      %dma_wait3A_61 = arith.constant 0 : i32
      %dma_wait3A_62 = tpu.memref_slice %arg6[%dma_wait3A_60, %dma_wait3A_61] : memref<128x32xf32, #tpu.memory_space<vmem>> -> memref<128x32xf32, #tpu.memory_space<vmem>>
      %dma_wait3A_63 = arith.constant 0 : i32
      %dma_wait3A_64 = tpu.memref_slice %arg2[%add3A_20, %dma_wait3A_63] : memref<10112x32xf32, #tpu.memory_space<hbm>> -> memref<128x32xf32, #tpu.memory_space<hbm>>
      tpu.wait_dma2 semaphore(%run_scoped3A : memref<!tpu.dma_semaphore, #tpu.memory_space<semaphore_mem>>) src(%dma_wait3A_64 : memref<128x32xf32, #tpu.memory_space<hbm>>) dst(%dma_wait3A_62 : memref<128x32xf32, #tpu.memory_space<vmem>>)
      tpu.yield
    }) : () -> ()
    %mul3A_21 = arith.constant 632 : i32
    %mul3A_22 = arith.muli %arg1, %mul3A_21 : i32
    %add3A_23 = arith.constant 256 : i32
    %add3A_24 = arith.addi %mul3A_22, %add3A_23 : i32
    "tpu.region"() ({
      %run_scoped3A = tpu.sem_alloc : memref<!tpu.dma_semaphore, #tpu.memory_space<semaphore_mem>>
      %dma_start3A = arith.constant 0 : i32
      %dma_start3A_47 = arith.constant 0 : i32
      %dma_start3A_48 = tpu.memref_slice %arg6[%dma_start3A, %dma_start3A_47] : memref<128x32xf32, #tpu.memory_space<vmem>> -> memref<128x32xf32, #tpu.memory_space<vmem>>
      %dma_start3A_49 = arith.constant 0 : i32
      %dma_start3A_50 = tpu.memref_slice %arg7[%add3A_24, %dma_start3A_49] : memref<10112x32xf32, #tpu.memory_space<vmem_shared>> -> memref<128x32xf32, #tpu.memory_space<vmem_shared>>
      %dma_start3A_51 = arith.constant 0 : i32
      %dma_start3A_52 = tpu.memref_slice %arg7[%add3A_24, %dma_start3A_51] : memref<10112x32xf32, #tpu.memory_space<vmem_shared>> -> memref<128x32xf32, #tpu.memory_space<vmem_shared>>
      %dma_start3A_53 = arith.constant 0 : i32
      %dma_start3A_54 = arith.constant 0 : i32
      %dma_start3A_55 = tpu.memref_slice %arg6[%dma_start3A_53, %dma_start3A_54] : memref<128x32xf32, #tpu.memory_space<vmem>> -> memref<128x32xf32, #tpu.memory_space<vmem>>
      tpu.enqueue_dma source(%dma_start3A_55 : memref<128x32xf32, #tpu.memory_space<vmem>>) target(%dma_start3A_52 : memref<128x32xf32, #tpu.memory_space<vmem_shared>>) target_semaphore(%run_scoped3A : memref<!tpu.dma_semaphore, #tpu.memory_space<semaphore_mem>>)
      %dma_wait3A = arith.constant 0 : i32
      %dma_wait3A_56 = arith.constant 0 : i32
      %dma_wait3A_57 = tpu.memref_slice %arg6[%dma_wait3A, %dma_wait3A_56] : memref<128x32xf32, #tpu.memory_space<vmem>> -> memref<128x32xf32, #tpu.memory_space<vmem>>
      %dma_wait3A_58 = arith.constant 0 : i32
      %dma_wait3A_59 = tpu.memref_slice %arg7[%add3A_24, %dma_wait3A_58] : memref<10112x32xf32, #tpu.memory_space<vmem_shared>> -> memref<128x32xf32, #tpu.memory_space<vmem_shared>>
      %dma_wait3A_60 = arith.constant 0 : i32
      %dma_wait3A_61 = tpu.memref_slice %arg7[%add3A_24, %dma_wait3A_60] : memref<10112x32xf32, #tpu.memory_space<vmem_shared>> -> memref<128x32xf32, #tpu.memory_space<vmem_shared>>
      %dma_wait3A_62 = arith.constant 0 : i32
      %dma_wait3A_63 = arith.constant 0 : i32
      %dma_wait3A_64 = tpu.memref_slice %arg6[%dma_wait3A_62, %dma_wait3A_63] : memref<128x32xf32, #tpu.memory_space<vmem>> -> memref<128x32xf32, #tpu.memory_space<vmem>>
      tpu.wait_dma2 semaphore(%run_scoped3A : memref<!tpu.dma_semaphore, #tpu.memory_space<semaphore_mem>>) src(%dma_wait3A_64 : memref<128x32xf32, #tpu.memory_space<vmem>>) dst(%dma_wait3A_61 : memref<128x32xf32, #tpu.memory_space<vmem_shared>>)
      tpu.yield
    }) : () -> ()
    %mul3A_25 = arith.constant 632 : i32
    %mul3A_26 = arith.muli %arg1, %mul3A_25 : i32
    %add3A_27 = arith.constant 384 : i32
    %add3A_28 = arith.addi %mul3A_26, %add3A_27 : i32
    "tpu.region"() ({
      %run_scoped3A = tpu.sem_alloc : memref<!tpu.dma_semaphore, #tpu.memory_space<semaphore_mem>>
      %dma_start3A = arith.constant 0 : i32
      %dma_start3A_47 = arith.constant 0 : i32
      %dma_start3A_48 = tpu.memref_slice %arg6[%dma_start3A, %dma_start3A_47] : memref<128x32xf32, #tpu.memory_space<vmem>> -> memref<128x32xf32, #tpu.memory_space<vmem>>
      %dma_start3A_49 = arith.constant 0 : i32
      %dma_start3A_50 = tpu.memref_slice %arg2[%add3A_28, %dma_start3A_49] : memref<10112x32xf32, #tpu.memory_space<hbm>> -> memref<128x32xf32, #tpu.memory_space<hbm>>
      %dma_start3A_51 = arith.constant 0 : i32
      %dma_start3A_52 = arith.constant 0 : i32
      %dma_start3A_53 = tpu.memref_slice %arg6[%dma_start3A_51, %dma_start3A_52] : memref<128x32xf32, #tpu.memory_space<vmem>> -> memref<128x32xf32, #tpu.memory_space<vmem>>
      %dma_start3A_54 = arith.constant 0 : i32
      %dma_start3A_55 = tpu.memref_slice %arg2[%add3A_28, %dma_start3A_54] : memref<10112x32xf32, #tpu.memory_space<hbm>> -> memref<128x32xf32, #tpu.memory_space<hbm>>
      tpu.enqueue_dma source(%dma_start3A_55 : memref<128x32xf32, #tpu.memory_space<hbm>>) target(%dma_start3A_53 : memref<128x32xf32, #tpu.memory_space<vmem>>) target_semaphore(%run_scoped3A : memref<!tpu.dma_semaphore, #tpu.memory_space<semaphore_mem>>)
      %dma_wait3A = arith.constant 0 : i32
      %dma_wait3A_56 = arith.constant 0 : i32
      %dma_wait3A_57 = tpu.memref_slice %arg6[%dma_wait3A, %dma_wait3A_56] : memref<128x32xf32, #tpu.memory_space<vmem>> -> memref<128x32xf32, #tpu.memory_space<vmem>>
      %dma_wait3A_58 = arith.constant 0 : i32
      %dma_wait3A_59 = tpu.memref_slice %arg2[%add3A_28, %dma_wait3A_58] : memref<10112x32xf32, #tpu.memory_space<hbm>> -> memref<128x32xf32, #tpu.memory_space<hbm>>
      %dma_wait3A_60 = arith.constant 0 : i32
      %dma_wait3A_61 = arith.constant 0 : i32
      %dma_wait3A_62 = tpu.memref_slice %arg6[%dma_wait3A_60, %dma_wait3A_61] : memref<128x32xf32, #tpu.memory_space<vmem>> -> memref<128x32xf32, #tpu.memory_space<vmem>>
      %dma_wait3A_63 = arith.constant 0 : i32
      %dma_wait3A_64 = tpu.memref_slice %arg2[%add3A_28, %dma_wait3A_63] : memref<10112x32xf32, #tpu.memory_space<hbm>> -> memref<128x32xf32, #tpu.memory_space<hbm>>
      tpu.wait_dma2 semaphore(%run_scoped3A : memref<!tpu.dma_semaphore, #tpu.memory_space<semaphore_mem>>) src(%dma_wait3A_64 : memref<128x32xf32, #tpu.memory_space<hbm>>) dst(%dma_wait3A_62 : memref<128x32xf32, #tpu.memory_space<vmem>>)
      tpu.yield
    }) : () -> ()
    %mul3A_29 = arith.constant 632 : i32
    %mul3A_30 = arith.muli %arg1, %mul3A_29 : i32
    %add3A_31 = arith.constant 384 : i32
    %add3A_32 = arith.addi %mul3A_30, %add3A_31 : i32
    "tpu.region"() ({
      %run_scoped3A = tpu.sem_alloc : memref<!tpu.dma_semaphore, #tpu.memory_space<semaphore_mem>>
      %dma_start3A = arith.constant 0 : i32
      %dma_start3A_47 = arith.constant 0 : i32
      %dma_start3A_48 = tpu.memref_slice %arg6[%dma_start3A, %dma_start3A_47] : memref<128x32xf32, #tpu.memory_space<vmem>> -> memref<128x32xf32, #tpu.memory_space<vmem>>
      %dma_start3A_49 = arith.constant 0 : i32
      %dma_start3A_50 = tpu.memref_slice %arg7[%add3A_32, %dma_start3A_49] : memref<10112x32xf32, #tpu.memory_space<vmem_shared>> -> memref<128x32xf32, #tpu.memory_space<vmem_shared>>
      %dma_start3A_51 = arith.constant 0 : i32
      %dma_start3A_52 = tpu.memref_slice %arg7[%add3A_32, %dma_start3A_51] : memref<10112x32xf32, #tpu.memory_space<vmem_shared>> -> memref<128x32xf32, #tpu.memory_space<vmem_shared>>
      %dma_start3A_53 = arith.constant 0 : i32
      %dma_start3A_54 = arith.constant 0 : i32
      %dma_start3A_55 = tpu.memref_slice %arg6[%dma_start3A_53, %dma_start3A_54] : memref<128x32xf32, #tpu.memory_space<vmem>> -> memref<128x32xf32, #tpu.memory_space<vmem>>
      tpu.enqueue_dma source(%dma_start3A_55 : memref<128x32xf32, #tpu.memory_space<vmem>>) target(%dma_start3A_52 : memref<128x32xf32, #tpu.memory_space<vmem_shared>>) target_semaphore(%run_scoped3A : memref<!tpu.dma_semaphore, #tpu.memory_space<semaphore_mem>>)
      %dma_wait3A = arith.constant 0 : i32
      %dma_wait3A_56 = arith.constant 0 : i32
      %dma_wait3A_57 = tpu.memref_slice %arg6[%dma_wait3A, %dma_wait3A_56] : memref<128x32xf32, #tpu.memory_space<vmem>> -> memref<128x32xf32, #tpu.memory_space<vmem>>
      %dma_wait3A_58 = arith.constant 0 : i32
      %dma_wait3A_59 = tpu.memref_slice %arg7[%add3A_32, %dma_wait3A_58] : memref<10112x32xf32, #tpu.memory_space<vmem_shared>> -> memref<128x32xf32, #tpu.memory_space<vmem_shared>>
      %dma_wait3A_60 = arith.constant 0 : i32
      %dma_wait3A_61 = tpu.memref_slice %arg7[%add3A_32, %dma_wait3A_60] : memref<10112x32xf32, #tpu.memory_space<vmem_shared>> -> memref<128x32xf32, #tpu.memory_space<vmem_shared>>
      %dma_wait3A_62 = arith.constant 0 : i32
      %dma_wait3A_63 = arith.constant 0 : i32
      %dma_wait3A_64 = tpu.memref_slice %arg6[%dma_wait3A_62, %dma_wait3A_63] : memref<128x32xf32, #tpu.memory_space<vmem>> -> memref<128x32xf32, #tpu.memory_space<vmem>>
      tpu.wait_dma2 semaphore(%run_scoped3A : memref<!tpu.dma_semaphore, #tpu.memory_space<semaphore_mem>>) src(%dma_wait3A_64 : memref<128x32xf32, #tpu.memory_space<vmem>>) dst(%dma_wait3A_61 : memref<128x32xf32, #tpu.memory_space<vmem_shared>>)
      tpu.yield
    }) : () -> ()
    %mul3A_33 = arith.constant 632 : i32
    %mul3A_34 = arith.muli %arg1, %mul3A_33 : i32
    %add3A_35 = arith.constant 512 : i32
    %add3A_36 = arith.addi %mul3A_34, %add3A_35 : i32
    "tpu.region"() ({
      %run_scoped3A = tpu.sem_alloc : memref<!tpu.dma_semaphore, #tpu.memory_space<semaphore_mem>>
      %dma_start3A = arith.constant 0 : i32
      %dma_start3A_47 = arith.constant 0 : i32
      %dma_start3A_48 = tpu.memref_slice %arg6[%dma_start3A, %dma_start3A_47] : memref<128x32xf32, #tpu.memory_space<vmem>> -> memref<120x32xf32, #tpu.memory_space<vmem>>
      %dma_start3A_49 = arith.constant 0 : i32
      %dma_start3A_50 = tpu.memref_slice %arg2[%add3A_36, %dma_start3A_49] : memref<10112x32xf32, #tpu.memory_space<hbm>> -> memref<120x32xf32, #tpu.memory_space<hbm>>
      %dma_start3A_51 = arith.constant 0 : i32
      %dma_start3A_52 = arith.constant 0 : i32
      %dma_start3A_53 = tpu.memref_slice %arg6[%dma_start3A_51, %dma_start3A_52] : memref<128x32xf32, #tpu.memory_space<vmem>> -> memref<120x32xf32, #tpu.memory_space<vmem>>
      %dma_start3A_54 = arith.constant 0 : i32
      %dma_start3A_55 = tpu.memref_slice %arg2[%add3A_36, %dma_start3A_54] : memref<10112x32xf32, #tpu.memory_space<hbm>> -> memref<120x32xf32, #tpu.memory_space<hbm>>
      tpu.enqueue_dma source(%dma_start3A_55 : memref<120x32xf32, #tpu.memory_space<hbm>>) target(%dma_start3A_53 : memref<120x32xf32, #tpu.memory_space<vmem>>) target_semaphore(%run_scoped3A : memref<!tpu.dma_semaphore, #tpu.memory_space<semaphore_mem>>)
      %dma_wait3A = arith.constant 0 : i32
      %dma_wait3A_56 = arith.constant 0 : i32
      %dma_wait3A_57 = tpu.memref_slice %arg6[%dma_wait3A, %dma_wait3A_56] : memref<128x32xf32, #tpu.memory_space<vmem>> -> memref<120x32xf32, #tpu.memory_space<vmem>>
      %dma_wait3A_58 = arith.constant 0 : i32
      %dma_wait3A_59 = tpu.memref_slice %arg2[%add3A_36, %dma_wait3A_58] : memref<10112x32xf32, #tpu.memory_space<hbm>> -> memref<120x32xf32, #tpu.memory_space<hbm>>
      %dma_wait3A_60 = arith.constant 0 : i32
      %dma_wait3A_61 = arith.constant 0 : i32
      %dma_wait3A_62 = tpu.memref_slice %arg6[%dma_wait3A_60, %dma_wait3A_61] : memref<128x32xf32, #tpu.memory_space<vmem>> -> memref<120x32xf32, #tpu.memory_space<vmem>>
      %dma_wait3A_63 = arith.constant 0 : i32
      %dma_wait3A_64 = tpu.memref_slice %arg2[%add3A_36, %dma_wait3A_63] : memref<10112x32xf32, #tpu.memory_space<hbm>> -> memref<120x32xf32, #tpu.memory_space<hbm>>
      tpu.wait_dma2 semaphore(%run_scoped3A : memref<!tpu.dma_semaphore, #tpu.memory_space<semaphore_mem>>) src(%dma_wait3A_64 : memref<120x32xf32, #tpu.memory_space<hbm>>) dst(%dma_wait3A_62 : memref<120x32xf32, #tpu.memory_space<vmem>>)
      tpu.yield
    }) : () -> ()
    %mul3A_37 = arith.constant 632 : i32
    %mul3A_38 = arith.muli %arg1, %mul3A_37 : i32
    %add3A_39 = arith.constant 512 : i32
    %add3A_40 = arith.addi %mul3A_38, %add3A_39 : i32
    "tpu.region"() ({
      %run_scoped3A = tpu.sem_alloc : memref<!tpu.dma_semaphore, #tpu.memory_space<semaphore_mem>>
      %dma_start3A = arith.constant 0 : i32
      %dma_start3A_47 = arith.constant 0 : i32
      %dma_start3A_48 = tpu.memref_slice %arg6[%dma_start3A, %dma_start3A_47] : memref<128x32xf32, #tpu.memory_space<vmem>> -> memref<120x32xf32, #tpu.memory_space<vmem>>
      %dma_start3A_49 = arith.constant 0 : i32
      %dma_start3A_50 = tpu.memref_slice %arg7[%add3A_40, %dma_start3A_49] : memref<10112x32xf32, #tpu.memory_space<vmem_shared>> -> memref<120x32xf32, #tpu.memory_space<vmem_shared>>
      %dma_start3A_51 = arith.constant 0 : i32
      %dma_start3A_52 = tpu.memref_slice %arg7[%add3A_40, %dma_start3A_51] : memref<10112x32xf32, #tpu.memory_space<vmem_shared>> -> memref<120x32xf32, #tpu.memory_space<vmem_shared>>
      %dma_start3A_53 = arith.constant 0 : i32
      %dma_start3A_54 = arith.constant 0 : i32
      %dma_start3A_55 = tpu.memref_slice %arg6[%dma_start3A_53, %dma_start3A_54] : memref<128x32xf32, #tpu.memory_space<vmem>> -> memref<120x32xf32, #tpu.memory_space<vmem>>
      tpu.enqueue_dma source(%dma_start3A_55 : memref<120x32xf32, #tpu.memory_space<vmem>>) target(%dma_start3A_52 : memref<120x32xf32, #tpu.memory_space<vmem_shared>>) target_semaphore(%run_scoped3A : memref<!tpu.dma_semaphore, #tpu.memory_space<semaphore_mem>>)
      %dma_wait3A = arith.constant 0 : i32
      %dma_wait3A_56 = arith.constant 0 : i32
      %dma_wait3A_57 = tpu.memref_slice %arg6[%dma_wait3A, %dma_wait3A_56] : memref<128x32xf32, #tpu.memory_space<vmem>> -> memref<120x32xf32, #tpu.memory_space<vmem>>
      %dma_wait3A_58 = arith.constant 0 : i32
      %dma_wait3A_59 = tpu.memref_slice %arg7[%add3A_40, %dma_wait3A_58] : memref<10112x32xf32, #tpu.memory_space<vmem_shared>> -> memref<120x32xf32, #tpu.memory_space<vmem_shared>>
      %dma_wait3A_60 = arith.constant 0 : i32
      %dma_wait3A_61 = tpu.memref_slice %arg7[%add3A_40, %dma_wait3A_60] : memref<10112x32xf32, #tpu.memory_space<vmem_shared>> -> memref<120x32xf32, #tpu.memory_space<vmem_shared>>
      %dma_wait3A_62 = arith.constant 0 : i32
      %dma_wait3A_63 = arith.constant 0 : i32
      %dma_wait3A_64 = tpu.memref_slice %arg6[%dma_wait3A_62, %dma_wait3A_63] : memref<128x32xf32, #tpu.memory_space<vmem>> -> memref<120x32xf32, #tpu.memory_space<vmem>>
      tpu.wait_dma2 semaphore(%run_scoped3A : memref<!tpu.dma_semaphore, #tpu.memory_space<semaphore_mem>>) src(%dma_wait3A_64 : memref<120x32xf32, #tpu.memory_space<vmem>>) dst(%dma_wait3A_61 : memref<120x32xf32, #tpu.memory_space<vmem_shared>>)
      tpu.yield
    }) : () -> ()
    %mul3A_41 = arith.constant 80 : i32
    %mul3A_42 = arith.muli %add3A, %mul3A_41 : i32
    "tpu.region"() ({
      %run_scoped3A = tpu.sem_alloc : memref<!tpu.dma_semaphore, #tpu.memory_space<semaphore_mem>>
      %dma_start3A = arith.constant 0 : i32
      %dma_start3A_47 = tpu.memref_slice %arg3[%mul3A_42, %dma_start3A] : memref<2560x128xi32, #tpu.memory_space<hbm>> -> memref<80x128xi32, #tpu.memory_space<hbm>>
      %dma_start3A_48 = arith.constant 0 : i32
      %dma_start3A_49 = tpu.memref_slice %arg3[%mul3A_42, %dma_start3A_48] : memref<2560x128xi32, #tpu.memory_space<hbm>> -> memref<80x128xi32, #tpu.memory_space<hbm>>
      tpu.enqueue_dma source(%dma_start3A_49 : memref<80x128xi32, #tpu.memory_space<hbm>>) target(%arg5 : memref<80x128xi32, #tpu.memory_space<vmem>>) target_semaphore(%run_scoped3A : memref<!tpu.dma_semaphore, #tpu.memory_space<semaphore_mem>>)
      %dma_wait3A = arith.constant 0 : i32
      %dma_wait3A_50 = tpu.memref_slice %arg3[%mul3A_42, %dma_wait3A] : memref<2560x128xi32, #tpu.memory_space<hbm>> -> memref<80x128xi32, #tpu.memory_space<hbm>>
      %dma_wait3A_51 = arith.constant 0 : i32
      %dma_wait3A_52 = tpu.memref_slice %arg3[%mul3A_42, %dma_wait3A_51] : memref<2560x128xi32, #tpu.memory_space<hbm>> -> memref<80x128xi32, #tpu.memory_space<hbm>>
      tpu.wait_dma2 semaphore(%run_scoped3A : memref<!tpu.dma_semaphore, #tpu.memory_space<semaphore_mem>>) src(%dma_wait3A_52 : memref<80x128xi32, #tpu.memory_space<hbm>>) dst(%arg5 : memref<80x128xi32, #tpu.memory_space<vmem>>)
      tpu.yield
    }) : () -> ()
    %barrier3A = arith.constant 0 : index
    tpu.barrier barrier_id(%barrier3A)
    %scan3A = arith.constant 0 : i32
    %scan3A_43 = arith.constant 80 : i32
    %scan3A_44 = arith.addi %scan3A, %scan3A_43 : i32
    %scan3A_45 = arith.constant 1 : i32
    scf.for %scan3A_47 = %scan3A to %scan3A_44 step %scan3A_45  : i32 {
      %mul3A_48 = arith.constant 1 : i32
      %mul3A_49 = arith.muli %scan3A_47, %mul3A_48 : i32
      %add3A_50 = arith.constant 0 : i32
      %add3A_51 = arith.addi %add3A_50, %mul3A_49 : i32
      %dma_start3A = arith.constant 0 : i32
      %dma_start3A_52 = tpu.memref_slice %arg5[%add3A_51, %dma_start3A] : memref<80x128xi32, #tpu.memory_space<vmem>> -> memref<1x128xi32, #tpu.memory_space<vmem>>
      %dma_start3A_53 = tpu.memref_squeeze %dma_start3A_52 : memref<1x128xi32, #tpu.memory_space<vmem>> -> memref<128xi32, #tpu.memory_space<vmem>>
      %dma_start3A_54 = arith.constant 0 : i32
      %dma_start3A_55 = arith.constant 0 : i32
      %dma_start3A_56 = tpu.memref_slice %arg7[%dma_start3A_54, %dma_start3A_55] : memref<10112x32xf32, #tpu.memory_space<vmem_shared>> -> memref<10112x32xf32, #tpu.memory_space<vmem_shared>>
      tpu.enqueue_indirect_dma source(%dma_start3A_56 : memref<10112x32xf32, #tpu.memory_space<vmem_shared>>) target(%arg6 : memref<128x32xf32, #tpu.memory_space<vmem>>) offsets(%dma_start3A_53 : memref<128xi32, #tpu.memory_space<vmem>>) semaphore(%arg8 : memref<!tpu.dma_semaphore, #tpu.memory_space<semaphore_mem>>)
      %dma_wait3A = arith.constant 0 : i32
      %dma_wait3A_57 = tpu.memref_slice %arg5[%add3A_51, %dma_wait3A] : memref<80x128xi32, #tpu.memory_space<vmem>> -> memref<1x128xi32, #tpu.memory_space<vmem>>
      %dma_wait3A_58 = tpu.memref_squeeze %dma_wait3A_57 : memref<1x128xi32, #tpu.memory_space<vmem>> -> memref<128xi32, #tpu.memory_space<vmem>>
      %dma_wait3A_59 = arith.constant 0 : i32
      %dma_wait3A_60 = arith.constant 0 : i32
      %dma_wait3A_61 = tpu.memref_slice %arg7[%dma_wait3A_59, %dma_wait3A_60] : memref<10112x32xf32, #tpu.memory_space<vmem_shared>> -> memref<10112x32xf32, #tpu.memory_space<vmem_shared>>
      tpu.wait_indirect_dma semaphore(%arg8 : memref<!tpu.dma_semaphore, #tpu.memory_space<semaphore_mem>>) src(%dma_wait3A_61 : memref<10112x32xf32, #tpu.memory_space<vmem_shared>>) dst(%arg6 : memref<128x32xf32, #tpu.memory_space<vmem>>)
      %mul3A_62 = arith.constant 128 : i32
      %mul3A_63 = arith.muli %add3A, %mul3A_62 : i32
      "tpu.region"() ({
        %run_scoped3A = tpu.sem_alloc : memref<!tpu.dma_semaphore, #tpu.memory_space<semaphore_mem>>
        %dma_start3A_64 = arith.constant 0 : i32
        %dma_start3A_65 = tpu.memref_slice %arg4[%add3A_51, %mul3A_63, %dma_start3A_64] : memref<80x4096x32xf32, #tpu.memory_space<hbm>> -> memref<1x128x32xf32, #tpu.memory_space<hbm>>
        %dma_start3A_66 = tpu.memref_squeeze %dma_start3A_65 : memref<1x128x32xf32, #tpu.memory_space<hbm>> -> memref<128x32xf32, #tpu.memory_space<hbm>>
        %dma_start3A_67 = arith.constant 0 : i32
        %dma_start3A_68 = tpu.memref_slice %arg4[%add3A_51, %mul3A_63, %dma_start3A_67] : memref<80x4096x32xf32, #tpu.memory_space<hbm>> -> memref<1x128x32xf32, #tpu.memory_space<hbm>>
        %dma_start3A_69 = tpu.memref_squeeze %dma_start3A_68 : memref<1x128x32xf32, #tpu.memory_space<hbm>> -> memref<128x32xf32, #tpu.memory_space<hbm>>
        tpu.enqueue_dma source(%arg6 : memref<128x32xf32, #tpu.memory_space<vmem>>) target(%dma_start3A_69 : memref<128x32xf32, #tpu.memory_space<hbm>>) target_semaphore(%run_scoped3A : memref<!tpu.dma_semaphore, #tpu.memory_space<semaphore_mem>>)
        %dma_wait3A_70 = arith.constant 0 : i32
        %dma_wait3A_71 = tpu.memref_slice %arg4[%add3A_51, %mul3A_63, %dma_wait3A_70] : memref<80x4096x32xf32, #tpu.memory_space<hbm>> -> memref<1x128x32xf32, #tpu.memory_space<hbm>>
        %dma_wait3A_72 = tpu.memref_squeeze %dma_wait3A_71 : memref<1x128x32xf32, #tpu.memory_space<hbm>> -> memref<128x32xf32, #tpu.memory_space<hbm>>
        %dma_wait3A_73 = arith.constant 0 : i32
        %dma_wait3A_74 = tpu.memref_slice %arg4[%add3A_51, %mul3A_63, %dma_wait3A_73] : memref<80x4096x32xf32, #tpu.memory_space<hbm>> -> memref<1x128x32xf32, #tpu.memory_space<hbm>>
        %dma_wait3A_75 = tpu.memref_squeeze %dma_wait3A_74 : memref<1x128x32xf32, #tpu.memory_space<hbm>> -> memref<128x32xf32, #tpu.memory_space<hbm>>
        tpu.wait_dma2 semaphore(%run_scoped3A : memref<!tpu.dma_semaphore, #tpu.memory_space<semaphore_mem>>) src(%arg6 : memref<128x32xf32, #tpu.memory_space<vmem>>) dst(%dma_wait3A_75 : memref<128x32xf32, #tpu.memory_space<hbm>>)
        tpu.yield
      }) : () -> ()
    }
    %scan3A_46 = arith.constant 80 : i32
    return
  }
}

#map = affine_map<(d0, d1) -> (0, 0, 0)>
#map1 = affine_map<(d0, d1) -> (0, 0)>
module attributes {stable_mosaic.version = 14 : i64} {
  func.func @_sc_scatter(%arg0: i32, %arg1: i32, %arg2: memref<80x4096x32xf32, #tpu.memory_space<hbm>>, %arg3: memref<2560x128xi32, #tpu.memory_space<hbm>>, %arg4: memref<10112x32xf32, #tpu.memory_space<hbm>>, %arg5: memref<2x10112x32xf32, #tpu.memory_space<hbm>>, %arg6: memref<80x128xi32, #tpu.memory_space<vmem>>, %arg7: memref<128x32xf32, #tpu.memory_space<vmem>>, %arg8: memref<10112x32xf32, #tpu.memory_space<vmem_shared>>, %arg9: memref<!tpu.dma_semaphore, #tpu.memory_space<semaphore_mem>>) attributes {dimension_semantics = [#tpu.dimension_semantics<core_parallel>, #tpu.dimension_semantics<subcore_parallel>], iteration_bounds = array<i64: 2, 16>, scalar_prefetch = 0 : i64, scratch_operands = 4 : i64, tpu.core_type = #tpu.core_type<sc_vector_subcore>, window_params = [{transform_indices = #map}, {transform_indices = #map1}, {transform_indices = #map1}, {transform_indices = #map}]} {
    %mul3A = arith.constant 2 : i32
    %mul3A_0 = arith.muli %arg1, %mul3A : i32
    %add3A = arith.addi %mul3A_0, %arg0 : i32
    %mul3A_1 = arith.constant 632 : i32
    %mul3A_2 = arith.muli %arg1, %mul3A_1 : i32
    %add3A_3 = arith.constant 0 : i32
    %add3A_4 = arith.addi %mul3A_2, %add3A_3 : i32
    "tpu.region"() ({
      %run_scoped3A = tpu.sem_alloc : memref<!tpu.dma_semaphore, #tpu.memory_space<semaphore_mem>>
      %dma_start3A = arith.constant 0 : i32
      %dma_start3A_88 = arith.constant 0 : i32
      %dma_start3A_89 = tpu.memref_slice %arg7[%dma_start3A, %dma_start3A_88] : memref<128x32xf32, #tpu.memory_space<vmem>> -> memref<128x32xf32, #tpu.memory_space<vmem>>
      %dma_start3A_90 = arith.constant 0 : i32
      %dma_start3A_91 = tpu.memref_slice %arg4[%add3A_4, %dma_start3A_90] : memref<10112x32xf32, #tpu.memory_space<hbm>> -> memref<128x32xf32, #tpu.memory_space<hbm>>
      %dma_start3A_92 = arith.constant 0 : i32
      %dma_start3A_93 = arith.constant 0 : i32
      %dma_start3A_94 = tpu.memref_slice %arg7[%dma_start3A_92, %dma_start3A_93] : memref<128x32xf32, #tpu.memory_space<vmem>> -> memref<128x32xf32, #tpu.memory_space<vmem>>
      %dma_start3A_95 = arith.constant 0 : i32
      %dma_start3A_96 = tpu.memref_slice %arg4[%add3A_4, %dma_start3A_95] : memref<10112x32xf32, #tpu.memory_space<hbm>> -> memref<128x32xf32, #tpu.memory_space<hbm>>
      tpu.enqueue_dma source(%dma_start3A_96 : memref<128x32xf32, #tpu.memory_space<hbm>>) target(%dma_start3A_94 : memref<128x32xf32, #tpu.memory_space<vmem>>) target_semaphore(%run_scoped3A : memref<!tpu.dma_semaphore, #tpu.memory_space<semaphore_mem>>)
      %dma_wait3A = arith.constant 0 : i32
      %dma_wait3A_97 = arith.constant 0 : i32
      %dma_wait3A_98 = tpu.memref_slice %arg7[%dma_wait3A, %dma_wait3A_97] : memref<128x32xf32, #tpu.memory_space<vmem>> -> memref<128x32xf32, #tpu.memory_space<vmem>>
      %dma_wait3A_99 = arith.constant 0 : i32
      %dma_wait3A_100 = tpu.memref_slice %arg4[%add3A_4, %dma_wait3A_99] : memref<10112x32xf32, #tpu.memory_space<hbm>> -> memref<128x32xf32, #tpu.memory_space<hbm>>
      %dma_wait3A_101 = arith.constant 0 : i32
      %dma_wait3A_102 = arith.constant 0 : i32
      %dma_wait3A_103 = tpu.memref_slice %arg7[%dma_wait3A_101, %dma_wait3A_102] : memref<128x32xf32, #tpu.memory_space<vmem>> -> memref<128x32xf32, #tpu.memory_space<vmem>>
      %dma_wait3A_104 = arith.constant 0 : i32
      %dma_wait3A_105 = tpu.memref_slice %arg4[%add3A_4, %dma_wait3A_104] : memref<10112x32xf32, #tpu.memory_space<hbm>> -> memref<128x32xf32, #tpu.memory_space<hbm>>
      tpu.wait_dma2 semaphore(%run_scoped3A : memref<!tpu.dma_semaphore, #tpu.memory_space<semaphore_mem>>) src(%dma_wait3A_105 : memref<128x32xf32, #tpu.memory_space<hbm>>) dst(%dma_wait3A_103 : memref<128x32xf32, #tpu.memory_space<vmem>>)
      tpu.yield
    }) : () -> ()
    %mul3A_5 = arith.constant 632 : i32
    %mul3A_6 = arith.muli %arg1, %mul3A_5 : i32
    %add3A_7 = arith.constant 0 : i32
    %add3A_8 = arith.addi %mul3A_6, %add3A_7 : i32
    "tpu.region"() ({
      %run_scoped3A = tpu.sem_alloc : memref<!tpu.dma_semaphore, #tpu.memory_space<semaphore_mem>>
      %dma_start3A = arith.constant 0 : i32
      %dma_start3A_88 = arith.constant 0 : i32
      %dma_start3A_89 = tpu.memref_slice %arg7[%dma_start3A, %dma_start3A_88] : memref<128x32xf32, #tpu.memory_space<vmem>> -> memref<128x32xf32, #tpu.memory_space<vmem>>
      %dma_start3A_90 = arith.constant 0 : i32
      %dma_start3A_91 = tpu.memref_slice %arg8[%add3A_8, %dma_start3A_90] : memref<10112x32xf32, #tpu.memory_space<vmem_shared>> -> memref<128x32xf32, #tpu.memory_space<vmem_shared>>
      %dma_start3A_92 = arith.constant 0 : i32
      %dma_start3A_93 = tpu.memref_slice %arg8[%add3A_8, %dma_start3A_92] : memref<10112x32xf32, #tpu.memory_space<vmem_shared>> -> memref<128x32xf32, #tpu.memory_space<vmem_shared>>
      %dma_start3A_94 = arith.constant 0 : i32
      %dma_start3A_95 = arith.constant 0 : i32
      %dma_start3A_96 = tpu.memref_slice %arg7[%dma_start3A_94, %dma_start3A_95] : memref<128x32xf32, #tpu.memory_space<vmem>> -> memref<128x32xf32, #tpu.memory_space<vmem>>
      tpu.enqueue_dma source(%dma_start3A_96 : memref<128x32xf32, #tpu.memory_space<vmem>>) target(%dma_start3A_93 : memref<128x32xf32, #tpu.memory_space<vmem_shared>>) target_semaphore(%run_scoped3A : memref<!tpu.dma_semaphore, #tpu.memory_space<semaphore_mem>>)
      %dma_wait3A = arith.constant 0 : i32
      %dma_wait3A_97 = arith.constant 0 : i32
      %dma_wait3A_98 = tpu.memref_slice %arg7[%dma_wait3A, %dma_wait3A_97] : memref<128x32xf32, #tpu.memory_space<vmem>> -> memref<128x32xf32, #tpu.memory_space<vmem>>
      %dma_wait3A_99 = arith.constant 0 : i32
      %dma_wait3A_100 = tpu.memref_slice %arg8[%add3A_8, %dma_wait3A_99] : memref<10112x32xf32, #tpu.memory_space<vmem_shared>> -> memref<128x32xf32, #tpu.memory_space<vmem_shared>>
      %dma_wait3A_101 = arith.constant 0 : i32
      %dma_wait3A_102 = tpu.memref_slice %arg8[%add3A_8, %dma_wait3A_101] : memref<10112x32xf32, #tpu.memory_space<vmem_shared>> -> memref<128x32xf32, #tpu.memory_space<vmem_shared>>
      %dma_wait3A_103 = arith.constant 0 : i32
      %dma_wait3A_104 = arith.constant 0 : i32
      %dma_wait3A_105 = tpu.memref_slice %arg7[%dma_wait3A_103, %dma_wait3A_104] : memref<128x32xf32, #tpu.memory_space<vmem>> -> memref<128x32xf32, #tpu.memory_space<vmem>>
      tpu.wait_dma2 semaphore(%run_scoped3A : memref<!tpu.dma_semaphore, #tpu.memory_space<semaphore_mem>>) src(%dma_wait3A_105 : memref<128x32xf32, #tpu.memory_space<vmem>>) dst(%dma_wait3A_102 : memref<128x32xf32, #tpu.memory_space<vmem_shared>>)
      tpu.yield
    }) : () -> ()
    %mul3A_9 = arith.constant 632 : i32
    %mul3A_10 = arith.muli %arg1, %mul3A_9 : i32
    %add3A_11 = arith.constant 128 : i32
    %add3A_12 = arith.addi %mul3A_10, %add3A_11 : i32
    "tpu.region"() ({
      %run_scoped3A = tpu.sem_alloc : memref<!tpu.dma_semaphore, #tpu.memory_space<semaphore_mem>>
      %dma_start3A = arith.constant 0 : i32
      %dma_start3A_88 = arith.constant 0 : i32
      %dma_start3A_89 = tpu.memref_slice %arg7[%dma_start3A, %dma_start3A_88] : memref<128x32xf32, #tpu.memory_space<vmem>> -> memref<128x32xf32, #tpu.memory_space<vmem>>
      %dma_start3A_90 = arith.constant 0 : i32
      %dma_start3A_91 = tpu.memref_slice %arg4[%add3A_12, %dma_start3A_90] : memref<10112x32xf32, #tpu.memory_space<hbm>> -> memref<128x32xf32, #tpu.memory_space<hbm>>
      %dma_start3A_92 = arith.constant 0 : i32
      %dma_start3A_93 = arith.constant 0 : i32
      %dma_start3A_94 = tpu.memref_slice %arg7[%dma_start3A_92, %dma_start3A_93] : memref<128x32xf32, #tpu.memory_space<vmem>> -> memref<128x32xf32, #tpu.memory_space<vmem>>
      %dma_start3A_95 = arith.constant 0 : i32
      %dma_start3A_96 = tpu.memref_slice %arg4[%add3A_12, %dma_start3A_95] : memref<10112x32xf32, #tpu.memory_space<hbm>> -> memref<128x32xf32, #tpu.memory_space<hbm>>
      tpu.enqueue_dma source(%dma_start3A_96 : memref<128x32xf32, #tpu.memory_space<hbm>>) target(%dma_start3A_94 : memref<128x32xf32, #tpu.memory_space<vmem>>) target_semaphore(%run_scoped3A : memref<!tpu.dma_semaphore, #tpu.memory_space<semaphore_mem>>)
      %dma_wait3A = arith.constant 0 : i32
      %dma_wait3A_97 = arith.constant 0 : i32
      %dma_wait3A_98 = tpu.memref_slice %arg7[%dma_wait3A, %dma_wait3A_97] : memref<128x32xf32, #tpu.memory_space<vmem>> -> memref<128x32xf32, #tpu.memory_space<vmem>>
      %dma_wait3A_99 = arith.constant 0 : i32
      %dma_wait3A_100 = tpu.memref_slice %arg4[%add3A_12, %dma_wait3A_99] : memref<10112x32xf32, #tpu.memory_space<hbm>> -> memref<128x32xf32, #tpu.memory_space<hbm>>
      %dma_wait3A_101 = arith.constant 0 : i32
      %dma_wait3A_102 = arith.constant 0 : i32
      %dma_wait3A_103 = tpu.memref_slice %arg7[%dma_wait3A_101, %dma_wait3A_102] : memref<128x32xf32, #tpu.memory_space<vmem>> -> memref<128x32xf32, #tpu.memory_space<vmem>>
      %dma_wait3A_104 = arith.constant 0 : i32
      %dma_wait3A_105 = tpu.memref_slice %arg4[%add3A_12, %dma_wait3A_104] : memref<10112x32xf32, #tpu.memory_space<hbm>> -> memref<128x32xf32, #tpu.memory_space<hbm>>
      tpu.wait_dma2 semaphore(%run_scoped3A : memref<!tpu.dma_semaphore, #tpu.memory_space<semaphore_mem>>) src(%dma_wait3A_105 : memref<128x32xf32, #tpu.memory_space<hbm>>) dst(%dma_wait3A_103 : memref<128x32xf32, #tpu.memory_space<vmem>>)
      tpu.yield
    }) : () -> ()
    %mul3A_13 = arith.constant 632 : i32
    %mul3A_14 = arith.muli %arg1, %mul3A_13 : i32
    %add3A_15 = arith.constant 128 : i32
    %add3A_16 = arith.addi %mul3A_14, %add3A_15 : i32
    "tpu.region"() ({
      %run_scoped3A = tpu.sem_alloc : memref<!tpu.dma_semaphore, #tpu.memory_space<semaphore_mem>>
      %dma_start3A = arith.constant 0 : i32
      %dma_start3A_88 = arith.constant 0 : i32
      %dma_start3A_89 = tpu.memref_slice %arg7[%dma_start3A, %dma_start3A_88] : memref<128x32xf32, #tpu.memory_space<vmem>> -> memref<128x32xf32, #tpu.memory_space<vmem>>
      %dma_start3A_90 = arith.constant 0 : i32
      %dma_start3A_91 = tpu.memref_slice %arg8[%add3A_16, %dma_start3A_90] : memref<10112x32xf32, #tpu.memory_space<vmem_shared>> -> memref<128x32xf32, #tpu.memory_space<vmem_shared>>
      %dma_start3A_92 = arith.constant 0 : i32
      %dma_start3A_93 = tpu.memref_slice %arg8[%add3A_16, %dma_start3A_92] : memref<10112x32xf32, #tpu.memory_space<vmem_shared>> -> memref<128x32xf32, #tpu.memory_space<vmem_shared>>
      %dma_start3A_94 = arith.constant 0 : i32
      %dma_start3A_95 = arith.constant 0 : i32
      %dma_start3A_96 = tpu.memref_slice %arg7[%dma_start3A_94, %dma_start3A_95] : memref<128x32xf32, #tpu.memory_space<vmem>> -> memref<128x32xf32, #tpu.memory_space<vmem>>
      tpu.enqueue_dma source(%dma_start3A_96 : memref<128x32xf32, #tpu.memory_space<vmem>>) target(%dma_start3A_93 : memref<128x32xf32, #tpu.memory_space<vmem_shared>>) target_semaphore(%run_scoped3A : memref<!tpu.dma_semaphore, #tpu.memory_space<semaphore_mem>>)
      %dma_wait3A = arith.constant 0 : i32
      %dma_wait3A_97 = arith.constant 0 : i32
      %dma_wait3A_98 = tpu.memref_slice %arg7[%dma_wait3A, %dma_wait3A_97] : memref<128x32xf32, #tpu.memory_space<vmem>> -> memref<128x32xf32, #tpu.memory_space<vmem>>
      %dma_wait3A_99 = arith.constant 0 : i32
      %dma_wait3A_100 = tpu.memref_slice %arg8[%add3A_16, %dma_wait3A_99] : memref<10112x32xf32, #tpu.memory_space<vmem_shared>> -> memref<128x32xf32, #tpu.memory_space<vmem_shared>>
      %dma_wait3A_101 = arith.constant 0 : i32
      %dma_wait3A_102 = tpu.memref_slice %arg8[%add3A_16, %dma_wait3A_101] : memref<10112x32xf32, #tpu.memory_space<vmem_shared>> -> memref<128x32xf32, #tpu.memory_space<vmem_shared>>
      %dma_wait3A_103 = arith.constant 0 : i32
      %dma_wait3A_104 = arith.constant 0 : i32
      %dma_wait3A_105 = tpu.memref_slice %arg7[%dma_wait3A_103, %dma_wait3A_104] : memref<128x32xf32, #tpu.memory_space<vmem>> -> memref<128x32xf32, #tpu.memory_space<vmem>>
      tpu.wait_dma2 semaphore(%run_scoped3A : memref<!tpu.dma_semaphore, #tpu.memory_space<semaphore_mem>>) src(%dma_wait3A_105 : memref<128x32xf32, #tpu.memory_space<vmem>>) dst(%dma_wait3A_102 : memref<128x32xf32, #tpu.memory_space<vmem_shared>>)
      tpu.yield
    }) : () -> ()
    %mul3A_17 = arith.constant 632 : i32
    %mul3A_18 = arith.muli %arg1, %mul3A_17 : i32
    %add3A_19 = arith.constant 256 : i32
    %add3A_20 = arith.addi %mul3A_18, %add3A_19 : i32
    "tpu.region"() ({
      %run_scoped3A = tpu.sem_alloc : memref<!tpu.dma_semaphore, #tpu.memory_space<semaphore_mem>>
      %dma_start3A = arith.constant 0 : i32
      %dma_start3A_88 = arith.constant 0 : i32
      %dma_start3A_89 = tpu.memref_slice %arg7[%dma_start3A, %dma_start3A_88] : memref<128x32xf32, #tpu.memory_space<vmem>> -> memref<128x32xf32, #tpu.memory_space<vmem>>
      %dma_start3A_90 = arith.constant 0 : i32
      %dma_start3A_91 = tpu.memref_slice %arg4[%add3A_20, %dma_start3A_90] : memref<10112x32xf32, #tpu.memory_space<hbm>> -> memref<128x32xf32, #tpu.memory_space<hbm>>
      %dma_start3A_92 = arith.constant 0 : i32
      %dma_start3A_93 = arith.constant 0 : i32
      %dma_start3A_94 = tpu.memref_slice %arg7[%dma_start3A_92, %dma_start3A_93] : memref<128x32xf32, #tpu.memory_space<vmem>> -> memref<128x32xf32, #tpu.memory_space<vmem>>
      %dma_start3A_95 = arith.constant 0 : i32
      %dma_start3A_96 = tpu.memref_slice %arg4[%add3A_20, %dma_start3A_95] : memref<10112x32xf32, #tpu.memory_space<hbm>> -> memref<128x32xf32, #tpu.memory_space<hbm>>
      tpu.enqueue_dma source(%dma_start3A_96 : memref<128x32xf32, #tpu.memory_space<hbm>>) target(%dma_start3A_94 : memref<128x32xf32, #tpu.memory_space<vmem>>) target_semaphore(%run_scoped3A : memref<!tpu.dma_semaphore, #tpu.memory_space<semaphore_mem>>)
      %dma_wait3A = arith.constant 0 : i32
      %dma_wait3A_97 = arith.constant 0 : i32
      %dma_wait3A_98 = tpu.memref_slice %arg7[%dma_wait3A, %dma_wait3A_97] : memref<128x32xf32, #tpu.memory_space<vmem>> -> memref<128x32xf32, #tpu.memory_space<vmem>>
      %dma_wait3A_99 = arith.constant 0 : i32
      %dma_wait3A_100 = tpu.memref_slice %arg4[%add3A_20, %dma_wait3A_99] : memref<10112x32xf32, #tpu.memory_space<hbm>> -> memref<128x32xf32, #tpu.memory_space<hbm>>
      %dma_wait3A_101 = arith.constant 0 : i32
      %dma_wait3A_102 = arith.constant 0 : i32
      %dma_wait3A_103 = tpu.memref_slice %arg7[%dma_wait3A_101, %dma_wait3A_102] : memref<128x32xf32, #tpu.memory_space<vmem>> -> memref<128x32xf32, #tpu.memory_space<vmem>>
      %dma_wait3A_104 = arith.constant 0 : i32
      %dma_wait3A_105 = tpu.memref_slice %arg4[%add3A_20, %dma_wait3A_104] : memref<10112x32xf32, #tpu.memory_space<hbm>> -> memref<128x32xf32, #tpu.memory_space<hbm>>
      tpu.wait_dma2 semaphore(%run_scoped3A : memref<!tpu.dma_semaphore, #tpu.memory_space<semaphore_mem>>) src(%dma_wait3A_105 : memref<128x32xf32, #tpu.memory_space<hbm>>) dst(%dma_wait3A_103 : memref<128x32xf32, #tpu.memory_space<vmem>>)
      tpu.yield
    }) : () -> ()
    %mul3A_21 = arith.constant 632 : i32
    %mul3A_22 = arith.muli %arg1, %mul3A_21 : i32
    %add3A_23 = arith.constant 256 : i32
    %add3A_24 = arith.addi %mul3A_22, %add3A_23 : i32
    "tpu.region"() ({
      %run_scoped3A = tpu.sem_alloc : memref<!tpu.dma_semaphore, #tpu.memory_space<semaphore_mem>>
      %dma_start3A = arith.constant 0 : i32
      %dma_start3A_88 = arith.constant 0 : i32
      %dma_start3A_89 = tpu.memref_slice %arg7[%dma_start3A, %dma_start3A_88] : memref<128x32xf32, #tpu.memory_space<vmem>> -> memref<128x32xf32, #tpu.memory_space<vmem>>
      %dma_start3A_90 = arith.constant 0 : i32
      %dma_start3A_91 = tpu.memref_slice %arg8[%add3A_24, %dma_start3A_90] : memref<10112x32xf32, #tpu.memory_space<vmem_shared>> -> memref<128x32xf32, #tpu.memory_space<vmem_shared>>
      %dma_start3A_92 = arith.constant 0 : i32
      %dma_start3A_93 = tpu.memref_slice %arg8[%add3A_24, %dma_start3A_92] : memref<10112x32xf32, #tpu.memory_space<vmem_shared>> -> memref<128x32xf32, #tpu.memory_space<vmem_shared>>
      %dma_start3A_94 = arith.constant 0 : i32
      %dma_start3A_95 = arith.constant 0 : i32
      %dma_start3A_96 = tpu.memref_slice %arg7[%dma_start3A_94, %dma_start3A_95] : memref<128x32xf32, #tpu.memory_space<vmem>> -> memref<128x32xf32, #tpu.memory_space<vmem>>
      tpu.enqueue_dma source(%dma_start3A_96 : memref<128x32xf32, #tpu.memory_space<vmem>>) target(%dma_start3A_93 : memref<128x32xf32, #tpu.memory_space<vmem_shared>>) target_semaphore(%run_scoped3A : memref<!tpu.dma_semaphore, #tpu.memory_space<semaphore_mem>>)
      %dma_wait3A = arith.constant 0 : i32
      %dma_wait3A_97 = arith.constant 0 : i32
      %dma_wait3A_98 = tpu.memref_slice %arg7[%dma_wait3A, %dma_wait3A_97] : memref<128x32xf32, #tpu.memory_space<vmem>> -> memref<128x32xf32, #tpu.memory_space<vmem>>
      %dma_wait3A_99 = arith.constant 0 : i32
      %dma_wait3A_100 = tpu.memref_slice %arg8[%add3A_24, %dma_wait3A_99] : memref<10112x32xf32, #tpu.memory_space<vmem_shared>> -> memref<128x32xf32, #tpu.memory_space<vmem_shared>>
      %dma_wait3A_101 = arith.constant 0 : i32
      %dma_wait3A_102 = tpu.memref_slice %arg8[%add3A_24, %dma_wait3A_101] : memref<10112x32xf32, #tpu.memory_space<vmem_shared>> -> memref<128x32xf32, #tpu.memory_space<vmem_shared>>
      %dma_wait3A_103 = arith.constant 0 : i32
      %dma_wait3A_104 = arith.constant 0 : i32
      %dma_wait3A_105 = tpu.memref_slice %arg7[%dma_wait3A_103, %dma_wait3A_104] : memref<128x32xf32, #tpu.memory_space<vmem>> -> memref<128x32xf32, #tpu.memory_space<vmem>>
      tpu.wait_dma2 semaphore(%run_scoped3A : memref<!tpu.dma_semaphore, #tpu.memory_space<semaphore_mem>>) src(%dma_wait3A_105 : memref<128x32xf32, #tpu.memory_space<vmem>>) dst(%dma_wait3A_102 : memref<128x32xf32, #tpu.memory_space<vmem_shared>>)
      tpu.yield
    }) : () -> ()
    %mul3A_25 = arith.constant 632 : i32
    %mul3A_26 = arith.muli %arg1, %mul3A_25 : i32
    %add3A_27 = arith.constant 384 : i32
    %add3A_28 = arith.addi %mul3A_26, %add3A_27 : i32
    "tpu.region"() ({
      %run_scoped3A = tpu.sem_alloc : memref<!tpu.dma_semaphore, #tpu.memory_space<semaphore_mem>>
      %dma_start3A = arith.constant 0 : i32
      %dma_start3A_88 = arith.constant 0 : i32
      %dma_start3A_89 = tpu.memref_slice %arg7[%dma_start3A, %dma_start3A_88] : memref<128x32xf32, #tpu.memory_space<vmem>> -> memref<128x32xf32, #tpu.memory_space<vmem>>
      %dma_start3A_90 = arith.constant 0 : i32
      %dma_start3A_91 = tpu.memref_slice %arg4[%add3A_28, %dma_start3A_90] : memref<10112x32xf32, #tpu.memory_space<hbm>> -> memref<128x32xf32, #tpu.memory_space<hbm>>
      %dma_start3A_92 = arith.constant 0 : i32
      %dma_start3A_93 = arith.constant 0 : i32
      %dma_start3A_94 = tpu.memref_slice %arg7[%dma_start3A_92, %dma_start3A_93] : memref<128x32xf32, #tpu.memory_space<vmem>> -> memref<128x32xf32, #tpu.memory_space<vmem>>
      %dma_start3A_95 = arith.constant 0 : i32
      %dma_start3A_96 = tpu.memref_slice %arg4[%add3A_28, %dma_start3A_95] : memref<10112x32xf32, #tpu.memory_space<hbm>> -> memref<128x32xf32, #tpu.memory_space<hbm>>
      tpu.enqueue_dma source(%dma_start3A_96 : memref<128x32xf32, #tpu.memory_space<hbm>>) target(%dma_start3A_94 : memref<128x32xf32, #tpu.memory_space<vmem>>) target_semaphore(%run_scoped3A : memref<!tpu.dma_semaphore, #tpu.memory_space<semaphore_mem>>)
      %dma_wait3A = arith.constant 0 : i32
      %dma_wait3A_97 = arith.constant 0 : i32
      %dma_wait3A_98 = tpu.memref_slice %arg7[%dma_wait3A, %dma_wait3A_97] : memref<128x32xf32, #tpu.memory_space<vmem>> -> memref<128x32xf32, #tpu.memory_space<vmem>>
      %dma_wait3A_99 = arith.constant 0 : i32
      %dma_wait3A_100 = tpu.memref_slice %arg4[%add3A_28, %dma_wait3A_99] : memref<10112x32xf32, #tpu.memory_space<hbm>> -> memref<128x32xf32, #tpu.memory_space<hbm>>
      %dma_wait3A_101 = arith.constant 0 : i32
      %dma_wait3A_102 = arith.constant 0 : i32
      %dma_wait3A_103 = tpu.memref_slice %arg7[%dma_wait3A_101, %dma_wait3A_102] : memref<128x32xf32, #tpu.memory_space<vmem>> -> memref<128x32xf32, #tpu.memory_space<vmem>>
      %dma_wait3A_104 = arith.constant 0 : i32
      %dma_wait3A_105 = tpu.memref_slice %arg4[%add3A_28, %dma_wait3A_104] : memref<10112x32xf32, #tpu.memory_space<hbm>> -> memref<128x32xf32, #tpu.memory_space<hbm>>
      tpu.wait_dma2 semaphore(%run_scoped3A : memref<!tpu.dma_semaphore, #tpu.memory_space<semaphore_mem>>) src(%dma_wait3A_105 : memref<128x32xf32, #tpu.memory_space<hbm>>) dst(%dma_wait3A_103 : memref<128x32xf32, #tpu.memory_space<vmem>>)
      tpu.yield
    }) : () -> ()
    %mul3A_29 = arith.constant 632 : i32
    %mul3A_30 = arith.muli %arg1, %mul3A_29 : i32
    %add3A_31 = arith.constant 384 : i32
    %add3A_32 = arith.addi %mul3A_30, %add3A_31 : i32
    "tpu.region"() ({
      %run_scoped3A = tpu.sem_alloc : memref<!tpu.dma_semaphore, #tpu.memory_space<semaphore_mem>>
      %dma_start3A = arith.constant 0 : i32
      %dma_start3A_88 = arith.constant 0 : i32
      %dma_start3A_89 = tpu.memref_slice %arg7[%dma_start3A, %dma_start3A_88] : memref<128x32xf32, #tpu.memory_space<vmem>> -> memref<128x32xf32, #tpu.memory_space<vmem>>
      %dma_start3A_90 = arith.constant 0 : i32
      %dma_start3A_91 = tpu.memref_slice %arg8[%add3A_32, %dma_start3A_90] : memref<10112x32xf32, #tpu.memory_space<vmem_shared>> -> memref<128x32xf32, #tpu.memory_space<vmem_shared>>
      %dma_start3A_92 = arith.constant 0 : i32
      %dma_start3A_93 = tpu.memref_slice %arg8[%add3A_32, %dma_start3A_92] : memref<10112x32xf32, #tpu.memory_space<vmem_shared>> -> memref<128x32xf32, #tpu.memory_space<vmem_shared>>
      %dma_start3A_94 = arith.constant 0 : i32
      %dma_start3A_95 = arith.constant 0 : i32
      %dma_start3A_96 = tpu.memref_slice %arg7[%dma_start3A_94, %dma_start3A_95] : memref<128x32xf32, #tpu.memory_space<vmem>> -> memref<128x32xf32, #tpu.memory_space<vmem>>
      tpu.enqueue_dma source(%dma_start3A_96 : memref<128x32xf32, #tpu.memory_space<vmem>>) target(%dma_start3A_93 : memref<128x32xf32, #tpu.memory_space<vmem_shared>>) target_semaphore(%run_scoped3A : memref<!tpu.dma_semaphore, #tpu.memory_space<semaphore_mem>>)
      %dma_wait3A = arith.constant 0 : i32
      %dma_wait3A_97 = arith.constant 0 : i32
      %dma_wait3A_98 = tpu.memref_slice %arg7[%dma_wait3A, %dma_wait3A_97] : memref<128x32xf32, #tpu.memory_space<vmem>> -> memref<128x32xf32, #tpu.memory_space<vmem>>
      %dma_wait3A_99 = arith.constant 0 : i32
      %dma_wait3A_100 = tpu.memref_slice %arg8[%add3A_32, %dma_wait3A_99] : memref<10112x32xf32, #tpu.memory_space<vmem_shared>> -> memref<128x32xf32, #tpu.memory_space<vmem_shared>>
      %dma_wait3A_101 = arith.constant 0 : i32
      %dma_wait3A_102 = tpu.memref_slice %arg8[%add3A_32, %dma_wait3A_101] : memref<10112x32xf32, #tpu.memory_space<vmem_shared>> -> memref<128x32xf32, #tpu.memory_space<vmem_shared>>
      %dma_wait3A_103 = arith.constant 0 : i32
      %dma_wait3A_104 = arith.constant 0 : i32
      %dma_wait3A_105 = tpu.memref_slice %arg7[%dma_wait3A_103, %dma_wait3A_104] : memref<128x32xf32, #tpu.memory_space<vmem>> -> memref<128x32xf32, #tpu.memory_space<vmem>>
      tpu.wait_dma2 semaphore(%run_scoped3A : memref<!tpu.dma_semaphore, #tpu.memory_space<semaphore_mem>>) src(%dma_wait3A_105 : memref<128x32xf32, #tpu.memory_space<vmem>>) dst(%dma_wait3A_102 : memref<128x32xf32, #tpu.memory_space<vmem_shared>>)
      tpu.yield
    }) : () -> ()
    %mul3A_33 = arith.constant 632 : i32
    %mul3A_34 = arith.muli %arg1, %mul3A_33 : i32
    %add3A_35 = arith.constant 512 : i32
    %add3A_36 = arith.addi %mul3A_34, %add3A_35 : i32
    "tpu.region"() ({
      %run_scoped3A = tpu.sem_alloc : memref<!tpu.dma_semaphore, #tpu.memory_space<semaphore_mem>>
      %dma_start3A = arith.constant 0 : i32
      %dma_start3A_88 = arith.constant 0 : i32
      %dma_start3A_89 = tpu.memref_slice %arg7[%dma_start3A, %dma_start3A_88] : memref<128x32xf32, #tpu.memory_space<vmem>> -> memref<120x32xf32, #tpu.memory_space<vmem>>
      %dma_start3A_90 = arith.constant 0 : i32
      %dma_start3A_91 = tpu.memref_slice %arg4[%add3A_36, %dma_start3A_90] : memref<10112x32xf32, #tpu.memory_space<hbm>> -> memref<120x32xf32, #tpu.memory_space<hbm>>
      %dma_start3A_92 = arith.constant 0 : i32
      %dma_start3A_93 = arith.constant 0 : i32
      %dma_start3A_94 = tpu.memref_slice %arg7[%dma_start3A_92, %dma_start3A_93] : memref<128x32xf32, #tpu.memory_space<vmem>> -> memref<120x32xf32, #tpu.memory_space<vmem>>
      %dma_start3A_95 = arith.constant 0 : i32
      %dma_start3A_96 = tpu.memref_slice %arg4[%add3A_36, %dma_start3A_95] : memref<10112x32xf32, #tpu.memory_space<hbm>> -> memref<120x32xf32, #tpu.memory_space<hbm>>
      tpu.enqueue_dma source(%dma_start3A_96 : memref<120x32xf32, #tpu.memory_space<hbm>>) target(%dma_start3A_94 : memref<120x32xf32, #tpu.memory_space<vmem>>) target_semaphore(%run_scoped3A : memref<!tpu.dma_semaphore, #tpu.memory_space<semaphore_mem>>)
      %dma_wait3A = arith.constant 0 : i32
      %dma_wait3A_97 = arith.constant 0 : i32
      %dma_wait3A_98 = tpu.memref_slice %arg7[%dma_wait3A, %dma_wait3A_97] : memref<128x32xf32, #tpu.memory_space<vmem>> -> memref<120x32xf32, #tpu.memory_space<vmem>>
      %dma_wait3A_99 = arith.constant 0 : i32
      %dma_wait3A_100 = tpu.memref_slice %arg4[%add3A_36, %dma_wait3A_99] : memref<10112x32xf32, #tpu.memory_space<hbm>> -> memref<120x32xf32, #tpu.memory_space<hbm>>
      %dma_wait3A_101 = arith.constant 0 : i32
      %dma_wait3A_102 = arith.constant 0 : i32
      %dma_wait3A_103 = tpu.memref_slice %arg7[%dma_wait3A_101, %dma_wait3A_102] : memref<128x32xf32, #tpu.memory_space<vmem>> -> memref<120x32xf32, #tpu.memory_space<vmem>>
      %dma_wait3A_104 = arith.constant 0 : i32
      %dma_wait3A_105 = tpu.memref_slice %arg4[%add3A_36, %dma_wait3A_104] : memref<10112x32xf32, #tpu.memory_space<hbm>> -> memref<120x32xf32, #tpu.memory_space<hbm>>
      tpu.wait_dma2 semaphore(%run_scoped3A : memref<!tpu.dma_semaphore, #tpu.memory_space<semaphore_mem>>) src(%dma_wait3A_105 : memref<120x32xf32, #tpu.memory_space<hbm>>) dst(%dma_wait3A_103 : memref<120x32xf32, #tpu.memory_space<vmem>>)
      tpu.yield
    }) : () -> ()
    %mul3A_37 = arith.constant 632 : i32
    %mul3A_38 = arith.muli %arg1, %mul3A_37 : i32
    %add3A_39 = arith.constant 512 : i32
    %add3A_40 = arith.addi %mul3A_38, %add3A_39 : i32
    "tpu.region"() ({
      %run_scoped3A = tpu.sem_alloc : memref<!tpu.dma_semaphore, #tpu.memory_space<semaphore_mem>>
      %dma_start3A = arith.constant 0 : i32
      %dma_start3A_88 = arith.constant 0 : i32
      %dma_start3A_89 = tpu.memref_slice %arg7[%dma_start3A, %dma_start3A_88] : memref<128x32xf32, #tpu.memory_space<vmem>> -> memref<120x32xf32, #tpu.memory_space<vmem>>
      %dma_start3A_90 = arith.constant 0 : i32
      %dma_start3A_91 = tpu.memref_slice %arg8[%add3A_40, %dma_start3A_90] : memref<10112x32xf32, #tpu.memory_space<vmem_shared>> -> memref<120x32xf32, #tpu.memory_space<vmem_shared>>
      %dma_start3A_92 = arith.constant 0 : i32
      %dma_start3A_93 = tpu.memref_slice %arg8[%add3A_40, %dma_start3A_92] : memref<10112x32xf32, #tpu.memory_space<vmem_shared>> -> memref<120x32xf32, #tpu.memory_space<vmem_shared>>
      %dma_start3A_94 = arith.constant 0 : i32
      %dma_start3A_95 = arith.constant 0 : i32
      %dma_start3A_96 = tpu.memref_slice %arg7[%dma_start3A_94, %dma_start3A_95] : memref<128x32xf32, #tpu.memory_space<vmem>> -> memref<120x32xf32, #tpu.memory_space<vmem>>
      tpu.enqueue_dma source(%dma_start3A_96 : memref<120x32xf32, #tpu.memory_space<vmem>>) target(%dma_start3A_93 : memref<120x32xf32, #tpu.memory_space<vmem_shared>>) target_semaphore(%run_scoped3A : memref<!tpu.dma_semaphore, #tpu.memory_space<semaphore_mem>>)
      %dma_wait3A = arith.constant 0 : i32
      %dma_wait3A_97 = arith.constant 0 : i32
      %dma_wait3A_98 = tpu.memref_slice %arg7[%dma_wait3A, %dma_wait3A_97] : memref<128x32xf32, #tpu.memory_space<vmem>> -> memref<120x32xf32, #tpu.memory_space<vmem>>
      %dma_wait3A_99 = arith.constant 0 : i32
      %dma_wait3A_100 = tpu.memref_slice %arg8[%add3A_40, %dma_wait3A_99] : memref<10112x32xf32, #tpu.memory_space<vmem_shared>> -> memref<120x32xf32, #tpu.memory_space<vmem_shared>>
      %dma_wait3A_101 = arith.constant 0 : i32
      %dma_wait3A_102 = tpu.memref_slice %arg8[%add3A_40, %dma_wait3A_101] : memref<10112x32xf32, #tpu.memory_space<vmem_shared>> -> memref<120x32xf32, #tpu.memory_space<vmem_shared>>
      %dma_wait3A_103 = arith.constant 0 : i32
      %dma_wait3A_104 = arith.constant 0 : i32
      %dma_wait3A_105 = tpu.memref_slice %arg7[%dma_wait3A_103, %dma_wait3A_104] : memref<128x32xf32, #tpu.memory_space<vmem>> -> memref<120x32xf32, #tpu.memory_space<vmem>>
      tpu.wait_dma2 semaphore(%run_scoped3A : memref<!tpu.dma_semaphore, #tpu.memory_space<semaphore_mem>>) src(%dma_wait3A_105 : memref<120x32xf32, #tpu.memory_space<vmem>>) dst(%dma_wait3A_102 : memref<120x32xf32, #tpu.memory_space<vmem_shared>>)
      tpu.yield
    }) : () -> ()
    %mul3A_41 = arith.constant 80 : i32
    %mul3A_42 = arith.muli %add3A, %mul3A_41 : i32
    "tpu.region"() ({
      %run_scoped3A = tpu.sem_alloc : memref<!tpu.dma_semaphore, #tpu.memory_space<semaphore_mem>>
      %dma_start3A = arith.constant 0 : i32
      %dma_start3A_88 = tpu.memref_slice %arg3[%mul3A_42, %dma_start3A] : memref<2560x128xi32, #tpu.memory_space<hbm>> -> memref<80x128xi32, #tpu.memory_space<hbm>>
      %dma_start3A_89 = arith.constant 0 : i32
      %dma_start3A_90 = tpu.memref_slice %arg3[%mul3A_42, %dma_start3A_89] : memref<2560x128xi32, #tpu.memory_space<hbm>> -> memref<80x128xi32, #tpu.memory_space<hbm>>
      tpu.enqueue_dma source(%dma_start3A_90 : memref<80x128xi32, #tpu.memory_space<hbm>>) target(%arg6 : memref<80x128xi32, #tpu.memory_space<vmem>>) target_semaphore(%run_scoped3A : memref<!tpu.dma_semaphore, #tpu.memory_space<semaphore_mem>>)
      %dma_wait3A = arith.constant 0 : i32
      %dma_wait3A_91 = tpu.memref_slice %arg3[%mul3A_42, %dma_wait3A] : memref<2560x128xi32, #tpu.memory_space<hbm>> -> memref<80x128xi32, #tpu.memory_space<hbm>>
      %dma_wait3A_92 = arith.constant 0 : i32
      %dma_wait3A_93 = tpu.memref_slice %arg3[%mul3A_42, %dma_wait3A_92] : memref<2560x128xi32, #tpu.memory_space<hbm>> -> memref<80x128xi32, #tpu.memory_space<hbm>>
      tpu.wait_dma2 semaphore(%run_scoped3A : memref<!tpu.dma_semaphore, #tpu.memory_space<semaphore_mem>>) src(%dma_wait3A_93 : memref<80x128xi32, #tpu.memory_space<hbm>>) dst(%arg6 : memref<80x128xi32, #tpu.memory_space<vmem>>)
      tpu.yield
    }) : () -> ()
    %barrier3A = arith.constant 0 : index
    tpu.barrier barrier_id(%barrier3A)
    %scan3A = arith.constant 0 : i32
    %scan3A_43 = arith.constant 80 : i32
    %scan3A_44 = arith.addi %scan3A, %scan3A_43 : i32
    %scan3A_45 = arith.constant 1 : i32
    scf.for %scan3A_88 = %scan3A to %scan3A_44 step %scan3A_45  : i32 {
      %mul3A_89 = arith.constant 1 : i32
      %mul3A_90 = arith.muli %scan3A_88, %mul3A_89 : i32
      %add3A_91 = arith.constant 0 : i32
      %add3A_92 = arith.addi %add3A_91, %mul3A_90 : i32
      %mul3A_93 = arith.constant 128 : i32
      %mul3A_94 = arith.muli %add3A, %mul3A_93 : i32
      "tpu.region"() ({
        %run_scoped3A = tpu.sem_alloc : memref<!tpu.dma_semaphore, #tpu.memory_space<semaphore_mem>>
        %dma_start3A = arith.constant 0 : i32
        %dma_start3A_95 = tpu.memref_slice %arg2[%add3A_92, %mul3A_94, %dma_start3A] : memref<80x4096x32xf32, #tpu.memory_space<hbm>> -> memref<1x128x32xf32, #tpu.memory_space<hbm>>
        %dma_start3A_96 = tpu.memref_squeeze %dma_start3A_95 : memref<1x128x32xf32, #tpu.memory_space<hbm>> -> memref<128x32xf32, #tpu.memory_space<hbm>>
        %dma_start3A_97 = arith.constant 0 : i32
        %dma_start3A_98 = tpu.memref_slice %arg2[%add3A_92, %mul3A_94, %dma_start3A_97] : memref<80x4096x32xf32, #tpu.memory_space<hbm>> -> memref<1x128x32xf32, #tpu.memory_space<hbm>>
        %dma_start3A_99 = tpu.memref_squeeze %dma_start3A_98 : memref<1x128x32xf32, #tpu.memory_space<hbm>> -> memref<128x32xf32, #tpu.memory_space<hbm>>
        tpu.enqueue_dma source(%dma_start3A_99 : memref<128x32xf32, #tpu.memory_space<hbm>>) target(%arg7 : memref<128x32xf32, #tpu.memory_space<vmem>>) target_semaphore(%run_scoped3A : memref<!tpu.dma_semaphore, #tpu.memory_space<semaphore_mem>>)
        %dma_wait3A = arith.constant 0 : i32
        %dma_wait3A_100 = tpu.memref_slice %arg2[%add3A_92, %mul3A_94, %dma_wait3A] : memref<80x4096x32xf32, #tpu.memory_space<hbm>> -> memref<1x128x32xf32, #tpu.memory_space<hbm>>
        %dma_wait3A_101 = tpu.memref_squeeze %dma_wait3A_100 : memref<1x128x32xf32, #tpu.memory_space<hbm>> -> memref<128x32xf32, #tpu.memory_space<hbm>>
        %dma_wait3A_102 = arith.constant 0 : i32
        %dma_wait3A_103 = tpu.memref_slice %arg2[%add3A_92, %mul3A_94, %dma_wait3A_102] : memref<80x4096x32xf32, #tpu.memory_space<hbm>> -> memref<1x128x32xf32, #tpu.memory_space<hbm>>
        %dma_wait3A_104 = tpu.memref_squeeze %dma_wait3A_103 : memref<1x128x32xf32, #tpu.memory_space<hbm>> -> memref<128x32xf32, #tpu.memory_space<hbm>>
        tpu.wait_dma2 semaphore(%run_scoped3A : memref<!tpu.dma_semaphore, #tpu.memory_space<semaphore_mem>>) src(%dma_wait3A_104 : memref<128x32xf32, #tpu.memory_space<hbm>>) dst(%arg7 : memref<128x32xf32, #tpu.memory_space<vmem>>)
        tpu.yield
      }) : () -> ()
      "tpu.region"() ({
        %run_scoped3A = tpu.sem_alloc : memref<!tpu.dma_semaphore, #tpu.memory_space<semaphore_mem>>
        %dma_start3A = arith.constant 0 : i32
        %dma_start3A_95 = tpu.memref_slice %arg6[%add3A_92, %dma_start3A] : memref<80x128xi32, #tpu.memory_space<vmem>> -> memref<1x128xi32, #tpu.memory_space<vmem>>
        %dma_start3A_96 = tpu.memref_squeeze %dma_start3A_95 : memref<1x128xi32, #tpu.memory_space<vmem>> -> memref<128xi32, #tpu.memory_space<vmem>>
        %dma_start3A_97 = arith.constant 0 : i32
        %dma_start3A_98 = arith.constant 0 : i32
        %dma_start3A_99 = tpu.memref_slice %arg8[%dma_start3A_97, %dma_start3A_98] : memref<10112x32xf32, #tpu.memory_space<vmem_shared>> -> memref<10112x32xf32, #tpu.memory_space<vmem_shared>>
        tpu.enqueue_indirect_dma source(%arg7 : memref<128x32xf32, #tpu.memory_space<vmem>>) target(%dma_start3A_99 : memref<10112x32xf32, #tpu.memory_space<vmem_shared>>) offsets(%dma_start3A_96 : memref<128xi32, #tpu.memory_space<vmem>>) semaphore(%run_scoped3A : memref<!tpu.dma_semaphore, #tpu.memory_space<semaphore_mem>>) {add = true}
        %dma_wait3A = arith.constant 0 : i32
        %dma_wait3A_100 = tpu.memref_slice %arg6[%add3A_92, %dma_wait3A] : memref<80x128xi32, #tpu.memory_space<vmem>> -> memref<1x128xi32, #tpu.memory_space<vmem>>
        %dma_wait3A_101 = tpu.memref_squeeze %dma_wait3A_100 : memref<1x128xi32, #tpu.memory_space<vmem>> -> memref<128xi32, #tpu.memory_space<vmem>>
        %dma_wait3A_102 = arith.constant 0 : i32
        %dma_wait3A_103 = arith.constant 0 : i32
        %dma_wait3A_104 = tpu.memref_slice %arg8[%dma_wait3A_102, %dma_wait3A_103] : memref<10112x32xf32, #tpu.memory_space<vmem_shared>> -> memref<10112x32xf32, #tpu.memory_space<vmem_shared>>
        tpu.wait_indirect_dma semaphore(%run_scoped3A : memref<!tpu.dma_semaphore, #tpu.memory_space<semaphore_mem>>) src(%arg7 : memref<128x32xf32, #tpu.memory_space<vmem>>) dst(%dma_wait3A_104 : memref<10112x32xf32, #tpu.memory_space<vmem_shared>>)
        tpu.yield
      }) : () -> ()
    }
    %scan3A_46 = arith.constant 80 : i32
    %barrier3A_47 = arith.constant 0 : index
    tpu.barrier barrier_id(%barrier3A_47)
    %mul3A_48 = arith.constant 632 : i32
    %mul3A_49 = arith.muli %arg1, %mul3A_48 : i32
    %add3A_50 = arith.constant 0 : i32
    %add3A_51 = arith.addi %mul3A_49, %add3A_50 : i32
    "tpu.region"() ({
      %run_scoped3A = tpu.sem_alloc : memref<!tpu.dma_semaphore, #tpu.memory_space<semaphore_mem>>
      %dma_start3A = arith.constant 0 : i32
      %dma_start3A_88 = arith.constant 0 : i32
      %dma_start3A_89 = tpu.memref_slice %arg7[%dma_start3A, %dma_start3A_88] : memref<128x32xf32, #tpu.memory_space<vmem>> -> memref<128x32xf32, #tpu.memory_space<vmem>>
      %dma_start3A_90 = arith.constant 0 : i32
      %dma_start3A_91 = tpu.memref_slice %arg8[%add3A_51, %dma_start3A_90] : memref<10112x32xf32, #tpu.memory_space<vmem_shared>> -> memref<128x32xf32, #tpu.memory_space<vmem_shared>>
      %dma_start3A_92 = arith.constant 0 : i32
      %dma_start3A_93 = arith.constant 0 : i32
      %dma_start3A_94 = tpu.memref_slice %arg7[%dma_start3A_92, %dma_start3A_93] : memref<128x32xf32, #tpu.memory_space<vmem>> -> memref<128x32xf32, #tpu.memory_space<vmem>>
      %dma_start3A_95 = arith.constant 0 : i32
      %dma_start3A_96 = tpu.memref_slice %arg8[%add3A_51, %dma_start3A_95] : memref<10112x32xf32, #tpu.memory_space<vmem_shared>> -> memref<128x32xf32, #tpu.memory_space<vmem_shared>>
      tpu.enqueue_dma source(%dma_start3A_96 : memref<128x32xf32, #tpu.memory_space<vmem_shared>>) target(%dma_start3A_94 : memref<128x32xf32, #tpu.memory_space<vmem>>) target_semaphore(%run_scoped3A : memref<!tpu.dma_semaphore, #tpu.memory_space<semaphore_mem>>)
      %dma_wait3A = arith.constant 0 : i32
      %dma_wait3A_97 = arith.constant 0 : i32
      %dma_wait3A_98 = tpu.memref_slice %arg7[%dma_wait3A, %dma_wait3A_97] : memref<128x32xf32, #tpu.memory_space<vmem>> -> memref<128x32xf32, #tpu.memory_space<vmem>>
      %dma_wait3A_99 = arith.constant 0 : i32
      %dma_wait3A_100 = tpu.memref_slice %arg8[%add3A_51, %dma_wait3A_99] : memref<10112x32xf32, #tpu.memory_space<vmem_shared>> -> memref<128x32xf32, #tpu.memory_space<vmem_shared>>
      %dma_wait3A_101 = arith.constant 0 : i32
      %dma_wait3A_102 = arith.constant 0 : i32
      %dma_wait3A_103 = tpu.memref_slice %arg7[%dma_wait3A_101, %dma_wait3A_102] : memref<128x32xf32, #tpu.memory_space<vmem>> -> memref<128x32xf32, #tpu.memory_space<vmem>>
      %dma_wait3A_104 = arith.constant 0 : i32
      %dma_wait3A_105 = tpu.memref_slice %arg8[%add3A_51, %dma_wait3A_104] : memref<10112x32xf32, #tpu.memory_space<vmem_shared>> -> memref<128x32xf32, #tpu.memory_space<vmem_shared>>
      tpu.wait_dma2 semaphore(%run_scoped3A : memref<!tpu.dma_semaphore, #tpu.memory_space<semaphore_mem>>) src(%dma_wait3A_105 : memref<128x32xf32, #tpu.memory_space<vmem_shared>>) dst(%dma_wait3A_103 : memref<128x32xf32, #tpu.memory_space<vmem>>)
      tpu.yield
    }) : () -> ()
    %mul3A_52 = arith.constant 632 : i32
    %mul3A_53 = arith.muli %arg1, %mul3A_52 : i32
    %add3A_54 = arith.constant 0 : i32
    %add3A_55 = arith.addi %mul3A_53, %add3A_54 : i32
    "tpu.region"() ({
      %run_scoped3A = tpu.sem_alloc : memref<!tpu.dma_semaphore, #tpu.memory_space<semaphore_mem>>
      %dma_start3A = arith.constant 0 : i32
      %dma_start3A_88 = arith.constant 0 : i32
      %dma_start3A_89 = tpu.memref_slice %arg7[%dma_start3A, %dma_start3A_88] : memref<128x32xf32, #tpu.memory_space<vmem>> -> memref<128x32xf32, #tpu.memory_space<vmem>>
      %dma_start3A_90 = arith.constant 0 : i32
      %dma_start3A_91 = tpu.memref_slice %arg5[%arg0, %add3A_55, %dma_start3A_90] : memref<2x10112x32xf32, #tpu.memory_space<hbm>> -> memref<1x128x32xf32, #tpu.memory_space<hbm>>
      %dma_start3A_92 = tpu.memref_squeeze %dma_start3A_91 : memref<1x128x32xf32, #tpu.memory_space<hbm>> -> memref<128x32xf32, #tpu.memory_space<hbm>>
      %dma_start3A_93 = arith.constant 0 : i32
      %dma_start3A_94 = tpu.memref_slice %arg5[%arg0, %add3A_55, %dma_start3A_93] : memref<2x10112x32xf32, #tpu.memory_space<hbm>> -> memref<1x128x32xf32, #tpu.memory_space<hbm>>
      %dma_start3A_95 = tpu.memref_squeeze %dma_start3A_94 : memref<1x128x32xf32, #tpu.memory_space<hbm>> -> memref<128x32xf32, #tpu.memory_space<hbm>>
      %dma_start3A_96 = arith.constant 0 : i32
      %dma_start3A_97 = arith.constant 0 : i32
      %dma_start3A_98 = tpu.memref_slice %arg7[%dma_start3A_96, %dma_start3A_97] : memref<128x32xf32, #tpu.memory_space<vmem>> -> memref<128x32xf32, #tpu.memory_space<vmem>>
      tpu.enqueue_dma source(%dma_start3A_98 : memref<128x32xf32, #tpu.memory_space<vmem>>) target(%dma_start3A_95 : memref<128x32xf32, #tpu.memory_space<hbm>>) target_semaphore(%run_scoped3A : memref<!tpu.dma_semaphore, #tpu.memory_space<semaphore_mem>>)
      %dma_wait3A = arith.constant 0 : i32
      %dma_wait3A_99 = arith.constant 0 : i32
      %dma_wait3A_100 = tpu.memref_slice %arg7[%dma_wait3A, %dma_wait3A_99] : memref<128x32xf32, #tpu.memory_space<vmem>> -> memref<128x32xf32, #tpu.memory_space<vmem>>
      %dma_wait3A_101 = arith.constant 0 : i32
      %dma_wait3A_102 = tpu.memref_slice %arg5[%arg0, %add3A_55, %dma_wait3A_101] : memref<2x10112x32xf32, #tpu.memory_space<hbm>> -> memref<1x128x32xf32, #tpu.memory_space<hbm>>
      %dma_wait3A_103 = tpu.memref_squeeze %dma_wait3A_102 : memref<1x128x32xf32, #tpu.memory_space<hbm>> -> memref<128x32xf32, #tpu.memory_space<hbm>>
      %dma_wait3A_104 = arith.constant 0 : i32
      %dma_wait3A_105 = tpu.memref_slice %arg5[%arg0, %add3A_55, %dma_wait3A_104] : memref<2x10112x32xf32, #tpu.memory_space<hbm>> -> memref<1x128x32xf32, #tpu.memory_space<hbm>>
      %dma_wait3A_106 = tpu.memref_squeeze %dma_wait3A_105 : memref<1x128x32xf32, #tpu.memory_space<hbm>> -> memref<128x32xf32, #tpu.memory_space<hbm>>
      %dma_wait3A_107 = arith.constant 0 : i32
      %dma_wait3A_108 = arith.constant 0 : i32
      %dma_wait3A_109 = tpu.memref_slice %arg7[%dma_wait3A_107, %dma_wait3A_108] : memref<128x32xf32, #tpu.memory_space<vmem>> -> memref<128x32xf32, #tpu.memory_space<vmem>>
      tpu.wait_dma2 semaphore(%run_scoped3A : memref<!tpu.dma_semaphore, #tpu.memory_space<semaphore_mem>>) src(%dma_wait3A_109 : memref<128x32xf32, #tpu.memory_space<vmem>>) dst(%dma_wait3A_106 : memref<128x32xf32, #tpu.memory_space<hbm>>)
      tpu.yield
    }) : () -> ()
    %mul3A_56 = arith.constant 632 : i32
    %mul3A_57 = arith.muli %arg1, %mul3A_56 : i32
    %add3A_58 = arith.constant 128 : i32
    %add3A_59 = arith.addi %mul3A_57, %add3A_58 : i32
    "tpu.region"() ({
      %run_scoped3A = tpu.sem_alloc : memref<!tpu.dma_semaphore, #tpu.memory_space<semaphore_mem>>
      %dma_start3A = arith.constant 0 : i32
      %dma_start3A_88 = arith.constant 0 : i32
      %dma_start3A_89 = tpu.memref_slice %arg7[%dma_start3A, %dma_start3A_88] : memref<128x32xf32, #tpu.memory_space<vmem>> -> memref<128x32xf32, #tpu.memory_space<vmem>>
      %dma_start3A_90 = arith.constant 0 : i32
      %dma_start3A_91 = tpu.memref_slice %arg8[%add3A_59, %dma_start3A_90] : memref<10112x32xf32, #tpu.memory_space<vmem_shared>> -> memref<128x32xf32, #tpu.memory_space<vmem_shared>>
      %dma_start3A_92 = arith.constant 0 : i32
      %dma_start3A_93 = arith.constant 0 : i32
      %dma_start3A_94 = tpu.memref_slice %arg7[%dma_start3A_92, %dma_start3A_93] : memref<128x32xf32, #tpu.memory_space<vmem>> -> memref<128x32xf32, #tpu.memory_space<vmem>>
      %dma_start3A_95 = arith.constant 0 : i32
      %dma_start3A_96 = tpu.memref_slice %arg8[%add3A_59, %dma_start3A_95] : memref<10112x32xf32, #tpu.memory_space<vmem_shared>> -> memref<128x32xf32, #tpu.memory_space<vmem_shared>>
      tpu.enqueue_dma source(%dma_start3A_96 : memref<128x32xf32, #tpu.memory_space<vmem_shared>>) target(%dma_start3A_94 : memref<128x32xf32, #tpu.memory_space<vmem>>) target_semaphore(%run_scoped3A : memref<!tpu.dma_semaphore, #tpu.memory_space<semaphore_mem>>)
      %dma_wait3A = arith.constant 0 : i32
      %dma_wait3A_97 = arith.constant 0 : i32
      %dma_wait3A_98 = tpu.memref_slice %arg7[%dma_wait3A, %dma_wait3A_97] : memref<128x32xf32, #tpu.memory_space<vmem>> -> memref<128x32xf32, #tpu.memory_space<vmem>>
      %dma_wait3A_99 = arith.constant 0 : i32
      %dma_wait3A_100 = tpu.memref_slice %arg8[%add3A_59, %dma_wait3A_99] : memref<10112x32xf32, #tpu.memory_space<vmem_shared>> -> memref<128x32xf32, #tpu.memory_space<vmem_shared>>
      %dma_wait3A_101 = arith.constant 0 : i32
      %dma_wait3A_102 = arith.constant 0 : i32
      %dma_wait3A_103 = tpu.memref_slice %arg7[%dma_wait3A_101, %dma_wait3A_102] : memref<128x32xf32, #tpu.memory_space<vmem>> -> memref<128x32xf32, #tpu.memory_space<vmem>>
      %dma_wait3A_104 = arith.constant 0 : i32
      %dma_wait3A_105 = tpu.memref_slice %arg8[%add3A_59, %dma_wait3A_104] : memref<10112x32xf32, #tpu.memory_space<vmem_shared>> -> memref<128x32xf32, #tpu.memory_space<vmem_shared>>
      tpu.wait_dma2 semaphore(%run_scoped3A : memref<!tpu.dma_semaphore, #tpu.memory_space<semaphore_mem>>) src(%dma_wait3A_105 : memref<128x32xf32, #tpu.memory_space<vmem_shared>>) dst(%dma_wait3A_103 : memref<128x32xf32, #tpu.memory_space<vmem>>)
      tpu.yield
    }) : () -> ()
    %mul3A_60 = arith.constant 632 : i32
    %mul3A_61 = arith.muli %arg1, %mul3A_60 : i32
    %add3A_62 = arith.constant 128 : i32
    %add3A_63 = arith.addi %mul3A_61, %add3A_62 : i32
    "tpu.region"() ({
      %run_scoped3A = tpu.sem_alloc : memref<!tpu.dma_semaphore, #tpu.memory_space<semaphore_mem>>
      %dma_start3A = arith.constant 0 : i32
      %dma_start3A_88 = arith.constant 0 : i32
      %dma_start3A_89 = tpu.memref_slice %arg7[%dma_start3A, %dma_start3A_88] : memref<128x32xf32, #tpu.memory_space<vmem>> -> memref<128x32xf32, #tpu.memory_space<vmem>>
      %dma_start3A_90 = arith.constant 0 : i32
      %dma_start3A_91 = tpu.memref_slice %arg5[%arg0, %add3A_63, %dma_start3A_90] : memref<2x10112x32xf32, #tpu.memory_space<hbm>> -> memref<1x128x32xf32, #tpu.memory_space<hbm>>
      %dma_start3A_92 = tpu.memref_squeeze %dma_start3A_91 : memref<1x128x32xf32, #tpu.memory_space<hbm>> -> memref<128x32xf32, #tpu.memory_space<hbm>>
      %dma_start3A_93 = arith.constant 0 : i32
      %dma_start3A_94 = tpu.memref_slice %arg5[%arg0, %add3A_63, %dma_start3A_93] : memref<2x10112x32xf32, #tpu.memory_space<hbm>> -> memref<1x128x32xf32, #tpu.memory_space<hbm>>
      %dma_start3A_95 = tpu.memref_squeeze %dma_start3A_94 : memref<1x128x32xf32, #tpu.memory_space<hbm>> -> memref<128x32xf32, #tpu.memory_space<hbm>>
      %dma_start3A_96 = arith.constant 0 : i32
      %dma_start3A_97 = arith.constant 0 : i32
      %dma_start3A_98 = tpu.memref_slice %arg7[%dma_start3A_96, %dma_start3A_97] : memref<128x32xf32, #tpu.memory_space<vmem>> -> memref<128x32xf32, #tpu.memory_space<vmem>>
      tpu.enqueue_dma source(%dma_start3A_98 : memref<128x32xf32, #tpu.memory_space<vmem>>) target(%dma_start3A_95 : memref<128x32xf32, #tpu.memory_space<hbm>>) target_semaphore(%run_scoped3A : memref<!tpu.dma_semaphore, #tpu.memory_space<semaphore_mem>>)
      %dma_wait3A = arith.constant 0 : i32
      %dma_wait3A_99 = arith.constant 0 : i32
      %dma_wait3A_100 = tpu.memref_slice %arg7[%dma_wait3A, %dma_wait3A_99] : memref<128x32xf32, #tpu.memory_space<vmem>> -> memref<128x32xf32, #tpu.memory_space<vmem>>
      %dma_wait3A_101 = arith.constant 0 : i32
      %dma_wait3A_102 = tpu.memref_slice %arg5[%arg0, %add3A_63, %dma_wait3A_101] : memref<2x10112x32xf32, #tpu.memory_space<hbm>> -> memref<1x128x32xf32, #tpu.memory_space<hbm>>
      %dma_wait3A_103 = tpu.memref_squeeze %dma_wait3A_102 : memref<1x128x32xf32, #tpu.memory_space<hbm>> -> memref<128x32xf32, #tpu.memory_space<hbm>>
      %dma_wait3A_104 = arith.constant 0 : i32
      %dma_wait3A_105 = tpu.memref_slice %arg5[%arg0, %add3A_63, %dma_wait3A_104] : memref<2x10112x32xf32, #tpu.memory_space<hbm>> -> memref<1x128x32xf32, #tpu.memory_space<hbm>>
      %dma_wait3A_106 = tpu.memref_squeeze %dma_wait3A_105 : memref<1x128x32xf32, #tpu.memory_space<hbm>> -> memref<128x32xf32, #tpu.memory_space<hbm>>
      %dma_wait3A_107 = arith.constant 0 : i32
      %dma_wait3A_108 = arith.constant 0 : i32
      %dma_wait3A_109 = tpu.memref_slice %arg7[%dma_wait3A_107, %dma_wait3A_108] : memref<128x32xf32, #tpu.memory_space<vmem>> -> memref<128x32xf32, #tpu.memory_space<vmem>>
      tpu.wait_dma2 semaphore(%run_scoped3A : memref<!tpu.dma_semaphore, #tpu.memory_space<semaphore_mem>>) src(%dma_wait3A_109 : memref<128x32xf32, #tpu.memory_space<vmem>>) dst(%dma_wait3A_106 : memref<128x32xf32, #tpu.memory_space<hbm>>)
      tpu.yield
    }) : () -> ()
    %mul3A_64 = arith.constant 632 : i32
    %mul3A_65 = arith.muli %arg1, %mul3A_64 : i32
    %add3A_66 = arith.constant 256 : i32
    %add3A_67 = arith.addi %mul3A_65, %add3A_66 : i32
    "tpu.region"() ({
      %run_scoped3A = tpu.sem_alloc : memref<!tpu.dma_semaphore, #tpu.memory_space<semaphore_mem>>
      %dma_start3A = arith.constant 0 : i32
      %dma_start3A_88 = arith.constant 0 : i32
      %dma_start3A_89 = tpu.memref_slice %arg7[%dma_start3A, %dma_start3A_88] : memref<128x32xf32, #tpu.memory_space<vmem>> -> memref<128x32xf32, #tpu.memory_space<vmem>>
      %dma_start3A_90 = arith.constant 0 : i32
      %dma_start3A_91 = tpu.memref_slice %arg8[%add3A_67, %dma_start3A_90] : memref<10112x32xf32, #tpu.memory_space<vmem_shared>> -> memref<128x32xf32, #tpu.memory_space<vmem_shared>>
      %dma_start3A_92 = arith.constant 0 : i32
      %dma_start3A_93 = arith.constant 0 : i32
      %dma_start3A_94 = tpu.memref_slice %arg7[%dma_start3A_92, %dma_start3A_93] : memref<128x32xf32, #tpu.memory_space<vmem>> -> memref<128x32xf32, #tpu.memory_space<vmem>>
      %dma_start3A_95 = arith.constant 0 : i32
      %dma_start3A_96 = tpu.memref_slice %arg8[%add3A_67, %dma_start3A_95] : memref<10112x32xf32, #tpu.memory_space<vmem_shared>> -> memref<128x32xf32, #tpu.memory_space<vmem_shared>>
      tpu.enqueue_dma source(%dma_start3A_96 : memref<128x32xf32, #tpu.memory_space<vmem_shared>>) target(%dma_start3A_94 : memref<128x32xf32, #tpu.memory_space<vmem>>) target_semaphore(%run_scoped3A : memref<!tpu.dma_semaphore, #tpu.memory_space<semaphore_mem>>)
      %dma_wait3A = arith.constant 0 : i32
      %dma_wait3A_97 = arith.constant 0 : i32
      %dma_wait3A_98 = tpu.memref_slice %arg7[%dma_wait3A, %dma_wait3A_97] : memref<128x32xf32, #tpu.memory_space<vmem>> -> memref<128x32xf32, #tpu.memory_space<vmem>>
      %dma_wait3A_99 = arith.constant 0 : i32
      %dma_wait3A_100 = tpu.memref_slice %arg8[%add3A_67, %dma_wait3A_99] : memref<10112x32xf32, #tpu.memory_space<vmem_shared>> -> memref<128x32xf32, #tpu.memory_space<vmem_shared>>
      %dma_wait3A_101 = arith.constant 0 : i32
      %dma_wait3A_102 = arith.constant 0 : i32
      %dma_wait3A_103 = tpu.memref_slice %arg7[%dma_wait3A_101, %dma_wait3A_102] : memref<128x32xf32, #tpu.memory_space<vmem>> -> memref<128x32xf32, #tpu.memory_space<vmem>>
      %dma_wait3A_104 = arith.constant 0 : i32
      %dma_wait3A_105 = tpu.memref_slice %arg8[%add3A_67, %dma_wait3A_104] : memref<10112x32xf32, #tpu.memory_space<vmem_shared>> -> memref<128x32xf32, #tpu.memory_space<vmem_shared>>
      tpu.wait_dma2 semaphore(%run_scoped3A : memref<!tpu.dma_semaphore, #tpu.memory_space<semaphore_mem>>) src(%dma_wait3A_105 : memref<128x32xf32, #tpu.memory_space<vmem_shared>>) dst(%dma_wait3A_103 : memref<128x32xf32, #tpu.memory_space<vmem>>)
      tpu.yield
    }) : () -> ()
    %mul3A_68 = arith.constant 632 : i32
    %mul3A_69 = arith.muli %arg1, %mul3A_68 : i32
    %add3A_70 = arith.constant 256 : i32
    %add3A_71 = arith.addi %mul3A_69, %add3A_70 : i32
    "tpu.region"() ({
      %run_scoped3A = tpu.sem_alloc : memref<!tpu.dma_semaphore, #tpu.memory_space<semaphore_mem>>
      %dma_start3A = arith.constant 0 : i32
      %dma_start3A_88 = arith.constant 0 : i32
      %dma_start3A_89 = tpu.memref_slice %arg7[%dma_start3A, %dma_start3A_88] : memref<128x32xf32, #tpu.memory_space<vmem>> -> memref<128x32xf32, #tpu.memory_space<vmem>>
      %dma_start3A_90 = arith.constant 0 : i32
      %dma_start3A_91 = tpu.memref_slice %arg5[%arg0, %add3A_71, %dma_start3A_90] : memref<2x10112x32xf32, #tpu.memory_space<hbm>> -> memref<1x128x32xf32, #tpu.memory_space<hbm>>
      %dma_start3A_92 = tpu.memref_squeeze %dma_start3A_91 : memref<1x128x32xf32, #tpu.memory_space<hbm>> -> memref<128x32xf32, #tpu.memory_space<hbm>>
      %dma_start3A_93 = arith.constant 0 : i32
      %dma_start3A_94 = tpu.memref_slice %arg5[%arg0, %add3A_71, %dma_start3A_93] : memref<2x10112x32xf32, #tpu.memory_space<hbm>> -> memref<1x128x32xf32, #tpu.memory_space<hbm>>
      %dma_start3A_95 = tpu.memref_squeeze %dma_start3A_94 : memref<1x128x32xf32, #tpu.memory_space<hbm>> -> memref<128x32xf32, #tpu.memory_space<hbm>>
      %dma_start3A_96 = arith.constant 0 : i32
      %dma_start3A_97 = arith.constant 0 : i32
      %dma_start3A_98 = tpu.memref_slice %arg7[%dma_start3A_96, %dma_start3A_97] : memref<128x32xf32, #tpu.memory_space<vmem>> -> memref<128x32xf32, #tpu.memory_space<vmem>>
      tpu.enqueue_dma source(%dma_start3A_98 : memref<128x32xf32, #tpu.memory_space<vmem>>) target(%dma_start3A_95 : memref<128x32xf32, #tpu.memory_space<hbm>>) target_semaphore(%run_scoped3A : memref<!tpu.dma_semaphore, #tpu.memory_space<semaphore_mem>>)
      %dma_wait3A = arith.constant 0 : i32
      %dma_wait3A_99 = arith.constant 0 : i32
      %dma_wait3A_100 = tpu.memref_slice %arg7[%dma_wait3A, %dma_wait3A_99] : memref<128x32xf32, #tpu.memory_space<vmem>> -> memref<128x32xf32, #tpu.memory_space<vmem>>
      %dma_wait3A_101 = arith.constant 0 : i32
      %dma_wait3A_102 = tpu.memref_slice %arg5[%arg0, %add3A_71, %dma_wait3A_101] : memref<2x10112x32xf32, #tpu.memory_space<hbm>> -> memref<1x128x32xf32, #tpu.memory_space<hbm>>
      %dma_wait3A_103 = tpu.memref_squeeze %dma_wait3A_102 : memref<1x128x32xf32, #tpu.memory_space<hbm>> -> memref<128x32xf32, #tpu.memory_space<hbm>>
      %dma_wait3A_104 = arith.constant 0 : i32
      %dma_wait3A_105 = tpu.memref_slice %arg5[%arg0, %add3A_71, %dma_wait3A_104] : memref<2x10112x32xf32, #tpu.memory_space<hbm>> -> memref<1x128x32xf32, #tpu.memory_space<hbm>>
      %dma_wait3A_106 = tpu.memref_squeeze %dma_wait3A_105 : memref<1x128x32xf32, #tpu.memory_space<hbm>> -> memref<128x32xf32, #tpu.memory_space<hbm>>
      %dma_wait3A_107 = arith.constant 0 : i32
      %dma_wait3A_108 = arith.constant 0 : i32
      %dma_wait3A_109 = tpu.memref_slice %arg7[%dma_wait3A_107, %dma_wait3A_108] : memref<128x32xf32, #tpu.memory_space<vmem>> -> memref<128x32xf32, #tpu.memory_space<vmem>>
      tpu.wait_dma2 semaphore(%run_scoped3A : memref<!tpu.dma_semaphore, #tpu.memory_space<semaphore_mem>>) src(%dma_wait3A_109 : memref<128x32xf32, #tpu.memory_space<vmem>>) dst(%dma_wait3A_106 : memref<128x32xf32, #tpu.memory_space<hbm>>)
      tpu.yield
    }) : () -> ()
    %mul3A_72 = arith.constant 632 : i32
    %mul3A_73 = arith.muli %arg1, %mul3A_72 : i32
    %add3A_74 = arith.constant 384 : i32
    %add3A_75 = arith.addi %mul3A_73, %add3A_74 : i32
    "tpu.region"() ({
      %run_scoped3A = tpu.sem_alloc : memref<!tpu.dma_semaphore, #tpu.memory_space<semaphore_mem>>
      %dma_start3A = arith.constant 0 : i32
      %dma_start3A_88 = arith.constant 0 : i32
      %dma_start3A_89 = tpu.memref_slice %arg7[%dma_start3A, %dma_start3A_88] : memref<128x32xf32, #tpu.memory_space<vmem>> -> memref<128x32xf32, #tpu.memory_space<vmem>>
      %dma_start3A_90 = arith.constant 0 : i32
      %dma_start3A_91 = tpu.memref_slice %arg8[%add3A_75, %dma_start3A_90] : memref<10112x32xf32, #tpu.memory_space<vmem_shared>> -> memref<128x32xf32, #tpu.memory_space<vmem_shared>>
      %dma_start3A_92 = arith.constant 0 : i32
      %dma_start3A_93 = arith.constant 0 : i32
      %dma_start3A_94 = tpu.memref_slice %arg7[%dma_start3A_92, %dma_start3A_93] : memref<128x32xf32, #tpu.memory_space<vmem>> -> memref<128x32xf32, #tpu.memory_space<vmem>>
      %dma_start3A_95 = arith.constant 0 : i32
      %dma_start3A_96 = tpu.memref_slice %arg8[%add3A_75, %dma_start3A_95] : memref<10112x32xf32, #tpu.memory_space<vmem_shared>> -> memref<128x32xf32, #tpu.memory_space<vmem_shared>>
      tpu.enqueue_dma source(%dma_start3A_96 : memref<128x32xf32, #tpu.memory_space<vmem_shared>>) target(%dma_start3A_94 : memref<128x32xf32, #tpu.memory_space<vmem>>) target_semaphore(%run_scoped3A : memref<!tpu.dma_semaphore, #tpu.memory_space<semaphore_mem>>)
      %dma_wait3A = arith.constant 0 : i32
      %dma_wait3A_97 = arith.constant 0 : i32
      %dma_wait3A_98 = tpu.memref_slice %arg7[%dma_wait3A, %dma_wait3A_97] : memref<128x32xf32, #tpu.memory_space<vmem>> -> memref<128x32xf32, #tpu.memory_space<vmem>>
      %dma_wait3A_99 = arith.constant 0 : i32
      %dma_wait3A_100 = tpu.memref_slice %arg8[%add3A_75, %dma_wait3A_99] : memref<10112x32xf32, #tpu.memory_space<vmem_shared>> -> memref<128x32xf32, #tpu.memory_space<vmem_shared>>
      %dma_wait3A_101 = arith.constant 0 : i32
      %dma_wait3A_102 = arith.constant 0 : i32
      %dma_wait3A_103 = tpu.memref_slice %arg7[%dma_wait3A_101, %dma_wait3A_102] : memref<128x32xf32, #tpu.memory_space<vmem>> -> memref<128x32xf32, #tpu.memory_space<vmem>>
      %dma_wait3A_104 = arith.constant 0 : i32
      %dma_wait3A_105 = tpu.memref_slice %arg8[%add3A_75, %dma_wait3A_104] : memref<10112x32xf32, #tpu.memory_space<vmem_shared>> -> memref<128x32xf32, #tpu.memory_space<vmem_shared>>
      tpu.wait_dma2 semaphore(%run_scoped3A : memref<!tpu.dma_semaphore, #tpu.memory_space<semaphore_mem>>) src(%dma_wait3A_105 : memref<128x32xf32, #tpu.memory_space<vmem_shared>>) dst(%dma_wait3A_103 : memref<128x32xf32, #tpu.memory_space<vmem>>)
      tpu.yield
    }) : () -> ()
    %mul3A_76 = arith.constant 632 : i32
    %mul3A_77 = arith.muli %arg1, %mul3A_76 : i32
    %add3A_78 = arith.constant 384 : i32
    %add3A_79 = arith.addi %mul3A_77, %add3A_78 : i32
    "tpu.region"() ({
      %run_scoped3A = tpu.sem_alloc : memref<!tpu.dma_semaphore, #tpu.memory_space<semaphore_mem>>
      %dma_start3A = arith.constant 0 : i32
      %dma_start3A_88 = arith.constant 0 : i32
      %dma_start3A_89 = tpu.memref_slice %arg7[%dma_start3A, %dma_start3A_88] : memref<128x32xf32, #tpu.memory_space<vmem>> -> memref<128x32xf32, #tpu.memory_space<vmem>>
      %dma_start3A_90 = arith.constant 0 : i32
      %dma_start3A_91 = tpu.memref_slice %arg5[%arg0, %add3A_79, %dma_start3A_90] : memref<2x10112x32xf32, #tpu.memory_space<hbm>> -> memref<1x128x32xf32, #tpu.memory_space<hbm>>
      %dma_start3A_92 = tpu.memref_squeeze %dma_start3A_91 : memref<1x128x32xf32, #tpu.memory_space<hbm>> -> memref<128x32xf32, #tpu.memory_space<hbm>>
      %dma_start3A_93 = arith.constant 0 : i32
      %dma_start3A_94 = tpu.memref_slice %arg5[%arg0, %add3A_79, %dma_start3A_93] : memref<2x10112x32xf32, #tpu.memory_space<hbm>> -> memref<1x128x32xf32, #tpu.memory_space<hbm>>
      %dma_start3A_95 = tpu.memref_squeeze %dma_start3A_94 : memref<1x128x32xf32, #tpu.memory_space<hbm>> -> memref<128x32xf32, #tpu.memory_space<hbm>>
      %dma_start3A_96 = arith.constant 0 : i32
      %dma_start3A_97 = arith.constant 0 : i32
      %dma_start3A_98 = tpu.memref_slice %arg7[%dma_start3A_96, %dma_start3A_97] : memref<128x32xf32, #tpu.memory_space<vmem>> -> memref<128x32xf32, #tpu.memory_space<vmem>>
      tpu.enqueue_dma source(%dma_start3A_98 : memref<128x32xf32, #tpu.memory_space<vmem>>) target(%dma_start3A_95 : memref<128x32xf32, #tpu.memory_space<hbm>>) target_semaphore(%run_scoped3A : memref<!tpu.dma_semaphore, #tpu.memory_space<semaphore_mem>>)
      %dma_wait3A = arith.constant 0 : i32
      %dma_wait3A_99 = arith.constant 0 : i32
      %dma_wait3A_100 = tpu.memref_slice %arg7[%dma_wait3A, %dma_wait3A_99] : memref<128x32xf32, #tpu.memory_space<vmem>> -> memref<128x32xf32, #tpu.memory_space<vmem>>
      %dma_wait3A_101 = arith.constant 0 : i32
      %dma_wait3A_102 = tpu.memref_slice %arg5[%arg0, %add3A_79, %dma_wait3A_101] : memref<2x10112x32xf32, #tpu.memory_space<hbm>> -> memref<1x128x32xf32, #tpu.memory_space<hbm>>
      %dma_wait3A_103 = tpu.memref_squeeze %dma_wait3A_102 : memref<1x128x32xf32, #tpu.memory_space<hbm>> -> memref<128x32xf32, #tpu.memory_space<hbm>>
      %dma_wait3A_104 = arith.constant 0 : i32
      %dma_wait3A_105 = tpu.memref_slice %arg5[%arg0, %add3A_79, %dma_wait3A_104] : memref<2x10112x32xf32, #tpu.memory_space<hbm>> -> memref<1x128x32xf32, #tpu.memory_space<hbm>>
      %dma_wait3A_106 = tpu.memref_squeeze %dma_wait3A_105 : memref<1x128x32xf32, #tpu.memory_space<hbm>> -> memref<128x32xf32, #tpu.memory_space<hbm>>
      %dma_wait3A_107 = arith.constant 0 : i32
      %dma_wait3A_108 = arith.constant 0 : i32
      %dma_wait3A_109 = tpu.memref_slice %arg7[%dma_wait3A_107, %dma_wait3A_108] : memref<128x32xf32, #tpu.memory_space<vmem>> -> memref<128x32xf32, #tpu.memory_space<vmem>>
      tpu.wait_dma2 semaphore(%run_scoped3A : memref<!tpu.dma_semaphore, #tpu.memory_space<semaphore_mem>>) src(%dma_wait3A_109 : memref<128x32xf32, #tpu.memory_space<vmem>>) dst(%dma_wait3A_106 : memref<128x32xf32, #tpu.memory_space<hbm>>)
      tpu.yield
    }) : () -> ()
    %mul3A_80 = arith.constant 632 : i32
    %mul3A_81 = arith.muli %arg1, %mul3A_80 : i32
    %add3A_82 = arith.constant 512 : i32
    %add3A_83 = arith.addi %mul3A_81, %add3A_82 : i32
    "tpu.region"() ({
      %run_scoped3A = tpu.sem_alloc : memref<!tpu.dma_semaphore, #tpu.memory_space<semaphore_mem>>
      %dma_start3A = arith.constant 0 : i32
      %dma_start3A_88 = arith.constant 0 : i32
      %dma_start3A_89 = tpu.memref_slice %arg7[%dma_start3A, %dma_start3A_88] : memref<128x32xf32, #tpu.memory_space<vmem>> -> memref<120x32xf32, #tpu.memory_space<vmem>>
      %dma_start3A_90 = arith.constant 0 : i32
      %dma_start3A_91 = tpu.memref_slice %arg8[%add3A_83, %dma_start3A_90] : memref<10112x32xf32, #tpu.memory_space<vmem_shared>> -> memref<120x32xf32, #tpu.memory_space<vmem_shared>>
      %dma_start3A_92 = arith.constant 0 : i32
      %dma_start3A_93 = arith.constant 0 : i32
      %dma_start3A_94 = tpu.memref_slice %arg7[%dma_start3A_92, %dma_start3A_93] : memref<128x32xf32, #tpu.memory_space<vmem>> -> memref<120x32xf32, #tpu.memory_space<vmem>>
      %dma_start3A_95 = arith.constant 0 : i32
      %dma_start3A_96 = tpu.memref_slice %arg8[%add3A_83, %dma_start3A_95] : memref<10112x32xf32, #tpu.memory_space<vmem_shared>> -> memref<120x32xf32, #tpu.memory_space<vmem_shared>>
      tpu.enqueue_dma source(%dma_start3A_96 : memref<120x32xf32, #tpu.memory_space<vmem_shared>>) target(%dma_start3A_94 : memref<120x32xf32, #tpu.memory_space<vmem>>) target_semaphore(%run_scoped3A : memref<!tpu.dma_semaphore, #tpu.memory_space<semaphore_mem>>)
      %dma_wait3A = arith.constant 0 : i32
      %dma_wait3A_97 = arith.constant 0 : i32
      %dma_wait3A_98 = tpu.memref_slice %arg7[%dma_wait3A, %dma_wait3A_97] : memref<128x32xf32, #tpu.memory_space<vmem>> -> memref<120x32xf32, #tpu.memory_space<vmem>>
      %dma_wait3A_99 = arith.constant 0 : i32
      %dma_wait3A_100 = tpu.memref_slice %arg8[%add3A_83, %dma_wait3A_99] : memref<10112x32xf32, #tpu.memory_space<vmem_shared>> -> memref<120x32xf32, #tpu.memory_space<vmem_shared>>
      %dma_wait3A_101 = arith.constant 0 : i32
      %dma_wait3A_102 = arith.constant 0 : i32
      %dma_wait3A_103 = tpu.memref_slice %arg7[%dma_wait3A_101, %dma_wait3A_102] : memref<128x32xf32, #tpu.memory_space<vmem>> -> memref<120x32xf32, #tpu.memory_space<vmem>>
      %dma_wait3A_104 = arith.constant 0 : i32
      %dma_wait3A_105 = tpu.memref_slice %arg8[%add3A_83, %dma_wait3A_104] : memref<10112x32xf32, #tpu.memory_space<vmem_shared>> -> memref<120x32xf32, #tpu.memory_space<vmem_shared>>
      tpu.wait_dma2 semaphore(%run_scoped3A : memref<!tpu.dma_semaphore, #tpu.memory_space<semaphore_mem>>) src(%dma_wait3A_105 : memref<120x32xf32, #tpu.memory_space<vmem_shared>>) dst(%dma_wait3A_103 : memref<120x32xf32, #tpu.memory_space<vmem>>)
      tpu.yield
    }) : () -> ()
    %mul3A_84 = arith.constant 632 : i32
    %mul3A_85 = arith.muli %arg1, %mul3A_84 : i32
    %add3A_86 = arith.constant 512 : i32
    %add3A_87 = arith.addi %mul3A_85, %add3A_86 : i32
    "tpu.region"() ({
      %run_scoped3A = tpu.sem_alloc : memref<!tpu.dma_semaphore, #tpu.memory_space<semaphore_mem>>
      %dma_start3A = arith.constant 0 : i32
      %dma_start3A_88 = arith.constant 0 : i32
      %dma_start3A_89 = tpu.memref_slice %arg7[%dma_start3A, %dma_start3A_88] : memref<128x32xf32, #tpu.memory_space<vmem>> -> memref<120x32xf32, #tpu.memory_space<vmem>>
      %dma_start3A_90 = arith.constant 0 : i32
      %dma_start3A_91 = tpu.memref_slice %arg5[%arg0, %add3A_87, %dma_start3A_90] : memref<2x10112x32xf32, #tpu.memory_space<hbm>> -> memref<1x120x32xf32, #tpu.memory_space<hbm>>
      %dma_start3A_92 = tpu.memref_squeeze %dma_start3A_91 : memref<1x120x32xf32, #tpu.memory_space<hbm>> -> memref<120x32xf32, #tpu.memory_space<hbm>>
      %dma_start3A_93 = arith.constant 0 : i32
      %dma_start3A_94 = tpu.memref_slice %arg5[%arg0, %add3A_87, %dma_start3A_93] : memref<2x10112x32xf32, #tpu.memory_space<hbm>> -> memref<1x120x32xf32, #tpu.memory_space<hbm>>
      %dma_start3A_95 = tpu.memref_squeeze %dma_start3A_94 : memref<1x120x32xf32, #tpu.memory_space<hbm>> -> memref<120x32xf32, #tpu.memory_space<hbm>>
      %dma_start3A_96 = arith.constant 0 : i32
      %dma_start3A_97 = arith.constant 0 : i32
      %dma_start3A_98 = tpu.memref_slice %arg7[%dma_start3A_96, %dma_start3A_97] : memref<128x32xf32, #tpu.memory_space<vmem>> -> memref<120x32xf32, #tpu.memory_space<vmem>>
      tpu.enqueue_dma source(%dma_start3A_98 : memref<120x32xf32, #tpu.memory_space<vmem>>) target(%dma_start3A_95 : memref<120x32xf32, #tpu.memory_space<hbm>>) target_semaphore(%run_scoped3A : memref<!tpu.dma_semaphore, #tpu.memory_space<semaphore_mem>>)
      %dma_wait3A = arith.constant 0 : i32
      %dma_wait3A_99 = arith.constant 0 : i32
      %dma_wait3A_100 = tpu.memref_slice %arg7[%dma_wait3A, %dma_wait3A_99] : memref<128x32xf32, #tpu.memory_space<vmem>> -> memref<120x32xf32, #tpu.memory_space<vmem>>
      %dma_wait3A_101 = arith.constant 0 : i32
      %dma_wait3A_102 = tpu.memref_slice %arg5[%arg0, %add3A_87, %dma_wait3A_101] : memref<2x10112x32xf32, #tpu.memory_space<hbm>> -> memref<1x120x32xf32, #tpu.memory_space<hbm>>
      %dma_wait3A_103 = tpu.memref_squeeze %dma_wait3A_102 : memref<1x120x32xf32, #tpu.memory_space<hbm>> -> memref<120x32xf32, #tpu.memory_space<hbm>>
      %dma_wait3A_104 = arith.constant 0 : i32
      %dma_wait3A_105 = tpu.memref_slice %arg5[%arg0, %add3A_87, %dma_wait3A_104] : memref<2x10112x32xf32, #tpu.memory_space<hbm>> -> memref<1x120x32xf32, #tpu.memory_space<hbm>>
      %dma_wait3A_106 = tpu.memref_squeeze %dma_wait3A_105 : memref<1x120x32xf32, #tpu.memory_space<hbm>> -> memref<120x32xf32, #tpu.memory_space<hbm>>
      %dma_wait3A_107 = arith.constant 0 : i32
      %dma_wait3A_108 = arith.constant 0 : i32
      %dma_wait3A_109 = tpu.memref_slice %arg7[%dma_wait3A_107, %dma_wait3A_108] : memref<128x32xf32, #tpu.memory_space<vmem>> -> memref<120x32xf32, #tpu.memory_space<vmem>>
      tpu.wait_dma2 semaphore(%run_scoped3A : memref<!tpu.dma_semaphore, #tpu.memory_space<semaphore_mem>>) src(%dma_wait3A_109 : memref<120x32xf32, #tpu.memory_space<vmem>>) dst(%dma_wait3A_106 : memref<120x32xf32, #tpu.memory_space<hbm>>)
      tpu.yield
    }) : () -> ()
    return
  }
}

module attributes {stable_mosaic.version = 14 : i64} {
  func.func @body(%arg0: memref<10000x128xf32, #tpu.memory_space<vmem>>, %arg1: memref<128x32xf32, #tpu.memory_space<vmem>>, %arg2: memref<128x32xf32, #tpu.memory_space<vmem>>, %arg3: memref<10112x32xf32, #tpu.memory_space<vmem>>, %arg4: memref<10000x32xf32, #tpu.memory_space<vmem>>) attributes {dimension_semantics = [], scalar_prefetch = 0 : i64, scratch_operands = 0 : i64, tpu.core_type = #tpu.core_type<tc>} {
    %get3A = arith.constant 0 : index
    %get3A_0 = arith.constant 0 : index
    %get3A_1 = vector.load %arg0[%get3A, %get3A_0] : memref<10000x128xf32, #tpu.memory_space<vmem>>, vector<10000x128xf32>
    %get3A_2 = arith.constant 0 : index
    %get3A_3 = arith.constant 0 : index
    %get3A_4 = vector.load %arg1[%get3A_2, %get3A_3] : memref<128x32xf32, #tpu.memory_space<vmem>>, vector<128x32xf32>
    %dot_general3A = arith.constant dense<0.000000e+00> : vector<10000x32xf32>
    %dot_general3A_5 = tpu.matmul %get3A_1, %get3A_4, %dot_general3A {dimension_numbers = #tpu.dot_dimension_numbers<[1], [0], [0], [1], [0, 0, 1, 1], [], []>, transpose_lhs_hint = false} : vector<10000x128xf32>, vector<128x32xf32>, vector<10000x32xf32> -> vector<10000x32xf32>
    %iota3A = tpu.iota {dimensions = array<i32: 1>} : vector<10000x32xi32>
    %eq3A = arith.constant 31 : i32
    %eq3A_6 = vector.broadcast %eq3A : i32 to vector<10000x32xi32>
    %eq3A_7 = arith.cmpi eq, %iota3A, %eq3A_6 : vector<10000x32xi32>
    %jit3A = arith.constant 1.000000e+00 : f32
    %broadcast_in_dim3A = vector.broadcast %jit3A : f32 to vector<10000x32xf32>
    %select_n3A = arith.select %eq3A_7, %broadcast_in_dim3A, %dot_general3A_5 : vector<10000x32xi1>, vector<10000x32xf32>
    %swap3A = arith.constant 0 : index
    %swap3A_8 = arith.constant 0 : index
    %swap3A_9 = vector.load %arg3[%swap3A, %swap3A_8] : memref<10112x32xf32, #tpu.memory_space<vmem>>, vector<10000x32xf32>
    tpu.vector_store %arg3[%swap3A, %swap3A_8], %select_n3A {strides = array<i32>} : memref<10112x32xf32, #tpu.memory_space<vmem>>, vector<10000x32xf32>,
    %broadcast_in_dim3A_10 = arith.constant 0.000000e+00 : f32
    %broadcast_in_dim3A_11 = vector.broadcast %broadcast_in_dim3A_10 : f32 to vector<112x32xf32>
    %swap3A_12 = arith.constant 10000 : index
    %swap3A_13 = arith.constant 0 : index
    %swap3A_14 = vector.load %arg3[%swap3A_12, %swap3A_13] : memref<10112x32xf32, #tpu.memory_space<vmem>>, vector<112x32xf32>
    tpu.vector_store %arg3[%swap3A_12, %swap3A_13], %broadcast_in_dim3A_11 {strides = array<i32>} : memref<10112x32xf32, #tpu.memory_space<vmem>>, vector<112x32xf32>,
    %get3A_15 = arith.constant 0 : index
    %get3A_16 = arith.constant 0 : index
    %get3A_17 = vector.load %arg2[%get3A_15, %get3A_16] : memref<128x32xf32, #tpu.memory_space<vmem>>, vector<128x32xf32>
    %dot_general3A_18 = arith.constant dense<0.000000e+00> : vector<10000x32xf32>
    %dot_general3A_19 = tpu.matmul %get3A_1, %get3A_17, %dot_general3A_18 {dimension_numbers = #tpu.dot_dimension_numbers<[1], [0], [0], [1], [0, 0, 1, 1], [], []>, transpose_lhs_hint = false} : vector<10000x128xf32>, vector<128x32xf32>, vector<10000x32xf32> -> vector<10000x32xf32>
    %swap3A_20 = arith.constant 0 : index
    %swap3A_21 = arith.constant 0 : index
    %swap3A_22 = vector.load %arg4[%swap3A_20, %swap3A_21] : memref<10000x32xf32, #tpu.memory_space<vmem>>, vector<10000x32xf32>
    tpu.vector_store %arg4[%swap3A_20, %swap3A_21], %dot_general3A_19 {strides = array<i32>} : memref<10000x32xf32, #tpu.memory_space<vmem>>, vector<10000x32xf32>,
    return
  }
}

module attributes {stable_mosaic.version = 14 : i64} {
  func.func @body(%arg0: memref<2x10112x32xf32, #tpu.memory_space<vmem>>, %arg1: memref<10000x32xf32, #tpu.memory_space<vmem>>, %arg2: memref<1x32xf32, #tpu.memory_space<vmem>>, %arg3: memref<1x32xf32, #tpu.memory_space<vmem>>, %arg4: memref<1x32xf32, #tpu.memory_space<vmem>>, %arg5: memref<32x32xf32, #tpu.memory_space<vmem>>, %arg6: memref<32x32xf32, #tpu.memory_space<vmem>>, %arg7: memref<10112x32xf32, #tpu.memory_space<vmem>>, %arg8: memref<10000x32xf32, #tpu.memory_space<vmem>>) attributes {dimension_semantics = [], scalar_prefetch = 0 : i64, scratch_operands = 0 : i64, tpu.core_type = #tpu.core_type<tc>} {
    %get3A = arith.constant 0 : index
    %get3A_0 = arith.constant 0 : index
    %get3A_1 = arith.constant 0 : index
    %get3A_2 = vector.load %arg0[%get3A, %get3A_0, %get3A_1] : memref<2x10112x32xf32, #tpu.memory_space<vmem>>, vector<1x10000x32xf32>
    %get3A_3 = vector.shape_cast %get3A_2 : vector<1x10000x32xf32> to vector<10000x32xf32>
    %get3A_4 = arith.constant 1 : index
    %get3A_5 = arith.constant 0 : index
    %get3A_6 = arith.constant 0 : index
    %get3A_7 = vector.load %arg0[%get3A_4, %get3A_5, %get3A_6] : memref<2x10112x32xf32, #tpu.memory_space<vmem>>, vector<1x10000x32xf32>
    %get3A_8 = vector.shape_cast %get3A_7 : vector<1x10000x32xf32> to vector<10000x32xf32>
    %add3A = arith.addf %get3A_3, %get3A_8 : vector<10000x32xf32>
    %slice3A = vector.extract_strided_slice %add3A {offsets = [0, 31], sizes = [10000, 1], strides = [1, 1]} : vector<10000x32xf32> to vector<10000x1xf32>
    %max3A = arith.constant 1.000000e+00 : f32
    %max3A_9 = vector.broadcast %max3A : f32 to vector<10000x1xf32>
    %max3A_10 = arith.maximumf %slice3A, %max3A_9 : vector<10000x1xf32>
    %div3A = vector.broadcast %max3A_10 : vector<10000x1xf32> to vector<10000x32xf32>
    %div3A_11 = arith.divf %add3A, %div3A : vector<10000x32xf32>
    %get3A_12 = arith.constant 0 : index
    %get3A_13 = arith.constant 0 : index
    %get3A_14 = vector.load %arg2[%get3A_12, %get3A_13] : memref<1x32xf32, #tpu.memory_space<vmem>>, vector<1x32xf32>
    %add3A_15 = vector.broadcast %get3A_14 : vector<1x32xf32> to vector<10000x32xf32>
    %add3A_16 = arith.addf %div3A_11, %add3A_15 : vector<10000x32xf32>
    %get3A_17 = arith.constant 0 : index
    %get3A_18 = arith.constant 0 : index
    %get3A_19 = vector.load %arg1[%get3A_17, %get3A_18] : memref<10000x32xf32, #tpu.memory_space<vmem>>, vector<10000x32xf32>
    %add3A_20 = arith.addf %add3A_16, %get3A_19 : vector<10000x32xf32>
    %max3A_21 = arith.constant 0.000000e+00 : f32
    %max3A_22 = vector.broadcast %max3A_21 : f32 to vector<10000x32xf32>
    %max3A_23 = arith.maximumf %add3A_20, %max3A_22 : vector<10000x32xf32>
    %reduce_sum3A = arith.constant dense<0.000000e+00> : vector<32xf32>
    %reduce_sum3A_24 = vector.multi_reduction <add>, %max3A_23, %reduce_sum3A [0] : vector<10000x32xf32> to vector<32xf32>
    %broadcast_in_dim3A = vector.shape_cast %reduce_sum3A_24 : vector<32xf32> to vector<1x32xf32>
    %div3A_25 = arith.constant 1.000000e+04 : f32
    %div3A_26 = vector.broadcast %div3A_25 : f32 to vector<1x32xf32>
    %div3A_27 = arith.divf %broadcast_in_dim3A, %div3A_26 : vector<1x32xf32>
    %sub3A = vector.broadcast %div3A_27 : vector<1x32xf32> to vector<10000x32xf32>
    %sub3A_28 = arith.subf %max3A_23, %sub3A : vector<10000x32xf32>
    %sub3A_29 = vector.broadcast %div3A_27 : vector<1x32xf32> to vector<10000x32xf32>
    %sub3A_30 = arith.subf %max3A_23, %sub3A_29 : vector<10000x32xf32>
    %mul3A = arith.mulf %sub3A_28, %sub3A_30 : vector<10000x32xf32>
    %reduce_sum3A_31 = arith.constant dense<0.000000e+00> : vector<32xf32>
    %reduce_sum3A_32 = vector.multi_reduction <add>, %mul3A, %reduce_sum3A_31 [0] : vector<10000x32xf32> to vector<32xf32>
    %broadcast_in_dim3A_33 = vector.shape_cast %reduce_sum3A_32 : vector<32xf32> to vector<1x32xf32>
    %div3A_34 = arith.constant 1.000000e+04 : f32
    %div3A_35 = vector.broadcast %div3A_34 : f32 to vector<1x32xf32>
    %div3A_36 = arith.divf %broadcast_in_dim3A_33, %div3A_35 : vector<1x32xf32>
    %sub3A_37 = vector.broadcast %div3A_27 : vector<1x32xf32> to vector<10000x32xf32>
    %sub3A_38 = arith.subf %max3A_23, %sub3A_37 : vector<10000x32xf32>
    %add3A_39 = arith.constant 9.99999974E-6 : f32
    %add3A_40 = vector.broadcast %add3A_39 : f32 to vector<1x32xf32>
    %add3A_41 = arith.addf %div3A_36, %add3A_40 : vector<1x32xf32>
    %rsqrt3A = math.rsqrt %add3A_41 : vector<1x32xf32>
    %mul3A_42 = vector.broadcast %rsqrt3A : vector<1x32xf32> to vector<10000x32xf32>
    %mul3A_43 = arith.mulf %sub3A_38, %mul3A_42 : vector<10000x32xf32>
    %get3A_44 = arith.constant 0 : index
    %get3A_45 = arith.constant 0 : index
    %get3A_46 = vector.load %arg3[%get3A_44, %get3A_45] : memref<1x32xf32, #tpu.memory_space<vmem>>, vector<1x32xf32>
    %mul3A_47 = vector.broadcast %get3A_46 : vector<1x32xf32> to vector<10000x32xf32>
    %mul3A_48 = arith.mulf %mul3A_43, %mul3A_47 : vector<10000x32xf32>
    %get3A_49 = arith.constant 0 : index
    %get3A_50 = arith.constant 0 : index
    %get3A_51 = vector.load %arg4[%get3A_49, %get3A_50] : memref<1x32xf32, #tpu.memory_space<vmem>>, vector<1x32xf32>
    %add3A_52 = vector.broadcast %get3A_51 : vector<1x32xf32> to vector<10000x32xf32>
    %add3A_53 = arith.addf %mul3A_48, %add3A_52 : vector<10000x32xf32>
    %get3A_54 = arith.constant 0 : index
    %get3A_55 = arith.constant 0 : index
    %get3A_56 = vector.load %arg5[%get3A_54, %get3A_55] : memref<32x32xf32, #tpu.memory_space<vmem>>, vector<32x32xf32>
    %dot_general3A = arith.constant dense<0.000000e+00> : vector<10000x32xf32>
    %dot_general3A_57 = tpu.matmul %add3A_53, %get3A_56, %dot_general3A {dimension_numbers = #tpu.dot_dimension_numbers<[1], [0], [0], [1], [0, 0, 1, 1], [], []>, transpose_lhs_hint = false} : vector<10000x32xf32>, vector<32x32xf32>, vector<10000x32xf32> -> vector<10000x32xf32>
    %iota3A = tpu.iota {dimensions = array<i32: 1>} : vector<10000x32xi32>
    %eq3A = arith.constant 31 : i32
    %eq3A_58 = vector.broadcast %eq3A : i32 to vector<10000x32xi32>
    %eq3A_59 = arith.cmpi eq, %iota3A, %eq3A_58 : vector<10000x32xi32>
    %jit3A = arith.constant 1.000000e+00 : f32
    %broadcast_in_dim3A_60 = vector.broadcast %jit3A : f32 to vector<10000x32xf32>
    %select_n3A = arith.select %eq3A_59, %broadcast_in_dim3A_60, %dot_general3A_57 : vector<10000x32xi1>, vector<10000x32xf32>
    %swap3A = arith.constant 0 : index
    %swap3A_61 = arith.constant 0 : index
    %swap3A_62 = vector.load %arg7[%swap3A, %swap3A_61] : memref<10112x32xf32, #tpu.memory_space<vmem>>, vector<10000x32xf32>
    tpu.vector_store %arg7[%swap3A, %swap3A_61], %select_n3A {strides = array<i32>} : memref<10112x32xf32, #tpu.memory_space<vmem>>, vector<10000x32xf32>,
    %broadcast_in_dim3A_63 = arith.constant 0.000000e+00 : f32
    %broadcast_in_dim3A_64 = vector.broadcast %broadcast_in_dim3A_63 : f32 to vector<112x32xf32>
    %swap3A_65 = arith.constant 10000 : index
    %swap3A_66 = arith.constant 0 : index
    %swap3A_67 = vector.load %arg7[%swap3A_65, %swap3A_66] : memref<10112x32xf32, #tpu.memory_space<vmem>>, vector<112x32xf32>
    tpu.vector_store %arg7[%swap3A_65, %swap3A_66], %broadcast_in_dim3A_64 {strides = array<i32>} : memref<10112x32xf32, #tpu.memory_space<vmem>>, vector<112x32xf32>,
    %get3A_68 = arith.constant 0 : index
    %get3A_69 = arith.constant 0 : index
    %get3A_70 = vector.load %arg6[%get3A_68, %get3A_69] : memref<32x32xf32, #tpu.memory_space<vmem>>, vector<32x32xf32>
    %dot_general3A_71 = arith.constant dense<0.000000e+00> : vector<10000x32xf32>
    %dot_general3A_72 = tpu.matmul %add3A_53, %get3A_70, %dot_general3A_71 {dimension_numbers = #tpu.dot_dimension_numbers<[1], [0], [0], [1], [0, 0, 1, 1], [], []>, transpose_lhs_hint = false} : vector<10000x32xf32>, vector<32x32xf32>, vector<10000x32xf32> -> vector<10000x32xf32>
    %swap3A_73 = arith.constant 0 : index
    %swap3A_74 = arith.constant 0 : index
    %swap3A_75 = vector.load %arg8[%swap3A_73, %swap3A_74] : memref<10000x32xf32, #tpu.memory_space<vmem>>, vector<10000x32xf32>
    tpu.vector_store %arg8[%swap3A_73, %swap3A_74], %dot_general3A_72 {strides = array<i32>} : memref<10000x32xf32, #tpu.memory_space<vmem>>, vector<10000x32xf32>,
    return
  }
}

module attributes {stable_mosaic.version = 14 : i64} {
  func.func @body(%arg0: memref<2x10112x32xf32, #tpu.memory_space<vmem>>, %arg1: memref<10000x32xf32, #tpu.memory_space<vmem>>, %arg2: memref<1x32xf32, #tpu.memory_space<vmem>>, %arg3: memref<1x32xf32, #tpu.memory_space<vmem>>, %arg4: memref<1x32xf32, #tpu.memory_space<vmem>>, %arg5: memref<10000x1xi32, #tpu.memory_space<vmem>>, %arg6: memref<32x16xf32, #tpu.memory_space<vmem>>, %arg7: memref<32x16xf32, #tpu.memory_space<vmem>>, %arg8: memref<1x16xf32, #tpu.memory_space<vmem>>, %arg9: memref<16x8xf32, #tpu.memory_space<vmem>>, %arg10: memref<1x8xf32, #tpu.memory_space<vmem>>, %arg11: memref<64x8xf32, #tpu.memory_space<vmem>>) attributes {dimension_semantics = [], scalar_prefetch = 0 : i64, scratch_operands = 0 : i64, tpu.core_type = #tpu.core_type<tc>} {
    %get3A = arith.constant 0 : index
    %get3A_0 = arith.constant 0 : index
    %get3A_1 = arith.constant 0 : index
    %get3A_2 = vector.load %arg0[%get3A, %get3A_0, %get3A_1] : memref<2x10112x32xf32, #tpu.memory_space<vmem>>, vector<1x10000x32xf32>
    %get3A_3 = vector.shape_cast %get3A_2 : vector<1x10000x32xf32> to vector<10000x32xf32>
    %get3A_4 = arith.constant 1 : index
    %get3A_5 = arith.constant 0 : index
    %get3A_6 = arith.constant 0 : index
    %get3A_7 = vector.load %arg0[%get3A_4, %get3A_5, %get3A_6] : memref<2x10112x32xf32, #tpu.memory_space<vmem>>, vector<1x10000x32xf32>
    %get3A_8 = vector.shape_cast %get3A_7 : vector<1x10000x32xf32> to vector<10000x32xf32>
    %add3A = arith.addf %get3A_3, %get3A_8 : vector<10000x32xf32>
    %slice3A = vector.extract_strided_slice %add3A {offsets = [0, 31], sizes = [10000, 1], strides = [1, 1]} : vector<10000x32xf32> to vector<10000x1xf32>
    %max3A = arith.constant 1.000000e+00 : f32
    %max3A_9 = vector.broadcast %max3A : f32 to vector<10000x1xf32>
    %max3A_10 = arith.maximumf %slice3A, %max3A_9 : vector<10000x1xf32>
    %div3A = vector.broadcast %max3A_10 : vector<10000x1xf32> to vector<10000x32xf32>
    %div3A_11 = arith.divf %add3A, %div3A : vector<10000x32xf32>
    %get3A_12 = arith.constant 0 : index
    %get3A_13 = arith.constant 0 : index
    %get3A_14 = vector.load %arg2[%get3A_12, %get3A_13] : memref<1x32xf32, #tpu.memory_space<vmem>>, vector<1x32xf32>
    %add3A_15 = vector.broadcast %get3A_14 : vector<1x32xf32> to vector<10000x32xf32>
    %add3A_16 = arith.addf %div3A_11, %add3A_15 : vector<10000x32xf32>
    %get3A_17 = arith.constant 0 : index
    %get3A_18 = arith.constant 0 : index
    %get3A_19 = vector.load %arg1[%get3A_17, %get3A_18] : memref<10000x32xf32, #tpu.memory_space<vmem>>, vector<10000x32xf32>
    %add3A_20 = arith.addf %add3A_16, %get3A_19 : vector<10000x32xf32>
    %max3A_21 = arith.constant 0.000000e+00 : f32
    %max3A_22 = vector.broadcast %max3A_21 : f32 to vector<10000x32xf32>
    %max3A_23 = arith.maximumf %add3A_20, %max3A_22 : vector<10000x32xf32>
    %reduce_sum3A = arith.constant dense<0.000000e+00> : vector<32xf32>
    %reduce_sum3A_24 = vector.multi_reduction <add>, %max3A_23, %reduce_sum3A [0] : vector<10000x32xf32> to vector<32xf32>
    %broadcast_in_dim3A = vector.shape_cast %reduce_sum3A_24 : vector<32xf32> to vector<1x32xf32>
    %div3A_25 = arith.constant 1.000000e+04 : f32
    %div3A_26 = vector.broadcast %div3A_25 : f32 to vector<1x32xf32>
    %div3A_27 = arith.divf %broadcast_in_dim3A, %div3A_26 : vector<1x32xf32>
    %sub3A = vector.broadcast %div3A_27 : vector<1x32xf32> to vector<10000x32xf32>
    %sub3A_28 = arith.subf %max3A_23, %sub3A : vector<10000x32xf32>
    %sub3A_29 = vector.broadcast %div3A_27 : vector<1x32xf32> to vector<10000x32xf32>
    %sub3A_30 = arith.subf %max3A_23, %sub3A_29 : vector<10000x32xf32>
    %mul3A = arith.mulf %sub3A_28, %sub3A_30 : vector<10000x32xf32>
    %reduce_sum3A_31 = arith.constant dense<0.000000e+00> : vector<32xf32>
    %reduce_sum3A_32 = vector.multi_reduction <add>, %mul3A, %reduce_sum3A_31 [0] : vector<10000x32xf32> to vector<32xf32>
    %broadcast_in_dim3A_33 = vector.shape_cast %reduce_sum3A_32 : vector<32xf32> to vector<1x32xf32>
    %div3A_34 = arith.constant 1.000000e+04 : f32
    %div3A_35 = vector.broadcast %div3A_34 : f32 to vector<1x32xf32>
    %div3A_36 = arith.divf %broadcast_in_dim3A_33, %div3A_35 : vector<1x32xf32>
    %sub3A_37 = vector.broadcast %div3A_27 : vector<1x32xf32> to vector<10000x32xf32>
    %sub3A_38 = arith.subf %max3A_23, %sub3A_37 : vector<10000x32xf32>
    %add3A_39 = arith.constant 9.99999974E-6 : f32
    %add3A_40 = vector.broadcast %add3A_39 : f32 to vector<1x32xf32>
    %add3A_41 = arith.addf %div3A_36, %add3A_40 : vector<1x32xf32>
    %rsqrt3A = math.rsqrt %add3A_41 : vector<1x32xf32>
    %mul3A_42 = vector.broadcast %rsqrt3A : vector<1x32xf32> to vector<10000x32xf32>
    %mul3A_43 = arith.mulf %sub3A_38, %mul3A_42 : vector<10000x32xf32>
    %get3A_44 = arith.constant 0 : index
    %get3A_45 = arith.constant 0 : index
    %get3A_46 = vector.load %arg3[%get3A_44, %get3A_45] : memref<1x32xf32, #tpu.memory_space<vmem>>, vector<1x32xf32>
    %mul3A_47 = vector.broadcast %get3A_46 : vector<1x32xf32> to vector<10000x32xf32>
    %mul3A_48 = arith.mulf %mul3A_43, %mul3A_47 : vector<10000x32xf32>
    %get3A_49 = arith.constant 0 : index
    %get3A_50 = arith.constant 0 : index
    %get3A_51 = vector.load %arg4[%get3A_49, %get3A_50] : memref<1x32xf32, #tpu.memory_space<vmem>>, vector<1x32xf32>
    %add3A_52 = vector.broadcast %get3A_51 : vector<1x32xf32> to vector<10000x32xf32>
    %add3A_53 = arith.addf %mul3A_48, %add3A_52 : vector<10000x32xf32>
    %get3A_54 = arith.constant 0 : index
    %get3A_55 = arith.constant 0 : index
    %get3A_56 = vector.load %arg5[%get3A_54, %get3A_55] : memref<10000x1xi32, #tpu.memory_space<vmem>>, vector<10000x1xi32>
    %iota3A = tpu.iota {dimensions = array<i32: 1>} : vector<10000x32xi32>
    %eq3A = arith.constant 31 : i32
    %eq3A_57 = vector.broadcast %eq3A : i32 to vector<10000x32xi32>
    %eq3A_58 = arith.cmpi eq, %iota3A, %eq3A_57 : vector<10000x32xi32>
    %jit3A = arith.constant 1.000000e+00 : f32
    %broadcast_in_dim3A_59 = vector.broadcast %jit3A : f32 to vector<10000x32xf32>
    %select_n3A = arith.select %eq3A_58, %broadcast_in_dim3A_59, %add3A_53 : vector<10000x32xi1>, vector<10000x32xf32>
    %iota3A_60 = tpu.iota {dimensions = array<i32: 1>} : vector<10000x64xi32>
    %eq3A_61 = vector.broadcast %get3A_56 : vector<10000x1xi32> to vector<10000x64xi32>
    %eq3A_62 = arith.cmpi eq, %eq3A_61, %iota3A_60 : vector<10000x64xi32>
    %convert_element_type3A = arith.extui %eq3A_62 : vector<10000x64xi1> to vector<10000x64xi32>
    %convert_element_type3A_63 = arith.sitofp %convert_element_type3A : vector<10000x64xi32> to vector<10000x64xf32>
    %dot_general3A = arith.constant dense<0.000000e+00> : vector<64x32xf32>
    %dot_general3A_64 = tpu.matmul %convert_element_type3A_63, %select_n3A, %dot_general3A {dimension_numbers = #tpu.dot_dimension_numbers<[0], [0], [1], [1], [0, 1, 1, 1], [], []>, transpose_lhs_hint = false} : vector<10000x64xf32>, vector<10000x32xf32>, vector<64x32xf32> -> vector<64x32xf32>
    %slice3A_65 = vector.extract_strided_slice %dot_general3A_64 {offsets = [0, 31], sizes = [64, 1], strides = [1, 1]} : vector<64x32xf32> to vector<64x1xf32>
    %max3A_66 = arith.constant 1.000000e+00 : f32
    %max3A_67 = vector.broadcast %max3A_66 : f32 to vector<64x1xf32>
    %max3A_68 = arith.maximumf %slice3A_65, %max3A_67 : vector<64x1xf32>
    %div3A_69 = vector.broadcast %max3A_68 : vector<64x1xf32> to vector<64x32xf32>
    %div3A_70 = arith.divf %dot_general3A_64, %div3A_69 : vector<64x32xf32>
    %iota3A_71 = tpu.iota {dimensions = array<i32: 0>} : vector<64x32xi32>
    %broadcast_in_dim3A_72 = arith.constant 0xFF800000 : f32
    %broadcast_in_dim3A_73 = vector.broadcast %broadcast_in_dim3A_72 : f32 to vector<64x32xf32>
    %scan3A = arith.constant 0xFF800000 : f32
    %scan3A_74 = arith.constant 0 : i32
    %scan3A_75 = arith.constant 64 : i32
    %scan3A_76 = arith.addi %scan3A_74, %scan3A_75 : i32
    %scan3A_77 = arith.constant 1 : i32
    %scan3A_78 = scf.for %scan3A_131 = %scan3A_74 to %scan3A_76 step %scan3A_77 iter_args(%scan3A_132 = %broadcast_in_dim3A_73) -> (vector<64x32xf32>)  : i32 {
      %eq3A_133 = vector.broadcast %scan3A_131 : i32 to vector<10000x1xi32>
      %eq3A_134 = arith.cmpi eq, %get3A_56, %eq3A_133 : vector<10000x1xi32>
      %broadcast_in_dim3A_135 = vector.shape_cast %eq3A_134 : vector<10000x1xi1> to vector<10000x1xi1>
      %broadcast_in_dim3A_136 = vector.broadcast %broadcast_in_dim3A_135 : vector<10000x1xi1> to vector<10000x32xi1>
      %broadcast_in_dim3A_137 = vector.broadcast %scan3A : f32 to vector<10000x32xf32>
      %select_n3A_138 = arith.select %broadcast_in_dim3A_136, %add3A_53, %broadcast_in_dim3A_137 : vector<10000x32xi1>, vector<10000x32xf32>
      %reduce_max3A = arith.constant dense<0xFF800000> : vector<32xf32>
      %reduce_max3A_139 = vector.multi_reduction <maximumf>, %select_n3A_138, %reduce_max3A [0] : vector<10000x32xf32> to vector<32xf32>
      %broadcast_in_dim3A_140 = vector.shape_cast %reduce_max3A_139 : vector<32xf32> to vector<1x32xf32>
      %eq3A_141 = vector.broadcast %scan3A_131 : i32 to vector<64x32xi32>
      %eq3A_142 = arith.cmpi eq, %iota3A_71, %eq3A_141 : vector<64x32xi32>
      %broadcast_in_dim3A_143 = vector.shape_cast %broadcast_in_dim3A_140 : vector<1x32xf32> to vector<1x32xf32>
      %broadcast_in_dim3A_144 = vector.broadcast %broadcast_in_dim3A_143 : vector<1x32xf32> to vector<64x32xf32>
      %select_n3A_145 = arith.select %eq3A_142, %broadcast_in_dim3A_144, %scan3A_132 : vector<64x32xi1>, vector<64x32xf32>
      scf.yield %select_n3A_145 : vector<64x32xf32>
    }
    %scan3A_79 = arith.constant 64 : i32
    %iota3A_80 = tpu.iota {dimensions = array<i32: 1>} : vector<64x32xi32>
    %lt3A = arith.constant 30 : i32
    %lt3A_81 = vector.broadcast %lt3A : i32 to vector<64x32xi32>
    %lt3A_82 = arith.cmpi slt, %iota3A_80, %lt3A_81 : vector<64x32xi32>
    %jit3A_83 = arith.constant 0.000000e+00 : f32
    %broadcast_in_dim3A_84 = vector.broadcast %jit3A_83 : f32 to vector<64x32xf32>
    %select_n3A_85 = arith.select %lt3A_82, %scan3A_78, %broadcast_in_dim3A_84 : vector<64x32xi1>, vector<64x32xf32>
    %lt3A_86 = arith.constant 30 : i32
    %lt3A_87 = vector.broadcast %lt3A_86 : i32 to vector<64x32xi32>
    %lt3A_88 = arith.cmpi slt, %iota3A_80, %lt3A_87 : vector<64x32xi32>
    %jit3A_89 = arith.constant 0.000000e+00 : f32
    %broadcast_in_dim3A_90 = vector.broadcast %jit3A_89 : f32 to vector<64x32xf32>
    %select_n3A_91 = arith.select %lt3A_88, %div3A_70, %broadcast_in_dim3A_90 : vector<64x32xi1>, vector<64x32xf32>
    %get3A_92 = arith.constant 0 : index
    %get3A_93 = arith.constant 0 : index
    %get3A_94 = vector.load %arg6[%get3A_92, %get3A_93] : memref<32x16xf32, #tpu.memory_space<vmem>>, vector<32x16xf32>
    %dot_general3A_95 = arith.constant dense<0.000000e+00> : vector<64x16xf32>
    %dot_general3A_96 = tpu.matmul %select_n3A_85, %get3A_94, %dot_general3A_95 {dimension_numbers = #tpu.dot_dimension_numbers<[1], [0], [0], [1], [0, 0, 1, 1], [], []>, transpose_lhs_hint = false} : vector<64x32xf32>, vector<32x16xf32>, vector<64x16xf32> -> vector<64x16xf32>
    %get3A_97 = arith.constant 0 : index
    %get3A_98 = arith.constant 0 : index
    %get3A_99 = vector.load %arg7[%get3A_97, %get3A_98] : memref<32x16xf32, #tpu.memory_space<vmem>>, vector<32x16xf32>
    %dot_general3A_100 = arith.constant dense<0.000000e+00> : vector<64x16xf32>
    %dot_general3A_101 = tpu.matmul %select_n3A_91, %get3A_99, %dot_general3A_100 {dimension_numbers = #tpu.dot_dimension_numbers<[1], [0], [0], [1], [0, 0, 1, 1], [], []>, transpose_lhs_hint = false} : vector<64x32xf32>, vector<32x16xf32>, vector<64x16xf32> -> vector<64x16xf32>
    %add3A_102 = arith.addf %dot_general3A_96, %dot_general3A_101 : vector<64x16xf32>
    %get3A_103 = arith.constant 0 : index
    %get3A_104 = arith.constant 0 : index
    %get3A_105 = vector.load %arg8[%get3A_103, %get3A_104] : memref<1x16xf32, #tpu.memory_space<vmem>>, vector<1x16xf32>
    %add3A_106 = vector.broadcast %get3A_105 : vector<1x16xf32> to vector<64x16xf32>
    %add3A_107 = arith.addf %add3A_102, %add3A_106 : vector<64x16xf32>
    %max3A_108 = arith.constant 0.000000e+00 : f32
    %max3A_109 = vector.broadcast %max3A_108 : f32 to vector<64x16xf32>
    %max3A_110 = arith.maximumf %add3A_107, %max3A_109 : vector<64x16xf32>
    %get3A_111 = arith.constant 0 : index
    %get3A_112 = arith.constant 0 : index
    %get3A_113 = vector.load %arg9[%get3A_111, %get3A_112] : memref<16x8xf32, #tpu.memory_space<vmem>>, vector<16x8xf32>
    %dot_general3A_114 = arith.constant dense<0.000000e+00> : vector<64x8xf32>
    %dot_general3A_115 = tpu.matmul %max3A_110, %get3A_113, %dot_general3A_114 {dimension_numbers = #tpu.dot_dimension_numbers<[1], [0], [0], [1], [0, 0, 1, 1], [], []>, transpose_lhs_hint = false} : vector<64x16xf32>, vector<16x8xf32>, vector<64x8xf32> -> vector<64x8xf32>
    %get3A_116 = arith.constant 0 : index
    %get3A_117 = arith.constant 0 : index
    %get3A_118 = vector.load %arg10[%get3A_116, %get3A_117] : memref<1x8xf32, #tpu.memory_space<vmem>>, vector<1x8xf32>
    %add3A_119 = vector.broadcast %get3A_118 : vector<1x8xf32> to vector<64x8xf32>
    %add3A_120 = arith.addf %dot_general3A_115, %add3A_119 : vector<64x8xf32>
    %neg3A = arith.constant 0.000000e+00 : f32
    %neg3A_121 = vector.broadcast %neg3A : f32 to vector<64x8xf32>
    %neg3A_122 = arith.subf %neg3A_121, %add3A_120 : vector<64x8xf32>
    %exp3A = math.exp %neg3A_122 : vector<64x8xf32>
    %add3A_123 = arith.constant 1.000000e+00 : f32
    %add3A_124 = vector.broadcast %add3A_123 : f32 to vector<64x8xf32>
    %add3A_125 = arith.addf %add3A_124, %exp3A : vector<64x8xf32>
    %div3A_126 = arith.constant 1.000000e+00 : f32
    %div3A_127 = vector.broadcast %div3A_126 : f32 to vector<64x8xf32>
    %div3A_128 = arith.divf %div3A_127, %add3A_125 : vector<64x8xf32>
    %swap3A = arith.constant 0 : index
    %swap3A_129 = arith.constant 0 : index
    %swap3A_130 = vector.load %arg11[%swap3A, %swap3A_129] : memref<64x8xf32, #tpu.memory_space<vmem>>, vector<64x8xf32>
    tpu.vector_store %arg11[%swap3A, %swap3A_129], %div3A_128 {strides = array<i32>} : memref<64x8xf32, #tpu.memory_space<vmem>>, vector<64x8xf32>,
    return
  }
}

</mosaic_0001>

<sc_bundles>
// kernel: kernel.12.cloned.1.call-start
scs
__scs_entry_jumppad:
0x0: {  	(pc) =	sbr.rel $0x88, $3  }
0x1: {  	(tag) =	ssettag $0x0;
	lr =	simm.s32 $0x1  }
0x2: {  	[smem:$0x3F90] =	sst lr;
	_ =	strace $0xD0000000  }
0x3: {  	_ = 	snop  }
0x4: {  	_ = 	snop  }
0x5: {  	_ = 	snop  }
0x6: {  	_ = 	snop  }
0x7: {  	_ = 	snop  }
__scs_overlays_trampoline_lowered:
0x8: {  	[smem:$0x3F9F] =	sst s0  }
0x9: {  	[smem:$0x3FA0] =	sst s1  }
0xa: {  	[smem:$0x3FA1] =	sst s2  }
0xb: {  	[smem:$0x3FA2] =	sst s3  }
0xc: {  	[smem:$0x3FA3] =	sst s4  }
0xd: {  	[smem:$0x3FA4] =	sst s5  }
0xe: {  	[smem:$0x3FA5] =	sst s6  }
0xf: {  	[smem:$0x3FA6] =	sst s7  }
0x10: {  	[smem:$0x3FA7] =	sst s8  }
0x11: {  	[smem:$0x3FA8] =	sst s9;
	s0 =	simm.s32 @!p0 $0x0  }
0x12: {  	s1 =	sld [smem:$0x3F8E];
	s0 =	simm.s32 @p0 $0x1  }
0x13: {  	[smem:$0x3FA9] =	sst s0;
	s0 =	simm.s32 @!p1 $0x0  }
0x14: {  	s2 =	sld [smem:$0x3F8D];
	s0 =	simm.s32 @p1 $0x1  }
0x15: {  	[smem:$0x3FAA] =	sst s0;
	s0 =	simm.s32 @!p2 $0x0  }
0x16: {  	s3 =	sld [smem:$0x3FDB];
	s0 =	simm.s32 @p2 $0x1  }
0x17: {  	s4 =	simm.s32 $0x1BF5;
	[smem:$0x3FAC] =	sst s0  }
0x18: {  	s0 =	sld [smem:$0x3F8F];
	_ =	swait.ge [sflag:s4], $0x0  }
0x19: {  	s7 =	sld [smem:$0x3F90]  }
0x1a: {  	s8 =	sadd.s32 $0xFFFFE003, lr  }
0x1b: {  	s9 =	sadd.s32 $0xFFFFFEF7, lr;
	s5 =	simm.s32 $0xFFFFFFFF;
	p2 =	slt.u32 s8, $0xFFFFF086  }
0x1c: {  	p1 =	slt.u32 s9, $0xF7A;
	s5 =	simm.s32 @!p2 $0x0  }
0x1d: {  	s5 =	simm.s32 @p1 $0x1;
	p0 =	seq.s32 s7, s2  }
0x1e: {  	s7 =	smul.u32 @!p0 $0xF7A, s2;
	p2 =	seq.s32 @!p0 s5, $0x0  }
0x1f: {  	s9 =	smul.u32 $0xF7A, s1;
	s8 =	simm.s32 @!p0 $0x1BF5;
	p2 =	por !p2, p0  }
0x20: {  	[sflag:s8] =	ssyncset.s32 @!p0 $0xFFFFF086;
	s6 =	sadd.s32 @!p0 s3, s7;
	s7 =	simm.s32 @!p0 $0x108  }
0x21: {  	s3 =	sadd.s32 s3, s9;
	s6 =	sadd.s32 @!p0 $0x88, s6;
	s7 =	simm.s32 @p2 $0x1082  }
0x22: {  	[simem:s7], [sflag:s8] =	dma.local @!p0 [hbm:s6], $0xF7A  }
0x23: {  	s9 =	sor.u32 $0xD0000000, s2;
	s6 =	simm.s32 $0x108;
	_ =	swait.ge @!p0 [sflag:s8], $0x0  }
0x24: {  	s3 =	sadd.s32 $0x88, s3;
	s6 =	simm.s32 @!p1 $0x1082;
	[sflag:s4] =	ssyncset.s32 $0xFFFFF086  }
0x25: {  	[simem:s6], [sflag:s4] =	dma.local [hbm:s3], $0xF7A  }
0x26: {  	[smem:$0x3F90] =	sst s1;
	(tag) =	ssettag s2;
	_ =	strace s9  }
0x27: {  	s1 =	sld [smem:$0x3FA0]  }
0x28: {  	s2 =	sld [smem:$0x3FA1]  }
0x29: {  	s4 =	sld [smem:$0x3FA3]  }
0x2a: {  	p0 =	seq.s32 s5, $0x0;
	s5 =	sld [smem:$0x3FA4]  }
0x2b: {  	s6 =	sld [smem:$0x3FA5]  }
0x2c: {  	s7 =	sld [smem:$0x3FA6]  }
0x2d: {  	s3 =	simm.s32 $0x108;
	s8 =	sld [smem:$0x3FA7]  }
0x2e: {  	s3 =	simm.s32 @!p0 $0x1082;
	s9 =	sld [smem:$0x3FA8]  }
0x2f: {  	lr =	sadd.s32 s0, s3;
	s0 =	sld [smem:$0x3F9F]  }
0x30: {  	s3 =	sld [smem:$0x3FA2]  }
0x31: {  	[smem:$0x3FAB] =	sst s10  }
0x32: {  	s10 =	sld [smem:$0x3FA9];
	_ =	sdelay $0x3  }
0x33: {  	p0 =	seq.s32 s10, $0x1;
	s10 =	sld [smem:$0x3FAB];
	_ =	sdelay $0x3  }
0x34: {  	[smem:$0x3FAB] =	sst s10  }
0x35: {  	s10 =	sld [smem:$0x3FAA];
	_ =	sdelay $0x3  }
0x36: {  	p1 =	seq.s32 s10, $0x1;
	s10 =	sld [smem:$0x3FAB];
	_ =	sdelay $0x3  }
0x37: {  	[smem:$0x3FAB] =	sst s10  }
0x38: {  	s10 =	sld [smem:$0x3FAC]  }
0x39: {  	_ = 	snop;
	(pc) =	sbr.ind lr, $3  }
0x3a: {  	_ = 	snop  }
0x3b: {  	_ = 	snop  }
0x3c: {  	p2 =	seq.s32 s10, $0x1;
	s10 =	sld [smem:$0x3FAB]  }
0x3d: {  	_ =	shalt  }
0x3e: {  	_ =	shalt  }
0x3f: {  	_ =	shalt  }
0x40: {  	_ =	shalt  }
0x41: {  	_ =	shalt  }
0x42: {  	_ =	shalt  }
0x43: {  	_ =	shalt  }
0x44: {  	_ =	shalt  }
0x45: {  	_ =	shalt  }
0x46: {  	_ =	shalt  }
0x47: {  	_ =	shalt  }
0x48: {  	_ =	shalt  }
0x49: {  	_ =	shalt  }
0x4a: {  	_ =	shalt  }
0x4b: {  	_ =	shalt  }
0x4c: {  	_ =	shalt  }
0x4d: {  	_ =	shalt  }
0x4e: {  	_ =	shalt  }
0x4f: {  	_ =	shalt  }
0x50: {  	_ =	shalt  }
0x51: {  	_ =	shalt  }
0x52: {  	_ =	shalt  }
0x53: {  	_ =	shalt  }
0x54: {  	_ =	shalt  }
0x55: {  	_ =	shalt  }
0x56: {  	_ =	shalt  }
0x57: {  	_ =	shalt  }
0x58: {  	_ =	shalt  }
0x59: {  	_ =	shalt  }
0x5a: {  	_ =	shalt  }
0x5b: {  	_ =	shalt  }
0x5c: {  	_ =	shalt  }
0x5d: {  	_ =	shalt  }
0x5e: {  	_ =	shalt  }
0x5f: {  	_ =	shalt  }
0x60: {  	_ =	shalt  }
0x61: {  	_ =	shalt  }
0x62: {  	_ =	shalt  }
0x63: {  	_ =	shalt  }
0x64: {  	_ =	shalt  }
0x65: {  	_ =	shalt  }
0x66: {  	_ =	shalt  }
0x67: {  	_ =	shalt  }
0x68: {  	_ =	shalt  }
0x69: {  	_ =	shalt  }
0x6a: {  	_ =	shalt  }
0x6b: {  	_ =	shalt  }
0x6c: {  	_ =	shalt  }
0x6d: {  	_ =	shalt  }
0x6e: {  	_ =	shalt  }
0x6f: {  	_ =	shalt  }
0x70: {  	_ =	shalt  }
0x71: {  	_ =	shalt  }
0x72: {  	_ =	shalt  }
0x73: {  	_ =	shalt  }
0x74: {  	_ =	shalt  }
0x75: {  	_ =	shalt  }
0x76: {  	_ =	shalt  }
0x77: {  	_ =	shalt  }
0x78: {  	_ =	shalt  }
0x79: {  	_ =	shalt  }
0x7a: {  	_ =	shalt  }
0x7b: {  	_ =	shalt  }
0x7c: {  	_ =	shalt  }
0x7d: {  	_ =	shalt  }
0x7e: {  	_ =	shalt  }
0x7f: {  	_ =	shalt  }
0x80: {  	_ =	shalt  }
0x81: {  	_ =	shalt  }
0x82: {  	_ =	shalt  }
0x83: {  	_ =	shalt  }
0x84: {  	_ =	shalt  }
0x85: {  	_ =	shalt  }
0x86: {  	_ =	shalt  }
0x87: {  	_ =	shalt  }
.Lfunc_end0:
.L_simem_size_0:
called_computation.1_lowered:
.L_overlay_start_0:
0x88: {  	s2 =	sld [smem:$0x3FD9]  }
0x89: {  	s3 =	sld [smem:$0x3FFE];
	_ =	sdelay $0x1  }
0x8a: {  	s1 =	srdreg.scid  }
0x8b: {  	s0 =	sand.u32 $0x1, s1  }
0x8c: {  	s16 =	sshll.u32 s0, $0xA;
	s2 =	sadd.s32 s3, s2  }
0x8d: {  	s2 =	sadd.s32 s2, s16  }
0x8e: {  	[smem:$0x3FB7] =	sst s2  }
0x8f: {  	_ = 	snop  }
0x90: {  	(tm) =	ssettm $0x1  }
0x91: {  	s17 =	sld [smem:$0x3FFB];
	_ =	sdelay $0x3  }
0x92: {  	_ =	strace s17  }
0x93: {  	s2 =	sld [smem:$0x3FFC];
	_ =	sdelay $0x3  }
0x94: {  	_ =	strace s2  }
0x95: {  	s2 =	sld [smem:$0x3FFD];
	_ =	sdelay $0x3  }
0x96: {  	_ =	strace s2  }
0x97: {  	_ =	strace $0x8FFFFFFF  }
0x98: {  	s18 =	sld [smem:$0x3FDB];
	_ =	sdelay $0x1  }
0x99: {  	s19 =	simm.s32 $_scs_section_size  }
0x9a: {  	s4 =	simm.s32 $_size__tile_overlayer_lowered;
	s5 =	simm.s32 $_tile_overlayer_lowered  }
0x9b: {  	s22 =	simm.s32 $0x1BFF;
	s21 =	sshll.u32 s5, $0x1;
	s2 =	sadd.s32 s19, s18  }
0x9c: {  	s6 =	simm.s32 $0x0;
	s20 =	sshll.u32 s4, $0x1;
	s4 =	sadd.s32 s21, s2  }
0x9d: {  	[timem:s6], [sflag:s22] =	dma.local [hbm:s4], s20  }
0x9e: {  	_ =	swait.ge [sflag:s22], s20  }
0x9f: {  	s3 =	ssub.s32 $0x0, s20;
	[sflag:s22] =	ssyncset.done $0x0  }
0xa0: {  	[sflag:s22] =	ssyncadd.s32 s3;
	_ =	sdelay $0x1  }
0xa1: {  	s23 =	simm.s32 $0x1B8B  }
0xa2: {  	_ =	swait.ge [sflag:s23], $0x1  }
0xa3: {  	[sflag:s23] =	ssyncset.done $0x0  }
0xa4: {  	s25 =	simm.s32 $0x1B8E;
	s24 =	sld [smem:$0x3FFE];
	[sflag:s23] =	ssyncadd.s32 $0xFFFFFFFF  }
0xa5: {  	s26 =	simm.s32 $execute0_lowered;
	[smem:$0x3FD2] =	sst s25  }
0xa6: {  	s4 =	sshll.u32 s26, $0x1;
	_ =	strace $0x80000049;
	[dreg:$0x1] =	wrdreg $0xFFFFFFFF  }
0xa7: {  	s28 =	simm.s32 $_size_execute0_lowered;
	s2 =	sadd.s32 s2, s4;
	[dreg:$0x0] =	wrdreg $0x0  }
0xa8: {  	s4 =	sshll.u32 s28, $0x1;
	[dreg:$0x2] =	wrdreg s2  }
0xa9: {  	[dreg:$0x3] =	wrdreg s4  }
0xaa: {  	[dreg:$0x4] =	wrdreg $0xC0  }
0xab: {  	_ =	task [dreg:s6], $0x5FFFF  }
0xac: {  	[dreg:$0x1] =	wrdreg $0xFFFFFFFF  }
0xad: {  	[dreg:$0x0] =	wrdreg $0x60  }
0xae: {  	[dreg:$0x2] =	wrdreg s24  }
0xaf: {  	[dreg:$0x3] =	wrdreg $0x68000  }
0xb0: {  	[dreg:$0x4] =	wrdreg $0x9  }
0xb1: {  	_ =	task.clear_ibuf [dreg:s6], $0x5FFFF;
	_ =	strace $0x90000049  }
0xb2: {  	s29 =	simm.s32 $0x9;
	_ =	strace $0x8000004B  }
0xb3: {  	_ =	swait.ge [sflag:s29], $0x1  }
0xb4: {  	[sflag:s29] =	ssyncadd.s32 $0xFFFFFFFF  }
0xb5: {  	_ =	strace $0x9000004B  }
0xb6: {  	_ =	sfence  }
0xb7: {  	s30 =	sld [smem:$0x0];
	_ =	sdelay $0x2  }
0xb8: {  	s31 =	sshll.u32 s1, $0xD;
	s1 =	sshrl.u32 s1, $0x2  }
0xb9: {  	s3 =	sand.u32 $0x4000, s31;
	s1 =	sadd.s32 s1, s30  }
0xba: {  	s0 =	sor.u32 s3, s0;
	s1 =	sshll.u32 s1, $0x11  }
0xbb: {  	s0 =	sor.u32 s1, s0  }
0xbc: {  	s0 =	sadd.s32 $0x8F2B, s0  }
0xbd: {  	[sflag:s0] =	ssyncadd.remote.s32 $0x1  }
0xbe: {  	_ =	sfence.sel $0xFFFF  }
0xbf: {  	[dreg:$0x0] =	wrdreg $0xFFFFFFFF;
	(pc) =	sbr.abs _section_cstart, $3  }
0xc0: {  	[dreg:$0x1] =	wrdreg $0xFFFFFFFF  }
0xc1: {  	_ =	task.clear_ibuf [dreg:s6], $0x2FFFF;
	_ =	strace $0x9FFFFFFF  }
0xc2: {  	(tm) =	ssettm $0x7FFFFFFF  }
0xc3: {  	_ =	shalt  }
tec
execute0_lowered:
.L_overlay_start_1:
0x0: {  	(tag) =	ssettag $0x1  }
0x1: {  	s4 =	rddreg [dreg:$0x0]  }
0x2: {  	s0 =	stileid.u32;
	s1 =	srdreg.scid  }
0x3: {  	s2 =	rddreg [dreg:$0x1];
	s3 =	simm.s32 $0x0;
	s18 =	sand.u32 $0x1, s1  }
0x4: {  	s5 =	sshll.u32 s0, $0x1;
	s1 =	rddreg [dreg:$0x2];
	s11 =	smul.u32 $0x278, s0  }
0x5: {  	[smem:$0x7FF] =	sst s3;
	s6 =	sshll.u32 s0, $0xC;
	s15 =	smul.u32 $0x13C00, s0  }
0x6: {  	s12 =	sadd.s32 $0x17600, s4;
	s7 =	smul.u32 $0x4F000, s0;
	s19 =	sadd.s32 $0x566000, s4  }
0x7: {  	s5 =	sor.u32 s18, s5;
	_ =	strace $0x8000004A;
	s20 =	sadd.s32 s6, s4  }
0x8: {  	s23 =	ssub.s32 $0x2, s18;
	s30 =	sshll.u32 s18, $0xB;
	s5 =	smul.u32 $0x500, s5  }
0x9: {  	s24 =	sshrl.u32 s23, $0x1;
	s25 =	sshrl.u32 s15, $0x3;
	s26 =	sshrl.u32 s7, $0x2  }
0xa: {  	s28 =	sadd.s32 $0x80, s11;
	s8 =	sadd.s32 $0x100, s11;
	s10 =	sadd.s32 $0x180, s11  }
0xb: {  	s11 =	sadd.s32 $0x200, s11;
	s31 =	sadd.s32 s30, s20;
	s21 =	ssub.s32 s23, s24  }
0xc: {  	s16 =	sshll.u32 s28, $0x7;
	s6 =	sshll.u32 s28, $0x4;
	s17 =	sshll.u32 s8, $0x7  }
0xd: {  	s8 =	sshll.u32 s8, $0x4;
	s13 =	sshll.u32 s10, $0x4;
	s22 =	sshll.u32 s10, $0x7  }
0xe: {  	s23 =	sshll.u32 s11, $0x7;
	s29 =	sshll.u32 s11, $0x4;
	s24 =	smul.u32 $0x13C000, s18  }
0xf: {  	s14 =	sadd.s32 s5, s4;
	s4 =	sadd.s32 s12, s25;
	s5 =	sadd.s32 s26, s2  }
0x10: {  	s6 =	sadd.s32 s12, s6;
	s7 =	sadd.s32 s16, s2;
	s8 =	sadd.s32 s12, s8  }
0x11: {  	s9 =	sadd.s32 s17, s2;
	s10 =	sadd.s32 s12, s13;
	s11 =	sadd.s32 s22, s2  }
0x12: {  	s12 =	sadd.s32 s12, s29;
	s13 =	sadd.s32 s23, s2;
	s20 =	smax.u32 s21, $0x1  }
0x13: {  	s21 =	sadd.s32 $0x66000, s31;
	s25 =	simm.s32 $0x0;
	s14 =	sadd.s32 $0xD600, s14  }
0x14: {  	s15 =	sadd.s32 s15, s24;
	s16 =	sadd.s32 s24, s16;
	s17 =	sadd.s32 s24, s17  }
0x15: {  	s22 =	sadd.s32 s24, s22;
	s23 =	sadd.s32 s24, s23;
	s24 =	simm.s32 $0x80  }
0x16: {  	s15 =	sshrl.u32 s15, $0x3;
	s16 =	sshrl.u32 s16, $0x3;
	s17 =	sshrl.u32 s17, $0x3  }
0x17: {  	s22 =	sshrl.u32 s22, $0x3;
	s23 =	sshrl.u32 s23, $0x3;
	s15 =	sadd.s32 s19, s15  }
0x18: {  	s16 =	sadd.s32 s19, s16;
	s17 =	sadd.s32 s19, s17;
	s18 =	sadd.s32 s19, s22  }
0x19: {  	s19 =	sadd.s32 s19, s23;
	s22 =	simm.s32 $0x2800;
	s23 =	simm.s32 $0x1  }
.LBB2_1:
0x1a: {  	[tilespmem:s22], [sflag:$0x1] =	stream.linear.gather [hbm4b:s4+s3], $0x4000, $0x38;
	[tilespmem:$0xB700] =	vst v63  }
0x1b: {  	_ =	swait.ge [sflag:s23], $0x4000  }
0x1c: {  	[sflag:s23] =	ssyncset.done $0x0  }
0x1d: {  	[sflag:s23] =	ssyncadd.s32 $0xFFFFC000  }
0x1e: {  	[spmem:s5] =	stream.linear.scatter [tilespmem:s22], [sflag:$0x1], $0x4000, $0x38;
	[tilespmem:$0xB700] =	vst v63  }
0x1f: {  	_ =	swait.ge [sflag:s23], $0x4000  }
0x20: {  	[sflag:s23] =	ssyncset.done $0x0  }
0x21: {  	[sflag:s23] =	ssyncadd.s32 $0xFFFFC000  }
0x22: {  	[tilespmem:s22], [sflag:$0x1] =	stream.linear.gather [hbm4b:s6+s3], $0x4000, $0x38;
	[tilespmem:$0xB700] =	vst v63  }
0x23: {  	_ =	swait.ge [sflag:s23], $0x4000  }
0x24: {  	[sflag:s23] =	ssyncset.done $0x0  }
0x25: {  	[sflag:s23] =	ssyncadd.s32 $0xFFFFC000  }
0x26: {  	[spmem:s7] =	stream.linear.scatter [tilespmem:s22], [sflag:$0x1], $0x4000, $0x38;
	[tilespmem:$0xB700] =	vst v63  }
0x27: {  	_ =	swait.ge [sflag:s23], $0x4000  }
0x28: {  	[sflag:s23] =	ssyncset.done $0x0  }
0x29: {  	[sflag:s23] =	ssyncadd.s32 $0xFFFFC000  }
0x2a: {  	[tilespmem:s22], [sflag:$0x1] =	stream.linear.gather [hbm4b:s8+s3], $0x4000, $0x38;
	[tilespmem:$0xB700] =	vst v63  }
0x2b: {  	_ =	swait.ge [sflag:s23], $0x4000  }
0x2c: {  	[sflag:s23] =	ssyncset.done $0x0  }
0x2d: {  	[sflag:s23] =	ssyncadd.s32 $0xFFFFC000  }
0x2e: {  	[spmem:s9] =	stream.linear.scatter [tilespmem:s22], [sflag:$0x1], $0x4000, $0x38;
	[tilespmem:$0xB700] =	vst v63  }
0x2f: {  	_ =	swait.ge [sflag:s23], $0x4000  }
0x30: {  	[sflag:s23] =	ssyncset.done $0x0  }
0x31: {  	[sflag:s23] =	ssyncadd.s32 $0xFFFFC000  }
0x32: {  	[tilespmem:s22], [sflag:$0x1] =	stream.linear.gather [hbm4b:s10+s3], $0x4000, $0x38;
	[tilespmem:$0xB700] =	vst v63  }
0x33: {  	_ =	swait.ge [sflag:s23], $0x4000  }
0x34: {  	[sflag:s23] =	ssyncset.done $0x0  }
0x35: {  	[sflag:s23] =	ssyncadd.s32 $0xFFFFC000  }
0x36: {  	[spmem:s11] =	stream.linear.scatter [tilespmem:s22], [sflag:$0x1], $0x4000, $0x38;
	[tilespmem:$0xB700] =	vst v63  }
0x37: {  	_ =	swait.ge [sflag:s23], $0x4000  }
0x38: {  	[sflag:s23] =	ssyncset.done $0x0  }
0x39: {  	[sflag:s23] =	ssyncadd.s32 $0xFFFFC000  }
0x3a: {  	[tilespmem:s22], [sflag:$0x1] =	stream.linear.gather [hbm4b:s12+s3], $0x3C00, $0x38;
	[tilespmem:$0xB700] =	vst v63  }
0x3b: {  	_ =	swait.ge [sflag:s23], $0x3C00  }
0x3c: {  	[sflag:s23] =	ssyncset.done $0x0  }
0x3d: {  	[sflag:s23] =	ssyncadd.s32 $0xFFFFC400  }
0x3e: {  	[spmem:s13] =	stream.linear.scatter [tilespmem:s22], [sflag:$0x1], $0x3C00, $0x38;
	[tilespmem:$0xB700] =	vst v63  }
0x3f: {  	_ =	swait.ge [sflag:s23], $0x3C00  }
0x40: {  	[sflag:s23] =	ssyncset.done $0x0  }
0x41: {  	[sflag:s23] =	ssyncadd.s32 $0xFFFFC400  }
0x42: {  	[tilespmem:s3], [sflag:$0x1] =	stream.linear.gather [hbm4b:s14+s3], $0x2800, $0x38;
	[tilespmem:$0xB700] =	vst v63  }
0x43: {  	_ =	swait.ge [sflag:s23], $0x2800  }
0x44: {  	[sflag:s23] =	ssyncset.done $0x0  }
0x45: {  	[sflag:s23] =	ssyncadd.s32 $0xFFFFD800  }
0x46: {  	[bflag:$0x0] =	sbarrier.arrive $0xFFFF  }
0x47: {  	[tilespmem:s22], [sflag:$0x1] =	stream.linear.gather [hbm4b:s21+s3], $0x4000, $0x38;
	[tilespmem:$0xB700] =	vst v63  }
0x48: {  	_ =	swait.ge [sflag:s23], $0x4000  }
0x49: {  	[sflag:s23] =	ssyncset.done $0x0  }
0x4a: {  	s26 =	simm.s32 $0x0;
	[sflag:s23] =	ssyncadd.s32 $0xFFFFC000  }
0x4b: {  	[spmem:s2] =	stream.indirect.scatter.add.f32 [tilespmem:s22], [sflag:$0x1], $0x20, s26, s24, $0xb8;
	[tilespmem:$0xB700] =	vst v63  }
0x4c: {  	_ =	swait.ge [sflag:s23], $0x1000  }
0x4d: {  	s28 =	smov.u32 s21;
	s26 =	simm.s32 $0x200;
	[sflag:s23] =	ssyncset.done $0x0  }
.LBB2_2:
0x4e: {  	p0 =	sne.s32 s26, $0x9E00;
	[sflag:s23] =	ssyncadd.s32 $0xFFFFF000;
	s28 =	sadd.s32 $0x10000, s28  }
0x4f: {  	[tilespmem:s22], [sflag:$0x1] =	stream.linear.gather [hbm4b:s28+s3], $0x4000, $0x38;
	[tilespmem:$0xB700] =	vst v63  }
0x50: {  	s29 =	smov.u32 s26;
	s26 =	sadd.s32 $0x200, s26;
	_ =	swait.ge [sflag:s23], $0x4000  }
.Ltmp0:
0x51: {  	[sflag:s23] =	ssyncset.done $0x0;
	(pc) =	sbr.rel @p0 .LBB2_2-.Ltmp0, $4  }
0x52: {  	s29 =	sshra.s32 s29, $0x2;
	[sflag:s23] =	ssyncadd.s32 $0xFFFFC000  }
0x53: {  	[spmem:s2] =	stream.indirect.scatter.add.f32 [tilespmem:s22], [sflag:$0x1], $0x20, s29, s24, $0xb8;
	[tilespmem:$0xB700] =	vst v63  }
0x54: {  	_ =	swait.ge [sflag:s23], $0x1000  }
0x55: {  	[sflag:s23] =	ssyncset.done $0x0  }
0x56: {  	[sflag:s23] =	ssyncadd.s32 $0xFFFFF000  }
0x57: {  	[bflag:$0x0] =	sbarrier.arrive $0xFFFF  }
0x58: {  	[tilespmem:s22], [sflag:$0x1] =	stream.linear.gather [spmem:s5], $0x4000, $0x38;
	[tilespmem:$0xB700] =	vst v63  }
0x59: {  	_ =	swait.ge [sflag:s23], $0x4000  }
0x5a: {  	[sflag:s23] =	ssyncset.done $0x0  }
0x5b: {  	[sflag:s23] =	ssyncadd.s32 $0xFFFFC000  }
0x5c: {  	[hbm4b:s15+s3] =	stream.linear.scatter [tilespmem:s22], [sflag:$0x1], $0x4000, $0x38;
	[tilespmem:$0xB700] =	vst v63  }
0x5d: {  	_ =	swait.ge [sflag:s23], $0x4000  }
0x5e: {  	[sflag:s23] =	ssyncset.done $0x0  }
0x5f: {  	[sflag:s23] =	ssyncadd.s32 $0xFFFFC000  }
0x60: {  	[tilespmem:s22], [sflag:$0x1] =	stream.linear.gather [spmem:s7], $0x4000, $0x38;
	[tilespmem:$0xB700] =	vst v63  }
0x61: {  	_ =	swait.ge [sflag:s23], $0x4000  }
0x62: {  	[sflag:s23] =	ssyncset.done $0x0  }
0x63: {  	[sflag:s23] =	ssyncadd.s32 $0xFFFFC000  }
0x64: {  	[hbm4b:s16+s3] =	stream.linear.scatter [tilespmem:s22], [sflag:$0x1], $0x4000, $0x38;
	[tilespmem:$0xB700] =	vst v63  }
0x65: {  	_ =	swait.ge [sflag:s23], $0x4000  }
0x66: {  	[sflag:s23] =	ssyncset.done $0x0  }
0x67: {  	[sflag:s23] =	ssyncadd.s32 $0xFFFFC000  }
0x68: {  	[tilespmem:s22], [sflag:$0x1] =	stream.linear.gather [spmem:s9], $0x4000, $0x38;
	[tilespmem:$0xB700] =	vst v63  }
0x69: {  	_ =	swait.ge [sflag:s23], $0x4000  }
0x6a: {  	[sflag:s23] =	ssyncset.done $0x0  }
0x6b: {  	[sflag:s23] =	ssyncadd.s32 $0xFFFFC000  }
0x6c: {  	[hbm4b:s17+s3] =	stream.linear.scatter [tilespmem:s22], [sflag:$0x1], $0x4000, $0x38;
	[tilespmem:$0xB700] =	vst v63  }
0x6d: {  	_ =	swait.ge [sflag:s23], $0x4000  }
0x6e: {  	[sflag:s23] =	ssyncset.done $0x0  }
0x6f: {  	[sflag:s23] =	ssyncadd.s32 $0xFFFFC000  }
0x70: {  	[tilespmem:s22], [sflag:$0x1] =	stream.linear.gather [spmem:s11], $0x4000, $0x38;
	[tilespmem:$0xB700] =	vst v63  }
0x71: {  	_ =	swait.ge [sflag:s23], $0x4000  }
0x72: {  	[sflag:s23] =	ssyncset.done $0x0  }
0x73: {  	[sflag:s23] =	ssyncadd.s32 $0xFFFFC000  }
0x74: {  	[hbm4b:s18+s3] =	stream.linear.scatter [tilespmem:s22], [sflag:$0x1], $0x4000, $0x38;
	[tilespmem:$0xB700] =	vst v63  }
0x75: {  	_ =	swait.ge [sflag:s23], $0x4000  }
0x76: {  	[sflag:s23] =	ssyncset.done $0x0  }
0x77: {  	[sflag:s23] =	ssyncadd.s32 $0xFFFFC000  }
0x78: {  	[tilespmem:s22], [sflag:$0x1] =	stream.linear.gather [spmem:s13], $0x3C00, $0x38;
	[tilespmem:$0xB700] =	vst v63  }
0x79: {  	s25 =	sadd.s32 $0x1, s25;
	_ =	swait.ge [sflag:s23], $0x3C00  }
0x7a: {  	p0 =	sne.s32 s25, s20;
	[sflag:s23] =	ssyncset.done $0x0  }
.Ltmp1:
0x7b: {  	[sflag:s23] =	ssyncadd.s32 $0xFFFFC400;
	(pc) =	sbr.rel @p0 .LBB2_1-.Ltmp1, $4  }
0x7c: {  	[hbm4b:s19+s3] =	stream.linear.scatter [tilespmem:s22], [sflag:$0x1], $0x3C00, $0x38;
	[tilespmem:$0xB700] =	vst v63  }
0x7d: {  	_ =	swait.ge [sflag:s23], $0x3C00  }
0x7e: {  	[sflag:s23] =	ssyncset.done $0x0  }
0x7f: {  	[sflag:s23] =	ssyncadd.s32 $0xFFFFC400  }
0x80: {  	_ =	sfence.sel $0x180000  }
0x81: {  	[bflag:$0x0] =	sbarrier.arrive $0xFFFF  }
0x82: {  	p0 =	sne.s32 s0, $0x0;
	_ =	strace $0x9000004A  }
0x83: {  	s0 =	sadd.s32 @!p0 $0x100000, s1;
	[bflag:$0x2] =	sbarrier.arrive $0xFFFF  }
0x84: {  	[sflag:s0] =	ssyncadd.tile.s32 @!p0 $0x1;
	_ =	shalt  }
.Lfunc_end2:
_tile_overlayer_lowered:
.L_overlay_start_2:
0x85: {  	(tag) =	ssettag $0x2  }
0x86: {  	s0 =	rddreg [dreg:$0x0];
	s2 =	stileid.u32  }
0x87: {  	s1 =	rddreg [dreg:$0x1];
	p0 =	sne.s32 s2, $0x0  }
0x88: {  	s3 =	rddreg [dreg:$0x2];
	[bflag:$0x3] =	sbarrier.arrive $0xFFFF;
	s2 =	simm.s32 @!p0 $0x1C01  }
0x89: {  	[timem:s3], [sflag:s2] =	dma.local @!p0 [hbm:s0], s1  }
0x8a: {  	s0 =	simm.s32 @!p0 $0x1  }
0x8b: {  	_ =	swait.ge @!p0 [sflag:s0], s1  }
0x8c: {  	s1 =	ssub.s32 @!p0 $0x0, s1;
	[sflag:s0] =	ssyncset.done @!p0 $0x0  }
0x8d: {  	[sflag:s0] =	ssyncadd.s32 @!p0 s1  }
0x8e: {  	[bflag:$0x3] =	sbarrier.arrive $0xFFFF  }
0x8f: {  	_ =	shalt  }

// kernel: kernel.15.cloned.1.call-start
scs
__scs_entry_jumppad:
0x0: {  	(pc) =	sbr.rel $0x88, $3  }
0x1: {  	(tag) =	ssettag $0x0;
	lr =	simm.s32 $0x1  }
0x2: {  	[smem:$0x3F90] =	sst lr;
	_ =	strace $0xD0000000  }
0x3: {  	_ = 	snop  }
0x4: {  	_ = 	snop  }
0x5: {  	_ = 	snop  }
0x6: {  	_ = 	snop  }
0x7: {  	_ = 	snop  }
__scs_overlays_trampoline_lowered:
0x8: {  	[smem:$0x3F9F] =	sst s0  }
0x9: {  	[smem:$0x3FA0] =	sst s1  }
0xa: {  	[smem:$0x3FA1] =	sst s2  }
0xb: {  	[smem:$0x3FA2] =	sst s3  }
0xc: {  	[smem:$0x3FA3] =	sst s4  }
0xd: {  	[smem:$0x3FA4] =	sst s5  }
0xe: {  	[smem:$0x3FA5] =	sst s6  }
0xf: {  	[smem:$0x3FA6] =	sst s7  }
0x10: {  	[smem:$0x3FA7] =	sst s8  }
0x11: {  	[smem:$0x3FA8] =	sst s9;
	s0 =	simm.s32 @!p0 $0x0  }
0x12: {  	s1 =	sld [smem:$0x3F8E];
	s0 =	simm.s32 @p0 $0x1  }
0x13: {  	[smem:$0x3FA9] =	sst s0;
	s0 =	simm.s32 @!p1 $0x0  }
0x14: {  	s2 =	sld [smem:$0x3F8D];
	s0 =	simm.s32 @p1 $0x1  }
0x15: {  	[smem:$0x3FAA] =	sst s0;
	s0 =	simm.s32 @!p2 $0x0  }
0x16: {  	s3 =	sld [smem:$0x3FDB];
	s0 =	simm.s32 @p2 $0x1  }
0x17: {  	s4 =	simm.s32 $0x1BF5;
	[smem:$0x3FAC] =	sst s0  }
0x18: {  	s0 =	sld [smem:$0x3F8F];
	_ =	swait.ge [sflag:s4], $0x0  }
0x19: {  	s7 =	sld [smem:$0x3F90]  }
0x1a: {  	s8 =	sadd.s32 $0xFFFFE003, lr  }
0x1b: {  	s9 =	sadd.s32 $0xFFFFFEF7, lr;
	s5 =	simm.s32 $0xFFFFFFFF;
	p2 =	slt.u32 s8, $0xFFFFF086  }
0x1c: {  	p1 =	slt.u32 s9, $0xF7A;
	s5 =	simm.s32 @!p2 $0x0  }
0x1d: {  	s5 =	simm.s32 @p1 $0x1;
	p0 =	seq.s32 s7, s2  }
0x1e: {  	s7 =	smul.u32 @!p0 $0xF7A, s2;
	p2 =	seq.s32 @!p0 s5, $0x0  }
0x1f: {  	s9 =	smul.u32 $0xF7A, s1;
	s8 =	simm.s32 @!p0 $0x1BF5;
	p2 =	por !p2, p0  }
0x20: {  	[sflag:s8] =	ssyncset.s32 @!p0 $0xFFFFF086;
	s6 =	sadd.s32 @!p0 s3, s7;
	s7 =	simm.s32 @!p0 $0x108  }
0x21: {  	s3 =	sadd.s32 s3, s9;
	s6 =	sadd.s32 @!p0 $0x88, s6;
	s7 =	simm.s32 @p2 $0x1082  }
0x22: {  	[simem:s7], [sflag:s8] =	dma.local @!p0 [hbm:s6], $0xF7A  }
0x23: {  	s9 =	sor.u32 $0xD0000000, s2;
	s6 =	simm.s32 $0x108;
	_ =	swait.ge @!p0 [sflag:s8], $0x0  }
0x24: {  	s3 =	sadd.s32 $0x88, s3;
	s6 =	simm.s32 @!p1 $0x1082;
	[sflag:s4] =	ssyncset.s32 $0xFFFFF086  }
0x25: {  	[simem:s6], [sflag:s4] =	dma.local [hbm:s3], $0xF7A  }
0x26: {  	[smem:$0x3F90] =	sst s1;
	(tag) =	ssettag s2;
	_ =	strace s9  }
0x27: {  	s1 =	sld [smem:$0x3FA0]  }
0x28: {  	s2 =	sld [smem:$0x3FA1]  }
0x29: {  	s4 =	sld [smem:$0x3FA3]  }
0x2a: {  	p0 =	seq.s32 s5, $0x0;
	s5 =	sld [smem:$0x3FA4]  }
0x2b: {  	s6 =	sld [smem:$0x3FA5]  }
0x2c: {  	s7 =	sld [smem:$0x3FA6]  }
0x2d: {  	s3 =	simm.s32 $0x108;
	s8 =	sld [smem:$0x3FA7]  }
0x2e: {  	s3 =	simm.s32 @!p0 $0x1082;
	s9 =	sld [smem:$0x3FA8]  }
0x2f: {  	lr =	sadd.s32 s0, s3;
	s0 =	sld [smem:$0x3F9F]  }
0x30: {  	s3 =	sld [smem:$0x3FA2]  }
0x31: {  	[smem:$0x3FAB] =	sst s10  }
0x32: {  	s10 =	sld [smem:$0x3FA9];
	_ =	sdelay $0x3  }
0x33: {  	p0 =	seq.s32 s10, $0x1;
	s10 =	sld [smem:$0x3FAB];
	_ =	sdelay $0x3  }
0x34: {  	[smem:$0x3FAB] =	sst s10  }
0x35: {  	s10 =	sld [smem:$0x3FAA];
	_ =	sdelay $0x3  }
0x36: {  	p1 =	seq.s32 s10, $0x1;
	s10 =	sld [smem:$0x3FAB];
	_ =	sdelay $0x3  }
0x37: {  	[smem:$0x3FAB] =	sst s10  }
0x38: {  	s10 =	sld [smem:$0x3FAC]  }
0x39: {  	_ = 	snop;
	(pc) =	sbr.ind lr, $3  }
0x3a: {  	_ = 	snop  }
0x3b: {  	_ = 	snop  }
0x3c: {  	p2 =	seq.s32 s10, $0x1;
	s10 =	sld [smem:$0x3FAB]  }
0x3d: {  	_ =	shalt  }
0x3e: {  	_ =	shalt  }
0x3f: {  	_ =	shalt  }
0x40: {  	_ =	shalt  }
0x41: {  	_ =	shalt  }
0x42: {  	_ =	shalt  }
0x43: {  	_ =	shalt  }
0x44: {  	_ =	shalt  }
0x45: {  	_ =	shalt  }
0x46: {  	_ =	shalt  }
0x47: {  	_ =	shalt  }
0x48: {  	_ =	shalt  }
0x49: {  	_ =	shalt  }
0x4a: {  	_ =	shalt  }
0x4b: {  	_ =	shalt  }
0x4c: {  	_ =	shalt  }
0x4d: {  	_ =	shalt  }
0x4e: {  	_ =	shalt  }
0x4f: {  	_ =	shalt  }
0x50: {  	_ =	shalt  }
0x51: {  	_ =	shalt  }
0x52: {  	_ =	shalt  }
0x53: {  	_ =	shalt  }
0x54: {  	_ =	shalt  }
0x55: {  	_ =	shalt  }
0x56: {  	_ =	shalt  }
0x57: {  	_ =	shalt  }
0x58: {  	_ =	shalt  }
0x59: {  	_ =	shalt  }
0x5a: {  	_ =	shalt  }
0x5b: {  	_ =	shalt  }
0x5c: {  	_ =	shalt  }
0x5d: {  	_ =	shalt  }
0x5e: {  	_ =	shalt  }
0x5f: {  	_ =	shalt  }
0x60: {  	_ =	shalt  }
0x61: {  	_ =	shalt  }
0x62: {  	_ =	shalt  }
0x63: {  	_ =	shalt  }
0x64: {  	_ =	shalt  }
0x65: {  	_ =	shalt  }
0x66: {  	_ =	shalt  }
0x67: {  	_ =	shalt  }
0x68: {  	_ =	shalt  }
0x69: {  	_ =	shalt  }
0x6a: {  	_ =	shalt  }
0x6b: {  	_ =	shalt  }
0x6c: {  	_ =	shalt  }
0x6d: {  	_ =	shalt  }
0x6e: {  	_ =	shalt  }
0x6f: {  	_ =	shalt  }
0x70: {  	_ =	shalt  }
0x71: {  	_ =	shalt  }
0x72: {  	_ =	shalt  }
0x73: {  	_ =	shalt  }
0x74: {  	_ =	shalt  }
0x75: {  	_ =	shalt  }
0x76: {  	_ =	shalt  }
0x77: {  	_ =	shalt  }
0x78: {  	_ =	shalt  }
0x79: {  	_ =	shalt  }
0x7a: {  	_ =	shalt  }
0x7b: {  	_ =	shalt  }
0x7c: {  	_ =	shalt  }
0x7d: {  	_ =	shalt  }
0x7e: {  	_ =	shalt  }
0x7f: {  	_ =	shalt  }
0x80: {  	_ =	shalt  }
0x81: {  	_ =	shalt  }
0x82: {  	_ =	shalt  }
0x83: {  	_ =	shalt  }
0x84: {  	_ =	shalt  }
0x85: {  	_ =	shalt  }
0x86: {  	_ =	shalt  }
0x87: {  	_ =	shalt  }
.Lfunc_end0:
.L_simem_size_0:
called_computation.2_lowered:
.L_overlay_start_0:
0x88: {  	s2 =	sld [smem:$0x3FD9]  }
0x89: {  	s3 =	sld [smem:$0x3FFE];
	_ =	sdelay $0x1  }
0x8a: {  	s1 =	srdreg.scid  }
0x8b: {  	s0 =	sand.u32 $0x1, s1  }
0x8c: {  	s16 =	sshll.u32 s0, $0xA;
	s2 =	sadd.s32 s3, s2  }
0x8d: {  	s2 =	sadd.s32 s2, s16  }
0x8e: {  	[smem:$0x3FB7] =	sst s2  }
0x8f: {  	_ = 	snop  }
0x90: {  	(tm) =	ssettm $0x1  }
0x91: {  	s17 =	sld [smem:$0x3FFB];
	_ =	sdelay $0x3  }
0x92: {  	_ =	strace s17  }
0x93: {  	s2 =	sld [smem:$0x3FFC];
	_ =	sdelay $0x3  }
0x94: {  	_ =	strace s2  }
0x95: {  	s2 =	sld [smem:$0x3FFD];
	_ =	sdelay $0x3  }
0x96: {  	_ =	strace s2  }
0x97: {  	_ =	strace $0x8FFFFFFF  }
0x98: {  	s18 =	sld [smem:$0x3FDB];
	_ =	sdelay $0x1  }
0x99: {  	s19 =	simm.s32 $_scs_section_size  }
0x9a: {  	s4 =	simm.s32 $_size__tile_overlayer_lowered;
	s5 =	simm.s32 $_tile_overlayer_lowered  }
0x9b: {  	s22 =	simm.s32 $0x1BFF;
	s21 =	sshll.u32 s5, $0x1;
	s2 =	sadd.s32 s19, s18  }
0x9c: {  	s6 =	simm.s32 $0x0;
	s20 =	sshll.u32 s4, $0x1;
	s4 =	sadd.s32 s21, s2  }
0x9d: {  	[timem:s6], [sflag:s22] =	dma.local [hbm:s4], s20  }
0x9e: {  	_ =	swait.ge [sflag:s22], s20  }
0x9f: {  	s3 =	ssub.s32 $0x0, s20;
	[sflag:s22] =	ssyncset.done $0x0  }
0xa0: {  	[sflag:s22] =	ssyncadd.s32 s3;
	_ =	sdelay $0x1  }
0xa1: {  	s23 =	simm.s32 $0x1B8B  }
0xa2: {  	_ =	swait.ge [sflag:s23], $0x1  }
0xa3: {  	[sflag:s23] =	ssyncset.done $0x0  }
0xa4: {  	s25 =	simm.s32 $0x1B8E;
	s24 =	sld [smem:$0x3FFE];
	[sflag:s23] =	ssyncadd.s32 $0xFFFFFFFF  }
0xa5: {  	s26 =	simm.s32 $execute0_lowered;
	[smem:$0x3FD2] =	sst s25  }
0xa6: {  	s4 =	sshll.u32 s26, $0x1;
	_ =	strace $0x8000004C;
	[dreg:$0x1] =	wrdreg $0xFFFFFFFF  }
0xa7: {  	s28 =	simm.s32 $_size_execute0_lowered;
	s2 =	sadd.s32 s2, s4;
	[dreg:$0x0] =	wrdreg $0x0  }
0xa8: {  	s4 =	sshll.u32 s28, $0x1;
	[dreg:$0x2] =	wrdreg s2  }
0xa9: {  	[dreg:$0x3] =	wrdreg s4  }
0xaa: {  	[dreg:$0x4] =	wrdreg $0xC0  }
0xab: {  	_ =	task [dreg:s6], $0x5FFFF  }
0xac: {  	[dreg:$0x1] =	wrdreg $0xFFFFFFFF  }
0xad: {  	[dreg:$0x0] =	wrdreg $0x60  }
0xae: {  	[dreg:$0x2] =	wrdreg s24  }
0xaf: {  	[dreg:$0x3] =	wrdreg $0x68000  }
0xb0: {  	[dreg:$0x4] =	wrdreg $0x9  }
0xb1: {  	_ =	task.clear_ibuf [dreg:s6], $0x5FFFF;
	_ =	strace $0x9000004C  }
0xb2: {  	s29 =	simm.s32 $0x9;
	_ =	strace $0x8000004E  }
0xb3: {  	_ =	swait.ge [sflag:s29], $0x1  }
0xb4: {  	[sflag:s29] =	ssyncadd.s32 $0xFFFFFFFF  }
0xb5: {  	_ =	strace $0x9000004E  }
0xb6: {  	_ =	sfence  }
0xb7: {  	s30 =	sld [smem:$0x0];
	_ =	sdelay $0x2  }
0xb8: {  	s31 =	sshll.u32 s1, $0xD;
	s1 =	sshrl.u32 s1, $0x2  }
0xb9: {  	s3 =	sand.u32 $0x4000, s31;
	s1 =	sadd.s32 s1, s30  }
0xba: {  	s0 =	sor.u32 s3, s0;
	s1 =	sshll.u32 s1, $0x11  }
0xbb: {  	s0 =	sor.u32 s1, s0  }
0xbc: {  	s0 =	sadd.s32 $0x8F2B, s0  }
0xbd: {  	[sflag:s0] =	ssyncadd.remote.s32 $0x1  }
0xbe: {  	_ =	sfence.sel $0xFFFF  }
0xbf: {  	[dreg:$0x0] =	wrdreg $0xFFFFFFFF;
	(pc) =	sbr.abs _section_cstart, $3  }
0xc0: {  	[dreg:$0x1] =	wrdreg $0xFFFFFFFF  }
0xc1: {  	_ =	task.clear_ibuf [dreg:s6], $0x2FFFF;
	_ =	strace $0x9FFFFFFF  }
0xc2: {  	(tm) =	ssettm $0x7FFFFFFF  }
0xc3: {  	_ =	shalt  }
tec
execute0_lowered:
.L_overlay_start_1:
0x0: {  	(tag) =	ssettag $0x1  }
0x1: {  	s4 =	rddreg [dreg:$0x0];
	s1 =	srdreg.scid  }
0x2: {  	s0 =	stileid.u32;
	s2 =	rddreg [dreg:$0x1]  }
0x3: {  	s3 =	simm.s32 $0x0;
	s19 =	simm.s32 $0x80;
	s20 =	simm.s32 $0x1  }
0x4: {  	s14 =	sand.u32 $0x1, s1;
	s1 =	rddreg [dreg:$0x2];
	s11 =	smul.u32 $0x278, s0  }
0x5: {  	s5 =	sshll.u32 s0, $0x1;
	[smem:$0x7FF] =	sst s3;
	s7 =	smul.u32 $0x2780, s0  }
0x6: {  	s12 =	sadd.s32 $0x3EE00, s4;
	s8 =	sshll.u32 s0, $0xC;
	s10 =	smul.u32 $0x4F000, s0  }
0x7: {  	s5 =	sor.u32 s14, s5;
	_ =	strace $0x8000004D;
	s6 =	ssub.s32 $0x2, s14  }
0x8: {  	s16 =	sadd.s32 s8, s4;
	s31 =	sshll.u32 s14, $0xB;
	s5 =	smul.u32 $0x500, s5  }
0x9: {  	s9 =	sshrl.u32 s6, $0x1;
	s21 =	sshrl.u32 s10, $0x2;
	s22 =	sadd.s32 $0x80, s11  }
0xa: {  	s25 =	sadd.s32 $0x100, s11;
	s13 =	sadd.s32 $0x180, s11;
	s18 =	sadd.s32 $0x200, s11  }
0xb: {  	s16 =	sadd.s32 s31, s16;
	s17 =	ssub.s32 s6, s9;
	s23 =	sshll.u32 s22, $0x4  }
0xc: {  	s24 =	sshll.u32 s22, $0x7;
	s26 =	sshll.u32 s25, $0x4;
	s28 =	sshll.u32 s25, $0x7  }
0xd: {  	s29 =	sshll.u32 s13, $0x4;
	s13 =	sshll.u32 s13, $0x7;
	s30 =	sshll.u32 s18, $0x4  }
0xe: {  	s18 =	sshll.u32 s18, $0x7;
	s16 =	sadd.s32 $0x8D800, s16;
	s15 =	sadd.s32 s5, s4  }
0xf: {  	s4 =	sadd.s32 s12, s7;
	s5 =	sadd.s32 s21, s2;
	s6 =	sadd.s32 s12, s23  }
0x10: {  	s7 =	sadd.s32 s24, s2;
	s8 =	sadd.s32 s12, s26;
	s9 =	sadd.s32 s28, s2  }
0x11: {  	s10 =	sadd.s32 s12, s29;
	s11 =	sadd.s32 s13, s2;
	s12 =	sadd.s32 s12, s30  }
0x12: {  	s13 =	sadd.s32 s18, s2;
	s18 =	simm.s32 $0x2;
	s21 =	simm.s32 $0x0  }
0x13: {  	s14 =	sadd.s32 $0x3600, s15;
	s15 =	smax.u32 s17, $0x1;
	s17 =	simm.s32 $0x2800  }
.LBB2_1:
0x14: {  	[tilespmem:s17], [sflag:$0x2] =	stream.linear.gather [hbm4b:s4+s3], $0x4000, $0x38;
	[tilespmem:$0xB700] =	vst v63  }
0x15: {  	_ =	swait.ge [sflag:s18], $0x4000  }
0x16: {  	[sflag:s18] =	ssyncset.done $0x0  }
0x17: {  	[sflag:s18] =	ssyncadd.s32 $0xFFFFC000  }
0x18: {  	[spmem:s5] =	stream.linear.scatter [tilespmem:s17], [sflag:$0x2], $0x4000, $0x38;
	[tilespmem:$0xB700] =	vst v63  }
0x19: {  	_ =	swait.ge [sflag:s18], $0x4000  }
0x1a: {  	[sflag:s18] =	ssyncset.done $0x0  }
0x1b: {  	[sflag:s18] =	ssyncadd.s32 $0xFFFFC000  }
0x1c: {  	[tilespmem:s17], [sflag:$0x2] =	stream.linear.gather [hbm4b:s6+s3], $0x4000, $0x38;
	[tilespmem:$0xB700] =	vst v63  }
0x1d: {  	_ =	swait.ge [sflag:s18], $0x4000  }
0x1e: {  	[sflag:s18] =	ssyncset.done $0x0  }
0x1f: {  	[sflag:s18] =	ssyncadd.s32 $0xFFFFC000  }
0x20: {  	[spmem:s7] =	stream.linear.scatter [tilespmem:s17], [sflag:$0x2], $0x4000, $0x38;
	[tilespmem:$0xB700] =	vst v63  }
0x21: {  	_ =	swait.ge [sflag:s18], $0x4000  }
0x22: {  	[sflag:s18] =	ssyncset.done $0x0  }
0x23: {  	[sflag:s18] =	ssyncadd.s32 $0xFFFFC000  }
0x24: {  	[tilespmem:s17], [sflag:$0x2] =	stream.linear.gather [hbm4b:s8+s3], $0x4000, $0x38;
	[tilespmem:$0xB700] =	vst v63  }
0x25: {  	_ =	swait.ge [sflag:s18], $0x4000  }
0x26: {  	[sflag:s18] =	ssyncset.done $0x0  }
0x27: {  	[sflag:s18] =	ssyncadd.s32 $0xFFFFC000  }
0x28: {  	[spmem:s9] =	stream.linear.scatter [tilespmem:s17], [sflag:$0x2], $0x4000, $0x38;
	[tilespmem:$0xB700] =	vst v63  }
0x29: {  	_ =	swait.ge [sflag:s18], $0x4000  }
0x2a: {  	[sflag:s18] =	ssyncset.done $0x0  }
0x2b: {  	[sflag:s18] =	ssyncadd.s32 $0xFFFFC000  }
0x2c: {  	[tilespmem:s17], [sflag:$0x2] =	stream.linear.gather [hbm4b:s10+s3], $0x4000, $0x38;
	[tilespmem:$0xB700] =	vst v63  }
0x2d: {  	_ =	swait.ge [sflag:s18], $0x4000  }
0x2e: {  	[sflag:s18] =	ssyncset.done $0x0  }
0x2f: {  	[sflag:s18] =	ssyncadd.s32 $0xFFFFC000  }
0x30: {  	[spmem:s11] =	stream.linear.scatter [tilespmem:s17], [sflag:$0x2], $0x4000, $0x38;
	[tilespmem:$0xB700] =	vst v63  }
0x31: {  	_ =	swait.ge [sflag:s18], $0x4000  }
0x32: {  	[sflag:s18] =	ssyncset.done $0x0  }
0x33: {  	[sflag:s18] =	ssyncadd.s32 $0xFFFFC000  }
0x34: {  	[tilespmem:s17], [sflag:$0x2] =	stream.linear.gather [hbm4b:s12+s3], $0x3C00, $0x38;
	[tilespmem:$0xB700] =	vst v63  }
0x35: {  	_ =	swait.ge [sflag:s18], $0x3C00  }
0x36: {  	[sflag:s18] =	ssyncset.done $0x0  }
0x37: {  	[sflag:s18] =	ssyncadd.s32 $0xFFFFC400  }
0x38: {  	[spmem:s13] =	stream.linear.scatter [tilespmem:s17], [sflag:$0x2], $0x3C00, $0x38;
	[tilespmem:$0xB700] =	vst v63  }
0x39: {  	_ =	swait.ge [sflag:s18], $0x3C00  }
0x3a: {  	[sflag:s18] =	ssyncset.done $0x0  }
0x3b: {  	[sflag:s18] =	ssyncadd.s32 $0xFFFFC400  }
0x3c: {  	[tilespmem:s3], [sflag:$0x2] =	stream.linear.gather [hbm4b:s14+s3], $0x2800, $0x38;
	[tilespmem:$0xB700] =	vst v63  }
0x3d: {  	_ =	swait.ge [sflag:s18], $0x2800  }
0x3e: {  	[sflag:s18] =	ssyncset.done $0x0  }
0x3f: {  	[sflag:s18] =	ssyncadd.s32 $0xFFFFD800  }
0x40: {  	s22 =	simm.s32 $0x0;
	[bflag:$0x0] =	sbarrier.arrive $0xFFFF  }
0x41: {  	[tilespmem:s17], [sflag:$0x1] =	stream.indirect.gather [spmem:s2], $0x20, s22, s19, $0xb8;
	[tilespmem:$0xB700] =	vst v63  }
0x42: {  	_ =	swait.ge [sflag:s20], $0x1000  }
0x43: {  	[sflag:s20] =	ssyncset.done $0x0  }
0x44: {  	[sflag:s20] =	ssyncadd.s32 $0xFFFFF000  }
0x45: {  	[hbm4b:s16+s3] =	stream.linear.scatter [tilespmem:s17], [sflag:$0x2], $0x4000, $0x38;
	[tilespmem:$0xB700] =	vst v63  }
0x46: {  	s23 =	simm.s32 $0x200;
	_ =	swait.ge [sflag:s18], $0x4000  }
0x47: {  	s24 =	simm.s32 $0x400;
	s22 =	sadd.s32 $0x10000, s16;
	[sflag:s18] =	ssyncset.done $0x0  }
.LBB2_2:
0x48: {  	s25 =	sshra.s32 s23, $0x2  }
0x49: {  	[sflag:s18] =	ssyncadd.s32 $0xFFFFC000;
	s23 =	smov.u32 s24;
	s26 =	sadd.s32 $0x200, s24  }
0x4a: {  	[tilespmem:s17], [sflag:$0x1] =	stream.indirect.gather [spmem:s2], $0x20, s25, s19, $0xb8;
	[tilespmem:$0xB700] =	vst v63  }
0x4b: {  	p0 =	sne.s32 s24, $0x9E00;
	_ =	swait.ge [sflag:s20], $0x1000  }
.Ltmp0:
0x4c: {  	[sflag:s20] =	ssyncset.done $0x0;
	(pc) =	sbr.rel @p0 .LBB2_2-.Ltmp0, $4  }
0x4d: {  	[sflag:s20] =	ssyncadd.s32 $0xFFFFF000  }
0x4e: {  	[hbm4b:s22+s3] =	stream.linear.scatter [tilespmem:s17], [sflag:$0x2], $0x4000, $0x38;
	[tilespmem:$0xB700] =	vst v63  }
0x4f: {  	_ =	swait.ge [sflag:s18], $0x4000  }
0x50: {  	s24 =	smov.u32 s26;
	s22 =	sadd.s32 $0x10000, s22;
	[sflag:s18] =	ssyncset.done $0x0  }
0x51: {  	s23 =	sshra.s32 s23, $0x2;
	[sflag:s18] =	ssyncadd.s32 $0xFFFFC000  }
0x52: {  	[tilespmem:s17], [sflag:$0x1] =	stream.indirect.gather [spmem:s2], $0x20, s23, s19, $0xb8;
	[tilespmem:$0xB700] =	vst v63  }
0x53: {  	s21 =	sadd.s32 $0x1, s21;
	_ =	swait.ge [sflag:s20], $0x1000  }
0x54: {  	p0 =	sne.s32 s21, s15;
	[sflag:s20] =	ssyncset.done $0x0  }
.Ltmp1:
0x55: {  	[sflag:s20] =	ssyncadd.s32 $0xFFFFF000;
	(pc) =	sbr.rel @p0 .LBB2_1-.Ltmp1, $4  }
0x56: {  	[hbm4b:s22+s3] =	stream.linear.scatter [tilespmem:s17], [sflag:$0x2], $0x4000, $0x38;
	[tilespmem:$0xB700] =	vst v63  }
0x57: {  	_ =	swait.ge [sflag:s18], $0x4000  }
0x58: {  	[sflag:s18] =	ssyncset.done $0x0  }
0x59: {  	[sflag:s18] =	ssyncadd.s32 $0xFFFFC000  }
0x5a: {  	_ =	sfence.sel $0x180000  }
0x5b: {  	[bflag:$0x0] =	sbarrier.arrive $0xFFFF  }
0x5c: {  	p0 =	sne.s32 s0, $0x0;
	_ =	strace $0x9000004D  }
0x5d: {  	s0 =	sadd.s32 @!p0 $0x100000, s1;
	[bflag:$0x2] =	sbarrier.arrive $0xFFFF  }
0x5e: {  	[sflag:s0] =	ssyncadd.tile.s32 @!p0 $0x1;
	_ =	shalt  }
.Lfunc_end2:
_tile_overlayer_lowered:
.L_overlay_start_2:
0x5f: {  	(tag) =	ssettag $0x2  }
0x60: {  	s0 =	rddreg [dreg:$0x0];
	s2 =	stileid.u32  }
0x61: {  	s1 =	rddreg [dreg:$0x1];
	p0 =	sne.s32 s2, $0x0  }
0x62: {  	s3 =	rddreg [dreg:$0x2];
	[bflag:$0x3] =	sbarrier.arrive $0xFFFF;
	s2 =	simm.s32 @!p0 $0x1C02  }
0x63: {  	[timem:s3], [sflag:s2] =	dma.local @!p0 [hbm:s0], s1  }
0x64: {  	s0 =	simm.s32 @!p0 $0x2  }
0x65: {  	_ =	swait.ge @!p0 [sflag:s0], s1  }
0x66: {  	s1 =	ssub.s32 @!p0 $0x0, s1;
	[sflag:s0] =	ssyncset.done @!p0 $0x0  }
0x67: {  	[sflag:s0] =	ssyncadd.s32 @!p0 s1  }
0x68: {  	[bflag:$0x3] =	sbarrier.arrive $0xFFFF  }
0x69: {  	_ =	shalt  }

// kernel: kernel.18.cloned.1.call-start
scs
__scs_entry_jumppad:
0x0: {  	(pc) =	sbr.rel $0x88, $3  }
0x1: {  	(tag) =	ssettag $0x0;
	lr =	simm.s32 $0x1  }
0x2: {  	[smem:$0x3F90] =	sst lr;
	_ =	strace $0xD0000000  }
0x3: {  	_ = 	snop  }
0x4: {  	_ = 	snop  }
0x5: {  	_ = 	snop  }
0x6: {  	_ = 	snop  }
0x7: {  	_ = 	snop  }
__scs_overlays_trampoline_lowered:
0x8: {  	[smem:$0x3F9F] =	sst s0  }
0x9: {  	[smem:$0x3FA0] =	sst s1  }
0xa: {  	[smem:$0x3FA1] =	sst s2  }
0xb: {  	[smem:$0x3FA2] =	sst s3  }
0xc: {  	[smem:$0x3FA3] =	sst s4  }
0xd: {  	[smem:$0x3FA4] =	sst s5  }
0xe: {  	[smem:$0x3FA5] =	sst s6  }
0xf: {  	[smem:$0x3FA6] =	sst s7  }
0x10: {  	[smem:$0x3FA7] =	sst s8  }
0x11: {  	[smem:$0x3FA8] =	sst s9;
	s0 =	simm.s32 @!p0 $0x0  }
0x12: {  	s1 =	sld [smem:$0x3F8E];
	s0 =	simm.s32 @p0 $0x1  }
0x13: {  	[smem:$0x3FA9] =	sst s0;
	s0 =	simm.s32 @!p1 $0x0  }
0x14: {  	s2 =	sld [smem:$0x3F8D];
	s0 =	simm.s32 @p1 $0x1  }
0x15: {  	[smem:$0x3FAA] =	sst s0;
	s0 =	simm.s32 @!p2 $0x0  }
0x16: {  	s3 =	sld [smem:$0x3FDB];
	s0 =	simm.s32 @p2 $0x1  }
0x17: {  	s4 =	simm.s32 $0x1BF5;
	[smem:$0x3FAC] =	sst s0  }
0x18: {  	s0 =	sld [smem:$0x3F8F];
	_ =	swait.ge [sflag:s4], $0x0  }
0x19: {  	s7 =	sld [smem:$0x3F90]  }
0x1a: {  	s8 =	sadd.s32 $0xFFFFE003, lr  }
0x1b: {  	s9 =	sadd.s32 $0xFFFFFEF7, lr;
	s5 =	simm.s32 $0xFFFFFFFF;
	p2 =	slt.u32 s8, $0xFFFFF086  }
0x1c: {  	p1 =	slt.u32 s9, $0xF7A;
	s5 =	simm.s32 @!p2 $0x0  }
0x1d: {  	s5 =	simm.s32 @p1 $0x1;
	p0 =	seq.s32 s7, s2  }
0x1e: {  	s7 =	smul.u32 @!p0 $0xF7A, s2;
	p2 =	seq.s32 @!p0 s5, $0x0  }
0x1f: {  	s9 =	smul.u32 $0xF7A, s1;
	s8 =	simm.s32 @!p0 $0x1BF5;
	p2 =	por !p2, p0  }
0x20: {  	[sflag:s8] =	ssyncset.s32 @!p0 $0xFFFFF086;
	s6 =	sadd.s32 @!p0 s3, s7;
	s7 =	simm.s32 @!p0 $0x108  }
0x21: {  	s3 =	sadd.s32 s3, s9;
	s6 =	sadd.s32 @!p0 $0x88, s6;
	s7 =	simm.s32 @p2 $0x1082  }
0x22: {  	[simem:s7], [sflag:s8] =	dma.local @!p0 [hbm:s6], $0xF7A  }
0x23: {  	s9 =	sor.u32 $0xD0000000, s2;
	s6 =	simm.s32 $0x108;
	_ =	swait.ge @!p0 [sflag:s8], $0x0  }
0x24: {  	s3 =	sadd.s32 $0x88, s3;
	s6 =	simm.s32 @!p1 $0x1082;
	[sflag:s4] =	ssyncset.s32 $0xFFFFF086  }
0x25: {  	[simem:s6], [sflag:s4] =	dma.local [hbm:s3], $0xF7A  }
0x26: {  	[smem:$0x3F90] =	sst s1;
	(tag) =	ssettag s2;
	_ =	strace s9  }
0x27: {  	s1 =	sld [smem:$0x3FA0]  }
0x28: {  	s2 =	sld [smem:$0x3FA1]  }
0x29: {  	s4 =	sld [smem:$0x3FA3]  }
0x2a: {  	p0 =	seq.s32 s5, $0x0;
	s5 =	sld [smem:$0x3FA4]  }
0x2b: {  	s6 =	sld [smem:$0x3FA5]  }
0x2c: {  	s7 =	sld [smem:$0x3FA6]  }
0x2d: {  	s3 =	simm.s32 $0x108;
	s8 =	sld [smem:$0x3FA7]  }
0x2e: {  	s3 =	simm.s32 @!p0 $0x1082;
	s9 =	sld [smem:$0x3FA8]  }
0x2f: {  	lr =	sadd.s32 s0, s3;
	s0 =	sld [smem:$0x3F9F]  }
0x30: {  	s3 =	sld [smem:$0x3FA2]  }
0x31: {  	[smem:$0x3FAB] =	sst s10  }
0x32: {  	s10 =	sld [smem:$0x3FA9];
	_ =	sdelay $0x3  }
0x33: {  	p0 =	seq.s32 s10, $0x1;
	s10 =	sld [smem:$0x3FAB];
	_ =	sdelay $0x3  }
0x34: {  	[smem:$0x3FAB] =	sst s10  }
0x35: {  	s10 =	sld [smem:$0x3FAA];
	_ =	sdelay $0x3  }
0x36: {  	p1 =	seq.s32 s10, $0x1;
	s10 =	sld [smem:$0x3FAB];
	_ =	sdelay $0x3  }
0x37: {  	[smem:$0x3FAB] =	sst s10  }
0x38: {  	s10 =	sld [smem:$0x3FAC]  }
0x39: {  	_ = 	snop;
	(pc) =	sbr.ind lr, $3  }
0x3a: {  	_ = 	snop  }
0x3b: {  	_ = 	snop  }
0x3c: {  	p2 =	seq.s32 s10, $0x1;
	s10 =	sld [smem:$0x3FAB]  }
0x3d: {  	_ =	shalt  }
0x3e: {  	_ =	shalt  }
0x3f: {  	_ =	shalt  }
0x40: {  	_ =	shalt  }
0x41: {  	_ =	shalt  }
0x42: {  	_ =	shalt  }
0x43: {  	_ =	shalt  }
0x44: {  	_ =	shalt  }
0x45: {  	_ =	shalt  }
0x46: {  	_ =	shalt  }
0x47: {  	_ =	shalt  }
0x48: {  	_ =	shalt  }
0x49: {  	_ =	shalt  }
0x4a: {  	_ =	shalt  }
0x4b: {  	_ =	shalt  }
0x4c: {  	_ =	shalt  }
0x4d: {  	_ =	shalt  }
0x4e: {  	_ =	shalt  }
0x4f: {  	_ =	shalt  }
0x50: {  	_ =	shalt  }
0x51: {  	_ =	shalt  }
0x52: {  	_ =	shalt  }
0x53: {  	_ =	shalt  }
0x54: {  	_ =	shalt  }
0x55: {  	_ =	shalt  }
0x56: {  	_ =	shalt  }
0x57: {  	_ =	shalt  }
0x58: {  	_ =	shalt  }
0x59: {  	_ =	shalt  }
0x5a: {  	_ =	shalt  }
0x5b: {  	_ =	shalt  }
0x5c: {  	_ =	shalt  }
0x5d: {  	_ =	shalt  }
0x5e: {  	_ =	shalt  }
0x5f: {  	_ =	shalt  }
0x60: {  	_ =	shalt  }
0x61: {  	_ =	shalt  }
0x62: {  	_ =	shalt  }
0x63: {  	_ =	shalt  }
0x64: {  	_ =	shalt  }
0x65: {  	_ =	shalt  }
0x66: {  	_ =	shalt  }
0x67: {  	_ =	shalt  }
0x68: {  	_ =	shalt  }
0x69: {  	_ =	shalt  }
0x6a: {  	_ =	shalt  }
0x6b: {  	_ =	shalt  }
0x6c: {  	_ =	shalt  }
0x6d: {  	_ =	shalt  }
0x6e: {  	_ =	shalt  }
0x6f: {  	_ =	shalt  }
0x70: {  	_ =	shalt  }
0x71: {  	_ =	shalt  }
0x72: {  	_ =	shalt  }
0x73: {  	_ =	shalt  }
0x74: {  	_ =	shalt  }
0x75: {  	_ =	shalt  }
0x76: {  	_ =	shalt  }
0x77: {  	_ =	shalt  }
0x78: {  	_ =	shalt  }
0x79: {  	_ =	shalt  }
0x7a: {  	_ =	shalt  }
0x7b: {  	_ =	shalt  }
0x7c: {  	_ =	shalt  }
0x7d: {  	_ =	shalt  }
0x7e: {  	_ =	shalt  }
0x7f: {  	_ =	shalt  }
0x80: {  	_ =	shalt  }
0x81: {  	_ =	shalt  }
0x82: {  	_ =	shalt  }
0x83: {  	_ =	shalt  }
0x84: {  	_ =	shalt  }
0x85: {  	_ =	shalt  }
0x86: {  	_ =	shalt  }
0x87: {  	_ =	shalt  }
.Lfunc_end0:
.L_simem_size_0:
called_computation.3_lowered:
.L_overlay_start_0:
0x88: {  	s2 =	sld [smem:$0x3FD9]  }
0x89: {  	s3 =	sld [smem:$0x3FFE];
	_ =	sdelay $0x1  }
0x8a: {  	s1 =	srdreg.scid  }
0x8b: {  	s0 =	sand.u32 $0x1, s1  }
0x8c: {  	s16 =	sshll.u32 s0, $0xA;
	s2 =	sadd.s32 s3, s2  }
0x8d: {  	s2 =	sadd.s32 s2, s16  }
0x8e: {  	[smem:$0x3FB7] =	sst s2  }
0x8f: {  	_ = 	snop  }
0x90: {  	(tm) =	ssettm $0x1  }
0x91: {  	s17 =	sld [smem:$0x3FFB];
	_ =	sdelay $0x3  }
0x92: {  	_ =	strace s17  }
0x93: {  	s2 =	sld [smem:$0x3FFC];
	_ =	sdelay $0x3  }
0x94: {  	_ =	strace s2  }
0x95: {  	s2 =	sld [smem:$0x3FFD];
	_ =	sdelay $0x3  }
0x96: {  	_ =	strace s2  }
0x97: {  	_ =	strace $0x8FFFFFFF  }
0x98: {  	s18 =	sld [smem:$0x3FDB];
	_ =	sdelay $0x1  }
0x99: {  	s19 =	simm.s32 $_scs_section_size  }
0x9a: {  	s4 =	simm.s32 $_size__tile_overlayer_lowered;
	s5 =	simm.s32 $_tile_overlayer_lowered  }
0x9b: {  	s22 =	simm.s32 $0x1BFF;
	s21 =	sshll.u32 s5, $0x1;
	s2 =	sadd.s32 s19, s18  }
0x9c: {  	s6 =	simm.s32 $0x0;
	s20 =	sshll.u32 s4, $0x1;
	s4 =	sadd.s32 s21, s2  }
0x9d: {  	[timem:s6], [sflag:s22] =	dma.local [hbm:s4], s20  }
0x9e: {  	_ =	swait.ge [sflag:s22], s20  }
0x9f: {  	s3 =	ssub.s32 $0x0, s20;
	[sflag:s22] =	ssyncset.done $0x0  }
0xa0: {  	[sflag:s22] =	ssyncadd.s32 s3;
	_ =	sdelay $0x1  }
0xa1: {  	s23 =	simm.s32 $0x1B8B  }
0xa2: {  	_ =	swait.ge [sflag:s23], $0x1  }
0xa3: {  	[sflag:s23] =	ssyncset.done $0x0  }
0xa4: {  	s25 =	simm.s32 $0x1B8E;
	s24 =	sld [smem:$0x3FFE];
	[sflag:s23] =	ssyncadd.s32 $0xFFFFFFFF  }
0xa5: {  	s26 =	simm.s32 $execute0_lowered;
	[smem:$0x3FD2] =	sst s25  }
0xa6: {  	s4 =	sshll.u32 s26, $0x1;
	_ =	strace $0x8000004F;
	[dreg:$0x1] =	wrdreg $0xFFFFFFFF  }
0xa7: {  	s28 =	simm.s32 $_size_execute0_lowered;
	s2 =	sadd.s32 s2, s4;
	[dreg:$0x0] =	wrdreg $0x0  }
0xa8: {  	s4 =	sshll.u32 s28, $0x1;
	[dreg:$0x2] =	wrdreg s2  }
0xa9: {  	[dreg:$0x3] =	wrdreg s4  }
0xaa: {  	[dreg:$0x4] =	wrdreg $0xC0  }
0xab: {  	_ =	task [dreg:s6], $0x5FFFF  }
0xac: {  	[dreg:$0x1] =	wrdreg $0xFFFFFFFF  }
0xad: {  	[dreg:$0x0] =	wrdreg $0x60  }
0xae: {  	[dreg:$0x2] =	wrdreg s24  }
0xaf: {  	[dreg:$0x3] =	wrdreg $0x68000  }
0xb0: {  	[dreg:$0x4] =	wrdreg $0x9  }
0xb1: {  	_ =	task.clear_ibuf [dreg:s6], $0x5FFFF;
	_ =	strace $0x9000004F  }
0xb2: {  	s29 =	simm.s32 $0x9;
	_ =	strace $0x80000051  }
0xb3: {  	_ =	swait.ge [sflag:s29], $0x1  }
0xb4: {  	[sflag:s29] =	ssyncadd.s32 $0xFFFFFFFF  }
0xb5: {  	_ =	strace $0x90000051  }
0xb6: {  	_ =	sfence  }
0xb7: {  	s30 =	sld [smem:$0x0];
	_ =	sdelay $0x2  }
0xb8: {  	s31 =	sshll.u32 s1, $0xD;
	s1 =	sshrl.u32 s1, $0x2  }
0xb9: {  	s3 =	sand.u32 $0x4000, s31;
	s1 =	sadd.s32 s1, s30  }
0xba: {  	s0 =	sor.u32 s3, s0;
	s1 =	sshll.u32 s1, $0x11  }
0xbb: {  	s0 =	sor.u32 s1, s0  }
0xbc: {  	s0 =	sadd.s32 $0x8F2B, s0  }
0xbd: {  	[sflag:s0] =	ssyncadd.remote.s32 $0x1  }
0xbe: {  	_ =	sfence.sel $0xFFFF  }
0xbf: {  	[dreg:$0x0] =	wrdreg $0xFFFFFFFF;
	(pc) =	sbr.abs _section_cstart, $3  }
0xc0: {  	[dreg:$0x1] =	wrdreg $0xFFFFFFFF  }
0xc1: {  	_ =	task.clear_ibuf [dreg:s6], $0x2FFFF;
	_ =	strace $0x9FFFFFFF  }
0xc2: {  	(tm) =	ssettm $0x7FFFFFFF  }
0xc3: {  	_ =	shalt  }
tec
execute0_lowered:
.L_overlay_start_1:
0x0: {  	(tag) =	ssettag $0x1  }
0x1: {  	s4 =	rddreg [dreg:$0x0]  }
0x2: {  	s0 =	stileid.u32;
	s1 =	srdreg.scid  }
0x3: {  	s2 =	rddreg [dreg:$0x1];
	s3 =	simm.s32 $0x0;
	s18 =	sand.u32 $0x1, s1  }
0x4: {  	s5 =	sshll.u32 s0, $0x1;
	s1 =	rddreg [dreg:$0x2];
	s11 =	smul.u32 $0x278, s0  }
0x5: {  	[smem:$0x7FF] =	sst s3;
	s6 =	sshll.u32 s0, $0xC;
	s15 =	smul.u32 $0x13C00, s0  }
0x6: {  	s12 =	sadd.s32 $0x17600, s4;
	s7 =	smul.u32 $0x4F000, s0;
	s19 =	sadd.s32 $0x5B5200, s4  }
0x7: {  	s5 =	sor.u32 s18, s5;
	_ =	strace $0x80000050;
	s20 =	sadd.s32 s6, s4  }
0x8: {  	s23 =	ssub.s32 $0x2, s18;
	s30 =	sshll.u32 s18, $0xB;
	s5 =	smul.u32 $0x500, s5  }
0x9: {  	s24 =	sshrl.u32 s23, $0x1;
	s25 =	sshrl.u32 s15, $0x3;
	s26 =	sshrl.u32 s7, $0x2  }
0xa: {  	s28 =	sadd.s32 $0x80, s11;
	s8 =	sadd.s32 $0x100, s11;
	s10 =	sadd.s32 $0x180, s11  }
0xb: {  	s11 =	sadd.s32 $0x200, s11;
	s31 =	sadd.s32 s30, s20;
	s21 =	ssub.s32 s23, s24  }
0xc: {  	s16 =	sshll.u32 s28, $0x7;
	s6 =	sshll.u32 s28, $0x4;
	s17 =	sshll.u32 s8, $0x7  }
0xd: {  	s8 =	sshll.u32 s8, $0x4;
	s13 =	sshll.u32 s10, $0x4;
	s22 =	sshll.u32 s10, $0x7  }
0xe: {  	s23 =	sshll.u32 s11, $0x7;
	s29 =	sshll.u32 s11, $0x4;
	s24 =	smul.u32 $0x13C000, s18  }
0xf: {  	s14 =	sadd.s32 s5, s4;
	s4 =	sadd.s32 s12, s25;
	s5 =	sadd.s32 s26, s2  }
0x10: {  	s6 =	sadd.s32 s12, s6;
	s7 =	sadd.s32 s16, s2;
	s8 =	sadd.s32 s12, s8  }
0x11: {  	s9 =	sadd.s32 s17, s2;
	s10 =	sadd.s32 s12, s13;
	s11 =	sadd.s32 s22, s2  }
0x12: {  	s12 =	sadd.s32 s12, s29;
	s13 =	sadd.s32 s23, s2;
	s20 =	smax.u32 s21, $0x1  }
0x13: {  	s21 =	sadd.s32 $0x8D800, s31;
	s25 =	simm.s32 $0x0;
	s14 =	sadd.s32 $0xD600, s14  }
0x14: {  	s15 =	sadd.s32 s15, s24;
	s16 =	sadd.s32 s24, s16;
	s17 =	sadd.s32 s24, s17  }
0x15: {  	s22 =	sadd.s32 s24, s22;
	s23 =	sadd.s32 s24, s23;
	s24 =	simm.s32 $0x80  }
0x16: {  	s15 =	sshrl.u32 s15, $0x3;
	s16 =	sshrl.u32 s16, $0x3;
	s17 =	sshrl.u32 s17, $0x3  }
0x17: {  	s22 =	sshrl.u32 s22, $0x3;
	s23 =	sshrl.u32 s23, $0x3;
	s15 =	sadd.s32 s19, s15  }
0x18: {  	s16 =	sadd.s32 s19, s16;
	s17 =	sadd.s32 s19, s17;
	s18 =	sadd.s32 s19, s22  }
0x19: {  	s19 =	sadd.s32 s19, s23;
	s22 =	simm.s32 $0x2800;
	s23 =	simm.s32 $0x1  }
.LBB2_1:
0x1a: {  	[tilespmem:s22], [sflag:$0x1] =	stream.linear.gather [hbm4b:s4+s3], $0x4000, $0x38;
	[tilespmem:$0xB700] =	vst v63  }
0x1b: {  	_ =	swait.ge [sflag:s23], $0x4000  }
0x1c: {  	[sflag:s23] =	ssyncset.done $0x0  }
0x1d: {  	[sflag:s23] =	ssyncadd.s32 $0xFFFFC000  }
0x1e: {  	[spmem:s5] =	stream.linear.scatter [tilespmem:s22], [sflag:$0x1], $0x4000, $0x38;
	[tilespmem:$0xB700] =	vst v63  }
0x1f: {  	_ =	swait.ge [sflag:s23], $0x4000  }
0x20: {  	[sflag:s23] =	ssyncset.done $0x0  }
0x21: {  	[sflag:s23] =	ssyncadd.s32 $0xFFFFC000  }
0x22: {  	[tilespmem:s22], [sflag:$0x1] =	stream.linear.gather [hbm4b:s6+s3], $0x4000, $0x38;
	[tilespmem:$0xB700] =	vst v63  }
0x23: {  	_ =	swait.ge [sflag:s23], $0x4000  }
0x24: {  	[sflag:s23] =	ssyncset.done $0x0  }
0x25: {  	[sflag:s23] =	ssyncadd.s32 $0xFFFFC000  }
0x26: {  	[spmem:s7] =	stream.linear.scatter [tilespmem:s22], [sflag:$0x1], $0x4000, $0x38;
	[tilespmem:$0xB700] =	vst v63  }
0x27: {  	_ =	swait.ge [sflag:s23], $0x4000  }
0x28: {  	[sflag:s23] =	ssyncset.done $0x0  }
0x29: {  	[sflag:s23] =	ssyncadd.s32 $0xFFFFC000  }
0x2a: {  	[tilespmem:s22], [sflag:$0x1] =	stream.linear.gather [hbm4b:s8+s3], $0x4000, $0x38;
	[tilespmem:$0xB700] =	vst v63  }
0x2b: {  	_ =	swait.ge [sflag:s23], $0x4000  }
0x2c: {  	[sflag:s23] =	ssyncset.done $0x0  }
0x2d: {  	[sflag:s23] =	ssyncadd.s32 $0xFFFFC000  }
0x2e: {  	[spmem:s9] =	stream.linear.scatter [tilespmem:s22], [sflag:$0x1], $0x4000, $0x38;
	[tilespmem:$0xB700] =	vst v63  }
0x2f: {  	_ =	swait.ge [sflag:s23], $0x4000  }
0x30: {  	[sflag:s23] =	ssyncset.done $0x0  }
0x31: {  	[sflag:s23] =	ssyncadd.s32 $0xFFFFC000  }
0x32: {  	[tilespmem:s22], [sflag:$0x1] =	stream.linear.gather [hbm4b:s10+s3], $0x4000, $0x38;
	[tilespmem:$0xB700] =	vst v63  }
0x33: {  	_ =	swait.ge [sflag:s23], $0x4000  }
0x34: {  	[sflag:s23] =	ssyncset.done $0x0  }
0x35: {  	[sflag:s23] =	ssyncadd.s32 $0xFFFFC000  }
0x36: {  	[spmem:s11] =	stream.linear.scatter [tilespmem:s22], [sflag:$0x1], $0x4000, $0x38;
	[tilespmem:$0xB700] =	vst v63  }
0x37: {  	_ =	swait.ge [sflag:s23], $0x4000  }
0x38: {  	[sflag:s23] =	ssyncset.done $0x0  }
0x39: {  	[sflag:s23] =	ssyncadd.s32 $0xFFFFC000  }
0x3a: {  	[tilespmem:s22], [sflag:$0x1] =	stream.linear.gather [hbm4b:s12+s3], $0x3C00, $0x38;
	[tilespmem:$0xB700] =	vst v63  }
0x3b: {  	_ =	swait.ge [sflag:s23], $0x3C00  }
0x3c: {  	[sflag:s23] =	ssyncset.done $0x0  }
0x3d: {  	[sflag:s23] =	ssyncadd.s32 $0xFFFFC400  }
0x3e: {  	[spmem:s13] =	stream.linear.scatter [tilespmem:s22], [sflag:$0x1], $0x3C00, $0x38;
	[tilespmem:$0xB700] =	vst v63  }
0x3f: {  	_ =	swait.ge [sflag:s23], $0x3C00  }
0x40: {  	[sflag:s23] =	ssyncset.done $0x0  }
0x41: {  	[sflag:s23] =	ssyncadd.s32 $0xFFFFC400  }
0x42: {  	[tilespmem:s3], [sflag:$0x1] =	stream.linear.gather [hbm4b:s14+s3], $0x2800, $0x38;
	[tilespmem:$0xB700] =	vst v63  }
0x43: {  	_ =	swait.ge [sflag:s23], $0x2800  }
0x44: {  	[sflag:s23] =	ssyncset.done $0x0  }
0x45: {  	[sflag:s23] =	ssyncadd.s32 $0xFFFFD800  }
0x46: {  	[bflag:$0x0] =	sbarrier.arrive $0xFFFF  }
0x47: {  	[tilespmem:s22], [sflag:$0x1] =	stream.linear.gather [hbm4b:s21+s3], $0x4000, $0x38;
	[tilespmem:$0xB700] =	vst v63  }
0x48: {  	_ =	swait.ge [sflag:s23], $0x4000  }
0x49: {  	[sflag:s23] =	ssyncset.done $0x0  }
0x4a: {  	s26 =	simm.s32 $0x0;
	[sflag:s23] =	ssyncadd.s32 $0xFFFFC000  }
0x4b: {  	[spmem:s2] =	stream.indirect.scatter.add.f32 [tilespmem:s22], [sflag:$0x1], $0x20, s26, s24, $0xb8;
	[tilespmem:$0xB700] =	vst v63  }
0x4c: {  	_ =	swait.ge [sflag:s23], $0x1000  }
0x4d: {  	s28 =	smov.u32 s21;
	s26 =	simm.s32 $0x200;
	[sflag:s23] =	ssyncset.done $0x0  }
.LBB2_2:
0x4e: {  	p0 =	sne.s32 s26, $0x9E00;
	[sflag:s23] =	ssyncadd.s32 $0xFFFFF000;
	s28 =	sadd.s32 $0x10000, s28  }
0x4f: {  	[tilespmem:s22], [sflag:$0x1] =	stream.linear.gather [hbm4b:s28+s3], $0x4000, $0x38;
	[tilespmem:$0xB700] =	vst v63  }
0x50: {  	s29 =	smov.u32 s26;
	s26 =	sadd.s32 $0x200, s26;
	_ =	swait.ge [sflag:s23], $0x4000  }
.Ltmp0:
0x51: {  	[sflag:s23] =	ssyncset.done $0x0;
	(pc) =	sbr.rel @p0 .LBB2_2-.Ltmp0, $4  }
0x52: {  	s29 =	sshra.s32 s29, $0x2;
	[sflag:s23] =	ssyncadd.s32 $0xFFFFC000  }
0x53: {  	[spmem:s2] =	stream.indirect.scatter.add.f32 [tilespmem:s22], [sflag:$0x1], $0x20, s29, s24, $0xb8;
	[tilespmem:$0xB700] =	vst v63  }
0x54: {  	_ =	swait.ge [sflag:s23], $0x1000  }
0x55: {  	[sflag:s23] =	ssyncset.done $0x0  }
0x56: {  	[sflag:s23] =	ssyncadd.s32 $0xFFFFF000  }
0x57: {  	[bflag:$0x0] =	sbarrier.arrive $0xFFFF  }
0x58: {  	[tilespmem:s22], [sflag:$0x1] =	stream.linear.gather [spmem:s5], $0x4000, $0x38;
	[tilespmem:$0xB700] =	vst v63  }
0x59: {  	_ =	swait.ge [sflag:s23], $0x4000  }
0x5a: {  	[sflag:s23] =	ssyncset.done $0x0  }
0x5b: {  	[sflag:s23] =	ssyncadd.s32 $0xFFFFC000  }
0x5c: {  	[hbm4b:s15+s3] =	stream.linear.scatter [tilespmem:s22], [sflag:$0x1], $0x4000, $0x38;
	[tilespmem:$0xB700] =	vst v63  }
0x5d: {  	_ =	swait.ge [sflag:s23], $0x4000  }
0x5e: {  	[sflag:s23] =	ssyncset.done $0x0  }
0x5f: {  	[sflag:s23] =	ssyncadd.s32 $0xFFFFC000  }
0x60: {  	[tilespmem:s22], [sflag:$0x1] =	stream.linear.gather [spmem:s7], $0x4000, $0x38;
	[tilespmem:$0xB700] =	vst v63  }
0x61: {  	_ =	swait.ge [sflag:s23], $0x4000  }
0x62: {  	[sflag:s23] =	ssyncset.done $0x0  }
0x63: {  	[sflag:s23] =	ssyncadd.s32 $0xFFFFC000  }
0x64: {  	[hbm4b:s16+s3] =	stream.linear.scatter [tilespmem:s22], [sflag:$0x1], $0x4000, $0x38;
	[tilespmem:$0xB700] =	vst v63  }
0x65: {  	_ =	swait.ge [sflag:s23], $0x4000  }
0x66: {  	[sflag:s23] =	ssyncset.done $0x0  }
0x67: {  	[sflag:s23] =	ssyncadd.s32 $0xFFFFC000  }
0x68: {  	[tilespmem:s22], [sflag:$0x1] =	stream.linear.gather [spmem:s9], $0x4000, $0x38;
	[tilespmem:$0xB700] =	vst v63  }
0x69: {  	_ =	swait.ge [sflag:s23], $0x4000  }
0x6a: {  	[sflag:s23] =	ssyncset.done $0x0  }
0x6b: {  	[sflag:s23] =	ssyncadd.s32 $0xFFFFC000  }
0x6c: {  	[hbm4b:s17+s3] =	stream.linear.scatter [tilespmem:s22], [sflag:$0x1], $0x4000, $0x38;
	[tilespmem:$0xB700] =	vst v63  }
0x6d: {  	_ =	swait.ge [sflag:s23], $0x4000  }
0x6e: {  	[sflag:s23] =	ssyncset.done $0x0  }
0x6f: {  	[sflag:s23] =	ssyncadd.s32 $0xFFFFC000  }
0x70: {  	[tilespmem:s22], [sflag:$0x1] =	stream.linear.gather [spmem:s11], $0x4000, $0x38;
	[tilespmem:$0xB700] =	vst v63  }
0x71: {  	_ =	swait.ge [sflag:s23], $0x4000  }
0x72: {  	[sflag:s23] =	ssyncset.done $0x0  }
0x73: {  	[sflag:s23] =	ssyncadd.s32 $0xFFFFC000  }
0x74: {  	[hbm4b:s18+s3] =	stream.linear.scatter [tilespmem:s22], [sflag:$0x1], $0x4000, $0x38;
	[tilespmem:$0xB700] =	vst v63  }
0x75: {  	_ =	swait.ge [sflag:s23], $0x4000  }
0x76: {  	[sflag:s23] =	ssyncset.done $0x0  }
0x77: {  	[sflag:s23] =	ssyncadd.s32 $0xFFFFC000  }
0x78: {  	[tilespmem:s22], [sflag:$0x1] =	stream.linear.gather [spmem:s13], $0x3C00, $0x38;
	[tilespmem:$0xB700] =	vst v63  }
0x79: {  	s25 =	sadd.s32 $0x1, s25;
	_ =	swait.ge [sflag:s23], $0x3C00  }
0x7a: {  	p0 =	sne.s32 s25, s20;
	[sflag:s23] =	ssyncset.done $0x0  }
.Ltmp1:
0x7b: {  	[sflag:s23] =	ssyncadd.s32 $0xFFFFC400;
	(pc) =	sbr.rel @p0 .LBB2_1-.Ltmp1, $4  }
0x7c: {  	[hbm4b:s19+s3] =	stream.linear.scatter [tilespmem:s22], [sflag:$0x1], $0x3C00, $0x38;
	[tilespmem:$0xB700] =	vst v63  }
0x7d: {  	_ =	swait.ge [sflag:s23], $0x3C00  }
0x7e: {  	[sflag:s23] =	ssyncset.done $0x0  }
0x7f: {  	[sflag:s23] =	ssyncadd.s32 $0xFFFFC400  }
0x80: {  	_ =	sfence.sel $0x180000  }
0x81: {  	[bflag:$0x0] =	sbarrier.arrive $0xFFFF  }
0x82: {  	p0 =	sne.s32 s0, $0x0;
	_ =	strace $0x90000050  }
0x83: {  	s0 =	sadd.s32 @!p0 $0x100000, s1;
	[bflag:$0x2] =	sbarrier.arrive $0xFFFF  }
0x84: {  	[sflag:s0] =	ssyncadd.tile.s32 @!p0 $0x1;
	_ =	shalt  }
.Lfunc_end2:
_tile_overlayer_lowered:
.L_overlay_start_2:
0x85: {  	(tag) =	ssettag $0x2  }
0x86: {  	s0 =	rddreg [dreg:$0x0];
	s2 =	stileid.u32  }
0x87: {  	s1 =	rddreg [dreg:$0x1];
	p0 =	sne.s32 s2, $0x0  }
0x88: {  	s3 =	rddreg [dreg:$0x2];
	[bflag:$0x3] =	sbarrier.arrive $0xFFFF;
	s2 =	simm.s32 @!p0 $0x1C01  }
0x89: {  	[timem:s3], [sflag:s2] =	dma.local @!p0 [hbm:s0], s1  }
0x8a: {  	s0 =	simm.s32 @!p0 $0x1  }
0x8b: {  	_ =	swait.ge @!p0 [sflag:s0], s1  }
0x8c: {  	s1 =	ssub.s32 @!p0 $0x0, s1;
	[sflag:s0] =	ssyncset.done @!p0 $0x0  }
0x8d: {  	[sflag:s0] =	ssyncadd.s32 @!p0 s1  }
0x8e: {  	[bflag:$0x3] =	sbarrier.arrive $0xFFFF  }
0x8f: {  	_ =	shalt  }

// kernel: kernel.9.cloned.1.call-start
scs
__scs_entry_jumppad:
0x0: {  	(pc) =	sbr.rel $0x88, $3  }
0x1: {  	(tag) =	ssettag $0x0;
	lr =	simm.s32 $0x1  }
0x2: {  	[smem:$0x3F90] =	sst lr;
	_ =	strace $0xD0000000  }
0x3: {  	_ = 	snop  }
0x4: {  	_ = 	snop  }
0x5: {  	_ = 	snop  }
0x6: {  	_ = 	snop  }
0x7: {  	_ = 	snop  }
__scs_overlays_trampoline_lowered:
0x8: {  	[smem:$0x3F9F] =	sst s0  }
0x9: {  	[smem:$0x3FA0] =	sst s1  }
0xa: {  	[smem:$0x3FA1] =	sst s2  }
0xb: {  	[smem:$0x3FA2] =	sst s3  }
0xc: {  	[smem:$0x3FA3] =	sst s4  }
0xd: {  	[smem:$0x3FA4] =	sst s5  }
0xe: {  	[smem:$0x3FA5] =	sst s6  }
0xf: {  	[smem:$0x3FA6] =	sst s7  }
0x10: {  	[smem:$0x3FA7] =	sst s8  }
0x11: {  	[smem:$0x3FA8] =	sst s9;
	s0 =	simm.s32 @!p0 $0x0  }
0x12: {  	s1 =	sld [smem:$0x3F8E];
	s0 =	simm.s32 @p0 $0x1  }
0x13: {  	[smem:$0x3FA9] =	sst s0;
	s0 =	simm.s32 @!p1 $0x0  }
0x14: {  	s2 =	sld [smem:$0x3F8D];
	s0 =	simm.s32 @p1 $0x1  }
0x15: {  	[smem:$0x3FAA] =	sst s0;
	s0 =	simm.s32 @!p2 $0x0  }
0x16: {  	s3 =	sld [smem:$0x3FDB];
	s0 =	simm.s32 @p2 $0x1  }
0x17: {  	s4 =	simm.s32 $0x1BF5;
	[smem:$0x3FAC] =	sst s0  }
0x18: {  	s0 =	sld [smem:$0x3F8F];
	_ =	swait.ge [sflag:s4], $0x0  }
0x19: {  	s7 =	sld [smem:$0x3F90]  }
0x1a: {  	s8 =	sadd.s32 $0xFFFFE003, lr  }
0x1b: {  	s9 =	sadd.s32 $0xFFFFFEF7, lr;
	s5 =	simm.s32 $0xFFFFFFFF;
	p2 =	slt.u32 s8, $0xFFFFF086  }
0x1c: {  	p1 =	slt.u32 s9, $0xF7A;
	s5 =	simm.s32 @!p2 $0x0  }
0x1d: {  	s5 =	simm.s32 @p1 $0x1;
	p0 =	seq.s32 s7, s2  }
0x1e: {  	s7 =	smul.u32 @!p0 $0xF7A, s2;
	p2 =	seq.s32 @!p0 s5, $0x0  }
0x1f: {  	s9 =	smul.u32 $0xF7A, s1;
	s8 =	simm.s32 @!p0 $0x1BF5;
	p2 =	por !p2, p0  }
0x20: {  	[sflag:s8] =	ssyncset.s32 @!p0 $0xFFFFF086;
	s6 =	sadd.s32 @!p0 s3, s7;
	s7 =	simm.s32 @!p0 $0x108  }
0x21: {  	s3 =	sadd.s32 s3, s9;
	s6 =	sadd.s32 @!p0 $0x88, s6;
	s7 =	simm.s32 @p2 $0x1082  }
0x22: {  	[simem:s7], [sflag:s8] =	dma.local @!p0 [hbm:s6], $0xF7A  }
0x23: {  	s9 =	sor.u32 $0xD0000000, s2;
	s6 =	simm.s32 $0x108;
	_ =	swait.ge @!p0 [sflag:s8], $0x0  }
0x24: {  	s3 =	sadd.s32 $0x88, s3;
	s6 =	simm.s32 @!p1 $0x1082;
	[sflag:s4] =	ssyncset.s32 $0xFFFFF086  }
0x25: {  	[simem:s6], [sflag:s4] =	dma.local [hbm:s3], $0xF7A  }
0x26: {  	[smem:$0x3F90] =	sst s1;
	(tag) =	ssettag s2;
	_ =	strace s9  }
0x27: {  	s1 =	sld [smem:$0x3FA0]  }
0x28: {  	s2 =	sld [smem:$0x3FA1]  }
0x29: {  	s4 =	sld [smem:$0x3FA3]  }
0x2a: {  	p0 =	seq.s32 s5, $0x0;
	s5 =	sld [smem:$0x3FA4]  }
0x2b: {  	s6 =	sld [smem:$0x3FA5]  }
0x2c: {  	s7 =	sld [smem:$0x3FA6]  }
0x2d: {  	s3 =	simm.s32 $0x108;
	s8 =	sld [smem:$0x3FA7]  }
0x2e: {  	s3 =	simm.s32 @!p0 $0x1082;
	s9 =	sld [smem:$0x3FA8]  }
0x2f: {  	lr =	sadd.s32 s0, s3;
	s0 =	sld [smem:$0x3F9F]  }
0x30: {  	s3 =	sld [smem:$0x3FA2]  }
0x31: {  	[smem:$0x3FAB] =	sst s10  }
0x32: {  	s10 =	sld [smem:$0x3FA9];
	_ =	sdelay $0x3  }
0x33: {  	p0 =	seq.s32 s10, $0x1;
	s10 =	sld [smem:$0x3FAB];
	_ =	sdelay $0x3  }
0x34: {  	[smem:$0x3FAB] =	sst s10  }
0x35: {  	s10 =	sld [smem:$0x3FAA];
	_ =	sdelay $0x3  }
0x36: {  	p1 =	seq.s32 s10, $0x1;
	s10 =	sld [smem:$0x3FAB];
	_ =	sdelay $0x3  }
0x37: {  	[smem:$0x3FAB] =	sst s10  }
0x38: {  	s10 =	sld [smem:$0x3FAC]  }
0x39: {  	_ = 	snop;
	(pc) =	sbr.ind lr, $3  }
0x3a: {  	_ = 	snop  }
0x3b: {  	_ = 	snop  }
0x3c: {  	p2 =	seq.s32 s10, $0x1;
	s10 =	sld [smem:$0x3FAB]  }
0x3d: {  	_ =	shalt  }
0x3e: {  	_ =	shalt  }
0x3f: {  	_ =	shalt  }
0x40: {  	_ =	shalt  }
0x41: {  	_ =	shalt  }
0x42: {  	_ =	shalt  }
0x43: {  	_ =	shalt  }
0x44: {  	_ =	shalt  }
0x45: {  	_ =	shalt  }
0x46: {  	_ =	shalt  }
0x47: {  	_ =	shalt  }
0x48: {  	_ =	shalt  }
0x49: {  	_ =	shalt  }
0x4a: {  	_ =	shalt  }
0x4b: {  	_ =	shalt  }
0x4c: {  	_ =	shalt  }
0x4d: {  	_ =	shalt  }
0x4e: {  	_ =	shalt  }
0x4f: {  	_ =	shalt  }
0x50: {  	_ =	shalt  }
0x51: {  	_ =	shalt  }
0x52: {  	_ =	shalt  }
0x53: {  	_ =	shalt  }
0x54: {  	_ =	shalt  }
0x55: {  	_ =	shalt  }
0x56: {  	_ =	shalt  }
0x57: {  	_ =	shalt  }
0x58: {  	_ =	shalt  }
0x59: {  	_ =	shalt  }
0x5a: {  	_ =	shalt  }
0x5b: {  	_ =	shalt  }
0x5c: {  	_ =	shalt  }
0x5d: {  	_ =	shalt  }
0x5e: {  	_ =	shalt  }
0x5f: {  	_ =	shalt  }
0x60: {  	_ =	shalt  }
0x61: {  	_ =	shalt  }
0x62: {  	_ =	shalt  }
0x63: {  	_ =	shalt  }
0x64: {  	_ =	shalt  }
0x65: {  	_ =	shalt  }
0x66: {  	_ =	shalt  }
0x67: {  	_ =	shalt  }
0x68: {  	_ =	shalt  }
0x69: {  	_ =	shalt  }
0x6a: {  	_ =	shalt  }
0x6b: {  	_ =	shalt  }
0x6c: {  	_ =	shalt  }
0x6d: {  	_ =	shalt  }
0x6e: {  	_ =	shalt  }
0x6f: {  	_ =	shalt  }
0x70: {  	_ =	shalt  }
0x71: {  	_ =	shalt  }
0x72: {  	_ =	shalt  }
0x73: {  	_ =	shalt  }
0x74: {  	_ =	shalt  }
0x75: {  	_ =	shalt  }
0x76: {  	_ =	shalt  }
0x77: {  	_ =	shalt  }
0x78: {  	_ =	shalt  }
0x79: {  	_ =	shalt  }
0x7a: {  	_ =	shalt  }
0x7b: {  	_ =	shalt  }
0x7c: {  	_ =	shalt  }
0x7d: {  	_ =	shalt  }
0x7e: {  	_ =	shalt  }
0x7f: {  	_ =	shalt  }
0x80: {  	_ =	shalt  }
0x81: {  	_ =	shalt  }
0x82: {  	_ =	shalt  }
0x83: {  	_ =	shalt  }
0x84: {  	_ =	shalt  }
0x85: {  	_ =	shalt  }
0x86: {  	_ =	shalt  }
0x87: {  	_ =	shalt  }
.Lfunc_end0:
.L_simem_size_0:
called_computation_lowered:
.L_overlay_start_0:
0x88: {  	s2 =	sld [smem:$0x3FD9]  }
0x89: {  	s3 =	sld [smem:$0x3FFE];
	_ =	sdelay $0x1  }
0x8a: {  	s1 =	srdreg.scid  }
0x8b: {  	s0 =	sand.u32 $0x1, s1  }
0x8c: {  	s16 =	sshll.u32 s0, $0xA;
	s2 =	sadd.s32 s3, s2  }
0x8d: {  	s2 =	sadd.s32 s2, s16  }
0x8e: {  	[smem:$0x3FB7] =	sst s2  }
0x8f: {  	_ = 	snop  }
0x90: {  	(tm) =	ssettm $0x1  }
0x91: {  	s17 =	sld [smem:$0x3FFB];
	_ =	sdelay $0x3  }
0x92: {  	_ =	strace s17  }
0x93: {  	s2 =	sld [smem:$0x3FFC];
	_ =	sdelay $0x3  }
0x94: {  	_ =	strace s2  }
0x95: {  	s2 =	sld [smem:$0x3FFD];
	_ =	sdelay $0x3  }
0x96: {  	_ =	strace s2  }
0x97: {  	_ =	strace $0x8FFFFFFF  }
0x98: {  	s18 =	sld [smem:$0x3FDB];
	_ =	sdelay $0x1  }
0x99: {  	s19 =	simm.s32 $_scs_section_size  }
0x9a: {  	s4 =	simm.s32 $_size__tile_overlayer_lowered;
	s5 =	simm.s32 $_tile_overlayer_lowered  }
0x9b: {  	s22 =	simm.s32 $0x1BFF;
	s21 =	sshll.u32 s5, $0x1;
	s2 =	sadd.s32 s19, s18  }
0x9c: {  	s6 =	simm.s32 $0x0;
	s20 =	sshll.u32 s4, $0x1;
	s4 =	sadd.s32 s21, s2  }
0x9d: {  	[timem:s6], [sflag:s22] =	dma.local [hbm:s4], s20  }
0x9e: {  	_ =	swait.ge [sflag:s22], s20  }
0x9f: {  	s3 =	ssub.s32 $0x0, s20;
	[sflag:s22] =	ssyncset.done $0x0  }
0xa0: {  	[sflag:s22] =	ssyncadd.s32 s3;
	_ =	sdelay $0x1  }
0xa1: {  	s23 =	simm.s32 $0x1B8B  }
0xa2: {  	_ =	swait.ge [sflag:s23], $0x1  }
0xa3: {  	[sflag:s23] =	ssyncset.done $0x0  }
0xa4: {  	s25 =	simm.s32 $0x1B8E;
	s24 =	sld [smem:$0x3FFE];
	[sflag:s23] =	ssyncadd.s32 $0xFFFFFFFF  }
0xa5: {  	s26 =	simm.s32 $execute0_lowered;
	[smem:$0x3FD2] =	sst s25  }
0xa6: {  	s4 =	sshll.u32 s26, $0x1;
	_ =	strace $0x80000046;
	[dreg:$0x1] =	wrdreg $0xFFFFFFFF  }
0xa7: {  	s28 =	simm.s32 $_size_execute0_lowered;
	s2 =	sadd.s32 s2, s4;
	[dreg:$0x0] =	wrdreg $0x0  }
0xa8: {  	s4 =	sshll.u32 s28, $0x1;
	[dreg:$0x2] =	wrdreg s2  }
0xa9: {  	[dreg:$0x3] =	wrdreg s4  }
0xaa: {  	[dreg:$0x4] =	wrdreg $0xC0  }
0xab: {  	_ =	task [dreg:s6], $0x5FFFF  }
0xac: {  	[dreg:$0x1] =	wrdreg $0xFFFFFFFF  }
0xad: {  	[dreg:$0x0] =	wrdreg $0x60  }
0xae: {  	[dreg:$0x2] =	wrdreg s24  }
0xaf: {  	[dreg:$0x3] =	wrdreg $0x68000  }
0xb0: {  	[dreg:$0x4] =	wrdreg $0x9  }
0xb1: {  	_ =	task.clear_ibuf [dreg:s6], $0x5FFFF;
	_ =	strace $0x90000046  }
0xb2: {  	s29 =	simm.s32 $0x9;
	_ =	strace $0x80000048  }
0xb3: {  	_ =	swait.ge [sflag:s29], $0x1  }
0xb4: {  	[sflag:s29] =	ssyncadd.s32 $0xFFFFFFFF  }
0xb5: {  	_ =	strace $0x90000048  }
0xb6: {  	_ =	sfence  }
0xb7: {  	s30 =	sld [smem:$0x0];
	_ =	sdelay $0x2  }
0xb8: {  	s31 =	sshll.u32 s1, $0xD;
	s1 =	sshrl.u32 s1, $0x2  }
0xb9: {  	s3 =	sand.u32 $0x4000, s31;
	s1 =	sadd.s32 s1, s30  }
0xba: {  	s0 =	sor.u32 s3, s0;
	s1 =	sshll.u32 s1, $0x11  }
0xbb: {  	s0 =	sor.u32 s1, s0  }
0xbc: {  	s0 =	sadd.s32 $0x8F2B, s0  }
0xbd: {  	[sflag:s0] =	ssyncadd.remote.s32 $0x1  }
0xbe: {  	_ =	sfence.sel $0xFFFF  }
0xbf: {  	[dreg:$0x0] =	wrdreg $0xFFFFFFFF;
	(pc) =	sbr.abs _section_cstart, $3  }
0xc0: {  	[dreg:$0x1] =	wrdreg $0xFFFFFFFF  }
0xc1: {  	_ =	task.clear_ibuf [dreg:s6], $0x2FFFF;
	_ =	strace $0x9FFFFFFF  }
0xc2: {  	(tm) =	ssettm $0x7FFFFFFF  }
0xc3: {  	_ =	shalt  }
tec
execute0_lowered:
.L_overlay_start_1:
0x0: {  	(tag) =	ssettag $0x1  }
0x1: {  	s4 =	rddreg [dreg:$0x0];
	s1 =	srdreg.scid  }
0x2: {  	s0 =	stileid.u32;
	s2 =	rddreg [dreg:$0x1]  }
0x3: {  	s3 =	simm.s32 $0x0;
	s19 =	simm.s32 $0x80;
	s20 =	simm.s32 $0x1  }
0x4: {  	s14 =	sand.u32 $0x1, s1;
	s1 =	rddreg [dreg:$0x2];
	s11 =	smul.u32 $0x278, s0  }
0x5: {  	s5 =	sshll.u32 s0, $0x1;
	[smem:$0x7FF] =	sst s3;
	s7 =	smul.u32 $0x2780, s0  }
0x6: {  	s12 =	sadd.s32 $0x17600, s4;
	s8 =	sshll.u32 s0, $0xC;
	s10 =	smul.u32 $0x4F000, s0  }
0x7: {  	s5 =	sor.u32 s14, s5;
	_ =	strace $0x80000047;
	s6 =	ssub.s32 $0x2, s14  }
0x8: {  	s16 =	sadd.s32 s8, s4;
	s31 =	sshll.u32 s14, $0xB;
	s5 =	smul.u32 $0x500, s5  }
0x9: {  	s9 =	sshrl.u32 s6, $0x1;
	s21 =	sshrl.u32 s10, $0x2;
	s22 =	sadd.s32 $0x80, s11  }
0xa: {  	s25 =	sadd.s32 $0x100, s11;
	s13 =	sadd.s32 $0x180, s11;
	s18 =	sadd.s32 $0x200, s11  }
0xb: {  	s16 =	sadd.s32 s31, s16;
	s17 =	ssub.s32 s6, s9;
	s23 =	sshll.u32 s22, $0x4  }
0xc: {  	s24 =	sshll.u32 s22, $0x7;
	s26 =	sshll.u32 s25, $0x4;
	s28 =	sshll.u32 s25, $0x7  }
0xd: {  	s29 =	sshll.u32 s13, $0x4;
	s13 =	sshll.u32 s13, $0x7;
	s30 =	sshll.u32 s18, $0x4  }
0xe: {  	s18 =	sshll.u32 s18, $0x7;
	s16 =	sadd.s32 $0x66000, s16;
	s15 =	sadd.s32 s5, s4  }
0xf: {  	s4 =	sadd.s32 s12, s7;
	s5 =	sadd.s32 s21, s2;
	s6 =	sadd.s32 s12, s23  }
0x10: {  	s7 =	sadd.s32 s24, s2;
	s8 =	sadd.s32 s12, s26;
	s9 =	sadd.s32 s28, s2  }
0x11: {  	s10 =	sadd.s32 s12, s29;
	s11 =	sadd.s32 s13, s2;
	s12 =	sadd.s32 s12, s30  }
0x12: {  	s13 =	sadd.s32 s18, s2;
	s18 =	simm.s32 $0x2;
	s21 =	simm.s32 $0x0  }
0x13: {  	s14 =	sadd.s32 $0x3600, s15;
	s15 =	smax.u32 s17, $0x1;
	s17 =	simm.s32 $0x2800  }
.LBB2_1:
0x14: {  	[tilespmem:s17], [sflag:$0x2] =	stream.linear.gather [hbm4b:s4+s3], $0x4000, $0x38;
	[tilespmem:$0xB700] =	vst v63  }
0x15: {  	_ =	swait.ge [sflag:s18], $0x4000  }
0x16: {  	[sflag:s18] =	ssyncset.done $0x0  }
0x17: {  	[sflag:s18] =	ssyncadd.s32 $0xFFFFC000  }
0x18: {  	[spmem:s5] =	stream.linear.scatter [tilespmem:s17], [sflag:$0x2], $0x4000, $0x38;
	[tilespmem:$0xB700] =	vst v63  }
0x19: {  	_ =	swait.ge [sflag:s18], $0x4000  }
0x1a: {  	[sflag:s18] =	ssyncset.done $0x0  }
0x1b: {  	[sflag:s18] =	ssyncadd.s32 $0xFFFFC000  }
0x1c: {  	[tilespmem:s17], [sflag:$0x2] =	stream.linear.gather [hbm4b:s6+s3], $0x4000, $0x38;
	[tilespmem:$0xB700] =	vst v63  }
0x1d: {  	_ =	swait.ge [sflag:s18], $0x4000  }
0x1e: {  	[sflag:s18] =	ssyncset.done $0x0  }
0x1f: {  	[sflag:s18] =	ssyncadd.s32 $0xFFFFC000  }
0x20: {  	[spmem:s7] =	stream.linear.scatter [tilespmem:s17], [sflag:$0x2], $0x4000, $0x38;
	[tilespmem:$0xB700] =	vst v63  }
0x21: {  	_ =	swait.ge [sflag:s18], $0x4000  }
0x22: {  	[sflag:s18] =	ssyncset.done $0x0  }
0x23: {  	[sflag:s18] =	ssyncadd.s32 $0xFFFFC000  }
0x24: {  	[tilespmem:s17], [sflag:$0x2] =	stream.linear.gather [hbm4b:s8+s3], $0x4000, $0x38;
	[tilespmem:$0xB700] =	vst v63  }
0x25: {  	_ =	swait.ge [sflag:s18], $0x4000  }
0x26: {  	[sflag:s18] =	ssyncset.done $0x0  }
0x27: {  	[sflag:s18] =	ssyncadd.s32 $0xFFFFC000  }
0x28: {  	[spmem:s9] =	stream.linear.scatter [tilespmem:s17], [sflag:$0x2], $0x4000, $0x38;
	[tilespmem:$0xB700] =	vst v63  }
0x29: {  	_ =	swait.ge [sflag:s18], $0x4000  }
0x2a: {  	[sflag:s18] =	ssyncset.done $0x0  }
0x2b: {  	[sflag:s18] =	ssyncadd.s32 $0xFFFFC000  }
0x2c: {  	[tilespmem:s17], [sflag:$0x2] =	stream.linear.gather [hbm4b:s10+s3], $0x4000, $0x38;
	[tilespmem:$0xB700] =	vst v63  }
0x2d: {  	_ =	swait.ge [sflag:s18], $0x4000  }
0x2e: {  	[sflag:s18] =	ssyncset.done $0x0  }
0x2f: {  	[sflag:s18] =	ssyncadd.s32 $0xFFFFC000  }
0x30: {  	[spmem:s11] =	stream.linear.scatter [tilespmem:s17], [sflag:$0x2], $0x4000, $0x38;
	[tilespmem:$0xB700] =	vst v63  }
0x31: {  	_ =	swait.ge [sflag:s18], $0x4000  }
0x32: {  	[sflag:s18] =	ssyncset.done $0x0  }
0x33: {  	[sflag:s18] =	ssyncadd.s32 $0xFFFFC000  }
0x34: {  	[tilespmem:s17], [sflag:$0x2] =	stream.linear.gather [hbm4b:s12+s3], $0x3C00, $0x38;
	[tilespmem:$0xB700] =	vst v63  }
0x35: {  	_ =	swait.ge [sflag:s18], $0x3C00  }
0x36: {  	[sflag:s18] =	ssyncset.done $0x0  }
0x37: {  	[sflag:s18] =	ssyncadd.s32 $0xFFFFC400  }
0x38: {  	[spmem:s13] =	stream.linear.scatter [tilespmem:s17], [sflag:$0x2], $0x3C00, $0x38;
	[tilespmem:$0xB700] =	vst v63  }
0x39: {  	_ =	swait.ge [sflag:s18], $0x3C00  }
0x3a: {  	[sflag:s18] =	ssyncset.done $0x0  }
0x3b: {  	[sflag:s18] =	ssyncadd.s32 $0xFFFFC400  }
0x3c: {  	[tilespmem:s3], [sflag:$0x2] =	stream.linear.gather [hbm4b:s14+s3], $0x2800, $0x38;
	[tilespmem:$0xB700] =	vst v63  }
0x3d: {  	_ =	swait.ge [sflag:s18], $0x2800  }
0x3e: {  	[sflag:s18] =	ssyncset.done $0x0  }
0x3f: {  	[sflag:s18] =	ssyncadd.s32 $0xFFFFD800  }
0x40: {  	s22 =	simm.s32 $0x0;
	[bflag:$0x0] =	sbarrier.arrive $0xFFFF  }
0x41: {  	[tilespmem:s17], [sflag:$0x1] =	stream.indirect.gather [spmem:s2], $0x20, s22, s19, $0xb8;
	[tilespmem:$0xB700] =	vst v63  }
0x42: {  	_ =	swait.ge [sflag:s20], $0x1000  }
0x43: {  	[sflag:s20] =	ssyncset.done $0x0  }
0x44: {  	[sflag:s20] =	ssyncadd.s32 $0xFFFFF000  }
0x45: {  	[hbm4b:s16+s3] =	stream.linear.scatter [tilespmem:s17], [sflag:$0x2], $0x4000, $0x38;
	[tilespmem:$0xB700] =	vst v63  }
0x46: {  	s23 =	simm.s32 $0x200;
	_ =	swait.ge [sflag:s18], $0x4000  }
0x47: {  	s24 =	simm.s32 $0x400;
	s22 =	sadd.s32 $0x10000, s16;
	[sflag:s18] =	ssyncset.done $0x0  }
.LBB2_2:
0x48: {  	s25 =	sshra.s32 s23, $0x2  }
0x49: {  	[sflag:s18] =	ssyncadd.s32 $0xFFFFC000;
	s23 =	smov.u32 s24;
	s26 =	sadd.s32 $0x200, s24  }
0x4a: {  	[tilespmem:s17], [sflag:$0x1] =	stream.indirect.gather [spmem:s2], $0x20, s25, s19, $0xb8;
	[tilespmem:$0xB700] =	vst v63  }
0x4b: {  	p0 =	sne.s32 s24, $0x9E00;
	_ =	swait.ge [sflag:s20], $0x1000  }
.Ltmp0:
0x4c: {  	[sflag:s20] =	ssyncset.done $0x0;
	(pc) =	sbr.rel @p0 .LBB2_2-.Ltmp0, $4  }
0x4d: {  	[sflag:s20] =	ssyncadd.s32 $0xFFFFF000  }
0x4e: {  	[hbm4b:s22+s3] =	stream.linear.scatter [tilespmem:s17], [sflag:$0x2], $0x4000, $0x38;
	[tilespmem:$0xB700] =	vst v63  }
0x4f: {  	_ =	swait.ge [sflag:s18], $0x4000  }
0x50: {  	s24 =	smov.u32 s26;
	s22 =	sadd.s32 $0x10000, s22;
	[sflag:s18] =	ssyncset.done $0x0  }
0x51: {  	s23 =	sshra.s32 s23, $0x2;
	[sflag:s18] =	ssyncadd.s32 $0xFFFFC000  }
0x52: {  	[tilespmem:s17], [sflag:$0x1] =	stream.indirect.gather [spmem:s2], $0x20, s23, s19, $0xb8;
	[tilespmem:$0xB700] =	vst v63  }
0x53: {  	s21 =	sadd.s32 $0x1, s21;
	_ =	swait.ge [sflag:s20], $0x1000  }
0x54: {  	p0 =	sne.s32 s21, s15;
	[sflag:s20] =	ssyncset.done $0x0  }
.Ltmp1:
0x55: {  	[sflag:s20] =	ssyncadd.s32 $0xFFFFF000;
	(pc) =	sbr.rel @p0 .LBB2_1-.Ltmp1, $4  }
0x56: {  	[hbm4b:s22+s3] =	stream.linear.scatter [tilespmem:s17], [sflag:$0x2], $0x4000, $0x38;
	[tilespmem:$0xB700] =	vst v63  }
0x57: {  	_ =	swait.ge [sflag:s18], $0x4000  }
0x58: {  	[sflag:s18] =	ssyncset.done $0x0  }
0x59: {  	[sflag:s18] =	ssyncadd.s32 $0xFFFFC000  }
0x5a: {  	_ =	sfence.sel $0x180000  }
0x5b: {  	[bflag:$0x0] =	sbarrier.arrive $0xFFFF  }
0x5c: {  	p0 =	sne.s32 s0, $0x0;
	_ =	strace $0x90000047  }
0x5d: {  	s0 =	sadd.s32 @!p0 $0x100000, s1;
	[bflag:$0x2] =	sbarrier.arrive $0xFFFF  }
0x5e: {  	[sflag:s0] =	ssyncadd.tile.s32 @!p0 $0x1;
	_ =	shalt  }
.Lfunc_end2:
_tile_overlayer_lowered:
.L_overlay_start_2:
0x5f: {  	(tag) =	ssettag $0x2  }
0x60: {  	s0 =	rddreg [dreg:$0x0];
	s2 =	stileid.u32  }
0x61: {  	s1 =	rddreg [dreg:$0x1];
	p0 =	sne.s32 s2, $0x0  }
0x62: {  	s3 =	rddreg [dreg:$0x2];
	[bflag:$0x3] =	sbarrier.arrive $0xFFFF;
	s2 =	simm.s32 @!p0 $0x1C02  }
0x63: {  	[timem:s3], [sflag:s2] =	dma.local @!p0 [hbm:s0], s1  }
0x64: {  	s0 =	simm.s32 @!p0 $0x2  }
0x65: {  	_ =	swait.ge @!p0 [sflag:s0], s1  }
0x66: {  	s1 =	ssub.s32 @!p0 $0x0, s1;
	[sflag:s0] =	ssyncset.done @!p0 $0x0  }
0x67: {  	[sflag:s0] =	ssyncadd.s32 @!p0 s1  }
0x68: {  	[bflag:$0x3] =	sbarrier.arrive $0xFFFF  }
0x69: {  	_ =	shalt  }

</sc_bundles>
